<compile_context>
chip_gen: v7x
topology: tpu7x:2x2x1
jax: 0.10.2.dev20260603
libtpu: 0.0.44.dev20260713+nightly
codegen_flags: <defaults>
</compile_context>

<pallas_src>
import jax
import jax.numpy as jnp
from jax import lax
from jax.experimental import pallas as pl
from jax.experimental.pallas import tpu as pltpu
from jax.experimental.pallas import tpu_sc as plsc

NC = 2
NS = 16
CHUNK = 125
WIN = 8
D = 128
NP = 10240
F32 = jnp.float32


def _sc_agg(e, mode):
  epw = e // (NC * NS)
  nchunk = epw // CHUNK
  nwin = nchunk // WIN
  rpt = NP // NS
  npw = NP // NS
  assert epw % CHUNK == 0 and nchunk % WIN == 0 and (nchunk // WIN) % 2 == 0

  mesh = plsc.VectorSubcoreMesh(core_axis_name="c", subcore_axis_name="s")
  out_type = [jax.ShapeDtypeStruct((NC, NP, D), F32)]
  if mode != "plain":
    out_type.append(jax.ShapeDtypeStruct((NC, 1, NP), F32))

  scratch = [
      pltpu.VMEM((WIN, CHUNK), jnp.int32),
      pltpu.VMEM((WIN, CHUNK), jnp.int32),
      pltpu.VMEM((WIN, CHUNK), jnp.int32),
      pltpu.VMEM((WIN, CHUNK), jnp.int32),
      pltpu.VMEM((CHUNK, D), F32),
      pltpu.VMEM((CHUNK, D), F32),
      pltpu.VMEM_SHARED((NP, D), F32),
      pltpu.SemaphoreType.DMA,
      pltpu.SemaphoreType.DMA,
      pltpu.SemaphoreType.DMA,
      pltpu.SemaphoreType.DMA,
      pltpu.SemaphoreType.DMA,
      pltpu.SemaphoreType.DMA,
  ]
  if mode == "deg":
    scratch += [pltpu.VMEM((CHUNK,), F32),
                pltpu.VMEM_SHARED((NP,), F32)]
  elif mode == "c":
    scratch += [pltpu.VMEM((CHUNK,), F32),
                pltpu.VMEM_SHARED((NP,), F32),
                pltpu.VMEM_SHARED((NP,), F32)]

  def body(*refs):
    if mode == "plain":
      (table, gidx_hbm, sidx_hbm, zrows_hbm, z1d_hbm, p_out,
       *scr) = refs
    elif mode == "deg":
      (table, gidx_hbm, sidx_hbm, zrows_hbm, z1d_hbm, ones_hbm,
       p_out, aux_out, *scr) = refs
    else:
      (table, inv_hbm, gidx_hbm, sidx_hbm, zrows_hbm, z1d_hbm,
       p_out, aux_out, *scr) = refs
    (sidxw0, gidxw0, sidxw1, gidxw1, rows0, rows1, acc,
     gsem0, gsem1, isem0, isem1, ssem0, ssem1) = scr[:13]
    if mode == "deg":
      vals, aux = scr[13:]
    elif mode == "c":
      vals, aux, invt = scr[13:]

    c = lax.axis_index("c")
    s = lax.axis_index("s")
    wid = c * NS + s
    row0 = s * rpt

    wbufs = [(sidxw0, gidxw0, isem0), (sidxw1, gidxw1, isem1)]

    def idx_start(w, wb):
      sw, gw, isem = wb
      w0 = pl.multiple_of(w * WIN, WIN)
      pltpu.async_copy(sidx_hbm.at[wid, pl.ds(w0, WIN)], sw, isem)
      pltpu.async_copy(gidx_hbm.at[wid, pl.ds(w0, WIN)], gw, isem)

    def idx_wait(w, wb):
      sw, gw, isem = wb
      w0 = pl.multiple_of(w * WIN, WIN)
      pltpu.make_async_copy(sidx_hbm.at[wid, pl.ds(w0, WIN)], sw, isem).wait()
      pltpu.make_async_copy(gidx_hbm.at[wid, pl.ds(w0, WIN)], gw, isem).wait()

    idx_start(0, wbufs[0])
    pltpu.sync_copy(zrows_hbm, acc.at[pl.ds(row0, rpt)])
    if mode != "plain":
      pltpu.sync_copy(z1d_hbm, aux.at[pl.ds(s * npw, npw)])
    if mode == "deg":
      pltpu.sync_copy(ones_hbm, vals)
    elif mode == "c":
      pltpu.sync_copy(inv_hbm.at[pl.ds(s * npw, npw)],
                      invt.at[pl.ds(s * npw, npw)])
    plsc.subcore_barrier()

    bufs = [(rows0, gsem0, ssem0), (rows1, gsem1, ssem1)]

    @pl.loop(0, nwin // 2)
    def _(ww):
      for par in range(2):
        w = ww * 2 + par
        sidxw, gidxw, _ = wbufs[par]
        idx_wait(w, wbufs[par])

        @pl.when(w + 1 < nwin)
        def _():
          idx_start(w + 1, wbufs[1 - par])

        pltpu.async_copy(table.at[gidxw.at[0]], rows0, gsem0)
        for j in range(WIN):
          buf, gsem, ssem = bufs[j % 2]
          if j + 1 < WIN:
            nbuf, ngsem, nssem = bufs[(j + 1) % 2]
            if j >= 1:
              pltpu.make_async_copy(nbuf, acc.at[pl.ds(0, CHUNK)],
                                    nssem).wait()
            pltpu.async_copy(table.at[gidxw.at[j + 1]], nbuf, ngsem)
          pltpu.make_async_copy(table.at[gidxw.at[j]], buf, gsem).wait()
          pltpu.async_copy(buf, acc.at[sidxw.at[j]], ssem, add=True)
          if mode == "deg":
            pltpu.sync_copy(vals, aux.at[sidxw.at[j]], add=True)
          elif mode == "c":
            pltpu.sync_copy(invt.at[sidxw.at[j]], vals)
            pltpu.sync_copy(vals, aux.at[gidxw.at[j]], add=True)
        pltpu.make_async_copy(rows0, acc.at[pl.ds(0, CHUNK)], ssem0).wait()
        pltpu.make_async_copy(rows1, acc.at[pl.ds(0, CHUNK)], ssem1).wait()

    plsc.subcore_barrier()
    pltpu.sync_copy(acc.at[pl.ds(row0, rpt)], p_out.at[c, pl.ds(row0, rpt)])
    if mode != "plain":
      pltpu.sync_copy(aux.at[pl.ds(s * npw, npw)],
                      aux_out.at[c, 0, pl.ds(s * npw, npw)])

  return pl.kernel(body, out_type=out_type, mesh=mesh, scratch_types=scratch)


def _dot(a, b):
  return jnp.dot(a, b, preferred_element_type=F32)


def _inv_bcast(d_ref):
  invm = 1.0 / jnp.maximum(d_ref[0, 0, :] + d_ref[1, 0, :], 1.0)
  return invm, lax.broadcast_in_dim(invm, (NP, D), (0,))


def _tc_matmul(x, w, b):
  if b is None:
    def body(x_ref, w_ref, z_out):
      z_out[...] = _dot(x_ref[...], w_ref[...])
    args = (x, w)
  else:
    def body(x_ref, w_ref, b_ref, z_out):
      z_out[...] = _dot(x_ref[...], w_ref[...]) + b_ref[...]
    args = (x, w, b)
  return pl.pallas_call(
      body, out_shape=jax.ShapeDtypeStruct((NP, D), F32))(*args)


def _tc_comb(sprev, p, deg, wn, emit_inv1):
  out_shape = [jax.ShapeDtypeStruct((NP, D), F32),
               jax.ShapeDtypeStruct((NP, D), F32)]
  if emit_inv1:
    out_shape.append(jax.ShapeDtypeStruct((NP,), F32))

  def body(s_ref, p_ref, d_ref, wn_ref, *outs):
    invm, inv = _inv_bcast(d_ref)
    if emit_inv1:
      h_out, z_out, inv1_out = outs
      inv1_out[...] = invm
    else:
      h_out, z_out = outs
    h = jnp.maximum(s_ref[...] + inv * (p_ref[0] + p_ref[1]), 0.0)
    h_out[...] = h
    z_out[...] = _dot(h, wn_ref[...])

  return pl.pallas_call(body, out_shape=out_shape)(sprev, p, deg, wn)


def _tc_final(sprev, p, deg, cpart, ws, wn, b, n):
  dout = ws.shape[1]

  def body(s_ref, p_ref, d_ref, c_ref, ws_ref, wn_ref, b_ref, out_ref):
    _, inv = _inv_bcast(d_ref)
    h = jnp.maximum(s_ref[...] + inv * (p_ref[0] + p_ref[1]), 0.0)
    cs = (c_ref[0, 0, :] + c_ref[1, 0, :]).reshape(1, NP)
    u = jnp.sum(h, axis=0, keepdims=True) * (1.0 / n)
    w = _dot(cs, h) * (1.0 / n)
    out_ref[...] = _dot(u, ws_ref[...]) + _dot(w, wn_ref[...]) + b_ref[...]

  return pl.pallas_call(
      body, out_shape=jax.ShapeDtypeStruct((1, dout), F32),
  )(sprev, p, deg, cpart, ws, wn, b)


def _pad(w):
  return jnp.pad(w, ((0, D - w.shape[0]), (0, D - w.shape[1])))


def kernel(in_feat, edge_index, W_self1, W_neigh1, b1, W_self2, W_neigh2, b2,
           W_self3, W_neigh3, b3, W_self4, W_neigh4, b4):
  n, _ = in_feat.shape
  e = edge_index.shape[1]
  nchunk = e // (NC * NS) // CHUNK
  src = edge_index[0].reshape(NC * NS, nchunk, CHUNK)
  dst = edge_index[1].reshape(NC * NS, nchunk, CHUNK)

  xp = jnp.pad(in_feat, ((0, NP - n), (0, 0)))
  ws2, wn2 = _pad(W_self2), _pad(W_neigh2)
  ws3, wn3 = _pad(W_self3), _pad(W_neigh3)
  ws4 = jnp.pad(W_self4, ((0, D - W_self4.shape[0]), (0, 0)))
  wn4 = jnp.pad(W_neigh4, ((0, D - W_neigh4.shape[0]), (0, 0)))
  b1p = b1.reshape(1, -1)
  b2p = jnp.pad(b2, (0, D - b2.shape[0])).reshape(1, -1)
  b3p = jnp.pad(b3, (0, D - b3.shape[0])).reshape(1, -1)
  b4p = b4.reshape(1, -1)

  zrows = jnp.zeros((NP // NS, D), F32)
  z1d = jnp.zeros((NP // NS,), F32)
  ones1 = jnp.ones((CHUNK,), F32)

  z1 = _tc_matmul(xp, W_neigh1, None)
  s1 = _tc_matmul(xp, W_self1, b1p)
  p1, deg = _sc_agg(e, "deg")(z1, src, dst, zrows, z1d, ones1)
  h1, z2, inv1 = _tc_comb(s1, p1, deg, wn2, True)
  s2 = _tc_matmul(h1, ws2, b2p)
  p2, cpart = _sc_agg(e, "c")(z2, inv1, src, dst, zrows, z1d)
  h2, z3 = _tc_comb(s2, p2, deg, wn3, False)
  s3 = _tc_matmul(h2, ws3, b3p)
  p3 = _sc_agg(e, "plain")(z3, src, dst, zrows, z1d)[0]
  return _tc_final(s3, p3, deg, cpart, ws4, wn4, b4p, n)

# --- scband reference (transcript-rebuilt; emitter-appended) ---
"""Pipeline reference for scband-gcn120-71511205478662 (READ-ONLY COPY).

The authoritative reference and input builder live on the scoring server;
editing this copy changes nothing except your own understanding.
"""

import jax, jax.numpy as jnp
import numpy as np

N_NODES = 10000
N_EDGES = 320000
IN_FEATS = 128
H_FEATS = 128
NUM_CLASSES = 16
# layer dims: SAGEConv chain 128 -> 128 -> 48 -> 28 -> 16
DIMS = [IN_FEATS, H_FEATS, H_FEATS - 80, H_FEATS - 100, NUM_CLASSES]


def setup_inputs(seed: int = 0) -> dict:
    key = jax.random.key(seed)
    ks = jax.random.split(key, 16)
    inp = {}
    inp["in_feat"] = jax.random.normal(ks[0], (N_NODES, IN_FEATS), dtype=jnp.float32)
    inp["edge_index"] = jax.random.randint(ks[1], (2, N_EDGES), 0, N_NODES, dtype=jnp.int32)
    for i in range(4):
        fan_in = DIMS[i]
        scale = 1.0 / np.sqrt(fan_in)
        inp[f"W_self{i+1}"] = jax.random.uniform(ks[2 + 3 * i], (DIMS[i], DIMS[i + 1]), dtype=jnp.float32, minval=-scale, maxval=scale)
        inp[f"W_neigh{i+1}"] = jax.random.uniform(ks[3 + 3 * i], (DIMS[i], DIMS[i + 1]), dtype=jnp.float32, minval=-scale, maxval=scale)
        inp[f"b{i+1}"] = jnp.zeros((DIMS[i + 1],), dtype=jnp.float32)
    return inp


def _sage_conv(x, src, dst, W_self, W_neigh, b):
    # DGL SAGEConv with 'mean' aggregator:
    # h_neigh[v] = mean_{u in N(v)} x[u];  out = x @ W_self + h_neigh @ W_neigh + b
    msg = jnp.take(x, src, axis=0)                                    # gather  [E, d]
    summed = jax.ops.segment_sum(msg, dst, num_segments=N_NODES)      # scatter-add [N, d]
    deg = jax.ops.segment_sum(jnp.ones((src.shape[0],), dtype=x.dtype), dst, num_segments=N_NODES)
    h_neigh = summed / jnp.clip(deg, 1.0, None)[:, None]
    return x @ W_self + h_neigh @ W_neigh + b


def reference(in_feat, edge_index, W_self1, W_neigh1, b1, W_self2, W_neigh2, b2, W_self3, W_neigh3, b3, W_self4, W_neigh4, b4):
    src = edge_index[0]
    dst = edge_index[1]
    h = _sage_conv(in_feat, src, dst, W_self1, W_neigh1, b1)
    h = jax.nn.relu(h)
    h = _sage_conv(h, src, dst, W_self2, W_neigh2, b2)
    h = jax.nn.relu(h)
    h = _sage_conv(h, src, dst, W_self3, W_neigh3, b3)
    h = jax.nn.relu(h)
    h = _sage_conv(h, src, dst, W_self4, W_neigh4, b4)
    # dgl.mean_nodes over a single graph -> [1, num_classes]
    return jnp.mean(h, axis=0, keepdims=True)

if __name__ == "__main__":
    import jax
    _d = setup_inputs()
    print(jax.jit(kernel)(*tuple(_d.values())))

</pallas_src>

<mosaic_0001>
#map = affine_map<(d0, d1) -> (0, 0)>
#map1 = affine_map<(d0, d1) -> (0, 0, 0)>
#map2 = affine_map<(d0, d1) -> (0)>
module attributes {stable_mosaic.version = 14 : i64} {
  func.func @body(%arg0: i32, %arg1: i32, %arg2: memref<10240x128xf32, #tpu.memory_space<hbm>>, %arg3: memref<32x80x125xi32, #tpu.memory_space<hbm>>, %arg4: memref<32x80x125xi32, #tpu.memory_space<hbm>>, %arg5: memref<640x128xf32, #tpu.memory_space<hbm>>, %arg6: memref<640xf32, #tpu.memory_space<hbm>>, %arg7: memref<2x10240x128xf32, #tpu.memory_space<hbm>>, %arg8: memref<8x125xi32, #tpu.memory_space<vmem>>, %arg9: memref<8x125xi32, #tpu.memory_space<vmem>>, %arg10: memref<8x125xi32, #tpu.memory_space<vmem>>, %arg11: memref<8x125xi32, #tpu.memory_space<vmem>>, %arg12: memref<125x128xf32, #tpu.memory_space<vmem>>, %arg13: memref<125x128xf32, #tpu.memory_space<vmem>>, %arg14: memref<10240x128xf32, #tpu.memory_space<vmem_shared>>, %arg15: memref<!tpu.dma_semaphore, #tpu.memory_space<semaphore_mem>>, %arg16: memref<!tpu.dma_semaphore, #tpu.memory_space<semaphore_mem>>, %arg17: memref<!tpu.dma_semaphore, #tpu.memory_space<semaphore_mem>>, %arg18: memref<!tpu.dma_semaphore, #tpu.memory_space<semaphore_mem>>, %arg19: memref<!tpu.dma_semaphore, #tpu.memory_space<semaphore_mem>>, %arg20: memref<!tpu.dma_semaphore, #tpu.memory_space<semaphore_mem>>) attributes {dimension_semantics = [#tpu.dimension_semantics<core_parallel>, #tpu.dimension_semantics<subcore_parallel>], iteration_bounds = array<i64: 2, 16>, scalar_prefetch = 0 : i64, scratch_operands = 13 : i64, tpu.core_type = #tpu.core_type<sc_vector_subcore>, window_params = [{transform_indices = #map}, {transform_indices = #map1}, {transform_indices = #map1}, {transform_indices = #map}, {transform_indices = #map2}, {transform_indices = #map1}]} {
    %mul3A = arith.constant 16 : i32
    %mul3A_0 = arith.muli %arg0, %mul3A : i32
    %add3A = arith.addi %mul3A_0, %arg1 : i32
    %mul3A_1 = arith.constant 640 : i32
    %mul3A_2 = arith.muli %arg1, %mul3A_1 : i32
    %multiple_of3A = arith.constant 0 : i32
    %multiple_of3A_3 = tpu.assume_multiple %multiple_of3A, 8 : i32
    %dma_start3A = arith.constant 0 : i32
    %dma_start3A_4 = tpu.memref_slice %arg4[%add3A, %multiple_of3A_3, %dma_start3A] : memref<32x80x125xi32, #tpu.memory_space<hbm>> -> memref<1x8x125xi32, #tpu.memory_space<hbm>>
    %dma_start3A_5 = tpu.memref_squeeze %dma_start3A_4 : memref<1x8x125xi32, #tpu.memory_space<hbm>> -> memref<8x125xi32, #tpu.memory_space<hbm>>
    %dma_start3A_6 = arith.constant 0 : i32
    %dma_start3A_7 = tpu.memref_slice %arg4[%add3A, %multiple_of3A_3, %dma_start3A_6] : memref<32x80x125xi32, #tpu.memory_space<hbm>> -> memref<1x8x125xi32, #tpu.memory_space<hbm>>
    %dma_start3A_8 = tpu.memref_squeeze %dma_start3A_7 : memref<1x8x125xi32, #tpu.memory_space<hbm>> -> memref<8x125xi32, #tpu.memory_space<hbm>>
    tpu.enqueue_dma source(%dma_start3A_8 : memref<8x125xi32, #tpu.memory_space<hbm>>) target(%arg8 : memref<8x125xi32, #tpu.memory_space<vmem>>) target_semaphore(%arg17 : memref<!tpu.dma_semaphore, #tpu.memory_space<semaphore_mem>>)
    %dma_start3A_9 = arith.constant 0 : i32
    %dma_start3A_10 = tpu.memref_slice %arg3[%add3A, %multiple_of3A_3, %dma_start3A_9] : memref<32x80x125xi32, #tpu.memory_space<hbm>> -> memref<1x8x125xi32, #tpu.memory_space<hbm>>
    %dma_start3A_11 = tpu.memref_squeeze %dma_start3A_10 : memref<1x8x125xi32, #tpu.memory_space<hbm>> -> memref<8x125xi32, #tpu.memory_space<hbm>>
    %dma_start3A_12 = arith.constant 0 : i32
    %dma_start3A_13 = tpu.memref_slice %arg3[%add3A, %multiple_of3A_3, %dma_start3A_12] : memref<32x80x125xi32, #tpu.memory_space<hbm>> -> memref<1x8x125xi32, #tpu.memory_space<hbm>>
    %dma_start3A_14 = tpu.memref_squeeze %dma_start3A_13 : memref<1x8x125xi32, #tpu.memory_space<hbm>> -> memref<8x125xi32, #tpu.memory_space<hbm>>
    tpu.enqueue_dma source(%dma_start3A_14 : memref<8x125xi32, #tpu.memory_space<hbm>>) target(%arg9 : memref<8x125xi32, #tpu.memory_space<vmem>>) target_semaphore(%arg17 : memref<!tpu.dma_semaphore, #tpu.memory_space<semaphore_mem>>)
    "tpu.region"() ({
      %run_scoped3A = tpu.sem_alloc : memref<!tpu.dma_semaphore, #tpu.memory_space<semaphore_mem>>
      %dma_start3A_20 = arith.constant 0 : i32
      %dma_start3A_21 = tpu.memref_slice %arg14[%mul3A_2, %dma_start3A_20] : memref<10240x128xf32, #tpu.memory_space<vmem_shared>> -> memref<640x128xf32, #tpu.memory_space<vmem_shared>>
      tpu.enqueue_dma source(%arg5 : memref<640x128xf32, #tpu.memory_space<hbm>>) target(%dma_start3A_21 : memref<640x128xf32, #tpu.memory_space<vmem_shared>>) target_semaphore(%run_scoped3A : memref<!tpu.dma_semaphore, #tpu.memory_space<semaphore_mem>>)
      %dma_wait3A = arith.constant 0 : i32
      %dma_wait3A_22 = tpu.memref_slice %arg14[%mul3A_2, %dma_wait3A] : memref<10240x128xf32, #tpu.memory_space<vmem_shared>> -> memref<640x128xf32, #tpu.memory_space<vmem_shared>>
      tpu.wait_dma2 semaphore(%run_scoped3A : memref<!tpu.dma_semaphore, #tpu.memory_space<semaphore_mem>>) src(%arg5 : memref<640x128xf32, #tpu.memory_space<hbm>>) dst(%dma_wait3A_22 : memref<640x128xf32, #tpu.memory_space<vmem_shared>>)
      tpu.yield
    }) : () -> ()
    %barrier3A = arith.constant 0 : index
    tpu.barrier barrier_id(%barrier3A)
    %scan3A = arith.constant 0 : i32
    %scan3A_15 = arith.constant 5 : i32
    %scan3A_16 = arith.addi %scan3A, %scan3A_15 : i32
    %scan3A_17 = arith.constant 1 : i32
    scf.for %scan3A_20 = %scan3A to %scan3A_16 step %scan3A_17  : i32 {
      %mul3A_21 = arith.constant 1 : i32
      %mul3A_22 = arith.muli %scan3A_20, %mul3A_21 : i32
      %add3A_23 = arith.constant 0 : i32
      %add3A_24 = arith.addi %add3A_23, %mul3A_22 : i32
      %mul3A_25 = arith.constant 2 : i32
      %mul3A_26 = arith.muli %add3A_24, %mul3A_25 : i32
      %add3A_27 = arith.constant 0 : i32
      %add3A_28 = arith.addi %mul3A_26, %add3A_27 : i32
      %mul3A_29 = arith.constant 8 : i32
      %mul3A_30 = arith.muli %add3A_28, %mul3A_29 : i32
      %multiple_of3A_31 = tpu.assume_multiple %mul3A_30, 8 : i32
      %dma_wait3A = arith.constant 0 : i32
      %dma_wait3A_32 = tpu.memref_slice %arg4[%add3A, %multiple_of3A_31, %dma_wait3A] : memref<32x80x125xi32, #tpu.memory_space<hbm>> -> memref<1x8x125xi32, #tpu.memory_space<hbm>>
      %dma_wait3A_33 = tpu.memref_squeeze %dma_wait3A_32 : memref<1x8x125xi32, #tpu.memory_space<hbm>> -> memref<8x125xi32, #tpu.memory_space<hbm>>
      %dma_wait3A_34 = arith.constant 0 : i32
      %dma_wait3A_35 = tpu.memref_slice %arg4[%add3A, %multiple_of3A_31, %dma_wait3A_34] : memref<32x80x125xi32, #tpu.memory_space<hbm>> -> memref<1x8x125xi32, #tpu.memory_space<hbm>>
      %dma_wait3A_36 = tpu.memref_squeeze %dma_wait3A_35 : memref<1x8x125xi32, #tpu.memory_space<hbm>> -> memref<8x125xi32, #tpu.memory_space<hbm>>
      tpu.wait_dma2 semaphore(%arg17 : memref<!tpu.dma_semaphore, #tpu.memory_space<semaphore_mem>>) src(%dma_wait3A_36 : memref<8x125xi32, #tpu.memory_space<hbm>>) dst(%arg8 : memref<8x125xi32, #tpu.memory_space<vmem>>)
      %dma_wait3A_37 = arith.constant 0 : i32
      %dma_wait3A_38 = tpu.memref_slice %arg3[%add3A, %multiple_of3A_31, %dma_wait3A_37] : memref<32x80x125xi32, #tpu.memory_space<hbm>> -> memref<1x8x125xi32, #tpu.memory_space<hbm>>
      %dma_wait3A_39 = tpu.memref_squeeze %dma_wait3A_38 : memref<1x8x125xi32, #tpu.memory_space<hbm>> -> memref<8x125xi32, #tpu.memory_space<hbm>>
      %dma_wait3A_40 = arith.constant 0 : i32
      %dma_wait3A_41 = tpu.memref_slice %arg3[%add3A, %multiple_of3A_31, %dma_wait3A_40] : memref<32x80x125xi32, #tpu.memory_space<hbm>> -> memref<1x8x125xi32, #tpu.memory_space<hbm>>
      %dma_wait3A_42 = tpu.memref_squeeze %dma_wait3A_41 : memref<1x8x125xi32, #tpu.memory_space<hbm>> -> memref<8x125xi32, #tpu.memory_space<hbm>>
      tpu.wait_dma2 semaphore(%arg17 : memref<!tpu.dma_semaphore, #tpu.memory_space<semaphore_mem>>) src(%dma_wait3A_42 : memref<8x125xi32, #tpu.memory_space<hbm>>) dst(%arg9 : memref<8x125xi32, #tpu.memory_space<vmem>>)
      %add3A_43 = arith.constant 1 : i32
      %add3A_44 = arith.addi %add3A_28, %add3A_43 : i32
      %lt3A = arith.constant 10 : i32
      %lt3A_45 = arith.cmpi slt, %add3A_44, %lt3A : i32
      %convert_element_type3A = arith.extui %lt3A_45 : i1 to i32
      %cond3A = arith.constant 0 : i32
      %cond3A_46 = arith.cmpi ne, %convert_element_type3A, %cond3A : i32
      scf.if %cond3A_46 {
        %add3A_505 = arith.constant 1 : i32
        %add3A_506 = arith.addi %add3A_28, %add3A_505 : i32
        %mul3A_507 = arith.constant 8 : i32
        %mul3A_508 = arith.muli %add3A_506, %mul3A_507 : i32
        %multiple_of3A_509 = tpu.assume_multiple %mul3A_508, 8 : i32
        %dma_start3A_510 = arith.constant 0 : i32
        %dma_start3A_511 = tpu.memref_slice %arg4[%add3A, %multiple_of3A_509, %dma_start3A_510] : memref<32x80x125xi32, #tpu.memory_space<hbm>> -> memref<1x8x125xi32, #tpu.memory_space<hbm>>
        %dma_start3A_512 = tpu.memref_squeeze %dma_start3A_511 : memref<1x8x125xi32, #tpu.memory_space<hbm>> -> memref<8x125xi32, #tpu.memory_space<hbm>>
        %dma_start3A_513 = arith.constant 0 : i32
        %dma_start3A_514 = tpu.memref_slice %arg4[%add3A, %multiple_of3A_509, %dma_start3A_513] : memref<32x80x125xi32, #tpu.memory_space<hbm>> -> memref<1x8x125xi32, #tpu.memory_space<hbm>>
        %dma_start3A_515 = tpu.memref_squeeze %dma_start3A_514 : memref<1x8x125xi32, #tpu.memory_space<hbm>> -> memref<8x125xi32, #tpu.memory_space<hbm>>
        tpu.enqueue_dma source(%dma_start3A_515 : memref<8x125xi32, #tpu.memory_space<hbm>>) target(%arg10 : memref<8x125xi32, #tpu.memory_space<vmem>>) target_semaphore(%arg18 : memref<!tpu.dma_semaphore, #tpu.memory_space<semaphore_mem>>)
        %dma_start3A_516 = arith.constant 0 : i32
        %dma_start3A_517 = tpu.memref_slice %arg3[%add3A, %multiple_of3A_509, %dma_start3A_516] : memref<32x80x125xi32, #tpu.memory_space<hbm>> -> memref<1x8x125xi32, #tpu.memory_space<hbm>>
        %dma_start3A_518 = tpu.memref_squeeze %dma_start3A_517 : memref<1x8x125xi32, #tpu.memory_space<hbm>> -> memref<8x125xi32, #tpu.memory_space<hbm>>
        %dma_start3A_519 = arith.constant 0 : i32
        %dma_start3A_520 = tpu.memref_slice %arg3[%add3A, %multiple_of3A_509, %dma_start3A_519] : memref<32x80x125xi32, #tpu.memory_space<hbm>> -> memref<1x8x125xi32, #tpu.memory_space<hbm>>
        %dma_start3A_521 = tpu.memref_squeeze %dma_start3A_520 : memref<1x8x125xi32, #tpu.memory_space<hbm>> -> memref<8x125xi32, #tpu.memory_space<hbm>>
        tpu.enqueue_dma source(%dma_start3A_521 : memref<8x125xi32, #tpu.memory_space<hbm>>) target(%arg11 : memref<8x125xi32, #tpu.memory_space<vmem>>) target_semaphore(%arg18 : memref<!tpu.dma_semaphore, #tpu.memory_space<semaphore_mem>>)
      } else {
      }
      %dma_start3A_47 = arith.constant 0 : i32
      %dma_start3A_48 = arith.constant 0 : i32
      %dma_start3A_49 = tpu.memref_slice %arg9[%dma_start3A_47, %dma_start3A_48] : memref<8x125xi32, #tpu.memory_space<vmem>> -> memref<1x125xi32, #tpu.memory_space<vmem>>
      %dma_start3A_50 = tpu.memref_squeeze %dma_start3A_49 : memref<1x125xi32, #tpu.memory_space<vmem>> -> memref<125xi32, #tpu.memory_space<vmem>>
      %dma_start3A_51 = arith.constant 0 : i32
      %dma_start3A_52 = arith.constant 0 : i32
      %dma_start3A_53 = tpu.memref_slice %arg2[%dma_start3A_51, %dma_start3A_52] : memref<10240x128xf32, #tpu.memory_space<hbm>> -> memref<10240x128xf32, #tpu.memory_space<hbm>>
      tpu.enqueue_indirect_dma source(%dma_start3A_53 : memref<10240x128xf32, #tpu.memory_space<hbm>>) target(%arg12 : memref<125x128xf32, #tpu.memory_space<vmem>>) offsets(%dma_start3A_50 : memref<125xi32, #tpu.memory_space<vmem>>) semaphore(%arg15 : memref<!tpu.dma_semaphore, #tpu.memory_space<semaphore_mem>>)
      %dma_start3A_54 = arith.constant 1 : i32
      %dma_start3A_55 = arith.constant 0 : i32
      %dma_start3A_56 = tpu.memref_slice %arg9[%dma_start3A_54, %dma_start3A_55] : memref<8x125xi32, #tpu.memory_space<vmem>> -> memref<1x125xi32, #tpu.memory_space<vmem>>
      %dma_start3A_57 = tpu.memref_squeeze %dma_start3A_56 : memref<1x125xi32, #tpu.memory_space<vmem>> -> memref<125xi32, #tpu.memory_space<vmem>>
      %dma_start3A_58 = arith.constant 0 : i32
      %dma_start3A_59 = arith.constant 0 : i32
      %dma_start3A_60 = tpu.memref_slice %arg2[%dma_start3A_58, %dma_start3A_59] : memref<10240x128xf32, #tpu.memory_space<hbm>> -> memref<10240x128xf32, #tpu.memory_space<hbm>>
      tpu.enqueue_indirect_dma source(%dma_start3A_60 : memref<10240x128xf32, #tpu.memory_space<hbm>>) target(%arg13 : memref<125x128xf32, #tpu.memory_space<vmem>>) offsets(%dma_start3A_57 : memref<125xi32, #tpu.memory_space<vmem>>) semaphore(%arg16 : memref<!tpu.dma_semaphore, #tpu.memory_space<semaphore_mem>>)
      %dma_wait3A_61 = arith.constant 0 : i32
      %dma_wait3A_62 = arith.constant 0 : i32
      %dma_wait3A_63 = tpu.memref_slice %arg9[%dma_wait3A_61, %dma_wait3A_62] : memref<8x125xi32, #tpu.memory_space<vmem>> -> memref<1x125xi32, #tpu.memory_space<vmem>>
      %dma_wait3A_64 = tpu.memref_squeeze %dma_wait3A_63 : memref<1x125xi32, #tpu.memory_space<vmem>> -> memref<125xi32, #tpu.memory_space<vmem>>
      %dma_wait3A_65 = arith.constant 0 : i32
      %dma_wait3A_66 = arith.constant 0 : i32
      %dma_wait3A_67 = tpu.memref_slice %arg2[%dma_wait3A_65, %dma_wait3A_66] : memref<10240x128xf32, #tpu.memory_space<hbm>> -> memref<10240x128xf32, #tpu.memory_space<hbm>>
      tpu.wait_indirect_dma semaphore(%arg15 : memref<!tpu.dma_semaphore, #tpu.memory_space<semaphore_mem>>) src(%dma_wait3A_67 : memref<10240x128xf32, #tpu.memory_space<hbm>>) dst(%arg12 : memref<125x128xf32, #tpu.memory_space<vmem>>)
      %dma_start3A_68 = arith.constant 0 : i32
      %dma_start3A_69 = arith.constant 0 : i32
      %dma_start3A_70 = tpu.memref_slice %arg8[%dma_start3A_68, %dma_start3A_69] : memref<8x125xi32, #tpu.memory_space<vmem>> -> memref<1x125xi32, #tpu.memory_space<vmem>>
      %dma_start3A_71 = tpu.memref_squeeze %dma_start3A_70 : memref<1x125xi32, #tpu.memory_space<vmem>> -> memref<125xi32, #tpu.memory_space<vmem>>
      %dma_start3A_72 = arith.constant 0 : i32
      %dma_start3A_73 = arith.constant 0 : i32
      %dma_start3A_74 = tpu.memref_slice %arg14[%dma_start3A_72, %dma_start3A_73] : memref<10240x128xf32, #tpu.memory_space<vmem_shared>> -> memref<10240x128xf32, #tpu.memory_space<vmem_shared>>
      tpu.enqueue_indirect_dma source(%arg12 : memref<125x128xf32, #tpu.memory_space<vmem>>) target(%dma_start3A_74 : memref<10240x128xf32, #tpu.memory_space<vmem_shared>>) offsets(%dma_start3A_71 : memref<125xi32, #tpu.memory_space<vmem>>) semaphore(%arg19 : memref<!tpu.dma_semaphore, #tpu.memory_space<semaphore_mem>>) {add = true}
      %dma_wait3A_75 = arith.constant 0 : i32
      %dma_wait3A_76 = arith.constant 0 : i32
      %dma_wait3A_77 = tpu.memref_slice %arg14[%dma_wait3A_75, %dma_wait3A_76] : memref<10240x128xf32, #tpu.memory_space<vmem_shared>> -> memref<125x128xf32, #tpu.memory_space<vmem_shared>>
      %dma_wait3A_78 = arith.constant 0 : i32
      %dma_wait3A_79 = arith.constant 0 : i32
      %dma_wait3A_80 = tpu.memref_slice %arg14[%dma_wait3A_78, %dma_wait3A_79] : memref<10240x128xf32, #tpu.memory_space<vmem_shared>> -> memref<125x128xf32, #tpu.memory_space<vmem_shared>>
      tpu.wait_dma2 semaphore(%arg19 : memref<!tpu.dma_semaphore, #tpu.memory_space<semaphore_mem>>) src(%arg12 : memref<125x128xf32, #tpu.memory_space<vmem>>) dst(%dma_wait3A_80 : memref<125x128xf32, #tpu.memory_space<vmem_shared>>)
      %dma_start3A_81 = arith.constant 2 : i32
      %dma_start3A_82 = arith.constant 0 : i32
      %dma_start3A_83 = tpu.memref_slice %arg9[%dma_start3A_81, %dma_start3A_82] : memref<8x125xi32, #tpu.memory_space<vmem>> -> memref<1x125xi32, #tpu.memory_space<vmem>>
      %dma_start3A_84 = tpu.memref_squeeze %dma_start3A_83 : memref<1x125xi32, #tpu.memory_space<vmem>> -> memref<125xi32, #tpu.memory_space<vmem>>
      %dma_start3A_85 = arith.constant 0 : i32
      %dma_start3A_86 = arith.constant 0 : i32
      %dma_start3A_87 = tpu.memref_slice %arg2[%dma_start3A_85, %dma_start3A_86] : memref<10240x128xf32, #tpu.memory_space<hbm>> -> memref<10240x128xf32, #tpu.memory_space<hbm>>
      tpu.enqueue_indirect_dma source(%dma_start3A_87 : memref<10240x128xf32, #tpu.memory_space<hbm>>) target(%arg12 : memref<125x128xf32, #tpu.memory_space<vmem>>) offsets(%dma_start3A_84 : memref<125xi32, #tpu.memory_space<vmem>>) semaphore(%arg15 : memref<!tpu.dma_semaphore, #tpu.memory_space<semaphore_mem>>)
      %dma_wait3A_88 = arith.constant 1 : i32
      %dma_wait3A_89 = arith.constant 0 : i32
      %dma_wait3A_90 = tpu.memref_slice %arg9[%dma_wait3A_88, %dma_wait3A_89] : memref<8x125xi32, #tpu.memory_space<vmem>> -> memref<1x125xi32, #tpu.memory_space<vmem>>
      %dma_wait3A_91 = tpu.memref_squeeze %dma_wait3A_90 : memref<1x125xi32, #tpu.memory_space<vmem>> -> memref<125xi32, #tpu.memory_space<vmem>>
      %dma_wait3A_92 = arith.constant 0 : i32
      %dma_wait3A_93 = arith.constant 0 : i32
      %dma_wait3A_94 = tpu.memref_slice %arg2[%dma_wait3A_92, %dma_wait3A_93] : memref<10240x128xf32, #tpu.memory_space<hbm>> -> memref<10240x128xf32, #tpu.memory_space<hbm>>
      tpu.wait_indirect_dma semaphore(%arg16 : memref<!tpu.dma_semaphore, #tpu.memory_space<semaphore_mem>>) src(%dma_wait3A_94 : memref<10240x128xf32, #tpu.memory_space<hbm>>) dst(%arg13 : memref<125x128xf32, #tpu.memory_space<vmem>>)
      %dma_start3A_95 = arith.constant 1 : i32
      %dma_start3A_96 = arith.constant 0 : i32
      %dma_start3A_97 = tpu.memref_slice %arg8[%dma_start3A_95, %dma_start3A_96] : memref<8x125xi32, #tpu.memory_space<vmem>> -> memref<1x125xi32, #tpu.memory_space<vmem>>
      %dma_start3A_98 = tpu.memref_squeeze %dma_start3A_97 : memref<1x125xi32, #tpu.memory_space<vmem>> -> memref<125xi32, #tpu.memory_space<vmem>>
      %dma_start3A_99 = arith.constant 0 : i32
      %dma_start3A_100 = arith.constant 0 : i32
      %dma_start3A_101 = tpu.memref_slice %arg14[%dma_start3A_99, %dma_start3A_100] : memref<10240x128xf32, #tpu.memory_space<vmem_shared>> -> memref<10240x128xf32, #tpu.memory_space<vmem_shared>>
      tpu.enqueue_indirect_dma source(%arg13 : memref<125x128xf32, #tpu.memory_space<vmem>>) target(%dma_start3A_101 : memref<10240x128xf32, #tpu.memory_space<vmem_shared>>) offsets(%dma_start3A_98 : memref<125xi32, #tpu.memory_space<vmem>>) semaphore(%arg20 : memref<!tpu.dma_semaphore, #tpu.memory_space<semaphore_mem>>) {add = true}
      %dma_wait3A_102 = arith.constant 0 : i32
      %dma_wait3A_103 = arith.constant 0 : i32
      %dma_wait3A_104 = tpu.memref_slice %arg14[%dma_wait3A_102, %dma_wait3A_103] : memref<10240x128xf32, #tpu.memory_space<vmem_shared>> -> memref<125x128xf32, #tpu.memory_space<vmem_shared>>
      %dma_wait3A_105 = arith.constant 0 : i32
      %dma_wait3A_106 = arith.constant 0 : i32
      %dma_wait3A_107 = tpu.memref_slice %arg14[%dma_wait3A_105, %dma_wait3A_106] : memref<10240x128xf32, #tpu.memory_space<vmem_shared>> -> memref<125x128xf32, #tpu.memory_space<vmem_shared>>
      tpu.wait_dma2 semaphore(%arg20 : memref<!tpu.dma_semaphore, #tpu.memory_space<semaphore_mem>>) src(%arg13 : memref<125x128xf32, #tpu.memory_space<vmem>>) dst(%dma_wait3A_107 : memref<125x128xf32, #tpu.memory_space<vmem_shared>>)
      %dma_start3A_108 = arith.constant 3 : i32
      %dma_start3A_109 = arith.constant 0 : i32
      %dma_start3A_110 = tpu.memref_slice %arg9[%dma_start3A_108, %dma_start3A_109] : memref<8x125xi32, #tpu.memory_space<vmem>> -> memref<1x125xi32, #tpu.memory_space<vmem>>
      %dma_start3A_111 = tpu.memref_squeeze %dma_start3A_110 : memref<1x125xi32, #tpu.memory_space<vmem>> -> memref<125xi32, #tpu.memory_space<vmem>>
      %dma_start3A_112 = arith.constant 0 : i32
      %dma_start3A_113 = arith.constant 0 : i32
      %dma_start3A_114 = tpu.memref_slice %arg2[%dma_start3A_112, %dma_start3A_113] : memref<10240x128xf32, #tpu.memory_space<hbm>> -> memref<10240x128xf32, #tpu.memory_space<hbm>>
      tpu.enqueue_indirect_dma source(%dma_start3A_114 : memref<10240x128xf32, #tpu.memory_space<hbm>>) target(%arg13 : memref<125x128xf32, #tpu.memory_space<vmem>>) offsets(%dma_start3A_111 : memref<125xi32, #tpu.memory_space<vmem>>) semaphore(%arg16 : memref<!tpu.dma_semaphore, #tpu.memory_space<semaphore_mem>>)
      %dma_wait3A_115 = arith.constant 2 : i32
      %dma_wait3A_116 = arith.constant 0 : i32
      %dma_wait3A_117 = tpu.memref_slice %arg9[%dma_wait3A_115, %dma_wait3A_116] : memref<8x125xi32, #tpu.memory_space<vmem>> -> memref<1x125xi32, #tpu.memory_space<vmem>>
      %dma_wait3A_118 = tpu.memref_squeeze %dma_wait3A_117 : memref<1x125xi32, #tpu.memory_space<vmem>> -> memref<125xi32, #tpu.memory_space<vmem>>
      %dma_wait3A_119 = arith.constant 0 : i32
      %dma_wait3A_120 = arith.constant 0 : i32
      %dma_wait3A_121 = tpu.memref_slice %arg2[%dma_wait3A_119, %dma_wait3A_120] : memref<10240x128xf32, #tpu.memory_space<hbm>> -> memref<10240x128xf32, #tpu.memory_space<hbm>>
      tpu.wait_indirect_dma semaphore(%arg15 : memref<!tpu.dma_semaphore, #tpu.memory_space<semaphore_mem>>) src(%dma_wait3A_121 : memref<10240x128xf32, #tpu.memory_space<hbm>>) dst(%arg12 : memref<125x128xf32, #tpu.memory_space<vmem>>)
      %dma_start3A_122 = arith.constant 2 : i32
      %dma_start3A_123 = arith.constant 0 : i32
      %dma_start3A_124 = tpu.memref_slice %arg8[%dma_start3A_122, %dma_start3A_123] : memref<8x125xi32, #tpu.memory_space<vmem>> -> memref<1x125xi32, #tpu.memory_space<vmem>>
      %dma_start3A_125 = tpu.memref_squeeze %dma_start3A_124 : memref<1x125xi32, #tpu.memory_space<vmem>> -> memref<125xi32, #tpu.memory_space<vmem>>
      %dma_start3A_126 = arith.constant 0 : i32
      %dma_start3A_127 = arith.constant 0 : i32
      %dma_start3A_128 = tpu.memref_slice %arg14[%dma_start3A_126, %dma_start3A_127] : memref<10240x128xf32, #tpu.memory_space<vmem_shared>> -> memref<10240x128xf32, #tpu.memory_space<vmem_shared>>
      tpu.enqueue_indirect_dma source(%arg12 : memref<125x128xf32, #tpu.memory_space<vmem>>) target(%dma_start3A_128 : memref<10240x128xf32, #tpu.memory_space<vmem_shared>>) offsets(%dma_start3A_125 : memref<125xi32, #tpu.memory_space<vmem>>) semaphore(%arg19 : memref<!tpu.dma_semaphore, #tpu.memory_space<semaphore_mem>>) {add = true}
      %dma_wait3A_129 = arith.constant 0 : i32
      %dma_wait3A_130 = arith.constant 0 : i32
      %dma_wait3A_131 = tpu.memref_slice %arg14[%dma_wait3A_129, %dma_wait3A_130] : memref<10240x128xf32, #tpu.memory_space<vmem_shared>> -> memref<125x128xf32, #tpu.memory_space<vmem_shared>>
      %dma_wait3A_132 = arith.constant 0 : i32
      %dma_wait3A_133 = arith.constant 0 : i32
      %dma_wait3A_134 = tpu.memref_slice %arg14[%dma_wait3A_132, %dma_wait3A_133] : memref<10240x128xf32, #tpu.memory_space<vmem_shared>> -> memref<125x128xf32, #tpu.memory_space<vmem_shared>>
      tpu.wait_dma2 semaphore(%arg19 : memref<!tpu.dma_semaphore, #tpu.memory_space<semaphore_mem>>) src(%arg12 : memref<125x128xf32, #tpu.memory_space<vmem>>) dst(%dma_wait3A_134 : memref<125x128xf32, #tpu.memory_space<vmem_shared>>)
      %dma_start3A_135 = arith.constant 4 : i32
      %dma_start3A_136 = arith.constant 0 : i32
      %dma_start3A_137 = tpu.memref_slice %arg9[%dma_start3A_135, %dma_start3A_136] : memref<8x125xi32, #tpu.memory_space<vmem>> -> memref<1x125xi32, #tpu.memory_space<vmem>>
      %dma_start3A_138 = tpu.memref_squeeze %dma_start3A_137 : memref<1x125xi32, #tpu.memory_space<vmem>> -> memref<125xi32, #tpu.memory_space<vmem>>
      %dma_start3A_139 = arith.constant 0 : i32
      %dma_start3A_140 = arith.constant 0 : i32
      %dma_start3A_141 = tpu.memref_slice %arg2[%dma_start3A_139, %dma_start3A_140] : memref<10240x128xf32, #tpu.memory_space<hbm>> -> memref<10240x128xf32, #tpu.memory_space<hbm>>
      tpu.enqueue_indirect_dma source(%dma_start3A_141 : memref<10240x128xf32, #tpu.memory_space<hbm>>) target(%arg12 : memref<125x128xf32, #tpu.memory_space<vmem>>) offsets(%dma_start3A_138 : memref<125xi32, #tpu.memory_space<vmem>>) semaphore(%arg15 : memref<!tpu.dma_semaphore, #tpu.memory_space<semaphore_mem>>)
      %dma_wait3A_142 = arith.constant 3 : i32
      %dma_wait3A_143 = arith.constant 0 : i32
      %dma_wait3A_144 = tpu.memref_slice %arg9[%dma_wait3A_142, %dma_wait3A_143] : memref<8x125xi32, #tpu.memory_space<vmem>> -> memref<1x125xi32, #tpu.memory_space<vmem>>
      %dma_wait3A_145 = tpu.memref_squeeze %dma_wait3A_144 : memref<1x125xi32, #tpu.memory_space<vmem>> -> memref<125xi32, #tpu.memory_space<vmem>>
      %dma_wait3A_146 = arith.constant 0 : i32
      %dma_wait3A_147 = arith.constant 0 : i32
      %dma_wait3A_148 = tpu.memref_slice %arg2[%dma_wait3A_146, %dma_wait3A_147] : memref<10240x128xf32, #tpu.memory_space<hbm>> -> memref<10240x128xf32, #tpu.memory_space<hbm>>
      tpu.wait_indirect_dma semaphore(%arg16 : memref<!tpu.dma_semaphore, #tpu.memory_space<semaphore_mem>>) src(%dma_wait3A_148 : memref<10240x128xf32, #tpu.memory_space<hbm>>) dst(%arg13 : memref<125x128xf32, #tpu.memory_space<vmem>>)
      %dma_start3A_149 = arith.constant 3 : i32
      %dma_start3A_150 = arith.constant 0 : i32
      %dma_start3A_151 = tpu.memref_slice %arg8[%dma_start3A_149, %dma_start3A_150] : memref<8x125xi32, #tpu.memory_space<vmem>> -> memref<1x125xi32, #tpu.memory_space<vmem>>
      %dma_start3A_152 = tpu.memref_squeeze %dma_start3A_151 : memref<1x125xi32, #tpu.memory_space<vmem>> -> memref<125xi32, #tpu.memory_space<vmem>>
      %dma_start3A_153 = arith.constant 0 : i32
      %dma_start3A_154 = arith.constant 0 : i32
      %dma_start3A_155 = tpu.memref_slice %arg14[%dma_start3A_153, %dma_start3A_154] : memref<10240x128xf32, #tpu.memory_space<vmem_shared>> -> memref<10240x128xf32, #tpu.memory_space<vmem_shared>>
      tpu.enqueue_indirect_dma source(%arg13 : memref<125x128xf32, #tpu.memory_space<vmem>>) target(%dma_start3A_155 : memref<10240x128xf32, #tpu.memory_space<vmem_shared>>) offsets(%dma_start3A_152 : memref<125xi32, #tpu.memory_space<vmem>>) semaphore(%arg20 : memref<!tpu.dma_semaphore, #tpu.memory_space<semaphore_mem>>) {add = true}
      %dma_wait3A_156 = arith.constant 0 : i32
      %dma_wait3A_157 = arith.constant 0 : i32
      %dma_wait3A_158 = tpu.memref_slice %arg14[%dma_wait3A_156, %dma_wait3A_157] : memref<10240x128xf32, #tpu.memory_space<vmem_shared>> -> memref<125x128xf32, #tpu.memory_space<vmem_shared>>
      %dma_wait3A_159 = arith.constant 0 : i32
      %dma_wait3A_160 = arith.constant 0 : i32
      %dma_wait3A_161 = tpu.memref_slice %arg14[%dma_wait3A_159, %dma_wait3A_160] : memref<10240x128xf32, #tpu.memory_space<vmem_shared>> -> memref<125x128xf32, #tpu.memory_space<vmem_shared>>
      tpu.wait_dma2 semaphore(%arg20 : memref<!tpu.dma_semaphore, #tpu.memory_space<semaphore_mem>>) src(%arg13 : memref<125x128xf32, #tpu.memory_space<vmem>>) dst(%dma_wait3A_161 : memref<125x128xf32, #tpu.memory_space<vmem_shared>>)
      %dma_start3A_162 = arith.constant 5 : i32
      %dma_start3A_163 = arith.constant 0 : i32
      %dma_start3A_164 = tpu.memref_slice %arg9[%dma_start3A_162, %dma_start3A_163] : memref<8x125xi32, #tpu.memory_space<vmem>> -> memref<1x125xi32, #tpu.memory_space<vmem>>
      %dma_start3A_165 = tpu.memref_squeeze %dma_start3A_164 : memref<1x125xi32, #tpu.memory_space<vmem>> -> memref<125xi32, #tpu.memory_space<vmem>>
      %dma_start3A_166 = arith.constant 0 : i32
      %dma_start3A_167 = arith.constant 0 : i32
      %dma_start3A_168 = tpu.memref_slice %arg2[%dma_start3A_166, %dma_start3A_167] : memref<10240x128xf32, #tpu.memory_space<hbm>> -> memref<10240x128xf32, #tpu.memory_space<hbm>>
      tpu.enqueue_indirect_dma source(%dma_start3A_168 : memref<10240x128xf32, #tpu.memory_space<hbm>>) target(%arg13 : memref<125x128xf32, #tpu.memory_space<vmem>>) offsets(%dma_start3A_165 : memref<125xi32, #tpu.memory_space<vmem>>) semaphore(%arg16 : memref<!tpu.dma_semaphore, #tpu.memory_space<semaphore_mem>>)
      %dma_wait3A_169 = arith.constant 4 : i32
      %dma_wait3A_170 = arith.constant 0 : i32
      %dma_wait3A_171 = tpu.memref_slice %arg9[%dma_wait3A_169, %dma_wait3A_170] : memref<8x125xi32, #tpu.memory_space<vmem>> -> memref<1x125xi32, #tpu.memory_space<vmem>>
      %dma_wait3A_172 = tpu.memref_squeeze %dma_wait3A_171 : memref<1x125xi32, #tpu.memory_space<vmem>> -> memref<125xi32, #tpu.memory_space<vmem>>
      %dma_wait3A_173 = arith.constant 0 : i32
      %dma_wait3A_174 = arith.constant 0 : i32
      %dma_wait3A_175 = tpu.memref_slice %arg2[%dma_wait3A_173, %dma_wait3A_174] : memref<10240x128xf32, #tpu.memory_space<hbm>> -> memref<10240x128xf32, #tpu.memory_space<hbm>>
      tpu.wait_indirect_dma semaphore(%arg15 : memref<!tpu.dma_semaphore, #tpu.memory_space<semaphore_mem>>) src(%dma_wait3A_175 : memref<10240x128xf32, #tpu.memory_space<hbm>>) dst(%arg12 : memref<125x128xf32, #tpu.memory_space<vmem>>)
      %dma_start3A_176 = arith.constant 4 : i32
      %dma_start3A_177 = arith.constant 0 : i32
      %dma_start3A_178 = tpu.memref_slice %arg8[%dma_start3A_176, %dma_start3A_177] : memref<8x125xi32, #tpu.memory_space<vmem>> -> memref<1x125xi32, #tpu.memory_space<vmem>>
      %dma_start3A_179 = tpu.memref_squeeze %dma_start3A_178 : memref<1x125xi32, #tpu.memory_space<vmem>> -> memref<125xi32, #tpu.memory_space<vmem>>
      %dma_start3A_180 = arith.constant 0 : i32
      %dma_start3A_181 = arith.constant 0 : i32
      %dma_start3A_182 = tpu.memref_slice %arg14[%dma_start3A_180, %dma_start3A_181] : memref<10240x128xf32, #tpu.memory_space<vmem_shared>> -> memref<10240x128xf32, #tpu.memory_space<vmem_shared>>
      tpu.enqueue_indirect_dma source(%arg12 : memref<125x128xf32, #tpu.memory_space<vmem>>) target(%dma_start3A_182 : memref<10240x128xf32, #tpu.memory_space<vmem_shared>>) offsets(%dma_start3A_179 : memref<125xi32, #tpu.memory_space<vmem>>) semaphore(%arg19 : memref<!tpu.dma_semaphore, #tpu.memory_space<semaphore_mem>>) {add = true}
      %dma_wait3A_183 = arith.constant 0 : i32
      %dma_wait3A_184 = arith.constant 0 : i32
      %dma_wait3A_185 = tpu.memref_slice %arg14[%dma_wait3A_183, %dma_wait3A_184] : memref<10240x128xf32, #tpu.memory_space<vmem_shared>> -> memref<125x128xf32, #tpu.memory_space<vmem_shared>>
      %dma_wait3A_186 = arith.constant 0 : i32
      %dma_wait3A_187 = arith.constant 0 : i32
      %dma_wait3A_188 = tpu.memref_slice %arg14[%dma_wait3A_186, %dma_wait3A_187] : memref<10240x128xf32, #tpu.memory_space<vmem_shared>> -> memref<125x128xf32, #tpu.memory_space<vmem_shared>>
      tpu.wait_dma2 semaphore(%arg19 : memref<!tpu.dma_semaphore, #tpu.memory_space<semaphore_mem>>) src(%arg12 : memref<125x128xf32, #tpu.memory_space<vmem>>) dst(%dma_wait3A_188 : memref<125x128xf32, #tpu.memory_space<vmem_shared>>)
      %dma_start3A_189 = arith.constant 6 : i32
      %dma_start3A_190 = arith.constant 0 : i32
      %dma_start3A_191 = tpu.memref_slice %arg9[%dma_start3A_189, %dma_start3A_190] : memref<8x125xi32, #tpu.memory_space<vmem>> -> memref<1x125xi32, #tpu.memory_space<vmem>>
      %dma_start3A_192 = tpu.memref_squeeze %dma_start3A_191 : memref<1x125xi32, #tpu.memory_space<vmem>> -> memref<125xi32, #tpu.memory_space<vmem>>
      %dma_start3A_193 = arith.constant 0 : i32
      %dma_start3A_194 = arith.constant 0 : i32
      %dma_start3A_195 = tpu.memref_slice %arg2[%dma_start3A_193, %dma_start3A_194] : memref<10240x128xf32, #tpu.memory_space<hbm>> -> memref<10240x128xf32, #tpu.memory_space<hbm>>
      tpu.enqueue_indirect_dma source(%dma_start3A_195 : memref<10240x128xf32, #tpu.memory_space<hbm>>) target(%arg12 : memref<125x128xf32, #tpu.memory_space<vmem>>) offsets(%dma_start3A_192 : memref<125xi32, #tpu.memory_space<vmem>>) semaphore(%arg15 : memref<!tpu.dma_semaphore, #tpu.memory_space<semaphore_mem>>)
      %dma_wait3A_196 = arith.constant 5 : i32
      %dma_wait3A_197 = arith.constant 0 : i32
      %dma_wait3A_198 = tpu.memref_slice %arg9[%dma_wait3A_196, %dma_wait3A_197] : memref<8x125xi32, #tpu.memory_space<vmem>> -> memref<1x125xi32, #tpu.memory_space<vmem>>
      %dma_wait3A_199 = tpu.memref_squeeze %dma_wait3A_198 : memref<1x125xi32, #tpu.memory_space<vmem>> -> memref<125xi32, #tpu.memory_space<vmem>>
      %dma_wait3A_200 = arith.constant 0 : i32
      %dma_wait3A_201 = arith.constant 0 : i32
      %dma_wait3A_202 = tpu.memref_slice %arg2[%dma_wait3A_200, %dma_wait3A_201] : memref<10240x128xf32, #tpu.memory_space<hbm>> -> memref<10240x128xf32, #tpu.memory_space<hbm>>
      tpu.wait_indirect_dma semaphore(%arg16 : memref<!tpu.dma_semaphore, #tpu.memory_space<semaphore_mem>>) src(%dma_wait3A_202 : memref<10240x128xf32, #tpu.memory_space<hbm>>) dst(%arg13 : memref<125x128xf32, #tpu.memory_space<vmem>>)
      %dma_start3A_203 = arith.constant 5 : i32
      %dma_start3A_204 = arith.constant 0 : i32
      %dma_start3A_205 = tpu.memref_slice %arg8[%dma_start3A_203, %dma_start3A_204] : memref<8x125xi32, #tpu.memory_space<vmem>> -> memref<1x125xi32, #tpu.memory_space<vmem>>
      %dma_start3A_206 = tpu.memref_squeeze %dma_start3A_205 : memref<1x125xi32, #tpu.memory_space<vmem>> -> memref<125xi32, #tpu.memory_space<vmem>>
      %dma_start3A_207 = arith.constant 0 : i32
      %dma_start3A_208 = arith.constant 0 : i32
      %dma_start3A_209 = tpu.memref_slice %arg14[%dma_start3A_207, %dma_start3A_208] : memref<10240x128xf32, #tpu.memory_space<vmem_shared>> -> memref<10240x128xf32, #tpu.memory_space<vmem_shared>>
      tpu.enqueue_indirect_dma source(%arg13 : memref<125x128xf32, #tpu.memory_space<vmem>>) target(%dma_start3A_209 : memref<10240x128xf32, #tpu.memory_space<vmem_shared>>) offsets(%dma_start3A_206 : memref<125xi32, #tpu.memory_space<vmem>>) semaphore(%arg20 : memref<!tpu.dma_semaphore, #tpu.memory_space<semaphore_mem>>) {add = true}
      %dma_wait3A_210 = arith.constant 0 : i32
      %dma_wait3A_211 = arith.constant 0 : i32
      %dma_wait3A_212 = tpu.memref_slice %arg14[%dma_wait3A_210, %dma_wait3A_211] : memref<10240x128xf32, #tpu.memory_space<vmem_shared>> -> memref<125x128xf32, #tpu.memory_space<vmem_shared>>
      %dma_wait3A_213 = arith.constant 0 : i32
      %dma_wait3A_214 = arith.constant 0 : i32
      %dma_wait3A_215 = tpu.memref_slice %arg14[%dma_wait3A_213, %dma_wait3A_214] : memref<10240x128xf32, #tpu.memory_space<vmem_shared>> -> memref<125x128xf32, #tpu.memory_space<vmem_shared>>
      tpu.wait_dma2 semaphore(%arg20 : memref<!tpu.dma_semaphore, #tpu.memory_space<semaphore_mem>>) src(%arg13 : memref<125x128xf32, #tpu.memory_space<vmem>>) dst(%dma_wait3A_215 : memref<125x128xf32, #tpu.memory_space<vmem_shared>>)
      %dma_start3A_216 = arith.constant 7 : i32
      %dma_start3A_217 = arith.constant 0 : i32
      %dma_start3A_218 = tpu.memref_slice %arg9[%dma_start3A_216, %dma_start3A_217] : memref<8x125xi32, #tpu.memory_space<vmem>> -> memref<1x125xi32, #tpu.memory_space<vmem>>
      %dma_start3A_219 = tpu.memref_squeeze %dma_start3A_218 : memref<1x125xi32, #tpu.memory_space<vmem>> -> memref<125xi32, #tpu.memory_space<vmem>>
      %dma_start3A_220 = arith.constant 0 : i32
      %dma_start3A_221 = arith.constant 0 : i32
      %dma_start3A_222 = tpu.memref_slice %arg2[%dma_start3A_220, %dma_start3A_221] : memref<10240x128xf32, #tpu.memory_space<hbm>> -> memref<10240x128xf32, #tpu.memory_space<hbm>>
      tpu.enqueue_indirect_dma source(%dma_start3A_222 : memref<10240x128xf32, #tpu.memory_space<hbm>>) target(%arg13 : memref<125x128xf32, #tpu.memory_space<vmem>>) offsets(%dma_start3A_219 : memref<125xi32, #tpu.memory_space<vmem>>) semaphore(%arg16 : memref<!tpu.dma_semaphore, #tpu.memory_space<semaphore_mem>>)
      %dma_wait3A_223 = arith.constant 6 : i32
      %dma_wait3A_224 = arith.constant 0 : i32
      %dma_wait3A_225 = tpu.memref_slice %arg9[%dma_wait3A_223, %dma_wait3A_224] : memref<8x125xi32, #tpu.memory_space<vmem>> -> memref<1x125xi32, #tpu.memory_space<vmem>>
      %dma_wait3A_226 = tpu.memref_squeeze %dma_wait3A_225 : memref<1x125xi32, #tpu.memory_space<vmem>> -> memref<125xi32, #tpu.memory_space<vmem>>
      %dma_wait3A_227 = arith.constant 0 : i32
      %dma_wait3A_228 = arith.constant 0 : i32
      %dma_wait3A_229 = tpu.memref_slice %arg2[%dma_wait3A_227, %dma_wait3A_228] : memref<10240x128xf32, #tpu.memory_space<hbm>> -> memref<10240x128xf32, #tpu.memory_space<hbm>>
      tpu.wait_indirect_dma semaphore(%arg15 : memref<!tpu.dma_semaphore, #tpu.memory_space<semaphore_mem>>) src(%dma_wait3A_229 : memref<10240x128xf32, #tpu.memory_space<hbm>>) dst(%arg12 : memref<125x128xf32, #tpu.memory_space<vmem>>)
      %dma_start3A_230 = arith.constant 6 : i32
      %dma_start3A_231 = arith.constant 0 : i32
      %dma_start3A_232 = tpu.memref_slice %arg8[%dma_start3A_230, %dma_start3A_231] : memref<8x125xi32, #tpu.memory_space<vmem>> -> memref<1x125xi32, #tpu.memory_space<vmem>>
      %dma_start3A_233 = tpu.memref_squeeze %dma_start3A_232 : memref<1x125xi32, #tpu.memory_space<vmem>> -> memref<125xi32, #tpu.memory_space<vmem>>
      %dma_start3A_234 = arith.constant 0 : i32
      %dma_start3A_235 = arith.constant 0 : i32
      %dma_start3A_236 = tpu.memref_slice %arg14[%dma_start3A_234, %dma_start3A_235] : memref<10240x128xf32, #tpu.memory_space<vmem_shared>> -> memref<10240x128xf32, #tpu.memory_space<vmem_shared>>
      tpu.enqueue_indirect_dma source(%arg12 : memref<125x128xf32, #tpu.memory_space<vmem>>) target(%dma_start3A_236 : memref<10240x128xf32, #tpu.memory_space<vmem_shared>>) offsets(%dma_start3A_233 : memref<125xi32, #tpu.memory_space<vmem>>) semaphore(%arg19 : memref<!tpu.dma_semaphore, #tpu.memory_space<semaphore_mem>>) {add = true}
      %dma_wait3A_237 = arith.constant 7 : i32
      %dma_wait3A_238 = arith.constant 0 : i32
      %dma_wait3A_239 = tpu.memref_slice %arg9[%dma_wait3A_237, %dma_wait3A_238] : memref<8x125xi32, #tpu.memory_space<vmem>> -> memref<1x125xi32, #tpu.memory_space<vmem>>
      %dma_wait3A_240 = tpu.memref_squeeze %dma_wait3A_239 : memref<1x125xi32, #tpu.memory_space<vmem>> -> memref<125xi32, #tpu.memory_space<vmem>>
      %dma_wait3A_241 = arith.constant 0 : i32
      %dma_wait3A_242 = arith.constant 0 : i32
      %dma_wait3A_243 = tpu.memref_slice %arg2[%dma_wait3A_241, %dma_wait3A_242] : memref<10240x128xf32, #tpu.memory_space<hbm>> -> memref<10240x128xf32, #tpu.memory_space<hbm>>
      tpu.wait_indirect_dma semaphore(%arg16 : memref<!tpu.dma_semaphore, #tpu.memory_space<semaphore_mem>>) src(%dma_wait3A_243 : memref<10240x128xf32, #tpu.memory_space<hbm>>) dst(%arg13 : memref<125x128xf32, #tpu.memory_space<vmem>>)
      %dma_start3A_244 = arith.constant 7 : i32
      %dma_start3A_245 = arith.constant 0 : i32
      %dma_start3A_246 = tpu.memref_slice %arg8[%dma_start3A_244, %dma_start3A_245] : memref<8x125xi32, #tpu.memory_space<vmem>> -> memref<1x125xi32, #tpu.memory_space<vmem>>
      %dma_start3A_247 = tpu.memref_squeeze %dma_start3A_246 : memref<1x125xi32, #tpu.memory_space<vmem>> -> memref<125xi32, #tpu.memory_space<vmem>>
      %dma_start3A_248 = arith.constant 0 : i32
      %dma_start3A_249 = arith.constant 0 : i32
      %dma_start3A_250 = tpu.memref_slice %arg14[%dma_start3A_248, %dma_start3A_249] : memref<10240x128xf32, #tpu.memory_space<vmem_shared>> -> memref<10240x128xf32, #tpu.memory_space<vmem_shared>>
      tpu.enqueue_indirect_dma source(%arg13 : memref<125x128xf32, #tpu.memory_space<vmem>>) target(%dma_start3A_250 : memref<10240x128xf32, #tpu.memory_space<vmem_shared>>) offsets(%dma_start3A_247 : memref<125xi32, #tpu.memory_space<vmem>>) semaphore(%arg20 : memref<!tpu.dma_semaphore, #tpu.memory_space<semaphore_mem>>) {add = true}
      %dma_wait3A_251 = arith.constant 0 : i32
      %dma_wait3A_252 = arith.constant 0 : i32
      %dma_wait3A_253 = tpu.memref_slice %arg14[%dma_wait3A_251, %dma_wait3A_252] : memref<10240x128xf32, #tpu.memory_space<vmem_shared>> -> memref<125x128xf32, #tpu.memory_space<vmem_shared>>
      %dma_wait3A_254 = arith.constant 0 : i32
      %dma_wait3A_255 = arith.constant 0 : i32
      %dma_wait3A_256 = tpu.memref_slice %arg14[%dma_wait3A_254, %dma_wait3A_255] : memref<10240x128xf32, #tpu.memory_space<vmem_shared>> -> memref<125x128xf32, #tpu.memory_space<vmem_shared>>
      tpu.wait_dma2 semaphore(%arg19 : memref<!tpu.dma_semaphore, #tpu.memory_space<semaphore_mem>>) src(%arg12 : memref<125x128xf32, #tpu.memory_space<vmem>>) dst(%dma_wait3A_256 : memref<125x128xf32, #tpu.memory_space<vmem_shared>>)
      %dma_wait3A_257 = arith.constant 0 : i32
      %dma_wait3A_258 = arith.constant 0 : i32
      %dma_wait3A_259 = tpu.memref_slice %arg14[%dma_wait3A_257, %dma_wait3A_258] : memref<10240x128xf32, #tpu.memory_space<vmem_shared>> -> memref<125x128xf32, #tpu.memory_space<vmem_shared>>
      %dma_wait3A_260 = arith.constant 0 : i32
      %dma_wait3A_261 = arith.constant 0 : i32
      %dma_wait3A_262 = tpu.memref_slice %arg14[%dma_wait3A_260, %dma_wait3A_261] : memref<10240x128xf32, #tpu.memory_space<vmem_shared>> -> memref<125x128xf32, #tpu.memory_space<vmem_shared>>
      tpu.wait_dma2 semaphore(%arg20 : memref<!tpu.dma_semaphore, #tpu.memory_space<semaphore_mem>>) src(%arg13 : memref<125x128xf32, #tpu.memory_space<vmem>>) dst(%dma_wait3A_262 : memref<125x128xf32, #tpu.memory_space<vmem_shared>>)
      %mul3A_263 = arith.constant 2 : i32
      %mul3A_264 = arith.muli %add3A_24, %mul3A_263 : i32
      %add3A_265 = arith.constant 1 : i32
      %add3A_266 = arith.addi %mul3A_264, %add3A_265 : i32
      %mul3A_267 = arith.constant 8 : i32
      %mul3A_268 = arith.muli %add3A_266, %mul3A_267 : i32
      %multiple_of3A_269 = tpu.assume_multiple %mul3A_268, 8 : i32
      %dma_wait3A_270 = arith.constant 0 : i32
      %dma_wait3A_271 = tpu.memref_slice %arg4[%add3A, %multiple_of3A_269, %dma_wait3A_270] : memref<32x80x125xi32, #tpu.memory_space<hbm>> -> memref<1x8x125xi32, #tpu.memory_space<hbm>>
      %dma_wait3A_272 = tpu.memref_squeeze %dma_wait3A_271 : memref<1x8x125xi32, #tpu.memory_space<hbm>> -> memref<8x125xi32, #tpu.memory_space<hbm>>
      %dma_wait3A_273 = arith.constant 0 : i32
      %dma_wait3A_274 = tpu.memref_slice %arg4[%add3A, %multiple_of3A_269, %dma_wait3A_273] : memref<32x80x125xi32, #tpu.memory_space<hbm>> -> memref<1x8x125xi32, #tpu.memory_space<hbm>>
      %dma_wait3A_275 = tpu.memref_squeeze %dma_wait3A_274 : memref<1x8x125xi32, #tpu.memory_space<hbm>> -> memref<8x125xi32, #tpu.memory_space<hbm>>
      tpu.wait_dma2 semaphore(%arg18 : memref<!tpu.dma_semaphore, #tpu.memory_space<semaphore_mem>>) src(%dma_wait3A_275 : memref<8x125xi32, #tpu.memory_space<hbm>>) dst(%arg10 : memref<8x125xi32, #tpu.memory_space<vmem>>)
      %dma_wait3A_276 = arith.constant 0 : i32
      %dma_wait3A_277 = tpu.memref_slice %arg3[%add3A, %multiple_of3A_269, %dma_wait3A_276] : memref<32x80x125xi32, #tpu.memory_space<hbm>> -> memref<1x8x125xi32, #tpu.memory_space<hbm>>
      %dma_wait3A_278 = tpu.memref_squeeze %dma_wait3A_277 : memref<1x8x125xi32, #tpu.memory_space<hbm>> -> memref<8x125xi32, #tpu.memory_space<hbm>>
      %dma_wait3A_279 = arith.constant 0 : i32
      %dma_wait3A_280 = tpu.memref_slice %arg3[%add3A, %multiple_of3A_269, %dma_wait3A_279] : memref<32x80x125xi32, #tpu.memory_space<hbm>> -> memref<1x8x125xi32, #tpu.memory_space<hbm>>
      %dma_wait3A_281 = tpu.memref_squeeze %dma_wait3A_280 : memref<1x8x125xi32, #tpu.memory_space<hbm>> -> memref<8x125xi32, #tpu.memory_space<hbm>>
      tpu.wait_dma2 semaphore(%arg18 : memref<!tpu.dma_semaphore, #tpu.memory_space<semaphore_mem>>) src(%dma_wait3A_281 : memref<8x125xi32, #tpu.memory_space<hbm>>) dst(%arg11 : memref<8x125xi32, #tpu.memory_space<vmem>>)
      %add3A_282 = arith.constant 1 : i32
      %add3A_283 = arith.addi %add3A_266, %add3A_282 : i32
      %lt3A_284 = arith.constant 10 : i32
      %lt3A_285 = arith.cmpi slt, %add3A_283, %lt3A_284 : i32
      %convert_element_type3A_286 = arith.extui %lt3A_285 : i1 to i32
      %cond3A_287 = arith.constant 0 : i32
      %cond3A_288 = arith.cmpi ne, %convert_element_type3A_286, %cond3A_287 : i32
      scf.if %cond3A_288 {
        %add3A_505 = arith.constant 1 : i32
        %add3A_506 = arith.addi %add3A_266, %add3A_505 : i32
        %mul3A_507 = arith.constant 8 : i32
        %mul3A_508 = arith.muli %add3A_506, %mul3A_507 : i32
        %multiple_of3A_509 = tpu.assume_multiple %mul3A_508, 8 : i32
        %dma_start3A_510 = arith.constant 0 : i32
        %dma_start3A_511 = tpu.memref_slice %arg4[%add3A, %multiple_of3A_509, %dma_start3A_510] : memref<32x80x125xi32, #tpu.memory_space<hbm>> -> memref<1x8x125xi32, #tpu.memory_space<hbm>>
        %dma_start3A_512 = tpu.memref_squeeze %dma_start3A_511 : memref<1x8x125xi32, #tpu.memory_space<hbm>> -> memref<8x125xi32, #tpu.memory_space<hbm>>
        %dma_start3A_513 = arith.constant 0 : i32
        %dma_start3A_514 = tpu.memref_slice %arg4[%add3A, %multiple_of3A_509, %dma_start3A_513] : memref<32x80x125xi32, #tpu.memory_space<hbm>> -> memref<1x8x125xi32, #tpu.memory_space<hbm>>
        %dma_start3A_515 = tpu.memref_squeeze %dma_start3A_514 : memref<1x8x125xi32, #tpu.memory_space<hbm>> -> memref<8x125xi32, #tpu.memory_space<hbm>>
        tpu.enqueue_dma source(%dma_start3A_515 : memref<8x125xi32, #tpu.memory_space<hbm>>) target(%arg8 : memref<8x125xi32, #tpu.memory_space<vmem>>) target_semaphore(%arg17 : memref<!tpu.dma_semaphore, #tpu.memory_space<semaphore_mem>>)
        %dma_start3A_516 = arith.constant 0 : i32
        %dma_start3A_517 = tpu.memref_slice %arg3[%add3A, %multiple_of3A_509, %dma_start3A_516] : memref<32x80x125xi32, #tpu.memory_space<hbm>> -> memref<1x8x125xi32, #tpu.memory_space<hbm>>
        %dma_start3A_518 = tpu.memref_squeeze %dma_start3A_517 : memref<1x8x125xi32, #tpu.memory_space<hbm>> -> memref<8x125xi32, #tpu.memory_space<hbm>>
        %dma_start3A_519 = arith.constant 0 : i32
        %dma_start3A_520 = tpu.memref_slice %arg3[%add3A, %multiple_of3A_509, %dma_start3A_519] : memref<32x80x125xi32, #tpu.memory_space<hbm>> -> memref<1x8x125xi32, #tpu.memory_space<hbm>>
        %dma_start3A_521 = tpu.memref_squeeze %dma_start3A_520 : memref<1x8x125xi32, #tpu.memory_space<hbm>> -> memref<8x125xi32, #tpu.memory_space<hbm>>
        tpu.enqueue_dma source(%dma_start3A_521 : memref<8x125xi32, #tpu.memory_space<hbm>>) target(%arg9 : memref<8x125xi32, #tpu.memory_space<vmem>>) target_semaphore(%arg17 : memref<!tpu.dma_semaphore, #tpu.memory_space<semaphore_mem>>)
      } else {
      }
      %dma_start3A_289 = arith.constant 0 : i32
      %dma_start3A_290 = arith.constant 0 : i32
      %dma_start3A_291 = tpu.memref_slice %arg11[%dma_start3A_289, %dma_start3A_290] : memref<8x125xi32, #tpu.memory_space<vmem>> -> memref<1x125xi32, #tpu.memory_space<vmem>>
      %dma_start3A_292 = tpu.memref_squeeze %dma_start3A_291 : memref<1x125xi32, #tpu.memory_space<vmem>> -> memref<125xi32, #tpu.memory_space<vmem>>
      %dma_start3A_293 = arith.constant 0 : i32
      %dma_start3A_294 = arith.constant 0 : i32
      %dma_start3A_295 = tpu.memref_slice %arg2[%dma_start3A_293, %dma_start3A_294] : memref<10240x128xf32, #tpu.memory_space<hbm>> -> memref<10240x128xf32, #tpu.memory_space<hbm>>
      tpu.enqueue_indirect_dma source(%dma_start3A_295 : memref<10240x128xf32, #tpu.memory_space<hbm>>) target(%arg12 : memref<125x128xf32, #tpu.memory_space<vmem>>) offsets(%dma_start3A_292 : memref<125xi32, #tpu.memory_space<vmem>>) semaphore(%arg15 : memref<!tpu.dma_semaphore, #tpu.memory_space<semaphore_mem>>)
      %dma_start3A_296 = arith.constant 1 : i32
      %dma_start3A_297 = arith.constant 0 : i32
      %dma_start3A_298 = tpu.memref_slice %arg11[%dma_start3A_296, %dma_start3A_297] : memref<8x125xi32, #tpu.memory_space<vmem>> -> memref<1x125xi32, #tpu.memory_space<vmem>>
      %dma_start3A_299 = tpu.memref_squeeze %dma_start3A_298 : memref<1x125xi32, #tpu.memory_space<vmem>> -> memref<125xi32, #tpu.memory_space<vmem>>
      %dma_start3A_300 = arith.constant 0 : i32
      %dma_start3A_301 = arith.constant 0 : i32
      %dma_start3A_302 = tpu.memref_slice %arg2[%dma_start3A_300, %dma_start3A_301] : memref<10240x128xf32, #tpu.memory_space<hbm>> -> memref<10240x128xf32, #tpu.memory_space<hbm>>
      tpu.enqueue_indirect_dma source(%dma_start3A_302 : memref<10240x128xf32, #tpu.memory_space<hbm>>) target(%arg13 : memref<125x128xf32, #tpu.memory_space<vmem>>) offsets(%dma_start3A_299 : memref<125xi32, #tpu.memory_space<vmem>>) semaphore(%arg16 : memref<!tpu.dma_semaphore, #tpu.memory_space<semaphore_mem>>)
      %dma_wait3A_303 = arith.constant 0 : i32
      %dma_wait3A_304 = arith.constant 0 : i32
      %dma_wait3A_305 = tpu.memref_slice %arg11[%dma_wait3A_303, %dma_wait3A_304] : memref<8x125xi32, #tpu.memory_space<vmem>> -> memref<1x125xi32, #tpu.memory_space<vmem>>
      %dma_wait3A_306 = tpu.memref_squeeze %dma_wait3A_305 : memref<1x125xi32, #tpu.memory_space<vmem>> -> memref<125xi32, #tpu.memory_space<vmem>>
      %dma_wait3A_307 = arith.constant 0 : i32
      %dma_wait3A_308 = arith.constant 0 : i32
      %dma_wait3A_309 = tpu.memref_slice %arg2[%dma_wait3A_307, %dma_wait3A_308] : memref<10240x128xf32, #tpu.memory_space<hbm>> -> memref<10240x128xf32, #tpu.memory_space<hbm>>
      tpu.wait_indirect_dma semaphore(%arg15 : memref<!tpu.dma_semaphore, #tpu.memory_space<semaphore_mem>>) src(%dma_wait3A_309 : memref<10240x128xf32, #tpu.memory_space<hbm>>) dst(%arg12 : memref<125x128xf32, #tpu.memory_space<vmem>>)
      %dma_start3A_310 = arith.constant 0 : i32
      %dma_start3A_311 = arith.constant 0 : i32
      %dma_start3A_312 = tpu.memref_slice %arg10[%dma_start3A_310, %dma_start3A_311] : memref<8x125xi32, #tpu.memory_space<vmem>> -> memref<1x125xi32, #tpu.memory_space<vmem>>
      %dma_start3A_313 = tpu.memref_squeeze %dma_start3A_312 : memref<1x125xi32, #tpu.memory_space<vmem>> -> memref<125xi32, #tpu.memory_space<vmem>>
      %dma_start3A_314 = arith.constant 0 : i32
      %dma_start3A_315 = arith.constant 0 : i32
      %dma_start3A_316 = tpu.memref_slice %arg14[%dma_start3A_314, %dma_start3A_315] : memref<10240x128xf32, #tpu.memory_space<vmem_shared>> -> memref<10240x128xf32, #tpu.memory_space<vmem_shared>>
      tpu.enqueue_indirect_dma source(%arg12 : memref<125x128xf32, #tpu.memory_space<vmem>>) target(%dma_start3A_316 : memref<10240x128xf32, #tpu.memory_space<vmem_shared>>) offsets(%dma_start3A_313 : memref<125xi32, #tpu.memory_space<vmem>>) semaphore(%arg19 : memref<!tpu.dma_semaphore, #tpu.memory_space<semaphore_mem>>) {add = true}
      %dma_wait3A_317 = arith.constant 0 : i32
      %dma_wait3A_318 = arith.constant 0 : i32
      %dma_wait3A_319 = tpu.memref_slice %arg14[%dma_wait3A_317, %dma_wait3A_318] : memref<10240x128xf32, #tpu.memory_space<vmem_shared>> -> memref<125x128xf32, #tpu.memory_space<vmem_shared>>
      %dma_wait3A_320 = arith.constant 0 : i32
      %dma_wait3A_321 = arith.constant 0 : i32
      %dma_wait3A_322 = tpu.memref_slice %arg14[%dma_wait3A_320, %dma_wait3A_321] : memref<10240x128xf32, #tpu.memory_space<vmem_shared>> -> memref<125x128xf32, #tpu.memory_space<vmem_shared>>
      tpu.wait_dma2 semaphore(%arg19 : memref<!tpu.dma_semaphore, #tpu.memory_space<semaphore_mem>>) src(%arg12 : memref<125x128xf32, #tpu.memory_space<vmem>>) dst(%dma_wait3A_322 : memref<125x128xf32, #tpu.memory_space<vmem_shared>>)
      %dma_start3A_323 = arith.constant 2 : i32
      %dma_start3A_324 = arith.constant 0 : i32
      %dma_start3A_325 = tpu.memref_slice %arg11[%dma_start3A_323, %dma_start3A_324] : memref<8x125xi32, #tpu.memory_space<vmem>> -> memref<1x125xi32, #tpu.memory_space<vmem>>
      %dma_start3A_326 = tpu.memref_squeeze %dma_start3A_325 : memref<1x125xi32, #tpu.memory_space<vmem>> -> memref<125xi32, #tpu.memory_space<vmem>>
      %dma_start3A_327 = arith.constant 0 : i32
      %dma_start3A_328 = arith.constant 0 : i32
      %dma_start3A_329 = tpu.memref_slice %arg2[%dma_start3A_327, %dma_start3A_328] : memref<10240x128xf32, #tpu.memory_space<hbm>> -> memref<10240x128xf32, #tpu.memory_space<hbm>>
      tpu.enqueue_indirect_dma source(%dma_start3A_329 : memref<10240x128xf32, #tpu.memory_space<hbm>>) target(%arg12 : memref<125x128xf32, #tpu.memory_space<vmem>>) offsets(%dma_start3A_326 : memref<125xi32, #tpu.memory_space<vmem>>) semaphore(%arg15 : memref<!tpu.dma_semaphore, #tpu.memory_space<semaphore_mem>>)
      %dma_wait3A_330 = arith.constant 1 : i32
      %dma_wait3A_331 = arith.constant 0 : i32
      %dma_wait3A_332 = tpu.memref_slice %arg11[%dma_wait3A_330, %dma_wait3A_331] : memref<8x125xi32, #tpu.memory_space<vmem>> -> memref<1x125xi32, #tpu.memory_space<vmem>>
      %dma_wait3A_333 = tpu.memref_squeeze %dma_wait3A_332 : memref<1x125xi32, #tpu.memory_space<vmem>> -> memref<125xi32, #tpu.memory_space<vmem>>
      %dma_wait3A_334 = arith.constant 0 : i32
      %dma_wait3A_335 = arith.constant 0 : i32
      %dma_wait3A_336 = tpu.memref_slice %arg2[%dma_wait3A_334, %dma_wait3A_335] : memref<10240x128xf32, #tpu.memory_space<hbm>> -> memref<10240x128xf32, #tpu.memory_space<hbm>>
      tpu.wait_indirect_dma semaphore(%arg16 : memref<!tpu.dma_semaphore, #tpu.memory_space<semaphore_mem>>) src(%dma_wait3A_336 : memref<10240x128xf32, #tpu.memory_space<hbm>>) dst(%arg13 : memref<125x128xf32, #tpu.memory_space<vmem>>)
      %dma_start3A_337 = arith.constant 1 : i32
      %dma_start3A_338 = arith.constant 0 : i32
      %dma_start3A_339 = tpu.memref_slice %arg10[%dma_start3A_337, %dma_start3A_338] : memref<8x125xi32, #tpu.memory_space<vmem>> -> memref<1x125xi32, #tpu.memory_space<vmem>>
      %dma_start3A_340 = tpu.memref_squeeze %dma_start3A_339 : memref<1x125xi32, #tpu.memory_space<vmem>> -> memref<125xi32, #tpu.memory_space<vmem>>
      %dma_start3A_341 = arith.constant 0 : i32
      %dma_start3A_342 = arith.constant 0 : i32
      %dma_start3A_343 = tpu.memref_slice %arg14[%dma_start3A_341, %dma_start3A_342] : memref<10240x128xf32, #tpu.memory_space<vmem_shared>> -> memref<10240x128xf32, #tpu.memory_space<vmem_shared>>
      tpu.enqueue_indirect_dma source(%arg13 : memref<125x128xf32, #tpu.memory_space<vmem>>) target(%dma_start3A_343 : memref<10240x128xf32, #tpu.memory_space<vmem_shared>>) offsets(%dma_start3A_340 : memref<125xi32, #tpu.memory_space<vmem>>) semaphore(%arg20 : memref<!tpu.dma_semaphore, #tpu.memory_space<semaphore_mem>>) {add = true}
      %dma_wait3A_344 = arith.constant 0 : i32
      %dma_wait3A_345 = arith.constant 0 : i32
      %dma_wait3A_346 = tpu.memref_slice %arg14[%dma_wait3A_344, %dma_wait3A_345] : memref<10240x128xf32, #tpu.memory_space<vmem_shared>> -> memref<125x128xf32, #tpu.memory_space<vmem_shared>>
      %dma_wait3A_347 = arith.constant 0 : i32
      %dma_wait3A_348 = arith.constant 0 : i32
      %dma_wait3A_349 = tpu.memref_slice %arg14[%dma_wait3A_347, %dma_wait3A_348] : memref<10240x128xf32, #tpu.memory_space<vmem_shared>> -> memref<125x128xf32, #tpu.memory_space<vmem_shared>>
      tpu.wait_dma2 semaphore(%arg20 : memref<!tpu.dma_semaphore, #tpu.memory_space<semaphore_mem>>) src(%arg13 : memref<125x128xf32, #tpu.memory_space<vmem>>) dst(%dma_wait3A_349 : memref<125x128xf32, #tpu.memory_space<vmem_shared>>)
      %dma_start3A_350 = arith.constant 3 : i32
      %dma_start3A_351 = arith.constant 0 : i32
      %dma_start3A_352 = tpu.memref_slice %arg11[%dma_start3A_350, %dma_start3A_351] : memref<8x125xi32, #tpu.memory_space<vmem>> -> memref<1x125xi32, #tpu.memory_space<vmem>>
      %dma_start3A_353 = tpu.memref_squeeze %dma_start3A_352 : memref<1x125xi32, #tpu.memory_space<vmem>> -> memref<125xi32, #tpu.memory_space<vmem>>
      %dma_start3A_354 = arith.constant 0 : i32
      %dma_start3A_355 = arith.constant 0 : i32
      %dma_start3A_356 = tpu.memref_slice %arg2[%dma_start3A_354, %dma_start3A_355] : memref<10240x128xf32, #tpu.memory_space<hbm>> -> memref<10240x128xf32, #tpu.memory_space<hbm>>
      tpu.enqueue_indirect_dma source(%dma_start3A_356 : memref<10240x128xf32, #tpu.memory_space<hbm>>) target(%arg13 : memref<125x128xf32, #tpu.memory_space<vmem>>) offsets(%dma_start3A_353 : memref<125xi32, #tpu.memory_space<vmem>>) semaphore(%arg16 : memref<!tpu.dma_semaphore, #tpu.memory_space<semaphore_mem>>)
      %dma_wait3A_357 = arith.constant 2 : i32
      %dma_wait3A_358 = arith.constant 0 : i32
      %dma_wait3A_359 = tpu.memref_slice %arg11[%dma_wait3A_357, %dma_wait3A_358] : memref<8x125xi32, #tpu.memory_space<vmem>> -> memref<1x125xi32, #tpu.memory_space<vmem>>
      %dma_wait3A_360 = tpu.memref_squeeze %dma_wait3A_359 : memref<1x125xi32, #tpu.memory_space<vmem>> -> memref<125xi32, #tpu.memory_space<vmem>>
      %dma_wait3A_361 = arith.constant 0 : i32
      %dma_wait3A_362 = arith.constant 0 : i32
      %dma_wait3A_363 = tpu.memref_slice %arg2[%dma_wait3A_361, %dma_wait3A_362] : memref<10240x128xf32, #tpu.memory_space<hbm>> -> memref<10240x128xf32, #tpu.memory_space<hbm>>
      tpu.wait_indirect_dma semaphore(%arg15 : memref<!tpu.dma_semaphore, #tpu.memory_space<semaphore_mem>>) src(%dma_wait3A_363 : memref<10240x128xf32, #tpu.memory_space<hbm>>) dst(%arg12 : memref<125x128xf32, #tpu.memory_space<vmem>>)
      %dma_start3A_364 = arith.constant 2 : i32
      %dma_start3A_365 = arith.constant 0 : i32
      %dma_start3A_366 = tpu.memref_slice %arg10[%dma_start3A_364, %dma_start3A_365] : memref<8x125xi32, #tpu.memory_space<vmem>> -> memref<1x125xi32, #tpu.memory_space<vmem>>
      %dma_start3A_367 = tpu.memref_squeeze %dma_start3A_366 : memref<1x125xi32, #tpu.memory_space<vmem>> -> memref<125xi32, #tpu.memory_space<vmem>>
      %dma_start3A_368 = arith.constant 0 : i32
      %dma_start3A_369 = arith.constant 0 : i32
      %dma_start3A_370 = tpu.memref_slice %arg14[%dma_start3A_368, %dma_start3A_369] : memref<10240x128xf32, #tpu.memory_space<vmem_shared>> -> memref<10240x128xf32, #tpu.memory_space<vmem_shared>>
      tpu.enqueue_indirect_dma source(%arg12 : memref<125x128xf32, #tpu.memory_space<vmem>>) target(%dma_start3A_370 : memref<10240x128xf32, #tpu.memory_space<vmem_shared>>) offsets(%dma_start3A_367 : memref<125xi32, #tpu.memory_space<vmem>>) semaphore(%arg19 : memref<!tpu.dma_semaphore, #tpu.memory_space<semaphore_mem>>) {add = true}
      %dma_wait3A_371 = arith.constant 0 : i32
      %dma_wait3A_372 = arith.constant 0 : i32
      %dma_wait3A_373 = tpu.memref_slice %arg14[%dma_wait3A_371, %dma_wait3A_372] : memref<10240x128xf32, #tpu.memory_space<vmem_shared>> -> memref<125x128xf32, #tpu.memory_space<vmem_shared>>
      %dma_wait3A_374 = arith.constant 0 : i32
      %dma_wait3A_375 = arith.constant 0 : i32
      %dma_wait3A_376 = tpu.memref_slice %arg14[%dma_wait3A_374, %dma_wait3A_375] : memref<10240x128xf32, #tpu.memory_space<vmem_shared>> -> memref<125x128xf32, #tpu.memory_space<vmem_shared>>
      tpu.wait_dma2 semaphore(%arg19 : memref<!tpu.dma_semaphore, #tpu.memory_space<semaphore_mem>>) src(%arg12 : memref<125x128xf32, #tpu.memory_space<vmem>>) dst(%dma_wait3A_376 : memref<125x128xf32, #tpu.memory_space<vmem_shared>>)
      %dma_start3A_377 = arith.constant 4 : i32
      %dma_start3A_378 = arith.constant 0 : i32
      %dma_start3A_379 = tpu.memref_slice %arg11[%dma_start3A_377, %dma_start3A_378] : memref<8x125xi32, #tpu.memory_space<vmem>> -> memref<1x125xi32, #tpu.memory_space<vmem>>
      %dma_start3A_380 = tpu.memref_squeeze %dma_start3A_379 : memref<1x125xi32, #tpu.memory_space<vmem>> -> memref<125xi32, #tpu.memory_space<vmem>>
      %dma_start3A_381 = arith.constant 0 : i32
      %dma_start3A_382 = arith.constant 0 : i32
      %dma_start3A_383 = tpu.memref_slice %arg2[%dma_start3A_381, %dma_start3A_382] : memref<10240x128xf32, #tpu.memory_space<hbm>> -> memref<10240x128xf32, #tpu.memory_space<hbm>>
      tpu.enqueue_indirect_dma source(%dma_start3A_383 : memref<10240x128xf32, #tpu.memory_space<hbm>>) target(%arg12 : memref<125x128xf32, #tpu.memory_space<vmem>>) offsets(%dma_start3A_380 : memref<125xi32, #tpu.memory_space<vmem>>) semaphore(%arg15 : memref<!tpu.dma_semaphore, #tpu.memory_space<semaphore_mem>>)
      %dma_wait3A_384 = arith.constant 3 : i32
      %dma_wait3A_385 = arith.constant 0 : i32
      %dma_wait3A_386 = tpu.memref_slice %arg11[%dma_wait3A_384, %dma_wait3A_385] : memref<8x125xi32, #tpu.memory_space<vmem>> -> memref<1x125xi32, #tpu.memory_space<vmem>>
      %dma_wait3A_387 = tpu.memref_squeeze %dma_wait3A_386 : memref<1x125xi32, #tpu.memory_space<vmem>> -> memref<125xi32, #tpu.memory_space<vmem>>
      %dma_wait3A_388 = arith.constant 0 : i32
      %dma_wait3A_389 = arith.constant 0 : i32
      %dma_wait3A_390 = tpu.memref_slice %arg2[%dma_wait3A_388, %dma_wait3A_389] : memref<10240x128xf32, #tpu.memory_space<hbm>> -> memref<10240x128xf32, #tpu.memory_space<hbm>>
      tpu.wait_indirect_dma semaphore(%arg16 : memref<!tpu.dma_semaphore, #tpu.memory_space<semaphore_mem>>) src(%dma_wait3A_390 : memref<10240x128xf32, #tpu.memory_space<hbm>>) dst(%arg13 : memref<125x128xf32, #tpu.memory_space<vmem>>)
      %dma_start3A_391 = arith.constant 3 : i32
      %dma_start3A_392 = arith.constant 0 : i32
      %dma_start3A_393 = tpu.memref_slice %arg10[%dma_start3A_391, %dma_start3A_392] : memref<8x125xi32, #tpu.memory_space<vmem>> -> memref<1x125xi32, #tpu.memory_space<vmem>>
      %dma_start3A_394 = tpu.memref_squeeze %dma_start3A_393 : memref<1x125xi32, #tpu.memory_space<vmem>> -> memref<125xi32, #tpu.memory_space<vmem>>
      %dma_start3A_395 = arith.constant 0 : i32
      %dma_start3A_396 = arith.constant 0 : i32
      %dma_start3A_397 = tpu.memref_slice %arg14[%dma_start3A_395, %dma_start3A_396] : memref<10240x128xf32, #tpu.memory_space<vmem_shared>> -> memref<10240x128xf32, #tpu.memory_space<vmem_shared>>
      tpu.enqueue_indirect_dma source(%arg13 : memref<125x128xf32, #tpu.memory_space<vmem>>) target(%dma_start3A_397 : memref<10240x128xf32, #tpu.memory_space<vmem_shared>>) offsets(%dma_start3A_394 : memref<125xi32, #tpu.memory_space<vmem>>) semaphore(%arg20 : memref<!tpu.dma_semaphore, #tpu.memory_space<semaphore_mem>>) {add = true}
      %dma_wait3A_398 = arith.constant 0 : i32
      %dma_wait3A_399 = arith.constant 0 : i32
      %dma_wait3A_400 = tpu.memref_slice %arg14[%dma_wait3A_398, %dma_wait3A_399] : memref<10240x128xf32, #tpu.memory_space<vmem_shared>> -> memref<125x128xf32, #tpu.memory_space<vmem_shared>>
      %dma_wait3A_401 = arith.constant 0 : i32
      %dma_wait3A_402 = arith.constant 0 : i32
      %dma_wait3A_403 = tpu.memref_slice %arg14[%dma_wait3A_401, %dma_wait3A_402] : memref<10240x128xf32, #tpu.memory_space<vmem_shared>> -> memref<125x128xf32, #tpu.memory_space<vmem_shared>>
      tpu.wait_dma2 semaphore(%arg20 : memref<!tpu.dma_semaphore, #tpu.memory_space<semaphore_mem>>) src(%arg13 : memref<125x128xf32, #tpu.memory_space<vmem>>) dst(%dma_wait3A_403 : memref<125x128xf32, #tpu.memory_space<vmem_shared>>)
      %dma_start3A_404 = arith.constant 5 : i32
      %dma_start3A_405 = arith.constant 0 : i32
      %dma_start3A_406 = tpu.memref_slice %arg11[%dma_start3A_404, %dma_start3A_405] : memref<8x125xi32, #tpu.memory_space<vmem>> -> memref<1x125xi32, #tpu.memory_space<vmem>>
      %dma_start3A_407 = tpu.memref_squeeze %dma_start3A_406 : memref<1x125xi32, #tpu.memory_space<vmem>> -> memref<125xi32, #tpu.memory_space<vmem>>
      %dma_start3A_408 = arith.constant 0 : i32
      %dma_start3A_409 = arith.constant 0 : i32
      %dma_start3A_410 = tpu.memref_slice %arg2[%dma_start3A_408, %dma_start3A_409] : memref<10240x128xf32, #tpu.memory_space<hbm>> -> memref<10240x128xf32, #tpu.memory_space<hbm>>
      tpu.enqueue_indirect_dma source(%dma_start3A_410 : memref<10240x128xf32, #tpu.memory_space<hbm>>) target(%arg13 : memref<125x128xf32, #tpu.memory_space<vmem>>) offsets(%dma_start3A_407 : memref<125xi32, #tpu.memory_space<vmem>>) semaphore(%arg16 : memref<!tpu.dma_semaphore, #tpu.memory_space<semaphore_mem>>)
      %dma_wait3A_411 = arith.constant 4 : i32
      %dma_wait3A_412 = arith.constant 0 : i32
      %dma_wait3A_413 = tpu.memref_slice %arg11[%dma_wait3A_411, %dma_wait3A_412] : memref<8x125xi32, #tpu.memory_space<vmem>> -> memref<1x125xi32, #tpu.memory_space<vmem>>
      %dma_wait3A_414 = tpu.memref_squeeze %dma_wait3A_413 : memref<1x125xi32, #tpu.memory_space<vmem>> -> memref<125xi32, #tpu.memory_space<vmem>>
      %dma_wait3A_415 = arith.constant 0 : i32
      %dma_wait3A_416 = arith.constant 0 : i32
      %dma_wait3A_417 = tpu.memref_slice %arg2[%dma_wait3A_415, %dma_wait3A_416] : memref<10240x128xf32, #tpu.memory_space<hbm>> -> memref<10240x128xf32, #tpu.memory_space<hbm>>
      tpu.wait_indirect_dma semaphore(%arg15 : memref<!tpu.dma_semaphore, #tpu.memory_space<semaphore_mem>>) src(%dma_wait3A_417 : memref<10240x128xf32, #tpu.memory_space<hbm>>) dst(%arg12 : memref<125x128xf32, #tpu.memory_space<vmem>>)
      %dma_start3A_418 = arith.constant 4 : i32
      %dma_start3A_419 = arith.constant 0 : i32
      %dma_start3A_420 = tpu.memref_slice %arg10[%dma_start3A_418, %dma_start3A_419] : memref<8x125xi32, #tpu.memory_space<vmem>> -> memref<1x125xi32, #tpu.memory_space<vmem>>
      %dma_start3A_421 = tpu.memref_squeeze %dma_start3A_420 : memref<1x125xi32, #tpu.memory_space<vmem>> -> memref<125xi32, #tpu.memory_space<vmem>>
      %dma_start3A_422 = arith.constant 0 : i32
      %dma_start3A_423 = arith.constant 0 : i32
      %dma_start3A_424 = tpu.memref_slice %arg14[%dma_start3A_422, %dma_start3A_423] : memref<10240x128xf32, #tpu.memory_space<vmem_shared>> -> memref<10240x128xf32, #tpu.memory_space<vmem_shared>>
      tpu.enqueue_indirect_dma source(%arg12 : memref<125x128xf32, #tpu.memory_space<vmem>>) target(%dma_start3A_424 : memref<10240x128xf32, #tpu.memory_space<vmem_shared>>) offsets(%dma_start3A_421 : memref<125xi32, #tpu.memory_space<vmem>>) semaphore(%arg19 : memref<!tpu.dma_semaphore, #tpu.memory_space<semaphore_mem>>) {add = true}
      %dma_wait3A_425 = arith.constant 0 : i32
      %dma_wait3A_426 = arith.constant 0 : i32
      %dma_wait3A_427 = tpu.memref_slice %arg14[%dma_wait3A_425, %dma_wait3A_426] : memref<10240x128xf32, #tpu.memory_space<vmem_shared>> -> memref<125x128xf32, #tpu.memory_space<vmem_shared>>
      %dma_wait3A_428 = arith.constant 0 : i32
      %dma_wait3A_429 = arith.constant 0 : i32
      %dma_wait3A_430 = tpu.memref_slice %arg14[%dma_wait3A_428, %dma_wait3A_429] : memref<10240x128xf32, #tpu.memory_space<vmem_shared>> -> memref<125x128xf32, #tpu.memory_space<vmem_shared>>
      tpu.wait_dma2 semaphore(%arg19 : memref<!tpu.dma_semaphore, #tpu.memory_space<semaphore_mem>>) src(%arg12 : memref<125x128xf32, #tpu.memory_space<vmem>>) dst(%dma_wait3A_430 : memref<125x128xf32, #tpu.memory_space<vmem_shared>>)
      %dma_start3A_431 = arith.constant 6 : i32
      %dma_start3A_432 = arith.constant 0 : i32
      %dma_start3A_433 = tpu.memref_slice %arg11[%dma_start3A_431, %dma_start3A_432] : memref<8x125xi32, #tpu.memory_space<vmem>> -> memref<1x125xi32, #tpu.memory_space<vmem>>
      %dma_start3A_434 = tpu.memref_squeeze %dma_start3A_433 : memref<1x125xi32, #tpu.memory_space<vmem>> -> memref<125xi32, #tpu.memory_space<vmem>>
      %dma_start3A_435 = arith.constant 0 : i32
      %dma_start3A_436 = arith.constant 0 : i32
      %dma_start3A_437 = tpu.memref_slice %arg2[%dma_start3A_435, %dma_start3A_436] : memref<10240x128xf32, #tpu.memory_space<hbm>> -> memref<10240x128xf32, #tpu.memory_space<hbm>>
      tpu.enqueue_indirect_dma source(%dma_start3A_437 : memref<10240x128xf32, #tpu.memory_space<hbm>>) target(%arg12 : memref<125x128xf32, #tpu.memory_space<vmem>>) offsets(%dma_start3A_434 : memref<125xi32, #tpu.memory_space<vmem>>) semaphore(%arg15 : memref<!tpu.dma_semaphore, #tpu.memory_space<semaphore_mem>>)
      %dma_wait3A_438 = arith.constant 5 : i32
      %dma_wait3A_439 = arith.constant 0 : i32
      %dma_wait3A_440 = tpu.memref_slice %arg11[%dma_wait3A_438, %dma_wait3A_439] : memref<8x125xi32, #tpu.memory_space<vmem>> -> memref<1x125xi32, #tpu.memory_space<vmem>>
      %dma_wait3A_441 = tpu.memref_squeeze %dma_wait3A_440 : memref<1x125xi32, #tpu.memory_space<vmem>> -> memref<125xi32, #tpu.memory_space<vmem>>
      %dma_wait3A_442 = arith.constant 0 : i32
      %dma_wait3A_443 = arith.constant 0 : i32
      %dma_wait3A_444 = tpu.memref_slice %arg2[%dma_wait3A_442, %dma_wait3A_443] : memref<10240x128xf32, #tpu.memory_space<hbm>> -> memref<10240x128xf32, #tpu.memory_space<hbm>>
      tpu.wait_indirect_dma semaphore(%arg16 : memref<!tpu.dma_semaphore, #tpu.memory_space<semaphore_mem>>) src(%dma_wait3A_444 : memref<10240x128xf32, #tpu.memory_space<hbm>>) dst(%arg13 : memref<125x128xf32, #tpu.memory_space<vmem>>)
      %dma_start3A_445 = arith.constant 5 : i32
      %dma_start3A_446 = arith.constant 0 : i32
      %dma_start3A_447 = tpu.memref_slice %arg10[%dma_start3A_445, %dma_start3A_446] : memref<8x125xi32, #tpu.memory_space<vmem>> -> memref<1x125xi32, #tpu.memory_space<vmem>>
      %dma_start3A_448 = tpu.memref_squeeze %dma_start3A_447 : memref<1x125xi32, #tpu.memory_space<vmem>> -> memref<125xi32, #tpu.memory_space<vmem>>
      %dma_start3A_449 = arith.constant 0 : i32
      %dma_start3A_450 = arith.constant 0 : i32
      %dma_start3A_451 = tpu.memref_slice %arg14[%dma_start3A_449, %dma_start3A_450] : memref<10240x128xf32, #tpu.memory_space<vmem_shared>> -> memref<10240x128xf32, #tpu.memory_space<vmem_shared>>
      tpu.enqueue_indirect_dma source(%arg13 : memref<125x128xf32, #tpu.memory_space<vmem>>) target(%dma_start3A_451 : memref<10240x128xf32, #tpu.memory_space<vmem_shared>>) offsets(%dma_start3A_448 : memref<125xi32, #tpu.memory_space<vmem>>) semaphore(%arg20 : memref<!tpu.dma_semaphore, #tpu.memory_space<semaphore_mem>>) {add = true}
      %dma_wait3A_452 = arith.constant 0 : i32
      %dma_wait3A_453 = arith.constant 0 : i32
      %dma_wait3A_454 = tpu.memref_slice %arg14[%dma_wait3A_452, %dma_wait3A_453] : memref<10240x128xf32, #tpu.memory_space<vmem_shared>> -> memref<125x128xf32, #tpu.memory_space<vmem_shared>>
      %dma_wait3A_455 = arith.constant 0 : i32
      %dma_wait3A_456 = arith.constant 0 : i32
      %dma_wait3A_457 = tpu.memref_slice %arg14[%dma_wait3A_455, %dma_wait3A_456] : memref<10240x128xf32, #tpu.memory_space<vmem_shared>> -> memref<125x128xf32, #tpu.memory_space<vmem_shared>>
      tpu.wait_dma2 semaphore(%arg20 : memref<!tpu.dma_semaphore, #tpu.memory_space<semaphore_mem>>) src(%arg13 : memref<125x128xf32, #tpu.memory_space<vmem>>) dst(%dma_wait3A_457 : memref<125x128xf32, #tpu.memory_space<vmem_shared>>)
      %dma_start3A_458 = arith.constant 7 : i32
      %dma_start3A_459 = arith.constant 0 : i32
      %dma_start3A_460 = tpu.memref_slice %arg11[%dma_start3A_458, %dma_start3A_459] : memref<8x125xi32, #tpu.memory_space<vmem>> -> memref<1x125xi32, #tpu.memory_space<vmem>>
      %dma_start3A_461 = tpu.memref_squeeze %dma_start3A_460 : memref<1x125xi32, #tpu.memory_space<vmem>> -> memref<125xi32, #tpu.memory_space<vmem>>
      %dma_start3A_462 = arith.constant 0 : i32
      %dma_start3A_463 = arith.constant 0 : i32
      %dma_start3A_464 = tpu.memref_slice %arg2[%dma_start3A_462, %dma_start3A_463] : memref<10240x128xf32, #tpu.memory_space<hbm>> -> memref<10240x128xf32, #tpu.memory_space<hbm>>
      tpu.enqueue_indirect_dma source(%dma_start3A_464 : memref<10240x128xf32, #tpu.memory_space<hbm>>) target(%arg13 : memref<125x128xf32, #tpu.memory_space<vmem>>) offsets(%dma_start3A_461 : memref<125xi32, #tpu.memory_space<vmem>>) semaphore(%arg16 : memref<!tpu.dma_semaphore, #tpu.memory_space<semaphore_mem>>)
      %dma_wait3A_465 = arith.constant 6 : i32
      %dma_wait3A_466 = arith.constant 0 : i32
      %dma_wait3A_467 = tpu.memref_slice %arg11[%dma_wait3A_465, %dma_wait3A_466] : memref<8x125xi32, #tpu.memory_space<vmem>> -> memref<1x125xi32, #tpu.memory_space<vmem>>
      %dma_wait3A_468 = tpu.memref_squeeze %dma_wait3A_467 : memref<1x125xi32, #tpu.memory_space<vmem>> -> memref<125xi32, #tpu.memory_space<vmem>>
      %dma_wait3A_469 = arith.constant 0 : i32
      %dma_wait3A_470 = arith.constant 0 : i32
      %dma_wait3A_471 = tpu.memref_slice %arg2[%dma_wait3A_469, %dma_wait3A_470] : memref<10240x128xf32, #tpu.memory_space<hbm>> -> memref<10240x128xf32, #tpu.memory_space<hbm>>
      tpu.wait_indirect_dma semaphore(%arg15 : memref<!tpu.dma_semaphore, #tpu.memory_space<semaphore_mem>>) src(%dma_wait3A_471 : memref<10240x128xf32, #tpu.memory_space<hbm>>) dst(%arg12 : memref<125x128xf32, #tpu.memory_space<vmem>>)
      %dma_start3A_472 = arith.constant 6 : i32
      %dma_start3A_473 = arith.constant 0 : i32
      %dma_start3A_474 = tpu.memref_slice %arg10[%dma_start3A_472, %dma_start3A_473] : memref<8x125xi32, #tpu.memory_space<vmem>> -> memref<1x125xi32, #tpu.memory_space<vmem>>
      %dma_start3A_475 = tpu.memref_squeeze %dma_start3A_474 : memref<1x125xi32, #tpu.memory_space<vmem>> -> memref<125xi32, #tpu.memory_space<vmem>>
      %dma_start3A_476 = arith.constant 0 : i32
      %dma_start3A_477 = arith.constant 0 : i32
      %dma_start3A_478 = tpu.memref_slice %arg14[%dma_start3A_476, %dma_start3A_477] : memref<10240x128xf32, #tpu.memory_space<vmem_shared>> -> memref<10240x128xf32, #tpu.memory_space<vmem_shared>>
      tpu.enqueue_indirect_dma source(%arg12 : memref<125x128xf32, #tpu.memory_space<vmem>>) target(%dma_start3A_478 : memref<10240x128xf32, #tpu.memory_space<vmem_shared>>) offsets(%dma_start3A_475 : memref<125xi32, #tpu.memory_space<vmem>>) semaphore(%arg19 : memref<!tpu.dma_semaphore, #tpu.memory_space<semaphore_mem>>) {add = true}
      %dma_wait3A_479 = arith.constant 7 : i32
      %dma_wait3A_480 = arith.constant 0 : i32
      %dma_wait3A_481 = tpu.memref_slice %arg11[%dma_wait3A_479, %dma_wait3A_480] : memref<8x125xi32, #tpu.memory_space<vmem>> -> memref<1x125xi32, #tpu.memory_space<vmem>>
      %dma_wait3A_482 = tpu.memref_squeeze %dma_wait3A_481 : memref<1x125xi32, #tpu.memory_space<vmem>> -> memref<125xi32, #tpu.memory_space<vmem>>
      %dma_wait3A_483 = arith.constant 0 : i32
      %dma_wait3A_484 = arith.constant 0 : i32
      %dma_wait3A_485 = tpu.memref_slice %arg2[%dma_wait3A_483, %dma_wait3A_484] : memref<10240x128xf32, #tpu.memory_space<hbm>> -> memref<10240x128xf32, #tpu.memory_space<hbm>>
      tpu.wait_indirect_dma semaphore(%arg16 : memref<!tpu.dma_semaphore, #tpu.memory_space<semaphore_mem>>) src(%dma_wait3A_485 : memref<10240x128xf32, #tpu.memory_space<hbm>>) dst(%arg13 : memref<125x128xf32, #tpu.memory_space<vmem>>)
      %dma_start3A_486 = arith.constant 7 : i32
      %dma_start3A_487 = arith.constant 0 : i32
      %dma_start3A_488 = tpu.memref_slice %arg10[%dma_start3A_486, %dma_start3A_487] : memref<8x125xi32, #tpu.memory_space<vmem>> -> memref<1x125xi32, #tpu.memory_space<vmem>>
      %dma_start3A_489 = tpu.memref_squeeze %dma_start3A_488 : memref<1x125xi32, #tpu.memory_space<vmem>> -> memref<125xi32, #tpu.memory_space<vmem>>
      %dma_start3A_490 = arith.constant 0 : i32
      %dma_start3A_491 = arith.constant 0 : i32
      %dma_start3A_492 = tpu.memref_slice %arg14[%dma_start3A_490, %dma_start3A_491] : memref<10240x128xf32, #tpu.memory_space<vmem_shared>> -> memref<10240x128xf32, #tpu.memory_space<vmem_shared>>
      tpu.enqueue_indirect_dma source(%arg13 : memref<125x128xf32, #tpu.memory_space<vmem>>) target(%dma_start3A_492 : memref<10240x128xf32, #tpu.memory_space<vmem_shared>>) offsets(%dma_start3A_489 : memref<125xi32, #tpu.memory_space<vmem>>) semaphore(%arg20 : memref<!tpu.dma_semaphore, #tpu.memory_space<semaphore_mem>>) {add = true}
      %dma_wait3A_493 = arith.constant 0 : i32
      %dma_wait3A_494 = arith.constant 0 : i32
      %dma_wait3A_495 = tpu.memref_slice %arg14[%dma_wait3A_493, %dma_wait3A_494] : memref<10240x128xf32, #tpu.memory_space<vmem_shared>> -> memref<125x128xf32, #tpu.memory_space<vmem_shared>>
      %dma_wait3A_496 = arith.constant 0 : i32
      %dma_wait3A_497 = arith.constant 0 : i32
      %dma_wait3A_498 = tpu.memref_slice %arg14[%dma_wait3A_496, %dma_wait3A_497] : memref<10240x128xf32, #tpu.memory_space<vmem_shared>> -> memref<125x128xf32, #tpu.memory_space<vmem_shared>>
      tpu.wait_dma2 semaphore(%arg19 : memref<!tpu.dma_semaphore, #tpu.memory_space<semaphore_mem>>) src(%arg12 : memref<125x128xf32, #tpu.memory_space<vmem>>) dst(%dma_wait3A_498 : memref<125x128xf32, #tpu.memory_space<vmem_shared>>)
      %dma_wait3A_499 = arith.constant 0 : i32
      %dma_wait3A_500 = arith.constant 0 : i32
      %dma_wait3A_501 = tpu.memref_slice %arg14[%dma_wait3A_499, %dma_wait3A_500] : memref<10240x128xf32, #tpu.memory_space<vmem_shared>> -> memref<125x128xf32, #tpu.memory_space<vmem_shared>>
      %dma_wait3A_502 = arith.constant 0 : i32
      %dma_wait3A_503 = arith.constant 0 : i32
      %dma_wait3A_504 = tpu.memref_slice %arg14[%dma_wait3A_502, %dma_wait3A_503] : memref<10240x128xf32, #tpu.memory_space<vmem_shared>> -> memref<125x128xf32, #tpu.memory_space<vmem_shared>>
      tpu.wait_dma2 semaphore(%arg20 : memref<!tpu.dma_semaphore, #tpu.memory_space<semaphore_mem>>) src(%arg13 : memref<125x128xf32, #tpu.memory_space<vmem>>) dst(%dma_wait3A_504 : memref<125x128xf32, #tpu.memory_space<vmem_shared>>)
    }
    %scan3A_18 = arith.constant 5 : i32
    %barrier3A_19 = arith.constant 0 : index
    tpu.barrier barrier_id(%barrier3A_19)
    "tpu.region"() ({
      %run_scoped3A = tpu.sem_alloc : memref<!tpu.dma_semaphore, #tpu.memory_space<semaphore_mem>>
      %dma_start3A_20 = arith.constant 0 : i32
      %dma_start3A_21 = tpu.memref_slice %arg7[%arg0, %mul3A_2, %dma_start3A_20] : memref<2x10240x128xf32, #tpu.memory_space<hbm>> -> memref<1x640x128xf32, #tpu.memory_space<hbm>>
      %dma_start3A_22 = tpu.memref_squeeze %dma_start3A_21 : memref<1x640x128xf32, #tpu.memory_space<hbm>> -> memref<640x128xf32, #tpu.memory_space<hbm>>
      %dma_start3A_23 = arith.constant 0 : i32
      %dma_start3A_24 = tpu.memref_slice %arg14[%mul3A_2, %dma_start3A_23] : memref<10240x128xf32, #tpu.memory_space<vmem_shared>> -> memref<640x128xf32, #tpu.memory_space<vmem_shared>>
      tpu.enqueue_dma source(%dma_start3A_24 : memref<640x128xf32, #tpu.memory_space<vmem_shared>>) target(%dma_start3A_22 : memref<640x128xf32, #tpu.memory_space<hbm>>) target_semaphore(%run_scoped3A : memref<!tpu.dma_semaphore, #tpu.memory_space<semaphore_mem>>)
      %dma_wait3A = arith.constant 0 : i32
      %dma_wait3A_25 = tpu.memref_slice %arg7[%arg0, %mul3A_2, %dma_wait3A] : memref<2x10240x128xf32, #tpu.memory_space<hbm>> -> memref<1x640x128xf32, #tpu.memory_space<hbm>>
      %dma_wait3A_26 = tpu.memref_squeeze %dma_wait3A_25 : memref<1x640x128xf32, #tpu.memory_space<hbm>> -> memref<640x128xf32, #tpu.memory_space<hbm>>
      %dma_wait3A_27 = arith.constant 0 : i32
      %dma_wait3A_28 = tpu.memref_slice %arg14[%mul3A_2, %dma_wait3A_27] : memref<10240x128xf32, #tpu.memory_space<vmem_shared>> -> memref<640x128xf32, #tpu.memory_space<vmem_shared>>
      tpu.wait_dma2 semaphore(%run_scoped3A : memref<!tpu.dma_semaphore, #tpu.memory_space<semaphore_mem>>) src(%dma_wait3A_28 : memref<640x128xf32, #tpu.memory_space<vmem_shared>>) dst(%dma_wait3A_26 : memref<640x128xf32, #tpu.memory_space<hbm>>)
      tpu.yield
    }) : () -> ()
    return
  }
}

#map = affine_map<(d0, d1) -> (0, 0)>
#map1 = affine_map<(d0, d1) -> (0, 0, 0)>
#map2 = affine_map<(d0, d1) -> (0)>
module attributes {stable_mosaic.version = 14 : i64} {
  func.func @body(%arg0: i32, %arg1: i32, %arg2: memref<10240x128xf32, #tpu.memory_space<hbm>>, %arg3: memref<32x80x125xi32, #tpu.memory_space<hbm>>, %arg4: memref<32x80x125xi32, #tpu.memory_space<hbm>>, %arg5: memref<640x128xf32, #tpu.memory_space<hbm>>, %arg6: memref<640xf32, #tpu.memory_space<hbm>>, %arg7: memref<125xf32, #tpu.memory_space<hbm>>, %arg8: memref<2x10240x128xf32, #tpu.memory_space<hbm>>, %arg9: memref<2x1x10240xf32, #tpu.memory_space<hbm>>, %arg10: memref<8x125xi32, #tpu.memory_space<vmem>>, %arg11: memref<8x125xi32, #tpu.memory_space<vmem>>, %arg12: memref<8x125xi32, #tpu.memory_space<vmem>>, %arg13: memref<8x125xi32, #tpu.memory_space<vmem>>, %arg14: memref<125x128xf32, #tpu.memory_space<vmem>>, %arg15: memref<125x128xf32, #tpu.memory_space<vmem>>, %arg16: memref<10240x128xf32, #tpu.memory_space<vmem_shared>>, %arg17: memref<!tpu.dma_semaphore, #tpu.memory_space<semaphore_mem>>, %arg18: memref<!tpu.dma_semaphore, #tpu.memory_space<semaphore_mem>>, %arg19: memref<!tpu.dma_semaphore, #tpu.memory_space<semaphore_mem>>, %arg20: memref<!tpu.dma_semaphore, #tpu.memory_space<semaphore_mem>>, %arg21: memref<!tpu.dma_semaphore, #tpu.memory_space<semaphore_mem>>, %arg22: memref<!tpu.dma_semaphore, #tpu.memory_space<semaphore_mem>>, %arg23: memref<125xf32, #tpu.memory_space<vmem>>, %arg24: memref<10240xf32, #tpu.memory_space<vmem_shared>>) attributes {dimension_semantics = [#tpu.dimension_semantics<core_parallel>, #tpu.dimension_semantics<subcore_parallel>], iteration_bounds = array<i64: 2, 16>, scalar_prefetch = 0 : i64, scratch_operands = 15 : i64, tpu.core_type = #tpu.core_type<sc_vector_subcore>, window_params = [{transform_indices = #map}, {transform_indices = #map1}, {transform_indices = #map1}, {transform_indices = #map}, {transform_indices = #map2}, {transform_indices = #map2}, {transform_indices = #map1}, {transform_indices = #map1}]} {
    %mul3A = arith.constant 16 : i32
    %mul3A_0 = arith.muli %arg0, %mul3A : i32
    %add3A = arith.addi %mul3A_0, %arg1 : i32
    %mul3A_1 = arith.constant 640 : i32
    %mul3A_2 = arith.muli %arg1, %mul3A_1 : i32
    %multiple_of3A = arith.constant 0 : i32
    %multiple_of3A_3 = tpu.assume_multiple %multiple_of3A, 8 : i32
    %dma_start3A = arith.constant 0 : i32
    %dma_start3A_4 = tpu.memref_slice %arg4[%add3A, %multiple_of3A_3, %dma_start3A] : memref<32x80x125xi32, #tpu.memory_space<hbm>> -> memref<1x8x125xi32, #tpu.memory_space<hbm>>
    %dma_start3A_5 = tpu.memref_squeeze %dma_start3A_4 : memref<1x8x125xi32, #tpu.memory_space<hbm>> -> memref<8x125xi32, #tpu.memory_space<hbm>>
    %dma_start3A_6 = arith.constant 0 : i32
    %dma_start3A_7 = tpu.memref_slice %arg4[%add3A, %multiple_of3A_3, %dma_start3A_6] : memref<32x80x125xi32, #tpu.memory_space<hbm>> -> memref<1x8x125xi32, #tpu.memory_space<hbm>>
    %dma_start3A_8 = tpu.memref_squeeze %dma_start3A_7 : memref<1x8x125xi32, #tpu.memory_space<hbm>> -> memref<8x125xi32, #tpu.memory_space<hbm>>
    tpu.enqueue_dma source(%dma_start3A_8 : memref<8x125xi32, #tpu.memory_space<hbm>>) target(%arg10 : memref<8x125xi32, #tpu.memory_space<vmem>>) target_semaphore(%arg19 : memref<!tpu.dma_semaphore, #tpu.memory_space<semaphore_mem>>)
    %dma_start3A_9 = arith.constant 0 : i32
    %dma_start3A_10 = tpu.memref_slice %arg3[%add3A, %multiple_of3A_3, %dma_start3A_9] : memref<32x80x125xi32, #tpu.memory_space<hbm>> -> memref<1x8x125xi32, #tpu.memory_space<hbm>>
    %dma_start3A_11 = tpu.memref_squeeze %dma_start3A_10 : memref<1x8x125xi32, #tpu.memory_space<hbm>> -> memref<8x125xi32, #tpu.memory_space<hbm>>
    %dma_start3A_12 = arith.constant 0 : i32
    %dma_start3A_13 = tpu.memref_slice %arg3[%add3A, %multiple_of3A_3, %dma_start3A_12] : memref<32x80x125xi32, #tpu.memory_space<hbm>> -> memref<1x8x125xi32, #tpu.memory_space<hbm>>
    %dma_start3A_14 = tpu.memref_squeeze %dma_start3A_13 : memref<1x8x125xi32, #tpu.memory_space<hbm>> -> memref<8x125xi32, #tpu.memory_space<hbm>>
    tpu.enqueue_dma source(%dma_start3A_14 : memref<8x125xi32, #tpu.memory_space<hbm>>) target(%arg11 : memref<8x125xi32, #tpu.memory_space<vmem>>) target_semaphore(%arg19 : memref<!tpu.dma_semaphore, #tpu.memory_space<semaphore_mem>>)
    "tpu.region"() ({
      %run_scoped3A_26 = tpu.sem_alloc : memref<!tpu.dma_semaphore, #tpu.memory_space<semaphore_mem>>
      %dma_start3A_27 = arith.constant 0 : i32
      %dma_start3A_28 = tpu.memref_slice %arg16[%mul3A_2, %dma_start3A_27] : memref<10240x128xf32, #tpu.memory_space<vmem_shared>> -> memref<640x128xf32, #tpu.memory_space<vmem_shared>>
      tpu.enqueue_dma source(%arg5 : memref<640x128xf32, #tpu.memory_space<hbm>>) target(%dma_start3A_28 : memref<640x128xf32, #tpu.memory_space<vmem_shared>>) target_semaphore(%run_scoped3A_26 : memref<!tpu.dma_semaphore, #tpu.memory_space<semaphore_mem>>)
      %dma_wait3A = arith.constant 0 : i32
      %dma_wait3A_29 = tpu.memref_slice %arg16[%mul3A_2, %dma_wait3A] : memref<10240x128xf32, #tpu.memory_space<vmem_shared>> -> memref<640x128xf32, #tpu.memory_space<vmem_shared>>
      tpu.wait_dma2 semaphore(%run_scoped3A_26 : memref<!tpu.dma_semaphore, #tpu.memory_space<semaphore_mem>>) src(%arg5 : memref<640x128xf32, #tpu.memory_space<hbm>>) dst(%dma_wait3A_29 : memref<640x128xf32, #tpu.memory_space<vmem_shared>>)
      tpu.yield
    }) : () -> ()
    %mul3A_15 = arith.constant 640 : i32
    %mul3A_16 = arith.muli %arg1, %mul3A_15 : i32
    "tpu.region"() ({
      %run_scoped3A_26 = tpu.sem_alloc : memref<!tpu.dma_semaphore, #tpu.memory_space<semaphore_mem>>
      %dma_start3A_27 = tpu.memref_slice %arg24[%mul3A_16] : memref<10240xf32, #tpu.memory_space<vmem_shared>> -> memref<640xf32, #tpu.memory_space<vmem_shared>>
      tpu.enqueue_dma source(%arg6 : memref<640xf32, #tpu.memory_space<hbm>>) target(%dma_start3A_27 : memref<640xf32, #tpu.memory_space<vmem_shared>>) target_semaphore(%run_scoped3A_26 : memref<!tpu.dma_semaphore, #tpu.memory_space<semaphore_mem>>)
      %dma_wait3A = tpu.memref_slice %arg24[%mul3A_16] : memref<10240xf32, #tpu.memory_space<vmem_shared>> -> memref<640xf32, #tpu.memory_space<vmem_shared>>
      tpu.wait_dma2 semaphore(%run_scoped3A_26 : memref<!tpu.dma_semaphore, #tpu.memory_space<semaphore_mem>>) src(%arg6 : memref<640xf32, #tpu.memory_space<hbm>>) dst(%dma_wait3A : memref<640xf32, #tpu.memory_space<vmem_shared>>)
      tpu.yield
    }) : () -> ()
    "tpu.region"() ({
      %run_scoped3A_26 = tpu.sem_alloc : memref<!tpu.dma_semaphore, #tpu.memory_space<semaphore_mem>>
      tpu.enqueue_dma source(%arg7 : memref<125xf32, #tpu.memory_space<hbm>>) target(%arg23 : memref<125xf32, #tpu.memory_space<vmem>>) target_semaphore(%run_scoped3A_26 : memref<!tpu.dma_semaphore, #tpu.memory_space<semaphore_mem>>)
      tpu.wait_dma2 semaphore(%run_scoped3A_26 : memref<!tpu.dma_semaphore, #tpu.memory_space<semaphore_mem>>) src(%arg7 : memref<125xf32, #tpu.memory_space<hbm>>) dst(%arg23 : memref<125xf32, #tpu.memory_space<vmem>>)
      tpu.yield
    }) : () -> ()
    %barrier3A = arith.constant 0 : index
    tpu.barrier barrier_id(%barrier3A)
    %scan3A = arith.constant 0 : i32
    %scan3A_17 = arith.constant 5 : i32
    %scan3A_18 = arith.addi %scan3A, %scan3A_17 : i32
    %scan3A_19 = arith.constant 1 : i32
    scf.for %scan3A_26 = %scan3A to %scan3A_18 step %scan3A_19  : i32 {
      %mul3A_27 = arith.constant 1 : i32
      %mul3A_28 = arith.muli %scan3A_26, %mul3A_27 : i32
      %add3A_29 = arith.constant 0 : i32
      %add3A_30 = arith.addi %add3A_29, %mul3A_28 : i32
      %mul3A_31 = arith.constant 2 : i32
      %mul3A_32 = arith.muli %add3A_30, %mul3A_31 : i32
      %add3A_33 = arith.constant 0 : i32
      %add3A_34 = arith.addi %mul3A_32, %add3A_33 : i32
      %mul3A_35 = arith.constant 8 : i32
      %mul3A_36 = arith.muli %add3A_34, %mul3A_35 : i32
      %multiple_of3A_37 = tpu.assume_multiple %mul3A_36, 8 : i32
      %dma_wait3A = arith.constant 0 : i32
      %dma_wait3A_38 = tpu.memref_slice %arg4[%add3A, %multiple_of3A_37, %dma_wait3A] : memref<32x80x125xi32, #tpu.memory_space<hbm>> -> memref<1x8x125xi32, #tpu.memory_space<hbm>>
      %dma_wait3A_39 = tpu.memref_squeeze %dma_wait3A_38 : memref<1x8x125xi32, #tpu.memory_space<hbm>> -> memref<8x125xi32, #tpu.memory_space<hbm>>
      %dma_wait3A_40 = arith.constant 0 : i32
      %dma_wait3A_41 = tpu.memref_slice %arg4[%add3A, %multiple_of3A_37, %dma_wait3A_40] : memref<32x80x125xi32, #tpu.memory_space<hbm>> -> memref<1x8x125xi32, #tpu.memory_space<hbm>>
      %dma_wait3A_42 = tpu.memref_squeeze %dma_wait3A_41 : memref<1x8x125xi32, #tpu.memory_space<hbm>> -> memref<8x125xi32, #tpu.memory_space<hbm>>
      tpu.wait_dma2 semaphore(%arg19 : memref<!tpu.dma_semaphore, #tpu.memory_space<semaphore_mem>>) src(%dma_wait3A_42 : memref<8x125xi32, #tpu.memory_space<hbm>>) dst(%arg10 : memref<8x125xi32, #tpu.memory_space<vmem>>)
      %dma_wait3A_43 = arith.constant 0 : i32
      %dma_wait3A_44 = tpu.memref_slice %arg3[%add3A, %multiple_of3A_37, %dma_wait3A_43] : memref<32x80x125xi32, #tpu.memory_space<hbm>> -> memref<1x8x125xi32, #tpu.memory_space<hbm>>
      %dma_wait3A_45 = tpu.memref_squeeze %dma_wait3A_44 : memref<1x8x125xi32, #tpu.memory_space<hbm>> -> memref<8x125xi32, #tpu.memory_space<hbm>>
      %dma_wait3A_46 = arith.constant 0 : i32
      %dma_wait3A_47 = tpu.memref_slice %arg3[%add3A, %multiple_of3A_37, %dma_wait3A_46] : memref<32x80x125xi32, #tpu.memory_space<hbm>> -> memref<1x8x125xi32, #tpu.memory_space<hbm>>
      %dma_wait3A_48 = tpu.memref_squeeze %dma_wait3A_47 : memref<1x8x125xi32, #tpu.memory_space<hbm>> -> memref<8x125xi32, #tpu.memory_space<hbm>>
      tpu.wait_dma2 semaphore(%arg19 : memref<!tpu.dma_semaphore, #tpu.memory_space<semaphore_mem>>) src(%dma_wait3A_48 : memref<8x125xi32, #tpu.memory_space<hbm>>) dst(%arg11 : memref<8x125xi32, #tpu.memory_space<vmem>>)
      %add3A_49 = arith.constant 1 : i32
      %add3A_50 = arith.addi %add3A_34, %add3A_49 : i32
      %lt3A = arith.constant 10 : i32
      %lt3A_51 = arith.cmpi slt, %add3A_50, %lt3A : i32
      %convert_element_type3A = arith.extui %lt3A_51 : i1 to i32
      %cond3A = arith.constant 0 : i32
      %cond3A_52 = arith.cmpi ne, %convert_element_type3A, %cond3A : i32
      scf.if %cond3A_52 {
        %add3A_527 = arith.constant 1 : i32
        %add3A_528 = arith.addi %add3A_34, %add3A_527 : i32
        %mul3A_529 = arith.constant 8 : i32
        %mul3A_530 = arith.muli %add3A_528, %mul3A_529 : i32
        %multiple_of3A_531 = tpu.assume_multiple %mul3A_530, 8 : i32
        %dma_start3A_532 = arith.constant 0 : i32
        %dma_start3A_533 = tpu.memref_slice %arg4[%add3A, %multiple_of3A_531, %dma_start3A_532] : memref<32x80x125xi32, #tpu.memory_space<hbm>> -> memref<1x8x125xi32, #tpu.memory_space<hbm>>
        %dma_start3A_534 = tpu.memref_squeeze %dma_start3A_533 : memref<1x8x125xi32, #tpu.memory_space<hbm>> -> memref<8x125xi32, #tpu.memory_space<hbm>>
        %dma_start3A_535 = arith.constant 0 : i32
        %dma_start3A_536 = tpu.memref_slice %arg4[%add3A, %multiple_of3A_531, %dma_start3A_535] : memref<32x80x125xi32, #tpu.memory_space<hbm>> -> memref<1x8x125xi32, #tpu.memory_space<hbm>>
        %dma_start3A_537 = tpu.memref_squeeze %dma_start3A_536 : memref<1x8x125xi32, #tpu.memory_space<hbm>> -> memref<8x125xi32, #tpu.memory_space<hbm>>
        tpu.enqueue_dma source(%dma_start3A_537 : memref<8x125xi32, #tpu.memory_space<hbm>>) target(%arg12 : memref<8x125xi32, #tpu.memory_space<vmem>>) target_semaphore(%arg20 : memref<!tpu.dma_semaphore, #tpu.memory_space<semaphore_mem>>)
        %dma_start3A_538 = arith.constant 0 : i32
        %dma_start3A_539 = tpu.memref_slice %arg3[%add3A, %multiple_of3A_531, %dma_start3A_538] : memref<32x80x125xi32, #tpu.memory_space<hbm>> -> memref<1x8x125xi32, #tpu.memory_space<hbm>>
        %dma_start3A_540 = tpu.memref_squeeze %dma_start3A_539 : memref<1x8x125xi32, #tpu.memory_space<hbm>> -> memref<8x125xi32, #tpu.memory_space<hbm>>
        %dma_start3A_541 = arith.constant 0 : i32
        %dma_start3A_542 = tpu.memref_slice %arg3[%add3A, %multiple_of3A_531, %dma_start3A_541] : memref<32x80x125xi32, #tpu.memory_space<hbm>> -> memref<1x8x125xi32, #tpu.memory_space<hbm>>
        %dma_start3A_543 = tpu.memref_squeeze %dma_start3A_542 : memref<1x8x125xi32, #tpu.memory_space<hbm>> -> memref<8x125xi32, #tpu.memory_space<hbm>>
        tpu.enqueue_dma source(%dma_start3A_543 : memref<8x125xi32, #tpu.memory_space<hbm>>) target(%arg13 : memref<8x125xi32, #tpu.memory_space<vmem>>) target_semaphore(%arg20 : memref<!tpu.dma_semaphore, #tpu.memory_space<semaphore_mem>>)
      } else {
      }
      %dma_start3A_53 = arith.constant 0 : i32
      %dma_start3A_54 = arith.constant 0 : i32
      %dma_start3A_55 = tpu.memref_slice %arg11[%dma_start3A_53, %dma_start3A_54] : memref<8x125xi32, #tpu.memory_space<vmem>> -> memref<1x125xi32, #tpu.memory_space<vmem>>
      %dma_start3A_56 = tpu.memref_squeeze %dma_start3A_55 : memref<1x125xi32, #tpu.memory_space<vmem>> -> memref<125xi32, #tpu.memory_space<vmem>>
      %dma_start3A_57 = arith.constant 0 : i32
      %dma_start3A_58 = arith.constant 0 : i32
      %dma_start3A_59 = tpu.memref_slice %arg2[%dma_start3A_57, %dma_start3A_58] : memref<10240x128xf32, #tpu.memory_space<hbm>> -> memref<10240x128xf32, #tpu.memory_space<hbm>>
      tpu.enqueue_indirect_dma source(%dma_start3A_59 : memref<10240x128xf32, #tpu.memory_space<hbm>>) target(%arg14 : memref<125x128xf32, #tpu.memory_space<vmem>>) offsets(%dma_start3A_56 : memref<125xi32, #tpu.memory_space<vmem>>) semaphore(%arg17 : memref<!tpu.dma_semaphore, #tpu.memory_space<semaphore_mem>>)
      %dma_start3A_60 = arith.constant 1 : i32
      %dma_start3A_61 = arith.constant 0 : i32
      %dma_start3A_62 = tpu.memref_slice %arg11[%dma_start3A_60, %dma_start3A_61] : memref<8x125xi32, #tpu.memory_space<vmem>> -> memref<1x125xi32, #tpu.memory_space<vmem>>
      %dma_start3A_63 = tpu.memref_squeeze %dma_start3A_62 : memref<1x125xi32, #tpu.memory_space<vmem>> -> memref<125xi32, #tpu.memory_space<vmem>>
      %dma_start3A_64 = arith.constant 0 : i32
      %dma_start3A_65 = arith.constant 0 : i32
      %dma_start3A_66 = tpu.memref_slice %arg2[%dma_start3A_64, %dma_start3A_65] : memref<10240x128xf32, #tpu.memory_space<hbm>> -> memref<10240x128xf32, #tpu.memory_space<hbm>>
      tpu.enqueue_indirect_dma source(%dma_start3A_66 : memref<10240x128xf32, #tpu.memory_space<hbm>>) target(%arg15 : memref<125x128xf32, #tpu.memory_space<vmem>>) offsets(%dma_start3A_63 : memref<125xi32, #tpu.memory_space<vmem>>) semaphore(%arg18 : memref<!tpu.dma_semaphore, #tpu.memory_space<semaphore_mem>>)
      %dma_wait3A_67 = arith.constant 0 : i32
      %dma_wait3A_68 = arith.constant 0 : i32
      %dma_wait3A_69 = tpu.memref_slice %arg11[%dma_wait3A_67, %dma_wait3A_68] : memref<8x125xi32, #tpu.memory_space<vmem>> -> memref<1x125xi32, #tpu.memory_space<vmem>>
      %dma_wait3A_70 = tpu.memref_squeeze %dma_wait3A_69 : memref<1x125xi32, #tpu.memory_space<vmem>> -> memref<125xi32, #tpu.memory_space<vmem>>
      %dma_wait3A_71 = arith.constant 0 : i32
      %dma_wait3A_72 = arith.constant 0 : i32
      %dma_wait3A_73 = tpu.memref_slice %arg2[%dma_wait3A_71, %dma_wait3A_72] : memref<10240x128xf32, #tpu.memory_space<hbm>> -> memref<10240x128xf32, #tpu.memory_space<hbm>>
      tpu.wait_indirect_dma semaphore(%arg17 : memref<!tpu.dma_semaphore, #tpu.memory_space<semaphore_mem>>) src(%dma_wait3A_73 : memref<10240x128xf32, #tpu.memory_space<hbm>>) dst(%arg14 : memref<125x128xf32, #tpu.memory_space<vmem>>)
      %dma_start3A_74 = arith.constant 0 : i32
      %dma_start3A_75 = arith.constant 0 : i32
      %dma_start3A_76 = tpu.memref_slice %arg10[%dma_start3A_74, %dma_start3A_75] : memref<8x125xi32, #tpu.memory_space<vmem>> -> memref<1x125xi32, #tpu.memory_space<vmem>>
      %dma_start3A_77 = tpu.memref_squeeze %dma_start3A_76 : memref<1x125xi32, #tpu.memory_space<vmem>> -> memref<125xi32, #tpu.memory_space<vmem>>
      %dma_start3A_78 = arith.constant 0 : i32
      %dma_start3A_79 = arith.constant 0 : i32
      %dma_start3A_80 = tpu.memref_slice %arg16[%dma_start3A_78, %dma_start3A_79] : memref<10240x128xf32, #tpu.memory_space<vmem_shared>> -> memref<10240x128xf32, #tpu.memory_space<vmem_shared>>
      tpu.enqueue_indirect_dma source(%arg14 : memref<125x128xf32, #tpu.memory_space<vmem>>) target(%dma_start3A_80 : memref<10240x128xf32, #tpu.memory_space<vmem_shared>>) offsets(%dma_start3A_77 : memref<125xi32, #tpu.memory_space<vmem>>) semaphore(%arg21 : memref<!tpu.dma_semaphore, #tpu.memory_space<semaphore_mem>>) {add = true}
      %run_scoped3A_81 = arith.constant 0 : i32
      "tpu.region"() ({
        %run_scoped3A_527 = tpu.sem_alloc : memref<!tpu.dma_semaphore, #tpu.memory_space<semaphore_mem>>
        %dma_start3A_528 = arith.constant 0 : i32
        %dma_start3A_529 = tpu.memref_slice %arg10[%run_scoped3A_81, %dma_start3A_528] : memref<8x125xi32, #tpu.memory_space<vmem>> -> memref<1x125xi32, #tpu.memory_space<vmem>>
        %dma_start3A_530 = tpu.memref_squeeze %dma_start3A_529 : memref<1x125xi32, #tpu.memory_space<vmem>> -> memref<125xi32, #tpu.memory_space<vmem>>
        %dma_start3A_531 = arith.constant 0 : i32
        %dma_start3A_532 = tpu.memref_slice %arg24[%dma_start3A_531] : memref<10240xf32, #tpu.memory_space<vmem_shared>> -> memref<10240xf32, #tpu.memory_space<vmem_shared>>
        tpu.enqueue_indirect_dma source(%arg23 : memref<125xf32, #tpu.memory_space<vmem>>) target(%dma_start3A_532 : memref<10240xf32, #tpu.memory_space<vmem_shared>>) offsets(%dma_start3A_530 : memref<125xi32, #tpu.memory_space<vmem>>) semaphore(%run_scoped3A_527 : memref<!tpu.dma_semaphore, #tpu.memory_space<semaphore_mem>>) {add = true}
        %dma_wait3A_533 = arith.constant 0 : i32
        %dma_wait3A_534 = tpu.memref_slice %arg10[%run_scoped3A_81, %dma_wait3A_533] : memref<8x125xi32, #tpu.memory_space<vmem>> -> memref<1x125xi32, #tpu.memory_space<vmem>>
        %dma_wait3A_535 = tpu.memref_squeeze %dma_wait3A_534 : memref<1x125xi32, #tpu.memory_space<vmem>> -> memref<125xi32, #tpu.memory_space<vmem>>
        %dma_wait3A_536 = arith.constant 0 : i32
        %dma_wait3A_537 = tpu.memref_slice %arg24[%dma_wait3A_536] : memref<10240xf32, #tpu.memory_space<vmem_shared>> -> memref<10240xf32, #tpu.memory_space<vmem_shared>>
        tpu.wait_indirect_dma semaphore(%run_scoped3A_527 : memref<!tpu.dma_semaphore, #tpu.memory_space<semaphore_mem>>) src(%arg23 : memref<125xf32, #tpu.memory_space<vmem>>) dst(%dma_wait3A_537 : memref<10240xf32, #tpu.memory_space<vmem_shared>>)
        tpu.yield
      }) : () -> ()
      %dma_wait3A_82 = arith.constant 0 : i32
      %dma_wait3A_83 = arith.constant 0 : i32
      %dma_wait3A_84 = tpu.memref_slice %arg16[%dma_wait3A_82, %dma_wait3A_83] : memref<10240x128xf32, #tpu.memory_space<vmem_shared>> -> memref<125x128xf32, #tpu.memory_space<vmem_shared>>
      %dma_wait3A_85 = arith.constant 0 : i32
      %dma_wait3A_86 = arith.constant 0 : i32
      %dma_wait3A_87 = tpu.memref_slice %arg16[%dma_wait3A_85, %dma_wait3A_86] : memref<10240x128xf32, #tpu.memory_space<vmem_shared>> -> memref<125x128xf32, #tpu.memory_space<vmem_shared>>
      tpu.wait_dma2 semaphore(%arg21 : memref<!tpu.dma_semaphore, #tpu.memory_space<semaphore_mem>>) src(%arg14 : memref<125x128xf32, #tpu.memory_space<vmem>>) dst(%dma_wait3A_87 : memref<125x128xf32, #tpu.memory_space<vmem_shared>>)
      %dma_start3A_88 = arith.constant 2 : i32
      %dma_start3A_89 = arith.constant 0 : i32
      %dma_start3A_90 = tpu.memref_slice %arg11[%dma_start3A_88, %dma_start3A_89] : memref<8x125xi32, #tpu.memory_space<vmem>> -> memref<1x125xi32, #tpu.memory_space<vmem>>
      %dma_start3A_91 = tpu.memref_squeeze %dma_start3A_90 : memref<1x125xi32, #tpu.memory_space<vmem>> -> memref<125xi32, #tpu.memory_space<vmem>>
      %dma_start3A_92 = arith.constant 0 : i32
      %dma_start3A_93 = arith.constant 0 : i32
      %dma_start3A_94 = tpu.memref_slice %arg2[%dma_start3A_92, %dma_start3A_93] : memref<10240x128xf32, #tpu.memory_space<hbm>> -> memref<10240x128xf32, #tpu.memory_space<hbm>>
      tpu.enqueue_indirect_dma source(%dma_start3A_94 : memref<10240x128xf32, #tpu.memory_space<hbm>>) target(%arg14 : memref<125x128xf32, #tpu.memory_space<vmem>>) offsets(%dma_start3A_91 : memref<125xi32, #tpu.memory_space<vmem>>) semaphore(%arg17 : memref<!tpu.dma_semaphore, #tpu.memory_space<semaphore_mem>>)
      %dma_wait3A_95 = arith.constant 1 : i32
      %dma_wait3A_96 = arith.constant 0 : i32
      %dma_wait3A_97 = tpu.memref_slice %arg11[%dma_wait3A_95, %dma_wait3A_96] : memref<8x125xi32, #tpu.memory_space<vmem>> -> memref<1x125xi32, #tpu.memory_space<vmem>>
      %dma_wait3A_98 = tpu.memref_squeeze %dma_wait3A_97 : memref<1x125xi32, #tpu.memory_space<vmem>> -> memref<125xi32, #tpu.memory_space<vmem>>
      %dma_wait3A_99 = arith.constant 0 : i32
      %dma_wait3A_100 = arith.constant 0 : i32
      %dma_wait3A_101 = tpu.memref_slice %arg2[%dma_wait3A_99, %dma_wait3A_100] : memref<10240x128xf32, #tpu.memory_space<hbm>> -> memref<10240x128xf32, #tpu.memory_space<hbm>>
      tpu.wait_indirect_dma semaphore(%arg18 : memref<!tpu.dma_semaphore, #tpu.memory_space<semaphore_mem>>) src(%dma_wait3A_101 : memref<10240x128xf32, #tpu.memory_space<hbm>>) dst(%arg15 : memref<125x128xf32, #tpu.memory_space<vmem>>)
      %dma_start3A_102 = arith.constant 1 : i32
      %dma_start3A_103 = arith.constant 0 : i32
      %dma_start3A_104 = tpu.memref_slice %arg10[%dma_start3A_102, %dma_start3A_103] : memref<8x125xi32, #tpu.memory_space<vmem>> -> memref<1x125xi32, #tpu.memory_space<vmem>>
      %dma_start3A_105 = tpu.memref_squeeze %dma_start3A_104 : memref<1x125xi32, #tpu.memory_space<vmem>> -> memref<125xi32, #tpu.memory_space<vmem>>
      %dma_start3A_106 = arith.constant 0 : i32
      %dma_start3A_107 = arith.constant 0 : i32
      %dma_start3A_108 = tpu.memref_slice %arg16[%dma_start3A_106, %dma_start3A_107] : memref<10240x128xf32, #tpu.memory_space<vmem_shared>> -> memref<10240x128xf32, #tpu.memory_space<vmem_shared>>
      tpu.enqueue_indirect_dma source(%arg15 : memref<125x128xf32, #tpu.memory_space<vmem>>) target(%dma_start3A_108 : memref<10240x128xf32, #tpu.memory_space<vmem_shared>>) offsets(%dma_start3A_105 : memref<125xi32, #tpu.memory_space<vmem>>) semaphore(%arg22 : memref<!tpu.dma_semaphore, #tpu.memory_space<semaphore_mem>>) {add = true}
      %run_scoped3A_109 = arith.constant 1 : i32
      "tpu.region"() ({
        %run_scoped3A_527 = tpu.sem_alloc : memref<!tpu.dma_semaphore, #tpu.memory_space<semaphore_mem>>
        %dma_start3A_528 = arith.constant 0 : i32
        %dma_start3A_529 = tpu.memref_slice %arg10[%run_scoped3A_109, %dma_start3A_528] : memref<8x125xi32, #tpu.memory_space<vmem>> -> memref<1x125xi32, #tpu.memory_space<vmem>>
        %dma_start3A_530 = tpu.memref_squeeze %dma_start3A_529 : memref<1x125xi32, #tpu.memory_space<vmem>> -> memref<125xi32, #tpu.memory_space<vmem>>
        %dma_start3A_531 = arith.constant 0 : i32
        %dma_start3A_532 = tpu.memref_slice %arg24[%dma_start3A_531] : memref<10240xf32, #tpu.memory_space<vmem_shared>> -> memref<10240xf32, #tpu.memory_space<vmem_shared>>
        tpu.enqueue_indirect_dma source(%arg23 : memref<125xf32, #tpu.memory_space<vmem>>) target(%dma_start3A_532 : memref<10240xf32, #tpu.memory_space<vmem_shared>>) offsets(%dma_start3A_530 : memref<125xi32, #tpu.memory_space<vmem>>) semaphore(%run_scoped3A_527 : memref<!tpu.dma_semaphore, #tpu.memory_space<semaphore_mem>>) {add = true}
        %dma_wait3A_533 = arith.constant 0 : i32
        %dma_wait3A_534 = tpu.memref_slice %arg10[%run_scoped3A_109, %dma_wait3A_533] : memref<8x125xi32, #tpu.memory_space<vmem>> -> memref<1x125xi32, #tpu.memory_space<vmem>>
        %dma_wait3A_535 = tpu.memref_squeeze %dma_wait3A_534 : memref<1x125xi32, #tpu.memory_space<vmem>> -> memref<125xi32, #tpu.memory_space<vmem>>
        %dma_wait3A_536 = arith.constant 0 : i32
        %dma_wait3A_537 = tpu.memref_slice %arg24[%dma_wait3A_536] : memref<10240xf32, #tpu.memory_space<vmem_shared>> -> memref<10240xf32, #tpu.memory_space<vmem_shared>>
        tpu.wait_indirect_dma semaphore(%run_scoped3A_527 : memref<!tpu.dma_semaphore, #tpu.memory_space<semaphore_mem>>) src(%arg23 : memref<125xf32, #tpu.memory_space<vmem>>) dst(%dma_wait3A_537 : memref<10240xf32, #tpu.memory_space<vmem_shared>>)
        tpu.yield
      }) : () -> ()
      %dma_wait3A_110 = arith.constant 0 : i32
      %dma_wait3A_111 = arith.constant 0 : i32
      %dma_wait3A_112 = tpu.memref_slice %arg16[%dma_wait3A_110, %dma_wait3A_111] : memref<10240x128xf32, #tpu.memory_space<vmem_shared>> -> memref<125x128xf32, #tpu.memory_space<vmem_shared>>
      %dma_wait3A_113 = arith.constant 0 : i32
      %dma_wait3A_114 = arith.constant 0 : i32
      %dma_wait3A_115 = tpu.memref_slice %arg16[%dma_wait3A_113, %dma_wait3A_114] : memref<10240x128xf32, #tpu.memory_space<vmem_shared>> -> memref<125x128xf32, #tpu.memory_space<vmem_shared>>
      tpu.wait_dma2 semaphore(%arg22 : memref<!tpu.dma_semaphore, #tpu.memory_space<semaphore_mem>>) src(%arg15 : memref<125x128xf32, #tpu.memory_space<vmem>>) dst(%dma_wait3A_115 : memref<125x128xf32, #tpu.memory_space<vmem_shared>>)
      %dma_start3A_116 = arith.constant 3 : i32
      %dma_start3A_117 = arith.constant 0 : i32
      %dma_start3A_118 = tpu.memref_slice %arg11[%dma_start3A_116, %dma_start3A_117] : memref<8x125xi32, #tpu.memory_space<vmem>> -> memref<1x125xi32, #tpu.memory_space<vmem>>
      %dma_start3A_119 = tpu.memref_squeeze %dma_start3A_118 : memref<1x125xi32, #tpu.memory_space<vmem>> -> memref<125xi32, #tpu.memory_space<vmem>>
      %dma_start3A_120 = arith.constant 0 : i32
      %dma_start3A_121 = arith.constant 0 : i32
      %dma_start3A_122 = tpu.memref_slice %arg2[%dma_start3A_120, %dma_start3A_121] : memref<10240x128xf32, #tpu.memory_space<hbm>> -> memref<10240x128xf32, #tpu.memory_space<hbm>>
      tpu.enqueue_indirect_dma source(%dma_start3A_122 : memref<10240x128xf32, #tpu.memory_space<hbm>>) target(%arg15 : memref<125x128xf32, #tpu.memory_space<vmem>>) offsets(%dma_start3A_119 : memref<125xi32, #tpu.memory_space<vmem>>) semaphore(%arg18 : memref<!tpu.dma_semaphore, #tpu.memory_space<semaphore_mem>>)
      %dma_wait3A_123 = arith.constant 2 : i32
      %dma_wait3A_124 = arith.constant 0 : i32
      %dma_wait3A_125 = tpu.memref_slice %arg11[%dma_wait3A_123, %dma_wait3A_124] : memref<8x125xi32, #tpu.memory_space<vmem>> -> memref<1x125xi32, #tpu.memory_space<vmem>>
      %dma_wait3A_126 = tpu.memref_squeeze %dma_wait3A_125 : memref<1x125xi32, #tpu.memory_space<vmem>> -> memref<125xi32, #tpu.memory_space<vmem>>
      %dma_wait3A_127 = arith.constant 0 : i32
      %dma_wait3A_128 = arith.constant 0 : i32
      %dma_wait3A_129 = tpu.memref_slice %arg2[%dma_wait3A_127, %dma_wait3A_128] : memref<10240x128xf32, #tpu.memory_space<hbm>> -> memref<10240x128xf32, #tpu.memory_space<hbm>>
      tpu.wait_indirect_dma semaphore(%arg17 : memref<!tpu.dma_semaphore, #tpu.memory_space<semaphore_mem>>) src(%dma_wait3A_129 : memref<10240x128xf32, #tpu.memory_space<hbm>>) dst(%arg14 : memref<125x128xf32, #tpu.memory_space<vmem>>)
      %dma_start3A_130 = arith.constant 2 : i32
      %dma_start3A_131 = arith.constant 0 : i32
      %dma_start3A_132 = tpu.memref_slice %arg10[%dma_start3A_130, %dma_start3A_131] : memref<8x125xi32, #tpu.memory_space<vmem>> -> memref<1x125xi32, #tpu.memory_space<vmem>>
      %dma_start3A_133 = tpu.memref_squeeze %dma_start3A_132 : memref<1x125xi32, #tpu.memory_space<vmem>> -> memref<125xi32, #tpu.memory_space<vmem>>
      %dma_start3A_134 = arith.constant 0 : i32
      %dma_start3A_135 = arith.constant 0 : i32
      %dma_start3A_136 = tpu.memref_slice %arg16[%dma_start3A_134, %dma_start3A_135] : memref<10240x128xf32, #tpu.memory_space<vmem_shared>> -> memref<10240x128xf32, #tpu.memory_space<vmem_shared>>
      tpu.enqueue_indirect_dma source(%arg14 : memref<125x128xf32, #tpu.memory_space<vmem>>) target(%dma_start3A_136 : memref<10240x128xf32, #tpu.memory_space<vmem_shared>>) offsets(%dma_start3A_133 : memref<125xi32, #tpu.memory_space<vmem>>) semaphore(%arg21 : memref<!tpu.dma_semaphore, #tpu.memory_space<semaphore_mem>>) {add = true}
      %run_scoped3A_137 = arith.constant 2 : i32
      "tpu.region"() ({
        %run_scoped3A_527 = tpu.sem_alloc : memref<!tpu.dma_semaphore, #tpu.memory_space<semaphore_mem>>
        %dma_start3A_528 = arith.constant 0 : i32
        %dma_start3A_529 = tpu.memref_slice %arg10[%run_scoped3A_137, %dma_start3A_528] : memref<8x125xi32, #tpu.memory_space<vmem>> -> memref<1x125xi32, #tpu.memory_space<vmem>>
        %dma_start3A_530 = tpu.memref_squeeze %dma_start3A_529 : memref<1x125xi32, #tpu.memory_space<vmem>> -> memref<125xi32, #tpu.memory_space<vmem>>
        %dma_start3A_531 = arith.constant 0 : i32
        %dma_start3A_532 = tpu.memref_slice %arg24[%dma_start3A_531] : memref<10240xf32, #tpu.memory_space<vmem_shared>> -> memref<10240xf32, #tpu.memory_space<vmem_shared>>
        tpu.enqueue_indirect_dma source(%arg23 : memref<125xf32, #tpu.memory_space<vmem>>) target(%dma_start3A_532 : memref<10240xf32, #tpu.memory_space<vmem_shared>>) offsets(%dma_start3A_530 : memref<125xi32, #tpu.memory_space<vmem>>) semaphore(%run_scoped3A_527 : memref<!tpu.dma_semaphore, #tpu.memory_space<semaphore_mem>>) {add = true}
        %dma_wait3A_533 = arith.constant 0 : i32
        %dma_wait3A_534 = tpu.memref_slice %arg10[%run_scoped3A_137, %dma_wait3A_533] : memref<8x125xi32, #tpu.memory_space<vmem>> -> memref<1x125xi32, #tpu.memory_space<vmem>>
        %dma_wait3A_535 = tpu.memref_squeeze %dma_wait3A_534 : memref<1x125xi32, #tpu.memory_space<vmem>> -> memref<125xi32, #tpu.memory_space<vmem>>
        %dma_wait3A_536 = arith.constant 0 : i32
        %dma_wait3A_537 = tpu.memref_slice %arg24[%dma_wait3A_536] : memref<10240xf32, #tpu.memory_space<vmem_shared>> -> memref<10240xf32, #tpu.memory_space<vmem_shared>>
        tpu.wait_indirect_dma semaphore(%run_scoped3A_527 : memref<!tpu.dma_semaphore, #tpu.memory_space<semaphore_mem>>) src(%arg23 : memref<125xf32, #tpu.memory_space<vmem>>) dst(%dma_wait3A_537 : memref<10240xf32, #tpu.memory_space<vmem_shared>>)
        tpu.yield
      }) : () -> ()
      %dma_wait3A_138 = arith.constant 0 : i32
      %dma_wait3A_139 = arith.constant 0 : i32
      %dma_wait3A_140 = tpu.memref_slice %arg16[%dma_wait3A_138, %dma_wait3A_139] : memref<10240x128xf32, #tpu.memory_space<vmem_shared>> -> memref<125x128xf32, #tpu.memory_space<vmem_shared>>
      %dma_wait3A_141 = arith.constant 0 : i32
      %dma_wait3A_142 = arith.constant 0 : i32
      %dma_wait3A_143 = tpu.memref_slice %arg16[%dma_wait3A_141, %dma_wait3A_142] : memref<10240x128xf32, #tpu.memory_space<vmem_shared>> -> memref<125x128xf32, #tpu.memory_space<vmem_shared>>
      tpu.wait_dma2 semaphore(%arg21 : memref<!tpu.dma_semaphore, #tpu.memory_space<semaphore_mem>>) src(%arg14 : memref<125x128xf32, #tpu.memory_space<vmem>>) dst(%dma_wait3A_143 : memref<125x128xf32, #tpu.memory_space<vmem_shared>>)
      %dma_start3A_144 = arith.constant 4 : i32
      %dma_start3A_145 = arith.constant 0 : i32
      %dma_start3A_146 = tpu.memref_slice %arg11[%dma_start3A_144, %dma_start3A_145] : memref<8x125xi32, #tpu.memory_space<vmem>> -> memref<1x125xi32, #tpu.memory_space<vmem>>
      %dma_start3A_147 = tpu.memref_squeeze %dma_start3A_146 : memref<1x125xi32, #tpu.memory_space<vmem>> -> memref<125xi32, #tpu.memory_space<vmem>>
      %dma_start3A_148 = arith.constant 0 : i32
      %dma_start3A_149 = arith.constant 0 : i32
      %dma_start3A_150 = tpu.memref_slice %arg2[%dma_start3A_148, %dma_start3A_149] : memref<10240x128xf32, #tpu.memory_space<hbm>> -> memref<10240x128xf32, #tpu.memory_space<hbm>>
      tpu.enqueue_indirect_dma source(%dma_start3A_150 : memref<10240x128xf32, #tpu.memory_space<hbm>>) target(%arg14 : memref<125x128xf32, #tpu.memory_space<vmem>>) offsets(%dma_start3A_147 : memref<125xi32, #tpu.memory_space<vmem>>) semaphore(%arg17 : memref<!tpu.dma_semaphore, #tpu.memory_space<semaphore_mem>>)
      %dma_wait3A_151 = arith.constant 3 : i32
      %dma_wait3A_152 = arith.constant 0 : i32
      %dma_wait3A_153 = tpu.memref_slice %arg11[%dma_wait3A_151, %dma_wait3A_152] : memref<8x125xi32, #tpu.memory_space<vmem>> -> memref<1x125xi32, #tpu.memory_space<vmem>>
      %dma_wait3A_154 = tpu.memref_squeeze %dma_wait3A_153 : memref<1x125xi32, #tpu.memory_space<vmem>> -> memref<125xi32, #tpu.memory_space<vmem>>
      %dma_wait3A_155 = arith.constant 0 : i32
      %dma_wait3A_156 = arith.constant 0 : i32
      %dma_wait3A_157 = tpu.memref_slice %arg2[%dma_wait3A_155, %dma_wait3A_156] : memref<10240x128xf32, #tpu.memory_space<hbm>> -> memref<10240x128xf32, #tpu.memory_space<hbm>>
      tpu.wait_indirect_dma semaphore(%arg18 : memref<!tpu.dma_semaphore, #tpu.memory_space<semaphore_mem>>) src(%dma_wait3A_157 : memref<10240x128xf32, #tpu.memory_space<hbm>>) dst(%arg15 : memref<125x128xf32, #tpu.memory_space<vmem>>)
      %dma_start3A_158 = arith.constant 3 : i32
      %dma_start3A_159 = arith.constant 0 : i32
      %dma_start3A_160 = tpu.memref_slice %arg10[%dma_start3A_158, %dma_start3A_159] : memref<8x125xi32, #tpu.memory_space<vmem>> -> memref<1x125xi32, #tpu.memory_space<vmem>>
      %dma_start3A_161 = tpu.memref_squeeze %dma_start3A_160 : memref<1x125xi32, #tpu.memory_space<vmem>> -> memref<125xi32, #tpu.memory_space<vmem>>
      %dma_start3A_162 = arith.constant 0 : i32
      %dma_start3A_163 = arith.constant 0 : i32
      %dma_start3A_164 = tpu.memref_slice %arg16[%dma_start3A_162, %dma_start3A_163] : memref<10240x128xf32, #tpu.memory_space<vmem_shared>> -> memref<10240x128xf32, #tpu.memory_space<vmem_shared>>
      tpu.enqueue_indirect_dma source(%arg15 : memref<125x128xf32, #tpu.memory_space<vmem>>) target(%dma_start3A_164 : memref<10240x128xf32, #tpu.memory_space<vmem_shared>>) offsets(%dma_start3A_161 : memref<125xi32, #tpu.memory_space<vmem>>) semaphore(%arg22 : memref<!tpu.dma_semaphore, #tpu.memory_space<semaphore_mem>>) {add = true}
      %run_scoped3A_165 = arith.constant 3 : i32
      "tpu.region"() ({
        %run_scoped3A_527 = tpu.sem_alloc : memref<!tpu.dma_semaphore, #tpu.memory_space<semaphore_mem>>
        %dma_start3A_528 = arith.constant 0 : i32
        %dma_start3A_529 = tpu.memref_slice %arg10[%run_scoped3A_165, %dma_start3A_528] : memref<8x125xi32, #tpu.memory_space<vmem>> -> memref<1x125xi32, #tpu.memory_space<vmem>>
        %dma_start3A_530 = tpu.memref_squeeze %dma_start3A_529 : memref<1x125xi32, #tpu.memory_space<vmem>> -> memref<125xi32, #tpu.memory_space<vmem>>
        %dma_start3A_531 = arith.constant 0 : i32
        %dma_start3A_532 = tpu.memref_slice %arg24[%dma_start3A_531] : memref<10240xf32, #tpu.memory_space<vmem_shared>> -> memref<10240xf32, #tpu.memory_space<vmem_shared>>
        tpu.enqueue_indirect_dma source(%arg23 : memref<125xf32, #tpu.memory_space<vmem>>) target(%dma_start3A_532 : memref<10240xf32, #tpu.memory_space<vmem_shared>>) offsets(%dma_start3A_530 : memref<125xi32, #tpu.memory_space<vmem>>) semaphore(%run_scoped3A_527 : memref<!tpu.dma_semaphore, #tpu.memory_space<semaphore_mem>>) {add = true}
        %dma_wait3A_533 = arith.constant 0 : i32
        %dma_wait3A_534 = tpu.memref_slice %arg10[%run_scoped3A_165, %dma_wait3A_533] : memref<8x125xi32, #tpu.memory_space<vmem>> -> memref<1x125xi32, #tpu.memory_space<vmem>>
        %dma_wait3A_535 = tpu.memref_squeeze %dma_wait3A_534 : memref<1x125xi32, #tpu.memory_space<vmem>> -> memref<125xi32, #tpu.memory_space<vmem>>
        %dma_wait3A_536 = arith.constant 0 : i32
        %dma_wait3A_537 = tpu.memref_slice %arg24[%dma_wait3A_536] : memref<10240xf32, #tpu.memory_space<vmem_shared>> -> memref<10240xf32, #tpu.memory_space<vmem_shared>>
        tpu.wait_indirect_dma semaphore(%run_scoped3A_527 : memref<!tpu.dma_semaphore, #tpu.memory_space<semaphore_mem>>) src(%arg23 : memref<125xf32, #tpu.memory_space<vmem>>) dst(%dma_wait3A_537 : memref<10240xf32, #tpu.memory_space<vmem_shared>>)
        tpu.yield
      }) : () -> ()
      %dma_wait3A_166 = arith.constant 0 : i32
      %dma_wait3A_167 = arith.constant 0 : i32
      %dma_wait3A_168 = tpu.memref_slice %arg16[%dma_wait3A_166, %dma_wait3A_167] : memref<10240x128xf32, #tpu.memory_space<vmem_shared>> -> memref<125x128xf32, #tpu.memory_space<vmem_shared>>
      %dma_wait3A_169 = arith.constant 0 : i32
      %dma_wait3A_170 = arith.constant 0 : i32
      %dma_wait3A_171 = tpu.memref_slice %arg16[%dma_wait3A_169, %dma_wait3A_170] : memref<10240x128xf32, #tpu.memory_space<vmem_shared>> -> memref<125x128xf32, #tpu.memory_space<vmem_shared>>
      tpu.wait_dma2 semaphore(%arg22 : memref<!tpu.dma_semaphore, #tpu.memory_space<semaphore_mem>>) src(%arg15 : memref<125x128xf32, #tpu.memory_space<vmem>>) dst(%dma_wait3A_171 : memref<125x128xf32, #tpu.memory_space<vmem_shared>>)
      %dma_start3A_172 = arith.constant 5 : i32
      %dma_start3A_173 = arith.constant 0 : i32
      %dma_start3A_174 = tpu.memref_slice %arg11[%dma_start3A_172, %dma_start3A_173] : memref<8x125xi32, #tpu.memory_space<vmem>> -> memref<1x125xi32, #tpu.memory_space<vmem>>
      %dma_start3A_175 = tpu.memref_squeeze %dma_start3A_174 : memref<1x125xi32, #tpu.memory_space<vmem>> -> memref<125xi32, #tpu.memory_space<vmem>>
      %dma_start3A_176 = arith.constant 0 : i32
      %dma_start3A_177 = arith.constant 0 : i32
      %dma_start3A_178 = tpu.memref_slice %arg2[%dma_start3A_176, %dma_start3A_177] : memref<10240x128xf32, #tpu.memory_space<hbm>> -> memref<10240x128xf32, #tpu.memory_space<hbm>>
      tpu.enqueue_indirect_dma source(%dma_start3A_178 : memref<10240x128xf32, #tpu.memory_space<hbm>>) target(%arg15 : memref<125x128xf32, #tpu.memory_space<vmem>>) offsets(%dma_start3A_175 : memref<125xi32, #tpu.memory_space<vmem>>) semaphore(%arg18 : memref<!tpu.dma_semaphore, #tpu.memory_space<semaphore_mem>>)
      %dma_wait3A_179 = arith.constant 4 : i32
      %dma_wait3A_180 = arith.constant 0 : i32
      %dma_wait3A_181 = tpu.memref_slice %arg11[%dma_wait3A_179, %dma_wait3A_180] : memref<8x125xi32, #tpu.memory_space<vmem>> -> memref<1x125xi32, #tpu.memory_space<vmem>>
      %dma_wait3A_182 = tpu.memref_squeeze %dma_wait3A_181 : memref<1x125xi32, #tpu.memory_space<vmem>> -> memref<125xi32, #tpu.memory_space<vmem>>
      %dma_wait3A_183 = arith.constant 0 : i32
      %dma_wait3A_184 = arith.constant 0 : i32
      %dma_wait3A_185 = tpu.memref_slice %arg2[%dma_wait3A_183, %dma_wait3A_184] : memref<10240x128xf32, #tpu.memory_space<hbm>> -> memref<10240x128xf32, #tpu.memory_space<hbm>>
      tpu.wait_indirect_dma semaphore(%arg17 : memref<!tpu.dma_semaphore, #tpu.memory_space<semaphore_mem>>) src(%dma_wait3A_185 : memref<10240x128xf32, #tpu.memory_space<hbm>>) dst(%arg14 : memref<125x128xf32, #tpu.memory_space<vmem>>)
      %dma_start3A_186 = arith.constant 4 : i32
      %dma_start3A_187 = arith.constant 0 : i32
      %dma_start3A_188 = tpu.memref_slice %arg10[%dma_start3A_186, %dma_start3A_187] : memref<8x125xi32, #tpu.memory_space<vmem>> -> memref<1x125xi32, #tpu.memory_space<vmem>>
      %dma_start3A_189 = tpu.memref_squeeze %dma_start3A_188 : memref<1x125xi32, #tpu.memory_space<vmem>> -> memref<125xi32, #tpu.memory_space<vmem>>
      %dma_start3A_190 = arith.constant 0 : i32
      %dma_start3A_191 = arith.constant 0 : i32
      %dma_start3A_192 = tpu.memref_slice %arg16[%dma_start3A_190, %dma_start3A_191] : memref<10240x128xf32, #tpu.memory_space<vmem_shared>> -> memref<10240x128xf32, #tpu.memory_space<vmem_shared>>
      tpu.enqueue_indirect_dma source(%arg14 : memref<125x128xf32, #tpu.memory_space<vmem>>) target(%dma_start3A_192 : memref<10240x128xf32, #tpu.memory_space<vmem_shared>>) offsets(%dma_start3A_189 : memref<125xi32, #tpu.memory_space<vmem>>) semaphore(%arg21 : memref<!tpu.dma_semaphore, #tpu.memory_space<semaphore_mem>>) {add = true}
      %run_scoped3A_193 = arith.constant 4 : i32
      "tpu.region"() ({
        %run_scoped3A_527 = tpu.sem_alloc : memref<!tpu.dma_semaphore, #tpu.memory_space<semaphore_mem>>
        %dma_start3A_528 = arith.constant 0 : i32
        %dma_start3A_529 = tpu.memref_slice %arg10[%run_scoped3A_193, %dma_start3A_528] : memref<8x125xi32, #tpu.memory_space<vmem>> -> memref<1x125xi32, #tpu.memory_space<vmem>>
        %dma_start3A_530 = tpu.memref_squeeze %dma_start3A_529 : memref<1x125xi32, #tpu.memory_space<vmem>> -> memref<125xi32, #tpu.memory_space<vmem>>
        %dma_start3A_531 = arith.constant 0 : i32
        %dma_start3A_532 = tpu.memref_slice %arg24[%dma_start3A_531] : memref<10240xf32, #tpu.memory_space<vmem_shared>> -> memref<10240xf32, #tpu.memory_space<vmem_shared>>
        tpu.enqueue_indirect_dma source(%arg23 : memref<125xf32, #tpu.memory_space<vmem>>) target(%dma_start3A_532 : memref<10240xf32, #tpu.memory_space<vmem_shared>>) offsets(%dma_start3A_530 : memref<125xi32, #tpu.memory_space<vmem>>) semaphore(%run_scoped3A_527 : memref<!tpu.dma_semaphore, #tpu.memory_space<semaphore_mem>>) {add = true}
        %dma_wait3A_533 = arith.constant 0 : i32
        %dma_wait3A_534 = tpu.memref_slice %arg10[%run_scoped3A_193, %dma_wait3A_533] : memref<8x125xi32, #tpu.memory_space<vmem>> -> memref<1x125xi32, #tpu.memory_space<vmem>>
        %dma_wait3A_535 = tpu.memref_squeeze %dma_wait3A_534 : memref<1x125xi32, #tpu.memory_space<vmem>> -> memref<125xi32, #tpu.memory_space<vmem>>
        %dma_wait3A_536 = arith.constant 0 : i32
        %dma_wait3A_537 = tpu.memref_slice %arg24[%dma_wait3A_536] : memref<10240xf32, #tpu.memory_space<vmem_shared>> -> memref<10240xf32, #tpu.memory_space<vmem_shared>>
        tpu.wait_indirect_dma semaphore(%run_scoped3A_527 : memref<!tpu.dma_semaphore, #tpu.memory_space<semaphore_mem>>) src(%arg23 : memref<125xf32, #tpu.memory_space<vmem>>) dst(%dma_wait3A_537 : memref<10240xf32, #tpu.memory_space<vmem_shared>>)
        tpu.yield
      }) : () -> ()
      %dma_wait3A_194 = arith.constant 0 : i32
      %dma_wait3A_195 = arith.constant 0 : i32
      %dma_wait3A_196 = tpu.memref_slice %arg16[%dma_wait3A_194, %dma_wait3A_195] : memref<10240x128xf32, #tpu.memory_space<vmem_shared>> -> memref<125x128xf32, #tpu.memory_space<vmem_shared>>
      %dma_wait3A_197 = arith.constant 0 : i32
      %dma_wait3A_198 = arith.constant 0 : i32
      %dma_wait3A_199 = tpu.memref_slice %arg16[%dma_wait3A_197, %dma_wait3A_198] : memref<10240x128xf32, #tpu.memory_space<vmem_shared>> -> memref<125x128xf32, #tpu.memory_space<vmem_shared>>
      tpu.wait_dma2 semaphore(%arg21 : memref<!tpu.dma_semaphore, #tpu.memory_space<semaphore_mem>>) src(%arg14 : memref<125x128xf32, #tpu.memory_space<vmem>>) dst(%dma_wait3A_199 : memref<125x128xf32, #tpu.memory_space<vmem_shared>>)
      %dma_start3A_200 = arith.constant 6 : i32
      %dma_start3A_201 = arith.constant 0 : i32
      %dma_start3A_202 = tpu.memref_slice %arg11[%dma_start3A_200, %dma_start3A_201] : memref<8x125xi32, #tpu.memory_space<vmem>> -> memref<1x125xi32, #tpu.memory_space<vmem>>
      %dma_start3A_203 = tpu.memref_squeeze %dma_start3A_202 : memref<1x125xi32, #tpu.memory_space<vmem>> -> memref<125xi32, #tpu.memory_space<vmem>>
      %dma_start3A_204 = arith.constant 0 : i32
      %dma_start3A_205 = arith.constant 0 : i32
      %dma_start3A_206 = tpu.memref_slice %arg2[%dma_start3A_204, %dma_start3A_205] : memref<10240x128xf32, #tpu.memory_space<hbm>> -> memref<10240x128xf32, #tpu.memory_space<hbm>>
      tpu.enqueue_indirect_dma source(%dma_start3A_206 : memref<10240x128xf32, #tpu.memory_space<hbm>>) target(%arg14 : memref<125x128xf32, #tpu.memory_space<vmem>>) offsets(%dma_start3A_203 : memref<125xi32, #tpu.memory_space<vmem>>) semaphore(%arg17 : memref<!tpu.dma_semaphore, #tpu.memory_space<semaphore_mem>>)
      %dma_wait3A_207 = arith.constant 5 : i32
      %dma_wait3A_208 = arith.constant 0 : i32
      %dma_wait3A_209 = tpu.memref_slice %arg11[%dma_wait3A_207, %dma_wait3A_208] : memref<8x125xi32, #tpu.memory_space<vmem>> -> memref<1x125xi32, #tpu.memory_space<vmem>>
      %dma_wait3A_210 = tpu.memref_squeeze %dma_wait3A_209 : memref<1x125xi32, #tpu.memory_space<vmem>> -> memref<125xi32, #tpu.memory_space<vmem>>
      %dma_wait3A_211 = arith.constant 0 : i32
      %dma_wait3A_212 = arith.constant 0 : i32
      %dma_wait3A_213 = tpu.memref_slice %arg2[%dma_wait3A_211, %dma_wait3A_212] : memref<10240x128xf32, #tpu.memory_space<hbm>> -> memref<10240x128xf32, #tpu.memory_space<hbm>>
      tpu.wait_indirect_dma semaphore(%arg18 : memref<!tpu.dma_semaphore, #tpu.memory_space<semaphore_mem>>) src(%dma_wait3A_213 : memref<10240x128xf32, #tpu.memory_space<hbm>>) dst(%arg15 : memref<125x128xf32, #tpu.memory_space<vmem>>)
      %dma_start3A_214 = arith.constant 5 : i32
      %dma_start3A_215 = arith.constant 0 : i32
      %dma_start3A_216 = tpu.memref_slice %arg10[%dma_start3A_214, %dma_start3A_215] : memref<8x125xi32, #tpu.memory_space<vmem>> -> memref<1x125xi32, #tpu.memory_space<vmem>>
      %dma_start3A_217 = tpu.memref_squeeze %dma_start3A_216 : memref<1x125xi32, #tpu.memory_space<vmem>> -> memref<125xi32, #tpu.memory_space<vmem>>
      %dma_start3A_218 = arith.constant 0 : i32
      %dma_start3A_219 = arith.constant 0 : i32
      %dma_start3A_220 = tpu.memref_slice %arg16[%dma_start3A_218, %dma_start3A_219] : memref<10240x128xf32, #tpu.memory_space<vmem_shared>> -> memref<10240x128xf32, #tpu.memory_space<vmem_shared>>
      tpu.enqueue_indirect_dma source(%arg15 : memref<125x128xf32, #tpu.memory_space<vmem>>) target(%dma_start3A_220 : memref<10240x128xf32, #tpu.memory_space<vmem_shared>>) offsets(%dma_start3A_217 : memref<125xi32, #tpu.memory_space<vmem>>) semaphore(%arg22 : memref<!tpu.dma_semaphore, #tpu.memory_space<semaphore_mem>>) {add = true}
      %run_scoped3A_221 = arith.constant 5 : i32
      "tpu.region"() ({
        %run_scoped3A_527 = tpu.sem_alloc : memref<!tpu.dma_semaphore, #tpu.memory_space<semaphore_mem>>
        %dma_start3A_528 = arith.constant 0 : i32
        %dma_start3A_529 = tpu.memref_slice %arg10[%run_scoped3A_221, %dma_start3A_528] : memref<8x125xi32, #tpu.memory_space<vmem>> -> memref<1x125xi32, #tpu.memory_space<vmem>>
        %dma_start3A_530 = tpu.memref_squeeze %dma_start3A_529 : memref<1x125xi32, #tpu.memory_space<vmem>> -> memref<125xi32, #tpu.memory_space<vmem>>
        %dma_start3A_531 = arith.constant 0 : i32
        %dma_start3A_532 = tpu.memref_slice %arg24[%dma_start3A_531] : memref<10240xf32, #tpu.memory_space<vmem_shared>> -> memref<10240xf32, #tpu.memory_space<vmem_shared>>
        tpu.enqueue_indirect_dma source(%arg23 : memref<125xf32, #tpu.memory_space<vmem>>) target(%dma_start3A_532 : memref<10240xf32, #tpu.memory_space<vmem_shared>>) offsets(%dma_start3A_530 : memref<125xi32, #tpu.memory_space<vmem>>) semaphore(%run_scoped3A_527 : memref<!tpu.dma_semaphore, #tpu.memory_space<semaphore_mem>>) {add = true}
        %dma_wait3A_533 = arith.constant 0 : i32
        %dma_wait3A_534 = tpu.memref_slice %arg10[%run_scoped3A_221, %dma_wait3A_533] : memref<8x125xi32, #tpu.memory_space<vmem>> -> memref<1x125xi32, #tpu.memory_space<vmem>>
        %dma_wait3A_535 = tpu.memref_squeeze %dma_wait3A_534 : memref<1x125xi32, #tpu.memory_space<vmem>> -> memref<125xi32, #tpu.memory_space<vmem>>
        %dma_wait3A_536 = arith.constant 0 : i32
        %dma_wait3A_537 = tpu.memref_slice %arg24[%dma_wait3A_536] : memref<10240xf32, #tpu.memory_space<vmem_shared>> -> memref<10240xf32, #tpu.memory_space<vmem_shared>>
        tpu.wait_indirect_dma semaphore(%run_scoped3A_527 : memref<!tpu.dma_semaphore, #tpu.memory_space<semaphore_mem>>) src(%arg23 : memref<125xf32, #tpu.memory_space<vmem>>) dst(%dma_wait3A_537 : memref<10240xf32, #tpu.memory_space<vmem_shared>>)
        tpu.yield
      }) : () -> ()
      %dma_wait3A_222 = arith.constant 0 : i32
      %dma_wait3A_223 = arith.constant 0 : i32
      %dma_wait3A_224 = tpu.memref_slice %arg16[%dma_wait3A_222, %dma_wait3A_223] : memref<10240x128xf32, #tpu.memory_space<vmem_shared>> -> memref<125x128xf32, #tpu.memory_space<vmem_shared>>
      %dma_wait3A_225 = arith.constant 0 : i32
      %dma_wait3A_226 = arith.constant 0 : i32
      %dma_wait3A_227 = tpu.memref_slice %arg16[%dma_wait3A_225, %dma_wait3A_226] : memref<10240x128xf32, #tpu.memory_space<vmem_shared>> -> memref<125x128xf32, #tpu.memory_space<vmem_shared>>
      tpu.wait_dma2 semaphore(%arg22 : memref<!tpu.dma_semaphore, #tpu.memory_space<semaphore_mem>>) src(%arg15 : memref<125x128xf32, #tpu.memory_space<vmem>>) dst(%dma_wait3A_227 : memref<125x128xf32, #tpu.memory_space<vmem_shared>>)
      %dma_start3A_228 = arith.constant 7 : i32
      %dma_start3A_229 = arith.constant 0 : i32
      %dma_start3A_230 = tpu.memref_slice %arg11[%dma_start3A_228, %dma_start3A_229] : memref<8x125xi32, #tpu.memory_space<vmem>> -> memref<1x125xi32, #tpu.memory_space<vmem>>
      %dma_start3A_231 = tpu.memref_squeeze %dma_start3A_230 : memref<1x125xi32, #tpu.memory_space<vmem>> -> memref<125xi32, #tpu.memory_space<vmem>>
      %dma_start3A_232 = arith.constant 0 : i32
      %dma_start3A_233 = arith.constant 0 : i32
      %dma_start3A_234 = tpu.memref_slice %arg2[%dma_start3A_232, %dma_start3A_233] : memref<10240x128xf32, #tpu.memory_space<hbm>> -> memref<10240x128xf32, #tpu.memory_space<hbm>>
      tpu.enqueue_indirect_dma source(%dma_start3A_234 : memref<10240x128xf32, #tpu.memory_space<hbm>>) target(%arg15 : memref<125x128xf32, #tpu.memory_space<vmem>>) offsets(%dma_start3A_231 : memref<125xi32, #tpu.memory_space<vmem>>) semaphore(%arg18 : memref<!tpu.dma_semaphore, #tpu.memory_space<semaphore_mem>>)
      %dma_wait3A_235 = arith.constant 6 : i32
      %dma_wait3A_236 = arith.constant 0 : i32
      %dma_wait3A_237 = tpu.memref_slice %arg11[%dma_wait3A_235, %dma_wait3A_236] : memref<8x125xi32, #tpu.memory_space<vmem>> -> memref<1x125xi32, #tpu.memory_space<vmem>>
      %dma_wait3A_238 = tpu.memref_squeeze %dma_wait3A_237 : memref<1x125xi32, #tpu.memory_space<vmem>> -> memref<125xi32, #tpu.memory_space<vmem>>
      %dma_wait3A_239 = arith.constant 0 : i32
      %dma_wait3A_240 = arith.constant 0 : i32
      %dma_wait3A_241 = tpu.memref_slice %arg2[%dma_wait3A_239, %dma_wait3A_240] : memref<10240x128xf32, #tpu.memory_space<hbm>> -> memref<10240x128xf32, #tpu.memory_space<hbm>>
      tpu.wait_indirect_dma semaphore(%arg17 : memref<!tpu.dma_semaphore, #tpu.memory_space<semaphore_mem>>) src(%dma_wait3A_241 : memref<10240x128xf32, #tpu.memory_space<hbm>>) dst(%arg14 : memref<125x128xf32, #tpu.memory_space<vmem>>)
      %dma_start3A_242 = arith.constant 6 : i32
      %dma_start3A_243 = arith.constant 0 : i32
      %dma_start3A_244 = tpu.memref_slice %arg10[%dma_start3A_242, %dma_start3A_243] : memref<8x125xi32, #tpu.memory_space<vmem>> -> memref<1x125xi32, #tpu.memory_space<vmem>>
      %dma_start3A_245 = tpu.memref_squeeze %dma_start3A_244 : memref<1x125xi32, #tpu.memory_space<vmem>> -> memref<125xi32, #tpu.memory_space<vmem>>
      %dma_start3A_246 = arith.constant 0 : i32
      %dma_start3A_247 = arith.constant 0 : i32
      %dma_start3A_248 = tpu.memref_slice %arg16[%dma_start3A_246, %dma_start3A_247] : memref<10240x128xf32, #tpu.memory_space<vmem_shared>> -> memref<10240x128xf32, #tpu.memory_space<vmem_shared>>
      tpu.enqueue_indirect_dma source(%arg14 : memref<125x128xf32, #tpu.memory_space<vmem>>) target(%dma_start3A_248 : memref<10240x128xf32, #tpu.memory_space<vmem_shared>>) offsets(%dma_start3A_245 : memref<125xi32, #tpu.memory_space<vmem>>) semaphore(%arg21 : memref<!tpu.dma_semaphore, #tpu.memory_space<semaphore_mem>>) {add = true}
      %run_scoped3A_249 = arith.constant 6 : i32
      "tpu.region"() ({
        %run_scoped3A_527 = tpu.sem_alloc : memref<!tpu.dma_semaphore, #tpu.memory_space<semaphore_mem>>
        %dma_start3A_528 = arith.constant 0 : i32
        %dma_start3A_529 = tpu.memref_slice %arg10[%run_scoped3A_249, %dma_start3A_528] : memref<8x125xi32, #tpu.memory_space<vmem>> -> memref<1x125xi32, #tpu.memory_space<vmem>>
        %dma_start3A_530 = tpu.memref_squeeze %dma_start3A_529 : memref<1x125xi32, #tpu.memory_space<vmem>> -> memref<125xi32, #tpu.memory_space<vmem>>
        %dma_start3A_531 = arith.constant 0 : i32
        %dma_start3A_532 = tpu.memref_slice %arg24[%dma_start3A_531] : memref<10240xf32, #tpu.memory_space<vmem_shared>> -> memref<10240xf32, #tpu.memory_space<vmem_shared>>
        tpu.enqueue_indirect_dma source(%arg23 : memref<125xf32, #tpu.memory_space<vmem>>) target(%dma_start3A_532 : memref<10240xf32, #tpu.memory_space<vmem_shared>>) offsets(%dma_start3A_530 : memref<125xi32, #tpu.memory_space<vmem>>) semaphore(%run_scoped3A_527 : memref<!tpu.dma_semaphore, #tpu.memory_space<semaphore_mem>>) {add = true}
        %dma_wait3A_533 = arith.constant 0 : i32
        %dma_wait3A_534 = tpu.memref_slice %arg10[%run_scoped3A_249, %dma_wait3A_533] : memref<8x125xi32, #tpu.memory_space<vmem>> -> memref<1x125xi32, #tpu.memory_space<vmem>>
        %dma_wait3A_535 = tpu.memref_squeeze %dma_wait3A_534 : memref<1x125xi32, #tpu.memory_space<vmem>> -> memref<125xi32, #tpu.memory_space<vmem>>
        %dma_wait3A_536 = arith.constant 0 : i32
        %dma_wait3A_537 = tpu.memref_slice %arg24[%dma_wait3A_536] : memref<10240xf32, #tpu.memory_space<vmem_shared>> -> memref<10240xf32, #tpu.memory_space<vmem_shared>>
        tpu.wait_indirect_dma semaphore(%run_scoped3A_527 : memref<!tpu.dma_semaphore, #tpu.memory_space<semaphore_mem>>) src(%arg23 : memref<125xf32, #tpu.memory_space<vmem>>) dst(%dma_wait3A_537 : memref<10240xf32, #tpu.memory_space<vmem_shared>>)
        tpu.yield
      }) : () -> ()
      %dma_wait3A_250 = arith.constant 7 : i32
      %dma_wait3A_251 = arith.constant 0 : i32
      %dma_wait3A_252 = tpu.memref_slice %arg11[%dma_wait3A_250, %dma_wait3A_251] : memref<8x125xi32, #tpu.memory_space<vmem>> -> memref<1x125xi32, #tpu.memory_space<vmem>>
      %dma_wait3A_253 = tpu.memref_squeeze %dma_wait3A_252 : memref<1x125xi32, #tpu.memory_space<vmem>> -> memref<125xi32, #tpu.memory_space<vmem>>
      %dma_wait3A_254 = arith.constant 0 : i32
      %dma_wait3A_255 = arith.constant 0 : i32
      %dma_wait3A_256 = tpu.memref_slice %arg2[%dma_wait3A_254, %dma_wait3A_255] : memref<10240x128xf32, #tpu.memory_space<hbm>> -> memref<10240x128xf32, #tpu.memory_space<hbm>>
      tpu.wait_indirect_dma semaphore(%arg18 : memref<!tpu.dma_semaphore, #tpu.memory_space<semaphore_mem>>) src(%dma_wait3A_256 : memref<10240x128xf32, #tpu.memory_space<hbm>>) dst(%arg15 : memref<125x128xf32, #tpu.memory_space<vmem>>)
      %dma_start3A_257 = arith.constant 7 : i32
      %dma_start3A_258 = arith.constant 0 : i32
      %dma_start3A_259 = tpu.memref_slice %arg10[%dma_start3A_257, %dma_start3A_258] : memref<8x125xi32, #tpu.memory_space<vmem>> -> memref<1x125xi32, #tpu.memory_space<vmem>>
      %dma_start3A_260 = tpu.memref_squeeze %dma_start3A_259 : memref<1x125xi32, #tpu.memory_space<vmem>> -> memref<125xi32, #tpu.memory_space<vmem>>
      %dma_start3A_261 = arith.constant 0 : i32
      %dma_start3A_262 = arith.constant 0 : i32
      %dma_start3A_263 = tpu.memref_slice %arg16[%dma_start3A_261, %dma_start3A_262] : memref<10240x128xf32, #tpu.memory_space<vmem_shared>> -> memref<10240x128xf32, #tpu.memory_space<vmem_shared>>
      tpu.enqueue_indirect_dma source(%arg15 : memref<125x128xf32, #tpu.memory_space<vmem>>) target(%dma_start3A_263 : memref<10240x128xf32, #tpu.memory_space<vmem_shared>>) offsets(%dma_start3A_260 : memref<125xi32, #tpu.memory_space<vmem>>) semaphore(%arg22 : memref<!tpu.dma_semaphore, #tpu.memory_space<semaphore_mem>>) {add = true}
      %run_scoped3A_264 = arith.constant 7 : i32
      "tpu.region"() ({
        %run_scoped3A_527 = tpu.sem_alloc : memref<!tpu.dma_semaphore, #tpu.memory_space<semaphore_mem>>
        %dma_start3A_528 = arith.constant 0 : i32
        %dma_start3A_529 = tpu.memref_slice %arg10[%run_scoped3A_264, %dma_start3A_528] : memref<8x125xi32, #tpu.memory_space<vmem>> -> memref<1x125xi32, #tpu.memory_space<vmem>>
        %dma_start3A_530 = tpu.memref_squeeze %dma_start3A_529 : memref<1x125xi32, #tpu.memory_space<vmem>> -> memref<125xi32, #tpu.memory_space<vmem>>
        %dma_start3A_531 = arith.constant 0 : i32
        %dma_start3A_532 = tpu.memref_slice %arg24[%dma_start3A_531] : memref<10240xf32, #tpu.memory_space<vmem_shared>> -> memref<10240xf32, #tpu.memory_space<vmem_shared>>
        tpu.enqueue_indirect_dma source(%arg23 : memref<125xf32, #tpu.memory_space<vmem>>) target(%dma_start3A_532 : memref<10240xf32, #tpu.memory_space<vmem_shared>>) offsets(%dma_start3A_530 : memref<125xi32, #tpu.memory_space<vmem>>) semaphore(%run_scoped3A_527 : memref<!tpu.dma_semaphore, #tpu.memory_space<semaphore_mem>>) {add = true}
        %dma_wait3A_533 = arith.constant 0 : i32
        %dma_wait3A_534 = tpu.memref_slice %arg10[%run_scoped3A_264, %dma_wait3A_533] : memref<8x125xi32, #tpu.memory_space<vmem>> -> memref<1x125xi32, #tpu.memory_space<vmem>>
        %dma_wait3A_535 = tpu.memref_squeeze %dma_wait3A_534 : memref<1x125xi32, #tpu.memory_space<vmem>> -> memref<125xi32, #tpu.memory_space<vmem>>
        %dma_wait3A_536 = arith.constant 0 : i32
        %dma_wait3A_537 = tpu.memref_slice %arg24[%dma_wait3A_536] : memref<10240xf32, #tpu.memory_space<vmem_shared>> -> memref<10240xf32, #tpu.memory_space<vmem_shared>>
        tpu.wait_indirect_dma semaphore(%run_scoped3A_527 : memref<!tpu.dma_semaphore, #tpu.memory_space<semaphore_mem>>) src(%arg23 : memref<125xf32, #tpu.memory_space<vmem>>) dst(%dma_wait3A_537 : memref<10240xf32, #tpu.memory_space<vmem_shared>>)
        tpu.yield
      }) : () -> ()
      %dma_wait3A_265 = arith.constant 0 : i32
      %dma_wait3A_266 = arith.constant 0 : i32
      %dma_wait3A_267 = tpu.memref_slice %arg16[%dma_wait3A_265, %dma_wait3A_266] : memref<10240x128xf32, #tpu.memory_space<vmem_shared>> -> memref<125x128xf32, #tpu.memory_space<vmem_shared>>
      %dma_wait3A_268 = arith.constant 0 : i32
      %dma_wait3A_269 = arith.constant 0 : i32
      %dma_wait3A_270 = tpu.memref_slice %arg16[%dma_wait3A_268, %dma_wait3A_269] : memref<10240x128xf32, #tpu.memory_space<vmem_shared>> -> memref<125x128xf32, #tpu.memory_space<vmem_shared>>
      tpu.wait_dma2 semaphore(%arg21 : memref<!tpu.dma_semaphore, #tpu.memory_space<semaphore_mem>>) src(%arg14 : memref<125x128xf32, #tpu.memory_space<vmem>>) dst(%dma_wait3A_270 : memref<125x128xf32, #tpu.memory_space<vmem_shared>>)
      %dma_wait3A_271 = arith.constant 0 : i32
      %dma_wait3A_272 = arith.constant 0 : i32
      %dma_wait3A_273 = tpu.memref_slice %arg16[%dma_wait3A_271, %dma_wait3A_272] : memref<10240x128xf32, #tpu.memory_space<vmem_shared>> -> memref<125x128xf32, #tpu.memory_space<vmem_shared>>
      %dma_wait3A_274 = arith.constant 0 : i32
      %dma_wait3A_275 = arith.constant 0 : i32
      %dma_wait3A_276 = tpu.memref_slice %arg16[%dma_wait3A_274, %dma_wait3A_275] : memref<10240x128xf32, #tpu.memory_space<vmem_shared>> -> memref<125x128xf32, #tpu.memory_space<vmem_shared>>
      tpu.wait_dma2 semaphore(%arg22 : memref<!tpu.dma_semaphore, #tpu.memory_space<semaphore_mem>>) src(%arg15 : memref<125x128xf32, #tpu.memory_space<vmem>>) dst(%dma_wait3A_276 : memref<125x128xf32, #tpu.memory_space<vmem_shared>>)
      %mul3A_277 = arith.constant 2 : i32
      %mul3A_278 = arith.muli %add3A_30, %mul3A_277 : i32
      %add3A_279 = arith.constant 1 : i32
      %add3A_280 = arith.addi %mul3A_278, %add3A_279 : i32
      %mul3A_281 = arith.constant 8 : i32
      %mul3A_282 = arith.muli %add3A_280, %mul3A_281 : i32
      %multiple_of3A_283 = tpu.assume_multiple %mul3A_282, 8 : i32
      %dma_wait3A_284 = arith.constant 0 : i32
      %dma_wait3A_285 = tpu.memref_slice %arg4[%add3A, %multiple_of3A_283, %dma_wait3A_284] : memref<32x80x125xi32, #tpu.memory_space<hbm>> -> memref<1x8x125xi32, #tpu.memory_space<hbm>>
      %dma_wait3A_286 = tpu.memref_squeeze %dma_wait3A_285 : memref<1x8x125xi32, #tpu.memory_space<hbm>> -> memref<8x125xi32, #tpu.memory_space<hbm>>
      %dma_wait3A_287 = arith.constant 0 : i32
      %dma_wait3A_288 = tpu.memref_slice %arg4[%add3A, %multiple_of3A_283, %dma_wait3A_287] : memref<32x80x125xi32, #tpu.memory_space<hbm>> -> memref<1x8x125xi32, #tpu.memory_space<hbm>>
      %dma_wait3A_289 = tpu.memref_squeeze %dma_wait3A_288 : memref<1x8x125xi32, #tpu.memory_space<hbm>> -> memref<8x125xi32, #tpu.memory_space<hbm>>
      tpu.wait_dma2 semaphore(%arg20 : memref<!tpu.dma_semaphore, #tpu.memory_space<semaphore_mem>>) src(%dma_wait3A_289 : memref<8x125xi32, #tpu.memory_space<hbm>>) dst(%arg12 : memref<8x125xi32, #tpu.memory_space<vmem>>)
      %dma_wait3A_290 = arith.constant 0 : i32
      %dma_wait3A_291 = tpu.memref_slice %arg3[%add3A, %multiple_of3A_283, %dma_wait3A_290] : memref<32x80x125xi32, #tpu.memory_space<hbm>> -> memref<1x8x125xi32, #tpu.memory_space<hbm>>
      %dma_wait3A_292 = tpu.memref_squeeze %dma_wait3A_291 : memref<1x8x125xi32, #tpu.memory_space<hbm>> -> memref<8x125xi32, #tpu.memory_space<hbm>>
      %dma_wait3A_293 = arith.constant 0 : i32
      %dma_wait3A_294 = tpu.memref_slice %arg3[%add3A, %multiple_of3A_283, %dma_wait3A_293] : memref<32x80x125xi32, #tpu.memory_space<hbm>> -> memref<1x8x125xi32, #tpu.memory_space<hbm>>
      %dma_wait3A_295 = tpu.memref_squeeze %dma_wait3A_294 : memref<1x8x125xi32, #tpu.memory_space<hbm>> -> memref<8x125xi32, #tpu.memory_space<hbm>>
      tpu.wait_dma2 semaphore(%arg20 : memref<!tpu.dma_semaphore, #tpu.memory_space<semaphore_mem>>) src(%dma_wait3A_295 : memref<8x125xi32, #tpu.memory_space<hbm>>) dst(%arg13 : memref<8x125xi32, #tpu.memory_space<vmem>>)
      %add3A_296 = arith.constant 1 : i32
      %add3A_297 = arith.addi %add3A_280, %add3A_296 : i32
      %lt3A_298 = arith.constant 10 : i32
      %lt3A_299 = arith.cmpi slt, %add3A_297, %lt3A_298 : i32
      %convert_element_type3A_300 = arith.extui %lt3A_299 : i1 to i32
      %cond3A_301 = arith.constant 0 : i32
      %cond3A_302 = arith.cmpi ne, %convert_element_type3A_300, %cond3A_301 : i32
      scf.if %cond3A_302 {
        %add3A_527 = arith.constant 1 : i32
        %add3A_528 = arith.addi %add3A_280, %add3A_527 : i32
        %mul3A_529 = arith.constant 8 : i32
        %mul3A_530 = arith.muli %add3A_528, %mul3A_529 : i32
        %multiple_of3A_531 = tpu.assume_multiple %mul3A_530, 8 : i32
        %dma_start3A_532 = arith.constant 0 : i32
        %dma_start3A_533 = tpu.memref_slice %arg4[%add3A, %multiple_of3A_531, %dma_start3A_532] : memref<32x80x125xi32, #tpu.memory_space<hbm>> -> memref<1x8x125xi32, #tpu.memory_space<hbm>>
        %dma_start3A_534 = tpu.memref_squeeze %dma_start3A_533 : memref<1x8x125xi32, #tpu.memory_space<hbm>> -> memref<8x125xi32, #tpu.memory_space<hbm>>
        %dma_start3A_535 = arith.constant 0 : i32
        %dma_start3A_536 = tpu.memref_slice %arg4[%add3A, %multiple_of3A_531, %dma_start3A_535] : memref<32x80x125xi32, #tpu.memory_space<hbm>> -> memref<1x8x125xi32, #tpu.memory_space<hbm>>
        %dma_start3A_537 = tpu.memref_squeeze %dma_start3A_536 : memref<1x8x125xi32, #tpu.memory_space<hbm>> -> memref<8x125xi32, #tpu.memory_space<hbm>>
        tpu.enqueue_dma source(%dma_start3A_537 : memref<8x125xi32, #tpu.memory_space<hbm>>) target(%arg10 : memref<8x125xi32, #tpu.memory_space<vmem>>) target_semaphore(%arg19 : memref<!tpu.dma_semaphore, #tpu.memory_space<semaphore_mem>>)
        %dma_start3A_538 = arith.constant 0 : i32
        %dma_start3A_539 = tpu.memref_slice %arg3[%add3A, %multiple_of3A_531, %dma_start3A_538] : memref<32x80x125xi32, #tpu.memory_space<hbm>> -> memref<1x8x125xi32, #tpu.memory_space<hbm>>
        %dma_start3A_540 = tpu.memref_squeeze %dma_start3A_539 : memref<1x8x125xi32, #tpu.memory_space<hbm>> -> memref<8x125xi32, #tpu.memory_space<hbm>>
        %dma_start3A_541 = arith.constant 0 : i32
        %dma_start3A_542 = tpu.memref_slice %arg3[%add3A, %multiple_of3A_531, %dma_start3A_541] : memref<32x80x125xi32, #tpu.memory_space<hbm>> -> memref<1x8x125xi32, #tpu.memory_space<hbm>>
        %dma_start3A_543 = tpu.memref_squeeze %dma_start3A_542 : memref<1x8x125xi32, #tpu.memory_space<hbm>> -> memref<8x125xi32, #tpu.memory_space<hbm>>
        tpu.enqueue_dma source(%dma_start3A_543 : memref<8x125xi32, #tpu.memory_space<hbm>>) target(%arg11 : memref<8x125xi32, #tpu.memory_space<vmem>>) target_semaphore(%arg19 : memref<!tpu.dma_semaphore, #tpu.memory_space<semaphore_mem>>)
      } else {
      }
      %dma_start3A_303 = arith.constant 0 : i32
      %dma_start3A_304 = arith.constant 0 : i32
      %dma_start3A_305 = tpu.memref_slice %arg13[%dma_start3A_303, %dma_start3A_304] : memref<8x125xi32, #tpu.memory_space<vmem>> -> memref<1x125xi32, #tpu.memory_space<vmem>>
      %dma_start3A_306 = tpu.memref_squeeze %dma_start3A_305 : memref<1x125xi32, #tpu.memory_space<vmem>> -> memref<125xi32, #tpu.memory_space<vmem>>
      %dma_start3A_307 = arith.constant 0 : i32
      %dma_start3A_308 = arith.constant 0 : i32
      %dma_start3A_309 = tpu.memref_slice %arg2[%dma_start3A_307, %dma_start3A_308] : memref<10240x128xf32, #tpu.memory_space<hbm>> -> memref<10240x128xf32, #tpu.memory_space<hbm>>
      tpu.enqueue_indirect_dma source(%dma_start3A_309 : memref<10240x128xf32, #tpu.memory_space<hbm>>) target(%arg14 : memref<125x128xf32, #tpu.memory_space<vmem>>) offsets(%dma_start3A_306 : memref<125xi32, #tpu.memory_space<vmem>>) semaphore(%arg17 : memref<!tpu.dma_semaphore, #tpu.memory_space<semaphore_mem>>)
      %dma_start3A_310 = arith.constant 1 : i32
      %dma_start3A_311 = arith.constant 0 : i32
      %dma_start3A_312 = tpu.memref_slice %arg13[%dma_start3A_310, %dma_start3A_311] : memref<8x125xi32, #tpu.memory_space<vmem>> -> memref<1x125xi32, #tpu.memory_space<vmem>>
      %dma_start3A_313 = tpu.memref_squeeze %dma_start3A_312 : memref<1x125xi32, #tpu.memory_space<vmem>> -> memref<125xi32, #tpu.memory_space<vmem>>
      %dma_start3A_314 = arith.constant 0 : i32
      %dma_start3A_315 = arith.constant 0 : i32
      %dma_start3A_316 = tpu.memref_slice %arg2[%dma_start3A_314, %dma_start3A_315] : memref<10240x128xf32, #tpu.memory_space<hbm>> -> memref<10240x128xf32, #tpu.memory_space<hbm>>
      tpu.enqueue_indirect_dma source(%dma_start3A_316 : memref<10240x128xf32, #tpu.memory_space<hbm>>) target(%arg15 : memref<125x128xf32, #tpu.memory_space<vmem>>) offsets(%dma_start3A_313 : memref<125xi32, #tpu.memory_space<vmem>>) semaphore(%arg18 : memref<!tpu.dma_semaphore, #tpu.memory_space<semaphore_mem>>)
      %dma_wait3A_317 = arith.constant 0 : i32
      %dma_wait3A_318 = arith.constant 0 : i32
      %dma_wait3A_319 = tpu.memref_slice %arg13[%dma_wait3A_317, %dma_wait3A_318] : memref<8x125xi32, #tpu.memory_space<vmem>> -> memref<1x125xi32, #tpu.memory_space<vmem>>
      %dma_wait3A_320 = tpu.memref_squeeze %dma_wait3A_319 : memref<1x125xi32, #tpu.memory_space<vmem>> -> memref<125xi32, #tpu.memory_space<vmem>>
      %dma_wait3A_321 = arith.constant 0 : i32
      %dma_wait3A_322 = arith.constant 0 : i32
      %dma_wait3A_323 = tpu.memref_slice %arg2[%dma_wait3A_321, %dma_wait3A_322] : memref<10240x128xf32, #tpu.memory_space<hbm>> -> memref<10240x128xf32, #tpu.memory_space<hbm>>
      tpu.wait_indirect_dma semaphore(%arg17 : memref<!tpu.dma_semaphore, #tpu.memory_space<semaphore_mem>>) src(%dma_wait3A_323 : memref<10240x128xf32, #tpu.memory_space<hbm>>) dst(%arg14 : memref<125x128xf32, #tpu.memory_space<vmem>>)
      %dma_start3A_324 = arith.constant 0 : i32
      %dma_start3A_325 = arith.constant 0 : i32
      %dma_start3A_326 = tpu.memref_slice %arg12[%dma_start3A_324, %dma_start3A_325] : memref<8x125xi32, #tpu.memory_space<vmem>> -> memref<1x125xi32, #tpu.memory_space<vmem>>
      %dma_start3A_327 = tpu.memref_squeeze %dma_start3A_326 : memref<1x125xi32, #tpu.memory_space<vmem>> -> memref<125xi32, #tpu.memory_space<vmem>>
      %dma_start3A_328 = arith.constant 0 : i32
      %dma_start3A_329 = arith.constant 0 : i32
      %dma_start3A_330 = tpu.memref_slice %arg16[%dma_start3A_328, %dma_start3A_329] : memref<10240x128xf32, #tpu.memory_space<vmem_shared>> -> memref<10240x128xf32, #tpu.memory_space<vmem_shared>>
      tpu.enqueue_indirect_dma source(%arg14 : memref<125x128xf32, #tpu.memory_space<vmem>>) target(%dma_start3A_330 : memref<10240x128xf32, #tpu.memory_space<vmem_shared>>) offsets(%dma_start3A_327 : memref<125xi32, #tpu.memory_space<vmem>>) semaphore(%arg21 : memref<!tpu.dma_semaphore, #tpu.memory_space<semaphore_mem>>) {add = true}
      %run_scoped3A_331 = arith.constant 0 : i32
      "tpu.region"() ({
        %run_scoped3A_527 = tpu.sem_alloc : memref<!tpu.dma_semaphore, #tpu.memory_space<semaphore_mem>>
        %dma_start3A_528 = arith.constant 0 : i32
        %dma_start3A_529 = tpu.memref_slice %arg12[%run_scoped3A_331, %dma_start3A_528] : memref<8x125xi32, #tpu.memory_space<vmem>> -> memref<1x125xi32, #tpu.memory_space<vmem>>
        %dma_start3A_530 = tpu.memref_squeeze %dma_start3A_529 : memref<1x125xi32, #tpu.memory_space<vmem>> -> memref<125xi32, #tpu.memory_space<vmem>>
        %dma_start3A_531 = arith.constant 0 : i32
        %dma_start3A_532 = tpu.memref_slice %arg24[%dma_start3A_531] : memref<10240xf32, #tpu.memory_space<vmem_shared>> -> memref<10240xf32, #tpu.memory_space<vmem_shared>>
        tpu.enqueue_indirect_dma source(%arg23 : memref<125xf32, #tpu.memory_space<vmem>>) target(%dma_start3A_532 : memref<10240xf32, #tpu.memory_space<vmem_shared>>) offsets(%dma_start3A_530 : memref<125xi32, #tpu.memory_space<vmem>>) semaphore(%run_scoped3A_527 : memref<!tpu.dma_semaphore, #tpu.memory_space<semaphore_mem>>) {add = true}
        %dma_wait3A_533 = arith.constant 0 : i32
        %dma_wait3A_534 = tpu.memref_slice %arg12[%run_scoped3A_331, %dma_wait3A_533] : memref<8x125xi32, #tpu.memory_space<vmem>> -> memref<1x125xi32, #tpu.memory_space<vmem>>
        %dma_wait3A_535 = tpu.memref_squeeze %dma_wait3A_534 : memref<1x125xi32, #tpu.memory_space<vmem>> -> memref<125xi32, #tpu.memory_space<vmem>>
        %dma_wait3A_536 = arith.constant 0 : i32
        %dma_wait3A_537 = tpu.memref_slice %arg24[%dma_wait3A_536] : memref<10240xf32, #tpu.memory_space<vmem_shared>> -> memref<10240xf32, #tpu.memory_space<vmem_shared>>
        tpu.wait_indirect_dma semaphore(%run_scoped3A_527 : memref<!tpu.dma_semaphore, #tpu.memory_space<semaphore_mem>>) src(%arg23 : memref<125xf32, #tpu.memory_space<vmem>>) dst(%dma_wait3A_537 : memref<10240xf32, #tpu.memory_space<vmem_shared>>)
        tpu.yield
      }) : () -> ()
      %dma_wait3A_332 = arith.constant 0 : i32
      %dma_wait3A_333 = arith.constant 0 : i32
      %dma_wait3A_334 = tpu.memref_slice %arg16[%dma_wait3A_332, %dma_wait3A_333] : memref<10240x128xf32, #tpu.memory_space<vmem_shared>> -> memref<125x128xf32, #tpu.memory_space<vmem_shared>>
      %dma_wait3A_335 = arith.constant 0 : i32
      %dma_wait3A_336 = arith.constant 0 : i32
      %dma_wait3A_337 = tpu.memref_slice %arg16[%dma_wait3A_335, %dma_wait3A_336] : memref<10240x128xf32, #tpu.memory_space<vmem_shared>> -> memref<125x128xf32, #tpu.memory_space<vmem_shared>>
      tpu.wait_dma2 semaphore(%arg21 : memref<!tpu.dma_semaphore, #tpu.memory_space<semaphore_mem>>) src(%arg14 : memref<125x128xf32, #tpu.memory_space<vmem>>) dst(%dma_wait3A_337 : memref<125x128xf32, #tpu.memory_space<vmem_shared>>)
      %dma_start3A_338 = arith.constant 2 : i32
      %dma_start3A_339 = arith.constant 0 : i32
      %dma_start3A_340 = tpu.memref_slice %arg13[%dma_start3A_338, %dma_start3A_339] : memref<8x125xi32, #tpu.memory_space<vmem>> -> memref<1x125xi32, #tpu.memory_space<vmem>>
      %dma_start3A_341 = tpu.memref_squeeze %dma_start3A_340 : memref<1x125xi32, #tpu.memory_space<vmem>> -> memref<125xi32, #tpu.memory_space<vmem>>
      %dma_start3A_342 = arith.constant 0 : i32
      %dma_start3A_343 = arith.constant 0 : i32
      %dma_start3A_344 = tpu.memref_slice %arg2[%dma_start3A_342, %dma_start3A_343] : memref<10240x128xf32, #tpu.memory_space<hbm>> -> memref<10240x128xf32, #tpu.memory_space<hbm>>
      tpu.enqueue_indirect_dma source(%dma_start3A_344 : memref<10240x128xf32, #tpu.memory_space<hbm>>) target(%arg14 : memref<125x128xf32, #tpu.memory_space<vmem>>) offsets(%dma_start3A_341 : memref<125xi32, #tpu.memory_space<vmem>>) semaphore(%arg17 : memref<!tpu.dma_semaphore, #tpu.memory_space<semaphore_mem>>)
      %dma_wait3A_345 = arith.constant 1 : i32
      %dma_wait3A_346 = arith.constant 0 : i32
      %dma_wait3A_347 = tpu.memref_slice %arg13[%dma_wait3A_345, %dma_wait3A_346] : memref<8x125xi32, #tpu.memory_space<vmem>> -> memref<1x125xi32, #tpu.memory_space<vmem>>
      %dma_wait3A_348 = tpu.memref_squeeze %dma_wait3A_347 : memref<1x125xi32, #tpu.memory_space<vmem>> -> memref<125xi32, #tpu.memory_space<vmem>>
      %dma_wait3A_349 = arith.constant 0 : i32
      %dma_wait3A_350 = arith.constant 0 : i32
      %dma_wait3A_351 = tpu.memref_slice %arg2[%dma_wait3A_349, %dma_wait3A_350] : memref<10240x128xf32, #tpu.memory_space<hbm>> -> memref<10240x128xf32, #tpu.memory_space<hbm>>
      tpu.wait_indirect_dma semaphore(%arg18 : memref<!tpu.dma_semaphore, #tpu.memory_space<semaphore_mem>>) src(%dma_wait3A_351 : memref<10240x128xf32, #tpu.memory_space<hbm>>) dst(%arg15 : memref<125x128xf32, #tpu.memory_space<vmem>>)
      %dma_start3A_352 = arith.constant 1 : i32
      %dma_start3A_353 = arith.constant 0 : i32
      %dma_start3A_354 = tpu.memref_slice %arg12[%dma_start3A_352, %dma_start3A_353] : memref<8x125xi32, #tpu.memory_space<vmem>> -> memref<1x125xi32, #tpu.memory_space<vmem>>
      %dma_start3A_355 = tpu.memref_squeeze %dma_start3A_354 : memref<1x125xi32, #tpu.memory_space<vmem>> -> memref<125xi32, #tpu.memory_space<vmem>>
      %dma_start3A_356 = arith.constant 0 : i32
      %dma_start3A_357 = arith.constant 0 : i32
      %dma_start3A_358 = tpu.memref_slice %arg16[%dma_start3A_356, %dma_start3A_357] : memref<10240x128xf32, #tpu.memory_space<vmem_shared>> -> memref<10240x128xf32, #tpu.memory_space<vmem_shared>>
      tpu.enqueue_indirect_dma source(%arg15 : memref<125x128xf32, #tpu.memory_space<vmem>>) target(%dma_start3A_358 : memref<10240x128xf32, #tpu.memory_space<vmem_shared>>) offsets(%dma_start3A_355 : memref<125xi32, #tpu.memory_space<vmem>>) semaphore(%arg22 : memref<!tpu.dma_semaphore, #tpu.memory_space<semaphore_mem>>) {add = true}
      %run_scoped3A_359 = arith.constant 1 : i32
      "tpu.region"() ({
        %run_scoped3A_527 = tpu.sem_alloc : memref<!tpu.dma_semaphore, #tpu.memory_space<semaphore_mem>>
        %dma_start3A_528 = arith.constant 0 : i32
        %dma_start3A_529 = tpu.memref_slice %arg12[%run_scoped3A_359, %dma_start3A_528] : memref<8x125xi32, #tpu.memory_space<vmem>> -> memref<1x125xi32, #tpu.memory_space<vmem>>
        %dma_start3A_530 = tpu.memref_squeeze %dma_start3A_529 : memref<1x125xi32, #tpu.memory_space<vmem>> -> memref<125xi32, #tpu.memory_space<vmem>>
        %dma_start3A_531 = arith.constant 0 : i32
        %dma_start3A_532 = tpu.memref_slice %arg24[%dma_start3A_531] : memref<10240xf32, #tpu.memory_space<vmem_shared>> -> memref<10240xf32, #tpu.memory_space<vmem_shared>>
        tpu.enqueue_indirect_dma source(%arg23 : memref<125xf32, #tpu.memory_space<vmem>>) target(%dma_start3A_532 : memref<10240xf32, #tpu.memory_space<vmem_shared>>) offsets(%dma_start3A_530 : memref<125xi32, #tpu.memory_space<vmem>>) semaphore(%run_scoped3A_527 : memref<!tpu.dma_semaphore, #tpu.memory_space<semaphore_mem>>) {add = true}
        %dma_wait3A_533 = arith.constant 0 : i32
        %dma_wait3A_534 = tpu.memref_slice %arg12[%run_scoped3A_359, %dma_wait3A_533] : memref<8x125xi32, #tpu.memory_space<vmem>> -> memref<1x125xi32, #tpu.memory_space<vmem>>
        %dma_wait3A_535 = tpu.memref_squeeze %dma_wait3A_534 : memref<1x125xi32, #tpu.memory_space<vmem>> -> memref<125xi32, #tpu.memory_space<vmem>>
        %dma_wait3A_536 = arith.constant 0 : i32
        %dma_wait3A_537 = tpu.memref_slice %arg24[%dma_wait3A_536] : memref<10240xf32, #tpu.memory_space<vmem_shared>> -> memref<10240xf32, #tpu.memory_space<vmem_shared>>
        tpu.wait_indirect_dma semaphore(%run_scoped3A_527 : memref<!tpu.dma_semaphore, #tpu.memory_space<semaphore_mem>>) src(%arg23 : memref<125xf32, #tpu.memory_space<vmem>>) dst(%dma_wait3A_537 : memref<10240xf32, #tpu.memory_space<vmem_shared>>)
        tpu.yield
      }) : () -> ()
      %dma_wait3A_360 = arith.constant 0 : i32
      %dma_wait3A_361 = arith.constant 0 : i32
      %dma_wait3A_362 = tpu.memref_slice %arg16[%dma_wait3A_360, %dma_wait3A_361] : memref<10240x128xf32, #tpu.memory_space<vmem_shared>> -> memref<125x128xf32, #tpu.memory_space<vmem_shared>>
      %dma_wait3A_363 = arith.constant 0 : i32
      %dma_wait3A_364 = arith.constant 0 : i32
      %dma_wait3A_365 = tpu.memref_slice %arg16[%dma_wait3A_363, %dma_wait3A_364] : memref<10240x128xf32, #tpu.memory_space<vmem_shared>> -> memref<125x128xf32, #tpu.memory_space<vmem_shared>>
      tpu.wait_dma2 semaphore(%arg22 : memref<!tpu.dma_semaphore, #tpu.memory_space<semaphore_mem>>) src(%arg15 : memref<125x128xf32, #tpu.memory_space<vmem>>) dst(%dma_wait3A_365 : memref<125x128xf32, #tpu.memory_space<vmem_shared>>)
      %dma_start3A_366 = arith.constant 3 : i32
      %dma_start3A_367 = arith.constant 0 : i32
      %dma_start3A_368 = tpu.memref_slice %arg13[%dma_start3A_366, %dma_start3A_367] : memref<8x125xi32, #tpu.memory_space<vmem>> -> memref<1x125xi32, #tpu.memory_space<vmem>>
      %dma_start3A_369 = tpu.memref_squeeze %dma_start3A_368 : memref<1x125xi32, #tpu.memory_space<vmem>> -> memref<125xi32, #tpu.memory_space<vmem>>
      %dma_start3A_370 = arith.constant 0 : i32
      %dma_start3A_371 = arith.constant 0 : i32
      %dma_start3A_372 = tpu.memref_slice %arg2[%dma_start3A_370, %dma_start3A_371] : memref<10240x128xf32, #tpu.memory_space<hbm>> -> memref<10240x128xf32, #tpu.memory_space<hbm>>
      tpu.enqueue_indirect_dma source(%dma_start3A_372 : memref<10240x128xf32, #tpu.memory_space<hbm>>) target(%arg15 : memref<125x128xf32, #tpu.memory_space<vmem>>) offsets(%dma_start3A_369 : memref<125xi32, #tpu.memory_space<vmem>>) semaphore(%arg18 : memref<!tpu.dma_semaphore, #tpu.memory_space<semaphore_mem>>)
      %dma_wait3A_373 = arith.constant 2 : i32
      %dma_wait3A_374 = arith.constant 0 : i32
      %dma_wait3A_375 = tpu.memref_slice %arg13[%dma_wait3A_373, %dma_wait3A_374] : memref<8x125xi32, #tpu.memory_space<vmem>> -> memref<1x125xi32, #tpu.memory_space<vmem>>
      %dma_wait3A_376 = tpu.memref_squeeze %dma_wait3A_375 : memref<1x125xi32, #tpu.memory_space<vmem>> -> memref<125xi32, #tpu.memory_space<vmem>>
      %dma_wait3A_377 = arith.constant 0 : i32
      %dma_wait3A_378 = arith.constant 0 : i32
      %dma_wait3A_379 = tpu.memref_slice %arg2[%dma_wait3A_377, %dma_wait3A_378] : memref<10240x128xf32, #tpu.memory_space<hbm>> -> memref<10240x128xf32, #tpu.memory_space<hbm>>
      tpu.wait_indirect_dma semaphore(%arg17 : memref<!tpu.dma_semaphore, #tpu.memory_space<semaphore_mem>>) src(%dma_wait3A_379 : memref<10240x128xf32, #tpu.memory_space<hbm>>) dst(%arg14 : memref<125x128xf32, #tpu.memory_space<vmem>>)
      %dma_start3A_380 = arith.constant 2 : i32
      %dma_start3A_381 = arith.constant 0 : i32
      %dma_start3A_382 = tpu.memref_slice %arg12[%dma_start3A_380, %dma_start3A_381] : memref<8x125xi32, #tpu.memory_space<vmem>> -> memref<1x125xi32, #tpu.memory_space<vmem>>
      %dma_start3A_383 = tpu.memref_squeeze %dma_start3A_382 : memref<1x125xi32, #tpu.memory_space<vmem>> -> memref<125xi32, #tpu.memory_space<vmem>>
      %dma_start3A_384 = arith.constant 0 : i32
      %dma_start3A_385 = arith.constant 0 : i32
      %dma_start3A_386 = tpu.memref_slice %arg16[%dma_start3A_384, %dma_start3A_385] : memref<10240x128xf32, #tpu.memory_space<vmem_shared>> -> memref<10240x128xf32, #tpu.memory_space<vmem_shared>>
      tpu.enqueue_indirect_dma source(%arg14 : memref<125x128xf32, #tpu.memory_space<vmem>>) target(%dma_start3A_386 : memref<10240x128xf32, #tpu.memory_space<vmem_shared>>) offsets(%dma_start3A_383 : memref<125xi32, #tpu.memory_space<vmem>>) semaphore(%arg21 : memref<!tpu.dma_semaphore, #tpu.memory_space<semaphore_mem>>) {add = true}
      %run_scoped3A_387 = arith.constant 2 : i32
      "tpu.region"() ({
        %run_scoped3A_527 = tpu.sem_alloc : memref<!tpu.dma_semaphore, #tpu.memory_space<semaphore_mem>>
        %dma_start3A_528 = arith.constant 0 : i32
        %dma_start3A_529 = tpu.memref_slice %arg12[%run_scoped3A_387, %dma_start3A_528] : memref<8x125xi32, #tpu.memory_space<vmem>> -> memref<1x125xi32, #tpu.memory_space<vmem>>
        %dma_start3A_530 = tpu.memref_squeeze %dma_start3A_529 : memref<1x125xi32, #tpu.memory_space<vmem>> -> memref<125xi32, #tpu.memory_space<vmem>>
        %dma_start3A_531 = arith.constant 0 : i32
        %dma_start3A_532 = tpu.memref_slice %arg24[%dma_start3A_531] : memref<10240xf32, #tpu.memory_space<vmem_shared>> -> memref<10240xf32, #tpu.memory_space<vmem_shared>>
        tpu.enqueue_indirect_dma source(%arg23 : memref<125xf32, #tpu.memory_space<vmem>>) target(%dma_start3A_532 : memref<10240xf32, #tpu.memory_space<vmem_shared>>) offsets(%dma_start3A_530 : memref<125xi32, #tpu.memory_space<vmem>>) semaphore(%run_scoped3A_527 : memref<!tpu.dma_semaphore, #tpu.memory_space<semaphore_mem>>) {add = true}
        %dma_wait3A_533 = arith.constant 0 : i32
        %dma_wait3A_534 = tpu.memref_slice %arg12[%run_scoped3A_387, %dma_wait3A_533] : memref<8x125xi32, #tpu.memory_space<vmem>> -> memref<1x125xi32, #tpu.memory_space<vmem>>
        %dma_wait3A_535 = tpu.memref_squeeze %dma_wait3A_534 : memref<1x125xi32, #tpu.memory_space<vmem>> -> memref<125xi32, #tpu.memory_space<vmem>>
        %dma_wait3A_536 = arith.constant 0 : i32
        %dma_wait3A_537 = tpu.memref_slice %arg24[%dma_wait3A_536] : memref<10240xf32, #tpu.memory_space<vmem_shared>> -> memref<10240xf32, #tpu.memory_space<vmem_shared>>
        tpu.wait_indirect_dma semaphore(%run_scoped3A_527 : memref<!tpu.dma_semaphore, #tpu.memory_space<semaphore_mem>>) src(%arg23 : memref<125xf32, #tpu.memory_space<vmem>>) dst(%dma_wait3A_537 : memref<10240xf32, #tpu.memory_space<vmem_shared>>)
        tpu.yield
      }) : () -> ()
      %dma_wait3A_388 = arith.constant 0 : i32
      %dma_wait3A_389 = arith.constant 0 : i32
      %dma_wait3A_390 = tpu.memref_slice %arg16[%dma_wait3A_388, %dma_wait3A_389] : memref<10240x128xf32, #tpu.memory_space<vmem_shared>> -> memref<125x128xf32, #tpu.memory_space<vmem_shared>>
      %dma_wait3A_391 = arith.constant 0 : i32
      %dma_wait3A_392 = arith.constant 0 : i32
      %dma_wait3A_393 = tpu.memref_slice %arg16[%dma_wait3A_391, %dma_wait3A_392] : memref<10240x128xf32, #tpu.memory_space<vmem_shared>> -> memref<125x128xf32, #tpu.memory_space<vmem_shared>>
      tpu.wait_dma2 semaphore(%arg21 : memref<!tpu.dma_semaphore, #tpu.memory_space<semaphore_mem>>) src(%arg14 : memref<125x128xf32, #tpu.memory_space<vmem>>) dst(%dma_wait3A_393 : memref<125x128xf32, #tpu.memory_space<vmem_shared>>)
      %dma_start3A_394 = arith.constant 4 : i32
      %dma_start3A_395 = arith.constant 0 : i32
      %dma_start3A_396 = tpu.memref_slice %arg13[%dma_start3A_394, %dma_start3A_395] : memref<8x125xi32, #tpu.memory_space<vmem>> -> memref<1x125xi32, #tpu.memory_space<vmem>>
      %dma_start3A_397 = tpu.memref_squeeze %dma_start3A_396 : memref<1x125xi32, #tpu.memory_space<vmem>> -> memref<125xi32, #tpu.memory_space<vmem>>
      %dma_start3A_398 = arith.constant 0 : i32
      %dma_start3A_399 = arith.constant 0 : i32
      %dma_start3A_400 = tpu.memref_slice %arg2[%dma_start3A_398, %dma_start3A_399] : memref<10240x128xf32, #tpu.memory_space<hbm>> -> memref<10240x128xf32, #tpu.memory_space<hbm>>
      tpu.enqueue_indirect_dma source(%dma_start3A_400 : memref<10240x128xf32, #tpu.memory_space<hbm>>) target(%arg14 : memref<125x128xf32, #tpu.memory_space<vmem>>) offsets(%dma_start3A_397 : memref<125xi32, #tpu.memory_space<vmem>>) semaphore(%arg17 : memref<!tpu.dma_semaphore, #tpu.memory_space<semaphore_mem>>)
      %dma_wait3A_401 = arith.constant 3 : i32
      %dma_wait3A_402 = arith.constant 0 : i32
      %dma_wait3A_403 = tpu.memref_slice %arg13[%dma_wait3A_401, %dma_wait3A_402] : memref<8x125xi32, #tpu.memory_space<vmem>> -> memref<1x125xi32, #tpu.memory_space<vmem>>
      %dma_wait3A_404 = tpu.memref_squeeze %dma_wait3A_403 : memref<1x125xi32, #tpu.memory_space<vmem>> -> memref<125xi32, #tpu.memory_space<vmem>>
      %dma_wait3A_405 = arith.constant 0 : i32
      %dma_wait3A_406 = arith.constant 0 : i32
      %dma_wait3A_407 = tpu.memref_slice %arg2[%dma_wait3A_405, %dma_wait3A_406] : memref<10240x128xf32, #tpu.memory_space<hbm>> -> memref<10240x128xf32, #tpu.memory_space<hbm>>
      tpu.wait_indirect_dma semaphore(%arg18 : memref<!tpu.dma_semaphore, #tpu.memory_space<semaphore_mem>>) src(%dma_wait3A_407 : memref<10240x128xf32, #tpu.memory_space<hbm>>) dst(%arg15 : memref<125x128xf32, #tpu.memory_space<vmem>>)
      %dma_start3A_408 = arith.constant 3 : i32
      %dma_start3A_409 = arith.constant 0 : i32
      %dma_start3A_410 = tpu.memref_slice %arg12[%dma_start3A_408, %dma_start3A_409] : memref<8x125xi32, #tpu.memory_space<vmem>> -> memref<1x125xi32, #tpu.memory_space<vmem>>
      %dma_start3A_411 = tpu.memref_squeeze %dma_start3A_410 : memref<1x125xi32, #tpu.memory_space<vmem>> -> memref<125xi32, #tpu.memory_space<vmem>>
      %dma_start3A_412 = arith.constant 0 : i32
      %dma_start3A_413 = arith.constant 0 : i32
      %dma_start3A_414 = tpu.memref_slice %arg16[%dma_start3A_412, %dma_start3A_413] : memref<10240x128xf32, #tpu.memory_space<vmem_shared>> -> memref<10240x128xf32, #tpu.memory_space<vmem_shared>>
      tpu.enqueue_indirect_dma source(%arg15 : memref<125x128xf32, #tpu.memory_space<vmem>>) target(%dma_start3A_414 : memref<10240x128xf32, #tpu.memory_space<vmem_shared>>) offsets(%dma_start3A_411 : memref<125xi32, #tpu.memory_space<vmem>>) semaphore(%arg22 : memref<!tpu.dma_semaphore, #tpu.memory_space<semaphore_mem>>) {add = true}
      %run_scoped3A_415 = arith.constant 3 : i32
      "tpu.region"() ({
        %run_scoped3A_527 = tpu.sem_alloc : memref<!tpu.dma_semaphore, #tpu.memory_space<semaphore_mem>>
        %dma_start3A_528 = arith.constant 0 : i32
        %dma_start3A_529 = tpu.memref_slice %arg12[%run_scoped3A_415, %dma_start3A_528] : memref<8x125xi32, #tpu.memory_space<vmem>> -> memref<1x125xi32, #tpu.memory_space<vmem>>
        %dma_start3A_530 = tpu.memref_squeeze %dma_start3A_529 : memref<1x125xi32, #tpu.memory_space<vmem>> -> memref<125xi32, #tpu.memory_space<vmem>>
        %dma_start3A_531 = arith.constant 0 : i32
        %dma_start3A_532 = tpu.memref_slice %arg24[%dma_start3A_531] : memref<10240xf32, #tpu.memory_space<vmem_shared>> -> memref<10240xf32, #tpu.memory_space<vmem_shared>>
        tpu.enqueue_indirect_dma source(%arg23 : memref<125xf32, #tpu.memory_space<vmem>>) target(%dma_start3A_532 : memref<10240xf32, #tpu.memory_space<vmem_shared>>) offsets(%dma_start3A_530 : memref<125xi32, #tpu.memory_space<vmem>>) semaphore(%run_scoped3A_527 : memref<!tpu.dma_semaphore, #tpu.memory_space<semaphore_mem>>) {add = true}
        %dma_wait3A_533 = arith.constant 0 : i32
        %dma_wait3A_534 = tpu.memref_slice %arg12[%run_scoped3A_415, %dma_wait3A_533] : memref<8x125xi32, #tpu.memory_space<vmem>> -> memref<1x125xi32, #tpu.memory_space<vmem>>
        %dma_wait3A_535 = tpu.memref_squeeze %dma_wait3A_534 : memref<1x125xi32, #tpu.memory_space<vmem>> -> memref<125xi32, #tpu.memory_space<vmem>>
        %dma_wait3A_536 = arith.constant 0 : i32
        %dma_wait3A_537 = tpu.memref_slice %arg24[%dma_wait3A_536] : memref<10240xf32, #tpu.memory_space<vmem_shared>> -> memref<10240xf32, #tpu.memory_space<vmem_shared>>
        tpu.wait_indirect_dma semaphore(%run_scoped3A_527 : memref<!tpu.dma_semaphore, #tpu.memory_space<semaphore_mem>>) src(%arg23 : memref<125xf32, #tpu.memory_space<vmem>>) dst(%dma_wait3A_537 : memref<10240xf32, #tpu.memory_space<vmem_shared>>)
        tpu.yield
      }) : () -> ()
      %dma_wait3A_416 = arith.constant 0 : i32
      %dma_wait3A_417 = arith.constant 0 : i32
      %dma_wait3A_418 = tpu.memref_slice %arg16[%dma_wait3A_416, %dma_wait3A_417] : memref<10240x128xf32, #tpu.memory_space<vmem_shared>> -> memref<125x128xf32, #tpu.memory_space<vmem_shared>>
      %dma_wait3A_419 = arith.constant 0 : i32
      %dma_wait3A_420 = arith.constant 0 : i32
      %dma_wait3A_421 = tpu.memref_slice %arg16[%dma_wait3A_419, %dma_wait3A_420] : memref<10240x128xf32, #tpu.memory_space<vmem_shared>> -> memref<125x128xf32, #tpu.memory_space<vmem_shared>>
      tpu.wait_dma2 semaphore(%arg22 : memref<!tpu.dma_semaphore, #tpu.memory_space<semaphore_mem>>) src(%arg15 : memref<125x128xf32, #tpu.memory_space<vmem>>) dst(%dma_wait3A_421 : memref<125x128xf32, #tpu.memory_space<vmem_shared>>)
      %dma_start3A_422 = arith.constant 5 : i32
      %dma_start3A_423 = arith.constant 0 : i32
      %dma_start3A_424 = tpu.memref_slice %arg13[%dma_start3A_422, %dma_start3A_423] : memref<8x125xi32, #tpu.memory_space<vmem>> -> memref<1x125xi32, #tpu.memory_space<vmem>>
      %dma_start3A_425 = tpu.memref_squeeze %dma_start3A_424 : memref<1x125xi32, #tpu.memory_space<vmem>> -> memref<125xi32, #tpu.memory_space<vmem>>
      %dma_start3A_426 = arith.constant 0 : i32
      %dma_start3A_427 = arith.constant 0 : i32
      %dma_start3A_428 = tpu.memref_slice %arg2[%dma_start3A_426, %dma_start3A_427] : memref<10240x128xf32, #tpu.memory_space<hbm>> -> memref<10240x128xf32, #tpu.memory_space<hbm>>
      tpu.enqueue_indirect_dma source(%dma_start3A_428 : memref<10240x128xf32, #tpu.memory_space<hbm>>) target(%arg15 : memref<125x128xf32, #tpu.memory_space<vmem>>) offsets(%dma_start3A_425 : memref<125xi32, #tpu.memory_space<vmem>>) semaphore(%arg18 : memref<!tpu.dma_semaphore, #tpu.memory_space<semaphore_mem>>)
      %dma_wait3A_429 = arith.constant 4 : i32
      %dma_wait3A_430 = arith.constant 0 : i32
      %dma_wait3A_431 = tpu.memref_slice %arg13[%dma_wait3A_429, %dma_wait3A_430] : memref<8x125xi32, #tpu.memory_space<vmem>> -> memref<1x125xi32, #tpu.memory_space<vmem>>
      %dma_wait3A_432 = tpu.memref_squeeze %dma_wait3A_431 : memref<1x125xi32, #tpu.memory_space<vmem>> -> memref<125xi32, #tpu.memory_space<vmem>>
      %dma_wait3A_433 = arith.constant 0 : i32
      %dma_wait3A_434 = arith.constant 0 : i32
      %dma_wait3A_435 = tpu.memref_slice %arg2[%dma_wait3A_433, %dma_wait3A_434] : memref<10240x128xf32, #tpu.memory_space<hbm>> -> memref<10240x128xf32, #tpu.memory_space<hbm>>
      tpu.wait_indirect_dma semaphore(%arg17 : memref<!tpu.dma_semaphore, #tpu.memory_space<semaphore_mem>>) src(%dma_wait3A_435 : memref<10240x128xf32, #tpu.memory_space<hbm>>) dst(%arg14 : memref<125x128xf32, #tpu.memory_space<vmem>>)
      %dma_start3A_436 = arith.constant 4 : i32
      %dma_start3A_437 = arith.constant 0 : i32
      %dma_start3A_438 = tpu.memref_slice %arg12[%dma_start3A_436, %dma_start3A_437] : memref<8x125xi32, #tpu.memory_space<vmem>> -> memref<1x125xi32, #tpu.memory_space<vmem>>
      %dma_start3A_439 = tpu.memref_squeeze %dma_start3A_438 : memref<1x125xi32, #tpu.memory_space<vmem>> -> memref<125xi32, #tpu.memory_space<vmem>>
      %dma_start3A_440 = arith.constant 0 : i32
      %dma_start3A_441 = arith.constant 0 : i32
      %dma_start3A_442 = tpu.memref_slice %arg16[%dma_start3A_440, %dma_start3A_441] : memref<10240x128xf32, #tpu.memory_space<vmem_shared>> -> memref<10240x128xf32, #tpu.memory_space<vmem_shared>>
      tpu.enqueue_indirect_dma source(%arg14 : memref<125x128xf32, #tpu.memory_space<vmem>>) target(%dma_start3A_442 : memref<10240x128xf32, #tpu.memory_space<vmem_shared>>) offsets(%dma_start3A_439 : memref<125xi32, #tpu.memory_space<vmem>>) semaphore(%arg21 : memref<!tpu.dma_semaphore, #tpu.memory_space<semaphore_mem>>) {add = true}
      %run_scoped3A_443 = arith.constant 4 : i32
      "tpu.region"() ({
        %run_scoped3A_527 = tpu.sem_alloc : memref<!tpu.dma_semaphore, #tpu.memory_space<semaphore_mem>>
        %dma_start3A_528 = arith.constant 0 : i32
        %dma_start3A_529 = tpu.memref_slice %arg12[%run_scoped3A_443, %dma_start3A_528] : memref<8x125xi32, #tpu.memory_space<vmem>> -> memref<1x125xi32, #tpu.memory_space<vmem>>
        %dma_start3A_530 = tpu.memref_squeeze %dma_start3A_529 : memref<1x125xi32, #tpu.memory_space<vmem>> -> memref<125xi32, #tpu.memory_space<vmem>>
        %dma_start3A_531 = arith.constant 0 : i32
        %dma_start3A_532 = tpu.memref_slice %arg24[%dma_start3A_531] : memref<10240xf32, #tpu.memory_space<vmem_shared>> -> memref<10240xf32, #tpu.memory_space<vmem_shared>>
        tpu.enqueue_indirect_dma source(%arg23 : memref<125xf32, #tpu.memory_space<vmem>>) target(%dma_start3A_532 : memref<10240xf32, #tpu.memory_space<vmem_shared>>) offsets(%dma_start3A_530 : memref<125xi32, #tpu.memory_space<vmem>>) semaphore(%run_scoped3A_527 : memref<!tpu.dma_semaphore, #tpu.memory_space<semaphore_mem>>) {add = true}
        %dma_wait3A_533 = arith.constant 0 : i32
        %dma_wait3A_534 = tpu.memref_slice %arg12[%run_scoped3A_443, %dma_wait3A_533] : memref<8x125xi32, #tpu.memory_space<vmem>> -> memref<1x125xi32, #tpu.memory_space<vmem>>
        %dma_wait3A_535 = tpu.memref_squeeze %dma_wait3A_534 : memref<1x125xi32, #tpu.memory_space<vmem>> -> memref<125xi32, #tpu.memory_space<vmem>>
        %dma_wait3A_536 = arith.constant 0 : i32
        %dma_wait3A_537 = tpu.memref_slice %arg24[%dma_wait3A_536] : memref<10240xf32, #tpu.memory_space<vmem_shared>> -> memref<10240xf32, #tpu.memory_space<vmem_shared>>
        tpu.wait_indirect_dma semaphore(%run_scoped3A_527 : memref<!tpu.dma_semaphore, #tpu.memory_space<semaphore_mem>>) src(%arg23 : memref<125xf32, #tpu.memory_space<vmem>>) dst(%dma_wait3A_537 : memref<10240xf32, #tpu.memory_space<vmem_shared>>)
        tpu.yield
      }) : () -> ()
      %dma_wait3A_444 = arith.constant 0 : i32
      %dma_wait3A_445 = arith.constant 0 : i32
      %dma_wait3A_446 = tpu.memref_slice %arg16[%dma_wait3A_444, %dma_wait3A_445] : memref<10240x128xf32, #tpu.memory_space<vmem_shared>> -> memref<125x128xf32, #tpu.memory_space<vmem_shared>>
      %dma_wait3A_447 = arith.constant 0 : i32
      %dma_wait3A_448 = arith.constant 0 : i32
      %dma_wait3A_449 = tpu.memref_slice %arg16[%dma_wait3A_447, %dma_wait3A_448] : memref<10240x128xf32, #tpu.memory_space<vmem_shared>> -> memref<125x128xf32, #tpu.memory_space<vmem_shared>>
      tpu.wait_dma2 semaphore(%arg21 : memref<!tpu.dma_semaphore, #tpu.memory_space<semaphore_mem>>) src(%arg14 : memref<125x128xf32, #tpu.memory_space<vmem>>) dst(%dma_wait3A_449 : memref<125x128xf32, #tpu.memory_space<vmem_shared>>)
      %dma_start3A_450 = arith.constant 6 : i32
      %dma_start3A_451 = arith.constant 0 : i32
      %dma_start3A_452 = tpu.memref_slice %arg13[%dma_start3A_450, %dma_start3A_451] : memref<8x125xi32, #tpu.memory_space<vmem>> -> memref<1x125xi32, #tpu.memory_space<vmem>>
      %dma_start3A_453 = tpu.memref_squeeze %dma_start3A_452 : memref<1x125xi32, #tpu.memory_space<vmem>> -> memref<125xi32, #tpu.memory_space<vmem>>
      %dma_start3A_454 = arith.constant 0 : i32
      %dma_start3A_455 = arith.constant 0 : i32
      %dma_start3A_456 = tpu.memref_slice %arg2[%dma_start3A_454, %dma_start3A_455] : memref<10240x128xf32, #tpu.memory_space<hbm>> -> memref<10240x128xf32, #tpu.memory_space<hbm>>
      tpu.enqueue_indirect_dma source(%dma_start3A_456 : memref<10240x128xf32, #tpu.memory_space<hbm>>) target(%arg14 : memref<125x128xf32, #tpu.memory_space<vmem>>) offsets(%dma_start3A_453 : memref<125xi32, #tpu.memory_space<vmem>>) semaphore(%arg17 : memref<!tpu.dma_semaphore, #tpu.memory_space<semaphore_mem>>)
      %dma_wait3A_457 = arith.constant 5 : i32
      %dma_wait3A_458 = arith.constant 0 : i32
      %dma_wait3A_459 = tpu.memref_slice %arg13[%dma_wait3A_457, %dma_wait3A_458] : memref<8x125xi32, #tpu.memory_space<vmem>> -> memref<1x125xi32, #tpu.memory_space<vmem>>
      %dma_wait3A_460 = tpu.memref_squeeze %dma_wait3A_459 : memref<1x125xi32, #tpu.memory_space<vmem>> -> memref<125xi32, #tpu.memory_space<vmem>>
      %dma_wait3A_461 = arith.constant 0 : i32
      %dma_wait3A_462 = arith.constant 0 : i32
      %dma_wait3A_463 = tpu.memref_slice %arg2[%dma_wait3A_461, %dma_wait3A_462] : memref<10240x128xf32, #tpu.memory_space<hbm>> -> memref<10240x128xf32, #tpu.memory_space<hbm>>
      tpu.wait_indirect_dma semaphore(%arg18 : memref<!tpu.dma_semaphore, #tpu.memory_space<semaphore_mem>>) src(%dma_wait3A_463 : memref<10240x128xf32, #tpu.memory_space<hbm>>) dst(%arg15 : memref<125x128xf32, #tpu.memory_space<vmem>>)
      %dma_start3A_464 = arith.constant 5 : i32
      %dma_start3A_465 = arith.constant 0 : i32
      %dma_start3A_466 = tpu.memref_slice %arg12[%dma_start3A_464, %dma_start3A_465] : memref<8x125xi32, #tpu.memory_space<vmem>> -> memref<1x125xi32, #tpu.memory_space<vmem>>
      %dma_start3A_467 = tpu.memref_squeeze %dma_start3A_466 : memref<1x125xi32, #tpu.memory_space<vmem>> -> memref<125xi32, #tpu.memory_space<vmem>>
      %dma_start3A_468 = arith.constant 0 : i32
      %dma_start3A_469 = arith.constant 0 : i32
      %dma_start3A_470 = tpu.memref_slice %arg16[%dma_start3A_468, %dma_start3A_469] : memref<10240x128xf32, #tpu.memory_space<vmem_shared>> -> memref<10240x128xf32, #tpu.memory_space<vmem_shared>>
      tpu.enqueue_indirect_dma source(%arg15 : memref<125x128xf32, #tpu.memory_space<vmem>>) target(%dma_start3A_470 : memref<10240x128xf32, #tpu.memory_space<vmem_shared>>) offsets(%dma_start3A_467 : memref<125xi32, #tpu.memory_space<vmem>>) semaphore(%arg22 : memref<!tpu.dma_semaphore, #tpu.memory_space<semaphore_mem>>) {add = true}
      %run_scoped3A_471 = arith.constant 5 : i32
      "tpu.region"() ({
        %run_scoped3A_527 = tpu.sem_alloc : memref<!tpu.dma_semaphore, #tpu.memory_space<semaphore_mem>>
        %dma_start3A_528 = arith.constant 0 : i32
        %dma_start3A_529 = tpu.memref_slice %arg12[%run_scoped3A_471, %dma_start3A_528] : memref<8x125xi32, #tpu.memory_space<vmem>> -> memref<1x125xi32, #tpu.memory_space<vmem>>
        %dma_start3A_530 = tpu.memref_squeeze %dma_start3A_529 : memref<1x125xi32, #tpu.memory_space<vmem>> -> memref<125xi32, #tpu.memory_space<vmem>>
        %dma_start3A_531 = arith.constant 0 : i32
        %dma_start3A_532 = tpu.memref_slice %arg24[%dma_start3A_531] : memref<10240xf32, #tpu.memory_space<vmem_shared>> -> memref<10240xf32, #tpu.memory_space<vmem_shared>>
        tpu.enqueue_indirect_dma source(%arg23 : memref<125xf32, #tpu.memory_space<vmem>>) target(%dma_start3A_532 : memref<10240xf32, #tpu.memory_space<vmem_shared>>) offsets(%dma_start3A_530 : memref<125xi32, #tpu.memory_space<vmem>>) semaphore(%run_scoped3A_527 : memref<!tpu.dma_semaphore, #tpu.memory_space<semaphore_mem>>) {add = true}
        %dma_wait3A_533 = arith.constant 0 : i32
        %dma_wait3A_534 = tpu.memref_slice %arg12[%run_scoped3A_471, %dma_wait3A_533] : memref<8x125xi32, #tpu.memory_space<vmem>> -> memref<1x125xi32, #tpu.memory_space<vmem>>
        %dma_wait3A_535 = tpu.memref_squeeze %dma_wait3A_534 : memref<1x125xi32, #tpu.memory_space<vmem>> -> memref<125xi32, #tpu.memory_space<vmem>>
        %dma_wait3A_536 = arith.constant 0 : i32
        %dma_wait3A_537 = tpu.memref_slice %arg24[%dma_wait3A_536] : memref<10240xf32, #tpu.memory_space<vmem_shared>> -> memref<10240xf32, #tpu.memory_space<vmem_shared>>
        tpu.wait_indirect_dma semaphore(%run_scoped3A_527 : memref<!tpu.dma_semaphore, #tpu.memory_space<semaphore_mem>>) src(%arg23 : memref<125xf32, #tpu.memory_space<vmem>>) dst(%dma_wait3A_537 : memref<10240xf32, #tpu.memory_space<vmem_shared>>)
        tpu.yield
      }) : () -> ()
      %dma_wait3A_472 = arith.constant 0 : i32
      %dma_wait3A_473 = arith.constant 0 : i32
      %dma_wait3A_474 = tpu.memref_slice %arg16[%dma_wait3A_472, %dma_wait3A_473] : memref<10240x128xf32, #tpu.memory_space<vmem_shared>> -> memref<125x128xf32, #tpu.memory_space<vmem_shared>>
      %dma_wait3A_475 = arith.constant 0 : i32
      %dma_wait3A_476 = arith.constant 0 : i32
      %dma_wait3A_477 = tpu.memref_slice %arg16[%dma_wait3A_475, %dma_wait3A_476] : memref<10240x128xf32, #tpu.memory_space<vmem_shared>> -> memref<125x128xf32, #tpu.memory_space<vmem_shared>>
      tpu.wait_dma2 semaphore(%arg22 : memref<!tpu.dma_semaphore, #tpu.memory_space<semaphore_mem>>) src(%arg15 : memref<125x128xf32, #tpu.memory_space<vmem>>) dst(%dma_wait3A_477 : memref<125x128xf32, #tpu.memory_space<vmem_shared>>)
      %dma_start3A_478 = arith.constant 7 : i32
      %dma_start3A_479 = arith.constant 0 : i32
      %dma_start3A_480 = tpu.memref_slice %arg13[%dma_start3A_478, %dma_start3A_479] : memref<8x125xi32, #tpu.memory_space<vmem>> -> memref<1x125xi32, #tpu.memory_space<vmem>>
      %dma_start3A_481 = tpu.memref_squeeze %dma_start3A_480 : memref<1x125xi32, #tpu.memory_space<vmem>> -> memref<125xi32, #tpu.memory_space<vmem>>
      %dma_start3A_482 = arith.constant 0 : i32
      %dma_start3A_483 = arith.constant 0 : i32
      %dma_start3A_484 = tpu.memref_slice %arg2[%dma_start3A_482, %dma_start3A_483] : memref<10240x128xf32, #tpu.memory_space<hbm>> -> memref<10240x128xf32, #tpu.memory_space<hbm>>
      tpu.enqueue_indirect_dma source(%dma_start3A_484 : memref<10240x128xf32, #tpu.memory_space<hbm>>) target(%arg15 : memref<125x128xf32, #tpu.memory_space<vmem>>) offsets(%dma_start3A_481 : memref<125xi32, #tpu.memory_space<vmem>>) semaphore(%arg18 : memref<!tpu.dma_semaphore, #tpu.memory_space<semaphore_mem>>)
      %dma_wait3A_485 = arith.constant 6 : i32
      %dma_wait3A_486 = arith.constant 0 : i32
      %dma_wait3A_487 = tpu.memref_slice %arg13[%dma_wait3A_485, %dma_wait3A_486] : memref<8x125xi32, #tpu.memory_space<vmem>> -> memref<1x125xi32, #tpu.memory_space<vmem>>
      %dma_wait3A_488 = tpu.memref_squeeze %dma_wait3A_487 : memref<1x125xi32, #tpu.memory_space<vmem>> -> memref<125xi32, #tpu.memory_space<vmem>>
      %dma_wait3A_489 = arith.constant 0 : i32
      %dma_wait3A_490 = arith.constant 0 : i32
      %dma_wait3A_491 = tpu.memref_slice %arg2[%dma_wait3A_489, %dma_wait3A_490] : memref<10240x128xf32, #tpu.memory_space<hbm>> -> memref<10240x128xf32, #tpu.memory_space<hbm>>
      tpu.wait_indirect_dma semaphore(%arg17 : memref<!tpu.dma_semaphore, #tpu.memory_space<semaphore_mem>>) src(%dma_wait3A_491 : memref<10240x128xf32, #tpu.memory_space<hbm>>) dst(%arg14 : memref<125x128xf32, #tpu.memory_space<vmem>>)
      %dma_start3A_492 = arith.constant 6 : i32
      %dma_start3A_493 = arith.constant 0 : i32
      %dma_start3A_494 = tpu.memref_slice %arg12[%dma_start3A_492, %dma_start3A_493] : memref<8x125xi32, #tpu.memory_space<vmem>> -> memref<1x125xi32, #tpu.memory_space<vmem>>
      %dma_start3A_495 = tpu.memref_squeeze %dma_start3A_494 : memref<1x125xi32, #tpu.memory_space<vmem>> -> memref<125xi32, #tpu.memory_space<vmem>>
      %dma_start3A_496 = arith.constant 0 : i32
      %dma_start3A_497 = arith.constant 0 : i32
      %dma_start3A_498 = tpu.memref_slice %arg16[%dma_start3A_496, %dma_start3A_497] : memref<10240x128xf32, #tpu.memory_space<vmem_shared>> -> memref<10240x128xf32, #tpu.memory_space<vmem_shared>>
      tpu.enqueue_indirect_dma source(%arg14 : memref<125x128xf32, #tpu.memory_space<vmem>>) target(%dma_start3A_498 : memref<10240x128xf32, #tpu.memory_space<vmem_shared>>) offsets(%dma_start3A_495 : memref<125xi32, #tpu.memory_space<vmem>>) semaphore(%arg21 : memref<!tpu.dma_semaphore, #tpu.memory_space<semaphore_mem>>) {add = true}
      %run_scoped3A_499 = arith.constant 6 : i32
      "tpu.region"() ({
        %run_scoped3A_527 = tpu.sem_alloc : memref<!tpu.dma_semaphore, #tpu.memory_space<semaphore_mem>>
        %dma_start3A_528 = arith.constant 0 : i32
        %dma_start3A_529 = tpu.memref_slice %arg12[%run_scoped3A_499, %dma_start3A_528] : memref<8x125xi32, #tpu.memory_space<vmem>> -> memref<1x125xi32, #tpu.memory_space<vmem>>
        %dma_start3A_530 = tpu.memref_squeeze %dma_start3A_529 : memref<1x125xi32, #tpu.memory_space<vmem>> -> memref<125xi32, #tpu.memory_space<vmem>>
        %dma_start3A_531 = arith.constant 0 : i32
        %dma_start3A_532 = tpu.memref_slice %arg24[%dma_start3A_531] : memref<10240xf32, #tpu.memory_space<vmem_shared>> -> memref<10240xf32, #tpu.memory_space<vmem_shared>>
        tpu.enqueue_indirect_dma source(%arg23 : memref<125xf32, #tpu.memory_space<vmem>>) target(%dma_start3A_532 : memref<10240xf32, #tpu.memory_space<vmem_shared>>) offsets(%dma_start3A_530 : memref<125xi32, #tpu.memory_space<vmem>>) semaphore(%run_scoped3A_527 : memref<!tpu.dma_semaphore, #tpu.memory_space<semaphore_mem>>) {add = true}
        %dma_wait3A_533 = arith.constant 0 : i32
        %dma_wait3A_534 = tpu.memref_slice %arg12[%run_scoped3A_499, %dma_wait3A_533] : memref<8x125xi32, #tpu.memory_space<vmem>> -> memref<1x125xi32, #tpu.memory_space<vmem>>
        %dma_wait3A_535 = tpu.memref_squeeze %dma_wait3A_534 : memref<1x125xi32, #tpu.memory_space<vmem>> -> memref<125xi32, #tpu.memory_space<vmem>>
        %dma_wait3A_536 = arith.constant 0 : i32
        %dma_wait3A_537 = tpu.memref_slice %arg24[%dma_wait3A_536] : memref<10240xf32, #tpu.memory_space<vmem_shared>> -> memref<10240xf32, #tpu.memory_space<vmem_shared>>
        tpu.wait_indirect_dma semaphore(%run_scoped3A_527 : memref<!tpu.dma_semaphore, #tpu.memory_space<semaphore_mem>>) src(%arg23 : memref<125xf32, #tpu.memory_space<vmem>>) dst(%dma_wait3A_537 : memref<10240xf32, #tpu.memory_space<vmem_shared>>)
        tpu.yield
      }) : () -> ()
      %dma_wait3A_500 = arith.constant 7 : i32
      %dma_wait3A_501 = arith.constant 0 : i32
      %dma_wait3A_502 = tpu.memref_slice %arg13[%dma_wait3A_500, %dma_wait3A_501] : memref<8x125xi32, #tpu.memory_space<vmem>> -> memref<1x125xi32, #tpu.memory_space<vmem>>
      %dma_wait3A_503 = tpu.memref_squeeze %dma_wait3A_502 : memref<1x125xi32, #tpu.memory_space<vmem>> -> memref<125xi32, #tpu.memory_space<vmem>>
      %dma_wait3A_504 = arith.constant 0 : i32
      %dma_wait3A_505 = arith.constant 0 : i32
      %dma_wait3A_506 = tpu.memref_slice %arg2[%dma_wait3A_504, %dma_wait3A_505] : memref<10240x128xf32, #tpu.memory_space<hbm>> -> memref<10240x128xf32, #tpu.memory_space<hbm>>
      tpu.wait_indirect_dma semaphore(%arg18 : memref<!tpu.dma_semaphore, #tpu.memory_space<semaphore_mem>>) src(%dma_wait3A_506 : memref<10240x128xf32, #tpu.memory_space<hbm>>) dst(%arg15 : memref<125x128xf32, #tpu.memory_space<vmem>>)
      %dma_start3A_507 = arith.constant 7 : i32
      %dma_start3A_508 = arith.constant 0 : i32
      %dma_start3A_509 = tpu.memref_slice %arg12[%dma_start3A_507, %dma_start3A_508] : memref<8x125xi32, #tpu.memory_space<vmem>> -> memref<1x125xi32, #tpu.memory_space<vmem>>
      %dma_start3A_510 = tpu.memref_squeeze %dma_start3A_509 : memref<1x125xi32, #tpu.memory_space<vmem>> -> memref<125xi32, #tpu.memory_space<vmem>>
      %dma_start3A_511 = arith.constant 0 : i32
      %dma_start3A_512 = arith.constant 0 : i32
      %dma_start3A_513 = tpu.memref_slice %arg16[%dma_start3A_511, %dma_start3A_512] : memref<10240x128xf32, #tpu.memory_space<vmem_shared>> -> memref<10240x128xf32, #tpu.memory_space<vmem_shared>>
      tpu.enqueue_indirect_dma source(%arg15 : memref<125x128xf32, #tpu.memory_space<vmem>>) target(%dma_start3A_513 : memref<10240x128xf32, #tpu.memory_space<vmem_shared>>) offsets(%dma_start3A_510 : memref<125xi32, #tpu.memory_space<vmem>>) semaphore(%arg22 : memref<!tpu.dma_semaphore, #tpu.memory_space<semaphore_mem>>) {add = true}
      %run_scoped3A_514 = arith.constant 7 : i32
      "tpu.region"() ({
        %run_scoped3A_527 = tpu.sem_alloc : memref<!tpu.dma_semaphore, #tpu.memory_space<semaphore_mem>>
        %dma_start3A_528 = arith.constant 0 : i32
        %dma_start3A_529 = tpu.memref_slice %arg12[%run_scoped3A_514, %dma_start3A_528] : memref<8x125xi32, #tpu.memory_space<vmem>> -> memref<1x125xi32, #tpu.memory_space<vmem>>
        %dma_start3A_530 = tpu.memref_squeeze %dma_start3A_529 : memref<1x125xi32, #tpu.memory_space<vmem>> -> memref<125xi32, #tpu.memory_space<vmem>>
        %dma_start3A_531 = arith.constant 0 : i32
        %dma_start3A_532 = tpu.memref_slice %arg24[%dma_start3A_531] : memref<10240xf32, #tpu.memory_space<vmem_shared>> -> memref<10240xf32, #tpu.memory_space<vmem_shared>>
        tpu.enqueue_indirect_dma source(%arg23 : memref<125xf32, #tpu.memory_space<vmem>>) target(%dma_start3A_532 : memref<10240xf32, #tpu.memory_space<vmem_shared>>) offsets(%dma_start3A_530 : memref<125xi32, #tpu.memory_space<vmem>>) semaphore(%run_scoped3A_527 : memref<!tpu.dma_semaphore, #tpu.memory_space<semaphore_mem>>) {add = true}
        %dma_wait3A_533 = arith.constant 0 : i32
        %dma_wait3A_534 = tpu.memref_slice %arg12[%run_scoped3A_514, %dma_wait3A_533] : memref<8x125xi32, #tpu.memory_space<vmem>> -> memref<1x125xi32, #tpu.memory_space<vmem>>
        %dma_wait3A_535 = tpu.memref_squeeze %dma_wait3A_534 : memref<1x125xi32, #tpu.memory_space<vmem>> -> memref<125xi32, #tpu.memory_space<vmem>>
        %dma_wait3A_536 = arith.constant 0 : i32
        %dma_wait3A_537 = tpu.memref_slice %arg24[%dma_wait3A_536] : memref<10240xf32, #tpu.memory_space<vmem_shared>> -> memref<10240xf32, #tpu.memory_space<vmem_shared>>
        tpu.wait_indirect_dma semaphore(%run_scoped3A_527 : memref<!tpu.dma_semaphore, #tpu.memory_space<semaphore_mem>>) src(%arg23 : memref<125xf32, #tpu.memory_space<vmem>>) dst(%dma_wait3A_537 : memref<10240xf32, #tpu.memory_space<vmem_shared>>)
        tpu.yield
      }) : () -> ()
      %dma_wait3A_515 = arith.constant 0 : i32
      %dma_wait3A_516 = arith.constant 0 : i32
      %dma_wait3A_517 = tpu.memref_slice %arg16[%dma_wait3A_515, %dma_wait3A_516] : memref<10240x128xf32, #tpu.memory_space<vmem_shared>> -> memref<125x128xf32, #tpu.memory_space<vmem_shared>>
      %dma_wait3A_518 = arith.constant 0 : i32
      %dma_wait3A_519 = arith.constant 0 : i32
      %dma_wait3A_520 = tpu.memref_slice %arg16[%dma_wait3A_518, %dma_wait3A_519] : memref<10240x128xf32, #tpu.memory_space<vmem_shared>> -> memref<125x128xf32, #tpu.memory_space<vmem_shared>>
      tpu.wait_dma2 semaphore(%arg21 : memref<!tpu.dma_semaphore, #tpu.memory_space<semaphore_mem>>) src(%arg14 : memref<125x128xf32, #tpu.memory_space<vmem>>) dst(%dma_wait3A_520 : memref<125x128xf32, #tpu.memory_space<vmem_shared>>)
      %dma_wait3A_521 = arith.constant 0 : i32
      %dma_wait3A_522 = arith.constant 0 : i32
      %dma_wait3A_523 = tpu.memref_slice %arg16[%dma_wait3A_521, %dma_wait3A_522] : memref<10240x128xf32, #tpu.memory_space<vmem_shared>> -> memref<125x128xf32, #tpu.memory_space<vmem_shared>>
      %dma_wait3A_524 = arith.constant 0 : i32
      %dma_wait3A_525 = arith.constant 0 : i32
      %dma_wait3A_526 = tpu.memref_slice %arg16[%dma_wait3A_524, %dma_wait3A_525] : memref<10240x128xf32, #tpu.memory_space<vmem_shared>> -> memref<125x128xf32, #tpu.memory_space<vmem_shared>>
      tpu.wait_dma2 semaphore(%arg22 : memref<!tpu.dma_semaphore, #tpu.memory_space<semaphore_mem>>) src(%arg15 : memref<125x128xf32, #tpu.memory_space<vmem>>) dst(%dma_wait3A_526 : memref<125x128xf32, #tpu.memory_space<vmem_shared>>)
    }
    %scan3A_20 = arith.constant 5 : i32
    %barrier3A_21 = arith.constant 0 : index
    tpu.barrier barrier_id(%barrier3A_21)
    "tpu.region"() ({
      %run_scoped3A_26 = tpu.sem_alloc : memref<!tpu.dma_semaphore, #tpu.memory_space<semaphore_mem>>
      %dma_start3A_27 = arith.constant 0 : i32
      %dma_start3A_28 = tpu.memref_slice %arg8[%arg0, %mul3A_2, %dma_start3A_27] : memref<2x10240x128xf32, #tpu.memory_space<hbm>> -> memref<1x640x128xf32, #tpu.memory_space<hbm>>
      %dma_start3A_29 = tpu.memref_squeeze %dma_start3A_28 : memref<1x640x128xf32, #tpu.memory_space<hbm>> -> memref<640x128xf32, #tpu.memory_space<hbm>>
      %dma_start3A_30 = arith.constant 0 : i32
      %dma_start3A_31 = tpu.memref_slice %arg16[%mul3A_2, %dma_start3A_30] : memref<10240x128xf32, #tpu.memory_space<vmem_shared>> -> memref<640x128xf32, #tpu.memory_space<vmem_shared>>
      tpu.enqueue_dma source(%dma_start3A_31 : memref<640x128xf32, #tpu.memory_space<vmem_shared>>) target(%dma_start3A_29 : memref<640x128xf32, #tpu.memory_space<hbm>>) target_semaphore(%run_scoped3A_26 : memref<!tpu.dma_semaphore, #tpu.memory_space<semaphore_mem>>)
      %dma_wait3A = arith.constant 0 : i32
      %dma_wait3A_32 = tpu.memref_slice %arg8[%arg0, %mul3A_2, %dma_wait3A] : memref<2x10240x128xf32, #tpu.memory_space<hbm>> -> memref<1x640x128xf32, #tpu.memory_space<hbm>>
      %dma_wait3A_33 = tpu.memref_squeeze %dma_wait3A_32 : memref<1x640x128xf32, #tpu.memory_space<hbm>> -> memref<640x128xf32, #tpu.memory_space<hbm>>
      %dma_wait3A_34 = arith.constant 0 : i32
      %dma_wait3A_35 = tpu.memref_slice %arg16[%mul3A_2, %dma_wait3A_34] : memref<10240x128xf32, #tpu.memory_space<vmem_shared>> -> memref<640x128xf32, #tpu.memory_space<vmem_shared>>
      tpu.wait_dma2 semaphore(%run_scoped3A_26 : memref<!tpu.dma_semaphore, #tpu.memory_space<semaphore_mem>>) src(%dma_wait3A_35 : memref<640x128xf32, #tpu.memory_space<vmem_shared>>) dst(%dma_wait3A_33 : memref<640x128xf32, #tpu.memory_space<hbm>>)
      tpu.yield
    }) : () -> ()
    %mul3A_22 = arith.constant 640 : i32
    %mul3A_23 = arith.muli %arg1, %mul3A_22 : i32
    %mul3A_24 = arith.constant 640 : i32
    %mul3A_25 = arith.muli %arg1, %mul3A_24 : i32
    %run_scoped3A = arith.constant 0 : i32
    "tpu.region"() ({
      %run_scoped3A_26 = tpu.sem_alloc : memref<!tpu.dma_semaphore, #tpu.memory_space<semaphore_mem>>
      %dma_start3A_27 = tpu.memref_slice %arg9[%arg0, %run_scoped3A, %mul3A_25] : memref<2x1x10240xf32, #tpu.memory_space<hbm>> -> memref<1x1x640xf32, #tpu.memory_space<hbm>>
      %dma_start3A_28 = tpu.memref_squeeze %dma_start3A_27 : memref<1x1x640xf32, #tpu.memory_space<hbm>> -> memref<640xf32, #tpu.memory_space<hbm>>
      %dma_start3A_29 = tpu.memref_slice %arg24[%mul3A_23] : memref<10240xf32, #tpu.memory_space<vmem_shared>> -> memref<640xf32, #tpu.memory_space<vmem_shared>>
      tpu.enqueue_dma source(%dma_start3A_29 : memref<640xf32, #tpu.memory_space<vmem_shared>>) target(%dma_start3A_28 : memref<640xf32, #tpu.memory_space<hbm>>) target_semaphore(%run_scoped3A_26 : memref<!tpu.dma_semaphore, #tpu.memory_space<semaphore_mem>>)
      %dma_wait3A = tpu.memref_slice %arg9[%arg0, %run_scoped3A, %mul3A_25] : memref<2x1x10240xf32, #tpu.memory_space<hbm>> -> memref<1x1x640xf32, #tpu.memory_space<hbm>>
      %dma_wait3A_30 = tpu.memref_squeeze %dma_wait3A : memref<1x1x640xf32, #tpu.memory_space<hbm>> -> memref<640xf32, #tpu.memory_space<hbm>>
      %dma_wait3A_31 = tpu.memref_slice %arg24[%mul3A_23] : memref<10240xf32, #tpu.memory_space<vmem_shared>> -> memref<640xf32, #tpu.memory_space<vmem_shared>>
      tpu.wait_dma2 semaphore(%run_scoped3A_26 : memref<!tpu.dma_semaphore, #tpu.memory_space<semaphore_mem>>) src(%dma_wait3A_31 : memref<640xf32, #tpu.memory_space<vmem_shared>>) dst(%dma_wait3A_30 : memref<640xf32, #tpu.memory_space<hbm>>)
      tpu.yield
    }) : () -> ()
    return
  }
}

#map = affine_map<(d0, d1) -> (0, 0)>
#map1 = affine_map<(d0, d1) -> (0)>
#map2 = affine_map<(d0, d1) -> (0, 0, 0)>
module attributes {stable_mosaic.version = 14 : i64} {
  func.func @body(%arg0: i32, %arg1: i32, %arg2: memref<10240x128xf32, #tpu.memory_space<hbm>>, %arg3: memref<10240xf32, #tpu.memory_space<hbm>>, %arg4: memref<32x80x125xi32, #tpu.memory_space<hbm>>, %arg5: memref<32x80x125xi32, #tpu.memory_space<hbm>>, %arg6: memref<640x128xf32, #tpu.memory_space<hbm>>, %arg7: memref<640xf32, #tpu.memory_space<hbm>>, %arg8: memref<2x10240x128xf32, #tpu.memory_space<hbm>>, %arg9: memref<2x1x10240xf32, #tpu.memory_space<hbm>>, %arg10: memref<8x125xi32, #tpu.memory_space<vmem>>, %arg11: memref<8x125xi32, #tpu.memory_space<vmem>>, %arg12: memref<8x125xi32, #tpu.memory_space<vmem>>, %arg13: memref<8x125xi32, #tpu.memory_space<vmem>>, %arg14: memref<125x128xf32, #tpu.memory_space<vmem>>, %arg15: memref<125x128xf32, #tpu.memory_space<vmem>>, %arg16: memref<10240x128xf32, #tpu.memory_space<vmem_shared>>, %arg17: memref<!tpu.dma_semaphore, #tpu.memory_space<semaphore_mem>>, %arg18: memref<!tpu.dma_semaphore, #tpu.memory_space<semaphore_mem>>, %arg19: memref<!tpu.dma_semaphore, #tpu.memory_space<semaphore_mem>>, %arg20: memref<!tpu.dma_semaphore, #tpu.memory_space<semaphore_mem>>, %arg21: memref<!tpu.dma_semaphore, #tpu.memory_space<semaphore_mem>>, %arg22: memref<!tpu.dma_semaphore, #tpu.memory_space<semaphore_mem>>, %arg23: memref<125xf32, #tpu.memory_space<vmem>>, %arg24: memref<10240xf32, #tpu.memory_space<vmem_shared>>, %arg25: memref<10240xf32, #tpu.memory_space<vmem_shared>>) attributes {dimension_semantics = [#tpu.dimension_semantics<core_parallel>, #tpu.dimension_semantics<subcore_parallel>], iteration_bounds = array<i64: 2, 16>, scalar_prefetch = 0 : i64, scratch_operands = 16 : i64, tpu.core_type = #tpu.core_type<sc_vector_subcore>, window_params = [{transform_indices = #map}, {transform_indices = #map1}, {transform_indices = #map2}, {transform_indices = #map2}, {transform_indices = #map}, {transform_indices = #map1}, {transform_indices = #map2}, {transform_indices = #map2}]} {
    %mul3A = arith.constant 16 : i32
    %mul3A_0 = arith.muli %arg0, %mul3A : i32
    %add3A = arith.addi %mul3A_0, %arg1 : i32
    %mul3A_1 = arith.constant 640 : i32
    %mul3A_2 = arith.muli %arg1, %mul3A_1 : i32
    %multiple_of3A = arith.constant 0 : i32
    %multiple_of3A_3 = tpu.assume_multiple %multiple_of3A, 8 : i32
    %dma_start3A = arith.constant 0 : i32
    %dma_start3A_4 = tpu.memref_slice %arg5[%add3A, %multiple_of3A_3, %dma_start3A] : memref<32x80x125xi32, #tpu.memory_space<hbm>> -> memref<1x8x125xi32, #tpu.memory_space<hbm>>
    %dma_start3A_5 = tpu.memref_squeeze %dma_start3A_4 : memref<1x8x125xi32, #tpu.memory_space<hbm>> -> memref<8x125xi32, #tpu.memory_space<hbm>>
    %dma_start3A_6 = arith.constant 0 : i32
    %dma_start3A_7 = tpu.memref_slice %arg5[%add3A, %multiple_of3A_3, %dma_start3A_6] : memref<32x80x125xi32, #tpu.memory_space<hbm>> -> memref<1x8x125xi32, #tpu.memory_space<hbm>>
    %dma_start3A_8 = tpu.memref_squeeze %dma_start3A_7 : memref<1x8x125xi32, #tpu.memory_space<hbm>> -> memref<8x125xi32, #tpu.memory_space<hbm>>
    tpu.enqueue_dma source(%dma_start3A_8 : memref<8x125xi32, #tpu.memory_space<hbm>>) target(%arg10 : memref<8x125xi32, #tpu.memory_space<vmem>>) target_semaphore(%arg19 : memref<!tpu.dma_semaphore, #tpu.memory_space<semaphore_mem>>)
    %dma_start3A_9 = arith.constant 0 : i32
    %dma_start3A_10 = tpu.memref_slice %arg4[%add3A, %multiple_of3A_3, %dma_start3A_9] : memref<32x80x125xi32, #tpu.memory_space<hbm>> -> memref<1x8x125xi32, #tpu.memory_space<hbm>>
    %dma_start3A_11 = tpu.memref_squeeze %dma_start3A_10 : memref<1x8x125xi32, #tpu.memory_space<hbm>> -> memref<8x125xi32, #tpu.memory_space<hbm>>
    %dma_start3A_12 = arith.constant 0 : i32
    %dma_start3A_13 = tpu.memref_slice %arg4[%add3A, %multiple_of3A_3, %dma_start3A_12] : memref<32x80x125xi32, #tpu.memory_space<hbm>> -> memref<1x8x125xi32, #tpu.memory_space<hbm>>
    %dma_start3A_14 = tpu.memref_squeeze %dma_start3A_13 : memref<1x8x125xi32, #tpu.memory_space<hbm>> -> memref<8x125xi32, #tpu.memory_space<hbm>>
    tpu.enqueue_dma source(%dma_start3A_14 : memref<8x125xi32, #tpu.memory_space<hbm>>) target(%arg11 : memref<8x125xi32, #tpu.memory_space<vmem>>) target_semaphore(%arg19 : memref<!tpu.dma_semaphore, #tpu.memory_space<semaphore_mem>>)
    "tpu.region"() ({
      %run_scoped3A_30 = tpu.sem_alloc : memref<!tpu.dma_semaphore, #tpu.memory_space<semaphore_mem>>
      %dma_start3A_31 = arith.constant 0 : i32
      %dma_start3A_32 = tpu.memref_slice %arg16[%mul3A_2, %dma_start3A_31] : memref<10240x128xf32, #tpu.memory_space<vmem_shared>> -> memref<640x128xf32, #tpu.memory_space<vmem_shared>>
      tpu.enqueue_dma source(%arg6 : memref<640x128xf32, #tpu.memory_space<hbm>>) target(%dma_start3A_32 : memref<640x128xf32, #tpu.memory_space<vmem_shared>>) target_semaphore(%run_scoped3A_30 : memref<!tpu.dma_semaphore, #tpu.memory_space<semaphore_mem>>)
      %dma_wait3A = arith.constant 0 : i32
      %dma_wait3A_33 = tpu.memref_slice %arg16[%mul3A_2, %dma_wait3A] : memref<10240x128xf32, #tpu.memory_space<vmem_shared>> -> memref<640x128xf32, #tpu.memory_space<vmem_shared>>
      tpu.wait_dma2 semaphore(%run_scoped3A_30 : memref<!tpu.dma_semaphore, #tpu.memory_space<semaphore_mem>>) src(%arg6 : memref<640x128xf32, #tpu.memory_space<hbm>>) dst(%dma_wait3A_33 : memref<640x128xf32, #tpu.memory_space<vmem_shared>>)
      tpu.yield
    }) : () -> ()
    %mul3A_15 = arith.constant 640 : i32
    %mul3A_16 = arith.muli %arg1, %mul3A_15 : i32
    "tpu.region"() ({
      %run_scoped3A_30 = tpu.sem_alloc : memref<!tpu.dma_semaphore, #tpu.memory_space<semaphore_mem>>
      %dma_start3A_31 = tpu.memref_slice %arg24[%mul3A_16] : memref<10240xf32, #tpu.memory_space<vmem_shared>> -> memref<640xf32, #tpu.memory_space<vmem_shared>>
      tpu.enqueue_dma source(%arg7 : memref<640xf32, #tpu.memory_space<hbm>>) target(%dma_start3A_31 : memref<640xf32, #tpu.memory_space<vmem_shared>>) target_semaphore(%run_scoped3A_30 : memref<!tpu.dma_semaphore, #tpu.memory_space<semaphore_mem>>)
      %dma_wait3A = tpu.memref_slice %arg24[%mul3A_16] : memref<10240xf32, #tpu.memory_space<vmem_shared>> -> memref<640xf32, #tpu.memory_space<vmem_shared>>
      tpu.wait_dma2 semaphore(%run_scoped3A_30 : memref<!tpu.dma_semaphore, #tpu.memory_space<semaphore_mem>>) src(%arg7 : memref<640xf32, #tpu.memory_space<hbm>>) dst(%dma_wait3A : memref<640xf32, #tpu.memory_space<vmem_shared>>)
      tpu.yield
    }) : () -> ()
    %mul3A_17 = arith.constant 640 : i32
    %mul3A_18 = arith.muli %arg1, %mul3A_17 : i32
    %mul3A_19 = arith.constant 640 : i32
    %mul3A_20 = arith.muli %arg1, %mul3A_19 : i32
    "tpu.region"() ({
      %run_scoped3A_30 = tpu.sem_alloc : memref<!tpu.dma_semaphore, #tpu.memory_space<semaphore_mem>>
      %dma_start3A_31 = tpu.memref_slice %arg25[%mul3A_20] : memref<10240xf32, #tpu.memory_space<vmem_shared>> -> memref<640xf32, #tpu.memory_space<vmem_shared>>
      %dma_start3A_32 = tpu.memref_slice %arg3[%mul3A_18] : memref<10240xf32, #tpu.memory_space<hbm>> -> memref<640xf32, #tpu.memory_space<hbm>>
      tpu.enqueue_dma source(%dma_start3A_32 : memref<640xf32, #tpu.memory_space<hbm>>) target(%dma_start3A_31 : memref<640xf32, #tpu.memory_space<vmem_shared>>) target_semaphore(%run_scoped3A_30 : memref<!tpu.dma_semaphore, #tpu.memory_space<semaphore_mem>>)
      %dma_wait3A = tpu.memref_slice %arg25[%mul3A_20] : memref<10240xf32, #tpu.memory_space<vmem_shared>> -> memref<640xf32, #tpu.memory_space<vmem_shared>>
      %dma_wait3A_33 = tpu.memref_slice %arg3[%mul3A_18] : memref<10240xf32, #tpu.memory_space<hbm>> -> memref<640xf32, #tpu.memory_space<hbm>>
      tpu.wait_dma2 semaphore(%run_scoped3A_30 : memref<!tpu.dma_semaphore, #tpu.memory_space<semaphore_mem>>) src(%dma_wait3A_33 : memref<640xf32, #tpu.memory_space<hbm>>) dst(%dma_wait3A : memref<640xf32, #tpu.memory_space<vmem_shared>>)
      tpu.yield
    }) : () -> ()
    %barrier3A = arith.constant 0 : index
    tpu.barrier barrier_id(%barrier3A)
    %scan3A = arith.constant 0 : i32
    %scan3A_21 = arith.constant 5 : i32
    %scan3A_22 = arith.addi %scan3A, %scan3A_21 : i32
    %scan3A_23 = arith.constant 1 : i32
    scf.for %scan3A_30 = %scan3A to %scan3A_22 step %scan3A_23  : i32 {
      %mul3A_31 = arith.constant 1 : i32
      %mul3A_32 = arith.muli %scan3A_30, %mul3A_31 : i32
      %add3A_33 = arith.constant 0 : i32
      %add3A_34 = arith.addi %add3A_33, %mul3A_32 : i32
      %mul3A_35 = arith.constant 2 : i32
      %mul3A_36 = arith.muli %add3A_34, %mul3A_35 : i32
      %add3A_37 = arith.constant 0 : i32
      %add3A_38 = arith.addi %mul3A_36, %add3A_37 : i32
      %mul3A_39 = arith.constant 8 : i32
      %mul3A_40 = arith.muli %add3A_38, %mul3A_39 : i32
      %multiple_of3A_41 = tpu.assume_multiple %mul3A_40, 8 : i32
      %dma_wait3A = arith.constant 0 : i32
      %dma_wait3A_42 = tpu.memref_slice %arg5[%add3A, %multiple_of3A_41, %dma_wait3A] : memref<32x80x125xi32, #tpu.memory_space<hbm>> -> memref<1x8x125xi32, #tpu.memory_space<hbm>>
      %dma_wait3A_43 = tpu.memref_squeeze %dma_wait3A_42 : memref<1x8x125xi32, #tpu.memory_space<hbm>> -> memref<8x125xi32, #tpu.memory_space<hbm>>
      %dma_wait3A_44 = arith.constant 0 : i32
      %dma_wait3A_45 = tpu.memref_slice %arg5[%add3A, %multiple_of3A_41, %dma_wait3A_44] : memref<32x80x125xi32, #tpu.memory_space<hbm>> -> memref<1x8x125xi32, #tpu.memory_space<hbm>>
      %dma_wait3A_46 = tpu.memref_squeeze %dma_wait3A_45 : memref<1x8x125xi32, #tpu.memory_space<hbm>> -> memref<8x125xi32, #tpu.memory_space<hbm>>
      tpu.wait_dma2 semaphore(%arg19 : memref<!tpu.dma_semaphore, #tpu.memory_space<semaphore_mem>>) src(%dma_wait3A_46 : memref<8x125xi32, #tpu.memory_space<hbm>>) dst(%arg10 : memref<8x125xi32, #tpu.memory_space<vmem>>)
      %dma_wait3A_47 = arith.constant 0 : i32
      %dma_wait3A_48 = tpu.memref_slice %arg4[%add3A, %multiple_of3A_41, %dma_wait3A_47] : memref<32x80x125xi32, #tpu.memory_space<hbm>> -> memref<1x8x125xi32, #tpu.memory_space<hbm>>
      %dma_wait3A_49 = tpu.memref_squeeze %dma_wait3A_48 : memref<1x8x125xi32, #tpu.memory_space<hbm>> -> memref<8x125xi32, #tpu.memory_space<hbm>>
      %dma_wait3A_50 = arith.constant 0 : i32
      %dma_wait3A_51 = tpu.memref_slice %arg4[%add3A, %multiple_of3A_41, %dma_wait3A_50] : memref<32x80x125xi32, #tpu.memory_space<hbm>> -> memref<1x8x125xi32, #tpu.memory_space<hbm>>
      %dma_wait3A_52 = tpu.memref_squeeze %dma_wait3A_51 : memref<1x8x125xi32, #tpu.memory_space<hbm>> -> memref<8x125xi32, #tpu.memory_space<hbm>>
      tpu.wait_dma2 semaphore(%arg19 : memref<!tpu.dma_semaphore, #tpu.memory_space<semaphore_mem>>) src(%dma_wait3A_52 : memref<8x125xi32, #tpu.memory_space<hbm>>) dst(%arg11 : memref<8x125xi32, #tpu.memory_space<vmem>>)
      %add3A_53 = arith.constant 1 : i32
      %add3A_54 = arith.addi %add3A_38, %add3A_53 : i32
      %lt3A = arith.constant 10 : i32
      %lt3A_55 = arith.cmpi slt, %add3A_54, %lt3A : i32
      %convert_element_type3A = arith.extui %lt3A_55 : i1 to i32
      %cond3A = arith.constant 0 : i32
      %cond3A_56 = arith.cmpi ne, %convert_element_type3A, %cond3A : i32
      scf.if %cond3A_56 {
        %add3A_547 = arith.constant 1 : i32
        %add3A_548 = arith.addi %add3A_38, %add3A_547 : i32
        %mul3A_549 = arith.constant 8 : i32
        %mul3A_550 = arith.muli %add3A_548, %mul3A_549 : i32
        %multiple_of3A_551 = tpu.assume_multiple %mul3A_550, 8 : i32
        %dma_start3A_552 = arith.constant 0 : i32
        %dma_start3A_553 = tpu.memref_slice %arg5[%add3A, %multiple_of3A_551, %dma_start3A_552] : memref<32x80x125xi32, #tpu.memory_space<hbm>> -> memref<1x8x125xi32, #tpu.memory_space<hbm>>
        %dma_start3A_554 = tpu.memref_squeeze %dma_start3A_553 : memref<1x8x125xi32, #tpu.memory_space<hbm>> -> memref<8x125xi32, #tpu.memory_space<hbm>>
        %dma_start3A_555 = arith.constant 0 : i32
        %dma_start3A_556 = tpu.memref_slice %arg5[%add3A, %multiple_of3A_551, %dma_start3A_555] : memref<32x80x125xi32, #tpu.memory_space<hbm>> -> memref<1x8x125xi32, #tpu.memory_space<hbm>>
        %dma_start3A_557 = tpu.memref_squeeze %dma_start3A_556 : memref<1x8x125xi32, #tpu.memory_space<hbm>> -> memref<8x125xi32, #tpu.memory_space<hbm>>
        tpu.enqueue_dma source(%dma_start3A_557 : memref<8x125xi32, #tpu.memory_space<hbm>>) target(%arg12 : memref<8x125xi32, #tpu.memory_space<vmem>>) target_semaphore(%arg20 : memref<!tpu.dma_semaphore, #tpu.memory_space<semaphore_mem>>)
        %dma_start3A_558 = arith.constant 0 : i32
        %dma_start3A_559 = tpu.memref_slice %arg4[%add3A, %multiple_of3A_551, %dma_start3A_558] : memref<32x80x125xi32, #tpu.memory_space<hbm>> -> memref<1x8x125xi32, #tpu.memory_space<hbm>>
        %dma_start3A_560 = tpu.memref_squeeze %dma_start3A_559 : memref<1x8x125xi32, #tpu.memory_space<hbm>> -> memref<8x125xi32, #tpu.memory_space<hbm>>
        %dma_start3A_561 = arith.constant 0 : i32
        %dma_start3A_562 = tpu.memref_slice %arg4[%add3A, %multiple_of3A_551, %dma_start3A_561] : memref<32x80x125xi32, #tpu.memory_space<hbm>> -> memref<1x8x125xi32, #tpu.memory_space<hbm>>
        %dma_start3A_563 = tpu.memref_squeeze %dma_start3A_562 : memref<1x8x125xi32, #tpu.memory_space<hbm>> -> memref<8x125xi32, #tpu.memory_space<hbm>>
        tpu.enqueue_dma source(%dma_start3A_563 : memref<8x125xi32, #tpu.memory_space<hbm>>) target(%arg13 : memref<8x125xi32, #tpu.memory_space<vmem>>) target_semaphore(%arg20 : memref<!tpu.dma_semaphore, #tpu.memory_space<semaphore_mem>>)
      } else {
      }
      %dma_start3A_57 = arith.constant 0 : i32
      %dma_start3A_58 = arith.constant 0 : i32
      %dma_start3A_59 = tpu.memref_slice %arg11[%dma_start3A_57, %dma_start3A_58] : memref<8x125xi32, #tpu.memory_space<vmem>> -> memref<1x125xi32, #tpu.memory_space<vmem>>
      %dma_start3A_60 = tpu.memref_squeeze %dma_start3A_59 : memref<1x125xi32, #tpu.memory_space<vmem>> -> memref<125xi32, #tpu.memory_space<vmem>>
      %dma_start3A_61 = arith.constant 0 : i32
      %dma_start3A_62 = arith.constant 0 : i32
      %dma_start3A_63 = tpu.memref_slice %arg2[%dma_start3A_61, %dma_start3A_62] : memref<10240x128xf32, #tpu.memory_space<hbm>> -> memref<10240x128xf32, #tpu.memory_space<hbm>>
      tpu.enqueue_indirect_dma source(%dma_start3A_63 : memref<10240x128xf32, #tpu.memory_space<hbm>>) target(%arg14 : memref<125x128xf32, #tpu.memory_space<vmem>>) offsets(%dma_start3A_60 : memref<125xi32, #tpu.memory_space<vmem>>) semaphore(%arg17 : memref<!tpu.dma_semaphore, #tpu.memory_space<semaphore_mem>>)
      %dma_start3A_64 = arith.constant 1 : i32
      %dma_start3A_65 = arith.constant 0 : i32
      %dma_start3A_66 = tpu.memref_slice %arg11[%dma_start3A_64, %dma_start3A_65] : memref<8x125xi32, #tpu.memory_space<vmem>> -> memref<1x125xi32, #tpu.memory_space<vmem>>
      %dma_start3A_67 = tpu.memref_squeeze %dma_start3A_66 : memref<1x125xi32, #tpu.memory_space<vmem>> -> memref<125xi32, #tpu.memory_space<vmem>>
      %dma_start3A_68 = arith.constant 0 : i32
      %dma_start3A_69 = arith.constant 0 : i32
      %dma_start3A_70 = tpu.memref_slice %arg2[%dma_start3A_68, %dma_start3A_69] : memref<10240x128xf32, #tpu.memory_space<hbm>> -> memref<10240x128xf32, #tpu.memory_space<hbm>>
      tpu.enqueue_indirect_dma source(%dma_start3A_70 : memref<10240x128xf32, #tpu.memory_space<hbm>>) target(%arg15 : memref<125x128xf32, #tpu.memory_space<vmem>>) offsets(%dma_start3A_67 : memref<125xi32, #tpu.memory_space<vmem>>) semaphore(%arg18 : memref<!tpu.dma_semaphore, #tpu.memory_space<semaphore_mem>>)
      %dma_wait3A_71 = arith.constant 0 : i32
      %dma_wait3A_72 = arith.constant 0 : i32
      %dma_wait3A_73 = tpu.memref_slice %arg11[%dma_wait3A_71, %dma_wait3A_72] : memref<8x125xi32, #tpu.memory_space<vmem>> -> memref<1x125xi32, #tpu.memory_space<vmem>>
      %dma_wait3A_74 = tpu.memref_squeeze %dma_wait3A_73 : memref<1x125xi32, #tpu.memory_space<vmem>> -> memref<125xi32, #tpu.memory_space<vmem>>
      %dma_wait3A_75 = arith.constant 0 : i32
      %dma_wait3A_76 = arith.constant 0 : i32
      %dma_wait3A_77 = tpu.memref_slice %arg2[%dma_wait3A_75, %dma_wait3A_76] : memref<10240x128xf32, #tpu.memory_space<hbm>> -> memref<10240x128xf32, #tpu.memory_space<hbm>>
      tpu.wait_indirect_dma semaphore(%arg17 : memref<!tpu.dma_semaphore, #tpu.memory_space<semaphore_mem>>) src(%dma_wait3A_77 : memref<10240x128xf32, #tpu.memory_space<hbm>>) dst(%arg14 : memref<125x128xf32, #tpu.memory_space<vmem>>)
      %dma_start3A_78 = arith.constant 0 : i32
      %dma_start3A_79 = arith.constant 0 : i32
      %dma_start3A_80 = tpu.memref_slice %arg10[%dma_start3A_78, %dma_start3A_79] : memref<8x125xi32, #tpu.memory_space<vmem>> -> memref<1x125xi32, #tpu.memory_space<vmem>>
      %dma_start3A_81 = tpu.memref_squeeze %dma_start3A_80 : memref<1x125xi32, #tpu.memory_space<vmem>> -> memref<125xi32, #tpu.memory_space<vmem>>
      %dma_start3A_82 = arith.constant 0 : i32
      %dma_start3A_83 = arith.constant 0 : i32
      %dma_start3A_84 = tpu.memref_slice %arg16[%dma_start3A_82, %dma_start3A_83] : memref<10240x128xf32, #tpu.memory_space<vmem_shared>> -> memref<10240x128xf32, #tpu.memory_space<vmem_shared>>
      tpu.enqueue_indirect_dma source(%arg14 : memref<125x128xf32, #tpu.memory_space<vmem>>) target(%dma_start3A_84 : memref<10240x128xf32, #tpu.memory_space<vmem_shared>>) offsets(%dma_start3A_81 : memref<125xi32, #tpu.memory_space<vmem>>) semaphore(%arg21 : memref<!tpu.dma_semaphore, #tpu.memory_space<semaphore_mem>>) {add = true}
      %run_scoped3A_85 = arith.constant 0 : i32
      "tpu.region"() ({
        %run_scoped3A_547 = tpu.sem_alloc : memref<!tpu.dma_semaphore, #tpu.memory_space<semaphore_mem>>
        %dma_start3A_548 = arith.constant 0 : i32
        %dma_start3A_549 = tpu.memref_slice %arg10[%run_scoped3A_85, %dma_start3A_548] : memref<8x125xi32, #tpu.memory_space<vmem>> -> memref<1x125xi32, #tpu.memory_space<vmem>>
        %dma_start3A_550 = tpu.memref_squeeze %dma_start3A_549 : memref<1x125xi32, #tpu.memory_space<vmem>> -> memref<125xi32, #tpu.memory_space<vmem>>
        %dma_start3A_551 = arith.constant 0 : i32
        %dma_start3A_552 = tpu.memref_slice %arg25[%dma_start3A_551] : memref<10240xf32, #tpu.memory_space<vmem_shared>> -> memref<10240xf32, #tpu.memory_space<vmem_shared>>
        tpu.enqueue_indirect_dma source(%dma_start3A_552 : memref<10240xf32, #tpu.memory_space<vmem_shared>>) target(%arg23 : memref<125xf32, #tpu.memory_space<vmem>>) offsets(%dma_start3A_550 : memref<125xi32, #tpu.memory_space<vmem>>) semaphore(%run_scoped3A_547 : memref<!tpu.dma_semaphore, #tpu.memory_space<semaphore_mem>>)
        %dma_wait3A_553 = arith.constant 0 : i32
        %dma_wait3A_554 = tpu.memref_slice %arg10[%run_scoped3A_85, %dma_wait3A_553] : memref<8x125xi32, #tpu.memory_space<vmem>> -> memref<1x125xi32, #tpu.memory_space<vmem>>
        %dma_wait3A_555 = tpu.memref_squeeze %dma_wait3A_554 : memref<1x125xi32, #tpu.memory_space<vmem>> -> memref<125xi32, #tpu.memory_space<vmem>>
        %dma_wait3A_556 = arith.constant 0 : i32
        %dma_wait3A_557 = tpu.memref_slice %arg25[%dma_wait3A_556] : memref<10240xf32, #tpu.memory_space<vmem_shared>> -> memref<10240xf32, #tpu.memory_space<vmem_shared>>
        tpu.wait_indirect_dma semaphore(%run_scoped3A_547 : memref<!tpu.dma_semaphore, #tpu.memory_space<semaphore_mem>>) src(%dma_wait3A_557 : memref<10240xf32, #tpu.memory_space<vmem_shared>>) dst(%arg23 : memref<125xf32, #tpu.memory_space<vmem>>)
        tpu.yield
      }) : () -> ()
      %run_scoped3A_86 = arith.constant 0 : i32
      "tpu.region"() ({
        %run_scoped3A_547 = tpu.sem_alloc : memref<!tpu.dma_semaphore, #tpu.memory_space<semaphore_mem>>
        %dma_start3A_548 = arith.constant 0 : i32
        %dma_start3A_549 = tpu.memref_slice %arg11[%run_scoped3A_86, %dma_start3A_548] : memref<8x125xi32, #tpu.memory_space<vmem>> -> memref<1x125xi32, #tpu.memory_space<vmem>>
        %dma_start3A_550 = tpu.memref_squeeze %dma_start3A_549 : memref<1x125xi32, #tpu.memory_space<vmem>> -> memref<125xi32, #tpu.memory_space<vmem>>
        %dma_start3A_551 = arith.constant 0 : i32
        %dma_start3A_552 = tpu.memref_slice %arg24[%dma_start3A_551] : memref<10240xf32, #tpu.memory_space<vmem_shared>> -> memref<10240xf32, #tpu.memory_space<vmem_shared>>
        tpu.enqueue_indirect_dma source(%arg23 : memref<125xf32, #tpu.memory_space<vmem>>) target(%dma_start3A_552 : memref<10240xf32, #tpu.memory_space<vmem_shared>>) offsets(%dma_start3A_550 : memref<125xi32, #tpu.memory_space<vmem>>) semaphore(%run_scoped3A_547 : memref<!tpu.dma_semaphore, #tpu.memory_space<semaphore_mem>>) {add = true}
        %dma_wait3A_553 = arith.constant 0 : i32
        %dma_wait3A_554 = tpu.memref_slice %arg11[%run_scoped3A_86, %dma_wait3A_553] : memref<8x125xi32, #tpu.memory_space<vmem>> -> memref<1x125xi32, #tpu.memory_space<vmem>>
        %dma_wait3A_555 = tpu.memref_squeeze %dma_wait3A_554 : memref<1x125xi32, #tpu.memory_space<vmem>> -> memref<125xi32, #tpu.memory_space<vmem>>
        %dma_wait3A_556 = arith.constant 0 : i32
        %dma_wait3A_557 = tpu.memref_slice %arg24[%dma_wait3A_556] : memref<10240xf32, #tpu.memory_space<vmem_shared>> -> memref<10240xf32, #tpu.memory_space<vmem_shared>>
        tpu.wait_indirect_dma semaphore(%run_scoped3A_547 : memref<!tpu.dma_semaphore, #tpu.memory_space<semaphore_mem>>) src(%arg23 : memref<125xf32, #tpu.memory_space<vmem>>) dst(%dma_wait3A_557 : memref<10240xf32, #tpu.memory_space<vmem_shared>>)
        tpu.yield
      }) : () -> ()
      %dma_wait3A_87 = arith.constant 0 : i32
      %dma_wait3A_88 = arith.constant 0 : i32
      %dma_wait3A_89 = tpu.memref_slice %arg16[%dma_wait3A_87, %dma_wait3A_88] : memref<10240x128xf32, #tpu.memory_space<vmem_shared>> -> memref<125x128xf32, #tpu.memory_space<vmem_shared>>
      %dma_wait3A_90 = arith.constant 0 : i32
      %dma_wait3A_91 = arith.constant 0 : i32
      %dma_wait3A_92 = tpu.memref_slice %arg16[%dma_wait3A_90, %dma_wait3A_91] : memref<10240x128xf32, #tpu.memory_space<vmem_shared>> -> memref<125x128xf32, #tpu.memory_space<vmem_shared>>
      tpu.wait_dma2 semaphore(%arg21 : memref<!tpu.dma_semaphore, #tpu.memory_space<semaphore_mem>>) src(%arg14 : memref<125x128xf32, #tpu.memory_space<vmem>>) dst(%dma_wait3A_92 : memref<125x128xf32, #tpu.memory_space<vmem_shared>>)
      %dma_start3A_93 = arith.constant 2 : i32
      %dma_start3A_94 = arith.constant 0 : i32
      %dma_start3A_95 = tpu.memref_slice %arg11[%dma_start3A_93, %dma_start3A_94] : memref<8x125xi32, #tpu.memory_space<vmem>> -> memref<1x125xi32, #tpu.memory_space<vmem>>
      %dma_start3A_96 = tpu.memref_squeeze %dma_start3A_95 : memref<1x125xi32, #tpu.memory_space<vmem>> -> memref<125xi32, #tpu.memory_space<vmem>>
      %dma_start3A_97 = arith.constant 0 : i32
      %dma_start3A_98 = arith.constant 0 : i32
      %dma_start3A_99 = tpu.memref_slice %arg2[%dma_start3A_97, %dma_start3A_98] : memref<10240x128xf32, #tpu.memory_space<hbm>> -> memref<10240x128xf32, #tpu.memory_space<hbm>>
      tpu.enqueue_indirect_dma source(%dma_start3A_99 : memref<10240x128xf32, #tpu.memory_space<hbm>>) target(%arg14 : memref<125x128xf32, #tpu.memory_space<vmem>>) offsets(%dma_start3A_96 : memref<125xi32, #tpu.memory_space<vmem>>) semaphore(%arg17 : memref<!tpu.dma_semaphore, #tpu.memory_space<semaphore_mem>>)
      %dma_wait3A_100 = arith.constant 1 : i32
      %dma_wait3A_101 = arith.constant 0 : i32
      %dma_wait3A_102 = tpu.memref_slice %arg11[%dma_wait3A_100, %dma_wait3A_101] : memref<8x125xi32, #tpu.memory_space<vmem>> -> memref<1x125xi32, #tpu.memory_space<vmem>>
      %dma_wait3A_103 = tpu.memref_squeeze %dma_wait3A_102 : memref<1x125xi32, #tpu.memory_space<vmem>> -> memref<125xi32, #tpu.memory_space<vmem>>
      %dma_wait3A_104 = arith.constant 0 : i32
      %dma_wait3A_105 = arith.constant 0 : i32
      %dma_wait3A_106 = tpu.memref_slice %arg2[%dma_wait3A_104, %dma_wait3A_105] : memref<10240x128xf32, #tpu.memory_space<hbm>> -> memref<10240x128xf32, #tpu.memory_space<hbm>>
      tpu.wait_indirect_dma semaphore(%arg18 : memref<!tpu.dma_semaphore, #tpu.memory_space<semaphore_mem>>) src(%dma_wait3A_106 : memref<10240x128xf32, #tpu.memory_space<hbm>>) dst(%arg15 : memref<125x128xf32, #tpu.memory_space<vmem>>)
      %dma_start3A_107 = arith.constant 1 : i32
      %dma_start3A_108 = arith.constant 0 : i32
      %dma_start3A_109 = tpu.memref_slice %arg10[%dma_start3A_107, %dma_start3A_108] : memref<8x125xi32, #tpu.memory_space<vmem>> -> memref<1x125xi32, #tpu.memory_space<vmem>>
      %dma_start3A_110 = tpu.memref_squeeze %dma_start3A_109 : memref<1x125xi32, #tpu.memory_space<vmem>> -> memref<125xi32, #tpu.memory_space<vmem>>
      %dma_start3A_111 = arith.constant 0 : i32
      %dma_start3A_112 = arith.constant 0 : i32
      %dma_start3A_113 = tpu.memref_slice %arg16[%dma_start3A_111, %dma_start3A_112] : memref<10240x128xf32, #tpu.memory_space<vmem_shared>> -> memref<10240x128xf32, #tpu.memory_space<vmem_shared>>
      tpu.enqueue_indirect_dma source(%arg15 : memref<125x128xf32, #tpu.memory_space<vmem>>) target(%dma_start3A_113 : memref<10240x128xf32, #tpu.memory_space<vmem_shared>>) offsets(%dma_start3A_110 : memref<125xi32, #tpu.memory_space<vmem>>) semaphore(%arg22 : memref<!tpu.dma_semaphore, #tpu.memory_space<semaphore_mem>>) {add = true}
      %run_scoped3A_114 = arith.constant 1 : i32
      "tpu.region"() ({
        %run_scoped3A_547 = tpu.sem_alloc : memref<!tpu.dma_semaphore, #tpu.memory_space<semaphore_mem>>
        %dma_start3A_548 = arith.constant 0 : i32
        %dma_start3A_549 = tpu.memref_slice %arg10[%run_scoped3A_114, %dma_start3A_548] : memref<8x125xi32, #tpu.memory_space<vmem>> -> memref<1x125xi32, #tpu.memory_space<vmem>>
        %dma_start3A_550 = tpu.memref_squeeze %dma_start3A_549 : memref<1x125xi32, #tpu.memory_space<vmem>> -> memref<125xi32, #tpu.memory_space<vmem>>
        %dma_start3A_551 = arith.constant 0 : i32
        %dma_start3A_552 = tpu.memref_slice %arg25[%dma_start3A_551] : memref<10240xf32, #tpu.memory_space<vmem_shared>> -> memref<10240xf32, #tpu.memory_space<vmem_shared>>
        tpu.enqueue_indirect_dma source(%dma_start3A_552 : memref<10240xf32, #tpu.memory_space<vmem_shared>>) target(%arg23 : memref<125xf32, #tpu.memory_space<vmem>>) offsets(%dma_start3A_550 : memref<125xi32, #tpu.memory_space<vmem>>) semaphore(%run_scoped3A_547 : memref<!tpu.dma_semaphore, #tpu.memory_space<semaphore_mem>>)
        %dma_wait3A_553 = arith.constant 0 : i32
        %dma_wait3A_554 = tpu.memref_slice %arg10[%run_scoped3A_114, %dma_wait3A_553] : memref<8x125xi32, #tpu.memory_space<vmem>> -> memref<1x125xi32, #tpu.memory_space<vmem>>
        %dma_wait3A_555 = tpu.memref_squeeze %dma_wait3A_554 : memref<1x125xi32, #tpu.memory_space<vmem>> -> memref<125xi32, #tpu.memory_space<vmem>>
        %dma_wait3A_556 = arith.constant 0 : i32
        %dma_wait3A_557 = tpu.memref_slice %arg25[%dma_wait3A_556] : memref<10240xf32, #tpu.memory_space<vmem_shared>> -> memref<10240xf32, #tpu.memory_space<vmem_shared>>
        tpu.wait_indirect_dma semaphore(%run_scoped3A_547 : memref<!tpu.dma_semaphore, #tpu.memory_space<semaphore_mem>>) src(%dma_wait3A_557 : memref<10240xf32, #tpu.memory_space<vmem_shared>>) dst(%arg23 : memref<125xf32, #tpu.memory_space<vmem>>)
        tpu.yield
      }) : () -> ()
      %run_scoped3A_115 = arith.constant 1 : i32
      "tpu.region"() ({
        %run_scoped3A_547 = tpu.sem_alloc : memref<!tpu.dma_semaphore, #tpu.memory_space<semaphore_mem>>
        %dma_start3A_548 = arith.constant 0 : i32
        %dma_start3A_549 = tpu.memref_slice %arg11[%run_scoped3A_115, %dma_start3A_548] : memref<8x125xi32, #tpu.memory_space<vmem>> -> memref<1x125xi32, #tpu.memory_space<vmem>>
        %dma_start3A_550 = tpu.memref_squeeze %dma_start3A_549 : memref<1x125xi32, #tpu.memory_space<vmem>> -> memref<125xi32, #tpu.memory_space<vmem>>
        %dma_start3A_551 = arith.constant 0 : i32
        %dma_start3A_552 = tpu.memref_slice %arg24[%dma_start3A_551] : memref<10240xf32, #tpu.memory_space<vmem_shared>> -> memref<10240xf32, #tpu.memory_space<vmem_shared>>
        tpu.enqueue_indirect_dma source(%arg23 : memref<125xf32, #tpu.memory_space<vmem>>) target(%dma_start3A_552 : memref<10240xf32, #tpu.memory_space<vmem_shared>>) offsets(%dma_start3A_550 : memref<125xi32, #tpu.memory_space<vmem>>) semaphore(%run_scoped3A_547 : memref<!tpu.dma_semaphore, #tpu.memory_space<semaphore_mem>>) {add = true}
        %dma_wait3A_553 = arith.constant 0 : i32
        %dma_wait3A_554 = tpu.memref_slice %arg11[%run_scoped3A_115, %dma_wait3A_553] : memref<8x125xi32, #tpu.memory_space<vmem>> -> memref<1x125xi32, #tpu.memory_space<vmem>>
        %dma_wait3A_555 = tpu.memref_squeeze %dma_wait3A_554 : memref<1x125xi32, #tpu.memory_space<vmem>> -> memref<125xi32, #tpu.memory_space<vmem>>
        %dma_wait3A_556 = arith.constant 0 : i32
        %dma_wait3A_557 = tpu.memref_slice %arg24[%dma_wait3A_556] : memref<10240xf32, #tpu.memory_space<vmem_shared>> -> memref<10240xf32, #tpu.memory_space<vmem_shared>>
        tpu.wait_indirect_dma semaphore(%run_scoped3A_547 : memref<!tpu.dma_semaphore, #tpu.memory_space<semaphore_mem>>) src(%arg23 : memref<125xf32, #tpu.memory_space<vmem>>) dst(%dma_wait3A_557 : memref<10240xf32, #tpu.memory_space<vmem_shared>>)
        tpu.yield
      }) : () -> ()
      %dma_wait3A_116 = arith.constant 0 : i32
      %dma_wait3A_117 = arith.constant 0 : i32
      %dma_wait3A_118 = tpu.memref_slice %arg16[%dma_wait3A_116, %dma_wait3A_117] : memref<10240x128xf32, #tpu.memory_space<vmem_shared>> -> memref<125x128xf32, #tpu.memory_space<vmem_shared>>
      %dma_wait3A_119 = arith.constant 0 : i32
      %dma_wait3A_120 = arith.constant 0 : i32
      %dma_wait3A_121 = tpu.memref_slice %arg16[%dma_wait3A_119, %dma_wait3A_120] : memref<10240x128xf32, #tpu.memory_space<vmem_shared>> -> memref<125x128xf32, #tpu.memory_space<vmem_shared>>
      tpu.wait_dma2 semaphore(%arg22 : memref<!tpu.dma_semaphore, #tpu.memory_space<semaphore_mem>>) src(%arg15 : memref<125x128xf32, #tpu.memory_space<vmem>>) dst(%dma_wait3A_121 : memref<125x128xf32, #tpu.memory_space<vmem_shared>>)
      %dma_start3A_122 = arith.constant 3 : i32
      %dma_start3A_123 = arith.constant 0 : i32
      %dma_start3A_124 = tpu.memref_slice %arg11[%dma_start3A_122, %dma_start3A_123] : memref<8x125xi32, #tpu.memory_space<vmem>> -> memref<1x125xi32, #tpu.memory_space<vmem>>
      %dma_start3A_125 = tpu.memref_squeeze %dma_start3A_124 : memref<1x125xi32, #tpu.memory_space<vmem>> -> memref<125xi32, #tpu.memory_space<vmem>>
      %dma_start3A_126 = arith.constant 0 : i32
      %dma_start3A_127 = arith.constant 0 : i32
      %dma_start3A_128 = tpu.memref_slice %arg2[%dma_start3A_126, %dma_start3A_127] : memref<10240x128xf32, #tpu.memory_space<hbm>> -> memref<10240x128xf32, #tpu.memory_space<hbm>>
      tpu.enqueue_indirect_dma source(%dma_start3A_128 : memref<10240x128xf32, #tpu.memory_space<hbm>>) target(%arg15 : memref<125x128xf32, #tpu.memory_space<vmem>>) offsets(%dma_start3A_125 : memref<125xi32, #tpu.memory_space<vmem>>) semaphore(%arg18 : memref<!tpu.dma_semaphore, #tpu.memory_space<semaphore_mem>>)
      %dma_wait3A_129 = arith.constant 2 : i32
      %dma_wait3A_130 = arith.constant 0 : i32
      %dma_wait3A_131 = tpu.memref_slice %arg11[%dma_wait3A_129, %dma_wait3A_130] : memref<8x125xi32, #tpu.memory_space<vmem>> -> memref<1x125xi32, #tpu.memory_space<vmem>>
      %dma_wait3A_132 = tpu.memref_squeeze %dma_wait3A_131 : memref<1x125xi32, #tpu.memory_space<vmem>> -> memref<125xi32, #tpu.memory_space<vmem>>
      %dma_wait3A_133 = arith.constant 0 : i32
      %dma_wait3A_134 = arith.constant 0 : i32
      %dma_wait3A_135 = tpu.memref_slice %arg2[%dma_wait3A_133, %dma_wait3A_134] : memref<10240x128xf32, #tpu.memory_space<hbm>> -> memref<10240x128xf32, #tpu.memory_space<hbm>>
      tpu.wait_indirect_dma semaphore(%arg17 : memref<!tpu.dma_semaphore, #tpu.memory_space<semaphore_mem>>) src(%dma_wait3A_135 : memref<10240x128xf32, #tpu.memory_space<hbm>>) dst(%arg14 : memref<125x128xf32, #tpu.memory_space<vmem>>)
      %dma_start3A_136 = arith.constant 2 : i32
      %dma_start3A_137 = arith.constant 0 : i32
      %dma_start3A_138 = tpu.memref_slice %arg10[%dma_start3A_136, %dma_start3A_137] : memref<8x125xi32, #tpu.memory_space<vmem>> -> memref<1x125xi32, #tpu.memory_space<vmem>>
      %dma_start3A_139 = tpu.memref_squeeze %dma_start3A_138 : memref<1x125xi32, #tpu.memory_space<vmem>> -> memref<125xi32, #tpu.memory_space<vmem>>
      %dma_start3A_140 = arith.constant 0 : i32
      %dma_start3A_141 = arith.constant 0 : i32
      %dma_start3A_142 = tpu.memref_slice %arg16[%dma_start3A_140, %dma_start3A_141] : memref<10240x128xf32, #tpu.memory_space<vmem_shared>> -> memref<10240x128xf32, #tpu.memory_space<vmem_shared>>
      tpu.enqueue_indirect_dma source(%arg14 : memref<125x128xf32, #tpu.memory_space<vmem>>) target(%dma_start3A_142 : memref<10240x128xf32, #tpu.memory_space<vmem_shared>>) offsets(%dma_start3A_139 : memref<125xi32, #tpu.memory_space<vmem>>) semaphore(%arg21 : memref<!tpu.dma_semaphore, #tpu.memory_space<semaphore_mem>>) {add = true}
      %run_scoped3A_143 = arith.constant 2 : i32
      "tpu.region"() ({
        %run_scoped3A_547 = tpu.sem_alloc : memref<!tpu.dma_semaphore, #tpu.memory_space<semaphore_mem>>
        %dma_start3A_548 = arith.constant 0 : i32
        %dma_start3A_549 = tpu.memref_slice %arg10[%run_scoped3A_143, %dma_start3A_548] : memref<8x125xi32, #tpu.memory_space<vmem>> -> memref<1x125xi32, #tpu.memory_space<vmem>>
        %dma_start3A_550 = tpu.memref_squeeze %dma_start3A_549 : memref<1x125xi32, #tpu.memory_space<vmem>> -> memref<125xi32, #tpu.memory_space<vmem>>
        %dma_start3A_551 = arith.constant 0 : i32
        %dma_start3A_552 = tpu.memref_slice %arg25[%dma_start3A_551] : memref<10240xf32, #tpu.memory_space<vmem_shared>> -> memref<10240xf32, #tpu.memory_space<vmem_shared>>
        tpu.enqueue_indirect_dma source(%dma_start3A_552 : memref<10240xf32, #tpu.memory_space<vmem_shared>>) target(%arg23 : memref<125xf32, #tpu.memory_space<vmem>>) offsets(%dma_start3A_550 : memref<125xi32, #tpu.memory_space<vmem>>) semaphore(%run_scoped3A_547 : memref<!tpu.dma_semaphore, #tpu.memory_space<semaphore_mem>>)
        %dma_wait3A_553 = arith.constant 0 : i32
        %dma_wait3A_554 = tpu.memref_slice %arg10[%run_scoped3A_143, %dma_wait3A_553] : memref<8x125xi32, #tpu.memory_space<vmem>> -> memref<1x125xi32, #tpu.memory_space<vmem>>
        %dma_wait3A_555 = tpu.memref_squeeze %dma_wait3A_554 : memref<1x125xi32, #tpu.memory_space<vmem>> -> memref<125xi32, #tpu.memory_space<vmem>>
        %dma_wait3A_556 = arith.constant 0 : i32
        %dma_wait3A_557 = tpu.memref_slice %arg25[%dma_wait3A_556] : memref<10240xf32, #tpu.memory_space<vmem_shared>> -> memref<10240xf32, #tpu.memory_space<vmem_shared>>
        tpu.wait_indirect_dma semaphore(%run_scoped3A_547 : memref<!tpu.dma_semaphore, #tpu.memory_space<semaphore_mem>>) src(%dma_wait3A_557 : memref<10240xf32, #tpu.memory_space<vmem_shared>>) dst(%arg23 : memref<125xf32, #tpu.memory_space<vmem>>)
        tpu.yield
      }) : () -> ()
      %run_scoped3A_144 = arith.constant 2 : i32
      "tpu.region"() ({
        %run_scoped3A_547 = tpu.sem_alloc : memref<!tpu.dma_semaphore, #tpu.memory_space<semaphore_mem>>
        %dma_start3A_548 = arith.constant 0 : i32
        %dma_start3A_549 = tpu.memref_slice %arg11[%run_scoped3A_144, %dma_start3A_548] : memref<8x125xi32, #tpu.memory_space<vmem>> -> memref<1x125xi32, #tpu.memory_space<vmem>>
        %dma_start3A_550 = tpu.memref_squeeze %dma_start3A_549 : memref<1x125xi32, #tpu.memory_space<vmem>> -> memref<125xi32, #tpu.memory_space<vmem>>
        %dma_start3A_551 = arith.constant 0 : i32
        %dma_start3A_552 = tpu.memref_slice %arg24[%dma_start3A_551] : memref<10240xf32, #tpu.memory_space<vmem_shared>> -> memref<10240xf32, #tpu.memory_space<vmem_shared>>
        tpu.enqueue_indirect_dma source(%arg23 : memref<125xf32, #tpu.memory_space<vmem>>) target(%dma_start3A_552 : memref<10240xf32, #tpu.memory_space<vmem_shared>>) offsets(%dma_start3A_550 : memref<125xi32, #tpu.memory_space<vmem>>) semaphore(%run_scoped3A_547 : memref<!tpu.dma_semaphore, #tpu.memory_space<semaphore_mem>>) {add = true}
        %dma_wait3A_553 = arith.constant 0 : i32
        %dma_wait3A_554 = tpu.memref_slice %arg11[%run_scoped3A_144, %dma_wait3A_553] : memref<8x125xi32, #tpu.memory_space<vmem>> -> memref<1x125xi32, #tpu.memory_space<vmem>>
        %dma_wait3A_555 = tpu.memref_squeeze %dma_wait3A_554 : memref<1x125xi32, #tpu.memory_space<vmem>> -> memref<125xi32, #tpu.memory_space<vmem>>
        %dma_wait3A_556 = arith.constant 0 : i32
        %dma_wait3A_557 = tpu.memref_slice %arg24[%dma_wait3A_556] : memref<10240xf32, #tpu.memory_space<vmem_shared>> -> memref<10240xf32, #tpu.memory_space<vmem_shared>>
        tpu.wait_indirect_dma semaphore(%run_scoped3A_547 : memref<!tpu.dma_semaphore, #tpu.memory_space<semaphore_mem>>) src(%arg23 : memref<125xf32, #tpu.memory_space<vmem>>) dst(%dma_wait3A_557 : memref<10240xf32, #tpu.memory_space<vmem_shared>>)
        tpu.yield
      }) : () -> ()
      %dma_wait3A_145 = arith.constant 0 : i32
      %dma_wait3A_146 = arith.constant 0 : i32
      %dma_wait3A_147 = tpu.memref_slice %arg16[%dma_wait3A_145, %dma_wait3A_146] : memref<10240x128xf32, #tpu.memory_space<vmem_shared>> -> memref<125x128xf32, #tpu.memory_space<vmem_shared>>
      %dma_wait3A_148 = arith.constant 0 : i32
      %dma_wait3A_149 = arith.constant 0 : i32
      %dma_wait3A_150 = tpu.memref_slice %arg16[%dma_wait3A_148, %dma_wait3A_149] : memref<10240x128xf32, #tpu.memory_space<vmem_shared>> -> memref<125x128xf32, #tpu.memory_space<vmem_shared>>
      tpu.wait_dma2 semaphore(%arg21 : memref<!tpu.dma_semaphore, #tpu.memory_space<semaphore_mem>>) src(%arg14 : memref<125x128xf32, #tpu.memory_space<vmem>>) dst(%dma_wait3A_150 : memref<125x128xf32, #tpu.memory_space<vmem_shared>>)
      %dma_start3A_151 = arith.constant 4 : i32
      %dma_start3A_152 = arith.constant 0 : i32
      %dma_start3A_153 = tpu.memref_slice %arg11[%dma_start3A_151, %dma_start3A_152] : memref<8x125xi32, #tpu.memory_space<vmem>> -> memref<1x125xi32, #tpu.memory_space<vmem>>
      %dma_start3A_154 = tpu.memref_squeeze %dma_start3A_153 : memref<1x125xi32, #tpu.memory_space<vmem>> -> memref<125xi32, #tpu.memory_space<vmem>>
      %dma_start3A_155 = arith.constant 0 : i32
      %dma_start3A_156 = arith.constant 0 : i32
      %dma_start3A_157 = tpu.memref_slice %arg2[%dma_start3A_155, %dma_start3A_156] : memref<10240x128xf32, #tpu.memory_space<hbm>> -> memref<10240x128xf32, #tpu.memory_space<hbm>>
      tpu.enqueue_indirect_dma source(%dma_start3A_157 : memref<10240x128xf32, #tpu.memory_space<hbm>>) target(%arg14 : memref<125x128xf32, #tpu.memory_space<vmem>>) offsets(%dma_start3A_154 : memref<125xi32, #tpu.memory_space<vmem>>) semaphore(%arg17 : memref<!tpu.dma_semaphore, #tpu.memory_space<semaphore_mem>>)
      %dma_wait3A_158 = arith.constant 3 : i32
      %dma_wait3A_159 = arith.constant 0 : i32
      %dma_wait3A_160 = tpu.memref_slice %arg11[%dma_wait3A_158, %dma_wait3A_159] : memref<8x125xi32, #tpu.memory_space<vmem>> -> memref<1x125xi32, #tpu.memory_space<vmem>>
      %dma_wait3A_161 = tpu.memref_squeeze %dma_wait3A_160 : memref<1x125xi32, #tpu.memory_space<vmem>> -> memref<125xi32, #tpu.memory_space<vmem>>
      %dma_wait3A_162 = arith.constant 0 : i32
      %dma_wait3A_163 = arith.constant 0 : i32
      %dma_wait3A_164 = tpu.memref_slice %arg2[%dma_wait3A_162, %dma_wait3A_163] : memref<10240x128xf32, #tpu.memory_space<hbm>> -> memref<10240x128xf32, #tpu.memory_space<hbm>>
      tpu.wait_indirect_dma semaphore(%arg18 : memref<!tpu.dma_semaphore, #tpu.memory_space<semaphore_mem>>) src(%dma_wait3A_164 : memref<10240x128xf32, #tpu.memory_space<hbm>>) dst(%arg15 : memref<125x128xf32, #tpu.memory_space<vmem>>)
      %dma_start3A_165 = arith.constant 3 : i32
      %dma_start3A_166 = arith.constant 0 : i32
      %dma_start3A_167 = tpu.memref_slice %arg10[%dma_start3A_165, %dma_start3A_166] : memref<8x125xi32, #tpu.memory_space<vmem>> -> memref<1x125xi32, #tpu.memory_space<vmem>>
      %dma_start3A_168 = tpu.memref_squeeze %dma_start3A_167 : memref<1x125xi32, #tpu.memory_space<vmem>> -> memref<125xi32, #tpu.memory_space<vmem>>
      %dma_start3A_169 = arith.constant 0 : i32
      %dma_start3A_170 = arith.constant 0 : i32
      %dma_start3A_171 = tpu.memref_slice %arg16[%dma_start3A_169, %dma_start3A_170] : memref<10240x128xf32, #tpu.memory_space<vmem_shared>> -> memref<10240x128xf32, #tpu.memory_space<vmem_shared>>
      tpu.enqueue_indirect_dma source(%arg15 : memref<125x128xf32, #tpu.memory_space<vmem>>) target(%dma_start3A_171 : memref<10240x128xf32, #tpu.memory_space<vmem_shared>>) offsets(%dma_start3A_168 : memref<125xi32, #tpu.memory_space<vmem>>) semaphore(%arg22 : memref<!tpu.dma_semaphore, #tpu.memory_space<semaphore_mem>>) {add = true}
      %run_scoped3A_172 = arith.constant 3 : i32
      "tpu.region"() ({
        %run_scoped3A_547 = tpu.sem_alloc : memref<!tpu.dma_semaphore, #tpu.memory_space<semaphore_mem>>
        %dma_start3A_548 = arith.constant 0 : i32
        %dma_start3A_549 = tpu.memref_slice %arg10[%run_scoped3A_172, %dma_start3A_548] : memref<8x125xi32, #tpu.memory_space<vmem>> -> memref<1x125xi32, #tpu.memory_space<vmem>>
        %dma_start3A_550 = tpu.memref_squeeze %dma_start3A_549 : memref<1x125xi32, #tpu.memory_space<vmem>> -> memref<125xi32, #tpu.memory_space<vmem>>
        %dma_start3A_551 = arith.constant 0 : i32
        %dma_start3A_552 = tpu.memref_slice %arg25[%dma_start3A_551] : memref<10240xf32, #tpu.memory_space<vmem_shared>> -> memref<10240xf32, #tpu.memory_space<vmem_shared>>
        tpu.enqueue_indirect_dma source(%dma_start3A_552 : memref<10240xf32, #tpu.memory_space<vmem_shared>>) target(%arg23 : memref<125xf32, #tpu.memory_space<vmem>>) offsets(%dma_start3A_550 : memref<125xi32, #tpu.memory_space<vmem>>) semaphore(%run_scoped3A_547 : memref<!tpu.dma_semaphore, #tpu.memory_space<semaphore_mem>>)
        %dma_wait3A_553 = arith.constant 0 : i32
        %dma_wait3A_554 = tpu.memref_slice %arg10[%run_scoped3A_172, %dma_wait3A_553] : memref<8x125xi32, #tpu.memory_space<vmem>> -> memref<1x125xi32, #tpu.memory_space<vmem>>
        %dma_wait3A_555 = tpu.memref_squeeze %dma_wait3A_554 : memref<1x125xi32, #tpu.memory_space<vmem>> -> memref<125xi32, #tpu.memory_space<vmem>>
        %dma_wait3A_556 = arith.constant 0 : i32
        %dma_wait3A_557 = tpu.memref_slice %arg25[%dma_wait3A_556] : memref<10240xf32, #tpu.memory_space<vmem_shared>> -> memref<10240xf32, #tpu.memory_space<vmem_shared>>
        tpu.wait_indirect_dma semaphore(%run_scoped3A_547 : memref<!tpu.dma_semaphore, #tpu.memory_space<semaphore_mem>>) src(%dma_wait3A_557 : memref<10240xf32, #tpu.memory_space<vmem_shared>>) dst(%arg23 : memref<125xf32, #tpu.memory_space<vmem>>)
        tpu.yield
      }) : () -> ()
      %run_scoped3A_173 = arith.constant 3 : i32
      "tpu.region"() ({
        %run_scoped3A_547 = tpu.sem_alloc : memref<!tpu.dma_semaphore, #tpu.memory_space<semaphore_mem>>
        %dma_start3A_548 = arith.constant 0 : i32
        %dma_start3A_549 = tpu.memref_slice %arg11[%run_scoped3A_173, %dma_start3A_548] : memref<8x125xi32, #tpu.memory_space<vmem>> -> memref<1x125xi32, #tpu.memory_space<vmem>>
        %dma_start3A_550 = tpu.memref_squeeze %dma_start3A_549 : memref<1x125xi32, #tpu.memory_space<vmem>> -> memref<125xi32, #tpu.memory_space<vmem>>
        %dma_start3A_551 = arith.constant 0 : i32
        %dma_start3A_552 = tpu.memref_slice %arg24[%dma_start3A_551] : memref<10240xf32, #tpu.memory_space<vmem_shared>> -> memref<10240xf32, #tpu.memory_space<vmem_shared>>
        tpu.enqueue_indirect_dma source(%arg23 : memref<125xf32, #tpu.memory_space<vmem>>) target(%dma_start3A_552 : memref<10240xf32, #tpu.memory_space<vmem_shared>>) offsets(%dma_start3A_550 : memref<125xi32, #tpu.memory_space<vmem>>) semaphore(%run_scoped3A_547 : memref<!tpu.dma_semaphore, #tpu.memory_space<semaphore_mem>>) {add = true}
        %dma_wait3A_553 = arith.constant 0 : i32
        %dma_wait3A_554 = tpu.memref_slice %arg11[%run_scoped3A_173, %dma_wait3A_553] : memref<8x125xi32, #tpu.memory_space<vmem>> -> memref<1x125xi32, #tpu.memory_space<vmem>>
        %dma_wait3A_555 = tpu.memref_squeeze %dma_wait3A_554 : memref<1x125xi32, #tpu.memory_space<vmem>> -> memref<125xi32, #tpu.memory_space<vmem>>
        %dma_wait3A_556 = arith.constant 0 : i32
        %dma_wait3A_557 = tpu.memref_slice %arg24[%dma_wait3A_556] : memref<10240xf32, #tpu.memory_space<vmem_shared>> -> memref<10240xf32, #tpu.memory_space<vmem_shared>>
        tpu.wait_indirect_dma semaphore(%run_scoped3A_547 : memref<!tpu.dma_semaphore, #tpu.memory_space<semaphore_mem>>) src(%arg23 : memref<125xf32, #tpu.memory_space<vmem>>) dst(%dma_wait3A_557 : memref<10240xf32, #tpu.memory_space<vmem_shared>>)
        tpu.yield
      }) : () -> ()
      %dma_wait3A_174 = arith.constant 0 : i32
      %dma_wait3A_175 = arith.constant 0 : i32
      %dma_wait3A_176 = tpu.memref_slice %arg16[%dma_wait3A_174, %dma_wait3A_175] : memref<10240x128xf32, #tpu.memory_space<vmem_shared>> -> memref<125x128xf32, #tpu.memory_space<vmem_shared>>
      %dma_wait3A_177 = arith.constant 0 : i32
      %dma_wait3A_178 = arith.constant 0 : i32
      %dma_wait3A_179 = tpu.memref_slice %arg16[%dma_wait3A_177, %dma_wait3A_178] : memref<10240x128xf32, #tpu.memory_space<vmem_shared>> -> memref<125x128xf32, #tpu.memory_space<vmem_shared>>
      tpu.wait_dma2 semaphore(%arg22 : memref<!tpu.dma_semaphore, #tpu.memory_space<semaphore_mem>>) src(%arg15 : memref<125x128xf32, #tpu.memory_space<vmem>>) dst(%dma_wait3A_179 : memref<125x128xf32, #tpu.memory_space<vmem_shared>>)
      %dma_start3A_180 = arith.constant 5 : i32
      %dma_start3A_181 = arith.constant 0 : i32
      %dma_start3A_182 = tpu.memref_slice %arg11[%dma_start3A_180, %dma_start3A_181] : memref<8x125xi32, #tpu.memory_space<vmem>> -> memref<1x125xi32, #tpu.memory_space<vmem>>
      %dma_start3A_183 = tpu.memref_squeeze %dma_start3A_182 : memref<1x125xi32, #tpu.memory_space<vmem>> -> memref<125xi32, #tpu.memory_space<vmem>>
      %dma_start3A_184 = arith.constant 0 : i32
      %dma_start3A_185 = arith.constant 0 : i32
      %dma_start3A_186 = tpu.memref_slice %arg2[%dma_start3A_184, %dma_start3A_185] : memref<10240x128xf32, #tpu.memory_space<hbm>> -> memref<10240x128xf32, #tpu.memory_space<hbm>>
      tpu.enqueue_indirect_dma source(%dma_start3A_186 : memref<10240x128xf32, #tpu.memory_space<hbm>>) target(%arg15 : memref<125x128xf32, #tpu.memory_space<vmem>>) offsets(%dma_start3A_183 : memref<125xi32, #tpu.memory_space<vmem>>) semaphore(%arg18 : memref<!tpu.dma_semaphore, #tpu.memory_space<semaphore_mem>>)
      %dma_wait3A_187 = arith.constant 4 : i32
      %dma_wait3A_188 = arith.constant 0 : i32
      %dma_wait3A_189 = tpu.memref_slice %arg11[%dma_wait3A_187, %dma_wait3A_188] : memref<8x125xi32, #tpu.memory_space<vmem>> -> memref<1x125xi32, #tpu.memory_space<vmem>>
      %dma_wait3A_190 = tpu.memref_squeeze %dma_wait3A_189 : memref<1x125xi32, #tpu.memory_space<vmem>> -> memref<125xi32, #tpu.memory_space<vmem>>
      %dma_wait3A_191 = arith.constant 0 : i32
      %dma_wait3A_192 = arith.constant 0 : i32
      %dma_wait3A_193 = tpu.memref_slice %arg2[%dma_wait3A_191, %dma_wait3A_192] : memref<10240x128xf32, #tpu.memory_space<hbm>> -> memref<10240x128xf32, #tpu.memory_space<hbm>>
      tpu.wait_indirect_dma semaphore(%arg17 : memref<!tpu.dma_semaphore, #tpu.memory_space<semaphore_mem>>) src(%dma_wait3A_193 : memref<10240x128xf32, #tpu.memory_space<hbm>>) dst(%arg14 : memref<125x128xf32, #tpu.memory_space<vmem>>)
      %dma_start3A_194 = arith.constant 4 : i32
      %dma_start3A_195 = arith.constant 0 : i32
      %dma_start3A_196 = tpu.memref_slice %arg10[%dma_start3A_194, %dma_start3A_195] : memref<8x125xi32, #tpu.memory_space<vmem>> -> memref<1x125xi32, #tpu.memory_space<vmem>>
      %dma_start3A_197 = tpu.memref_squeeze %dma_start3A_196 : memref<1x125xi32, #tpu.memory_space<vmem>> -> memref<125xi32, #tpu.memory_space<vmem>>
      %dma_start3A_198 = arith.constant 0 : i32
      %dma_start3A_199 = arith.constant 0 : i32
      %dma_start3A_200 = tpu.memref_slice %arg16[%dma_start3A_198, %dma_start3A_199] : memref<10240x128xf32, #tpu.memory_space<vmem_shared>> -> memref<10240x128xf32, #tpu.memory_space<vmem_shared>>
      tpu.enqueue_indirect_dma source(%arg14 : memref<125x128xf32, #tpu.memory_space<vmem>>) target(%dma_start3A_200 : memref<10240x128xf32, #tpu.memory_space<vmem_shared>>) offsets(%dma_start3A_197 : memref<125xi32, #tpu.memory_space<vmem>>) semaphore(%arg21 : memref<!tpu.dma_semaphore, #tpu.memory_space<semaphore_mem>>) {add = true}
      %run_scoped3A_201 = arith.constant 4 : i32
      "tpu.region"() ({
        %run_scoped3A_547 = tpu.sem_alloc : memref<!tpu.dma_semaphore, #tpu.memory_space<semaphore_mem>>
        %dma_start3A_548 = arith.constant 0 : i32
        %dma_start3A_549 = tpu.memref_slice %arg10[%run_scoped3A_201, %dma_start3A_548] : memref<8x125xi32, #tpu.memory_space<vmem>> -> memref<1x125xi32, #tpu.memory_space<vmem>>
        %dma_start3A_550 = tpu.memref_squeeze %dma_start3A_549 : memref<1x125xi32, #tpu.memory_space<vmem>> -> memref<125xi32, #tpu.memory_space<vmem>>
        %dma_start3A_551 = arith.constant 0 : i32
        %dma_start3A_552 = tpu.memref_slice %arg25[%dma_start3A_551] : memref<10240xf32, #tpu.memory_space<vmem_shared>> -> memref<10240xf32, #tpu.memory_space<vmem_shared>>
        tpu.enqueue_indirect_dma source(%dma_start3A_552 : memref<10240xf32, #tpu.memory_space<vmem_shared>>) target(%arg23 : memref<125xf32, #tpu.memory_space<vmem>>) offsets(%dma_start3A_550 : memref<125xi32, #tpu.memory_space<vmem>>) semaphore(%run_scoped3A_547 : memref<!tpu.dma_semaphore, #tpu.memory_space<semaphore_mem>>)
        %dma_wait3A_553 = arith.constant 0 : i32
        %dma_wait3A_554 = tpu.memref_slice %arg10[%run_scoped3A_201, %dma_wait3A_553] : memref<8x125xi32, #tpu.memory_space<vmem>> -> memref<1x125xi32, #tpu.memory_space<vmem>>
        %dma_wait3A_555 = tpu.memref_squeeze %dma_wait3A_554 : memref<1x125xi32, #tpu.memory_space<vmem>> -> memref<125xi32, #tpu.memory_space<vmem>>
        %dma_wait3A_556 = arith.constant 0 : i32
        %dma_wait3A_557 = tpu.memref_slice %arg25[%dma_wait3A_556] : memref<10240xf32, #tpu.memory_space<vmem_shared>> -> memref<10240xf32, #tpu.memory_space<vmem_shared>>
        tpu.wait_indirect_dma semaphore(%run_scoped3A_547 : memref<!tpu.dma_semaphore, #tpu.memory_space<semaphore_mem>>) src(%dma_wait3A_557 : memref<10240xf32, #tpu.memory_space<vmem_shared>>) dst(%arg23 : memref<125xf32, #tpu.memory_space<vmem>>)
        tpu.yield
      }) : () -> ()
      %run_scoped3A_202 = arith.constant 4 : i32
      "tpu.region"() ({
        %run_scoped3A_547 = tpu.sem_alloc : memref<!tpu.dma_semaphore, #tpu.memory_space<semaphore_mem>>
        %dma_start3A_548 = arith.constant 0 : i32
        %dma_start3A_549 = tpu.memref_slice %arg11[%run_scoped3A_202, %dma_start3A_548] : memref<8x125xi32, #tpu.memory_space<vmem>> -> memref<1x125xi32, #tpu.memory_space<vmem>>
        %dma_start3A_550 = tpu.memref_squeeze %dma_start3A_549 : memref<1x125xi32, #tpu.memory_space<vmem>> -> memref<125xi32, #tpu.memory_space<vmem>>
        %dma_start3A_551 = arith.constant 0 : i32
        %dma_start3A_552 = tpu.memref_slice %arg24[%dma_start3A_551] : memref<10240xf32, #tpu.memory_space<vmem_shared>> -> memref<10240xf32, #tpu.memory_space<vmem_shared>>
        tpu.enqueue_indirect_dma source(%arg23 : memref<125xf32, #tpu.memory_space<vmem>>) target(%dma_start3A_552 : memref<10240xf32, #tpu.memory_space<vmem_shared>>) offsets(%dma_start3A_550 : memref<125xi32, #tpu.memory_space<vmem>>) semaphore(%run_scoped3A_547 : memref<!tpu.dma_semaphore, #tpu.memory_space<semaphore_mem>>) {add = true}
        %dma_wait3A_553 = arith.constant 0 : i32
        %dma_wait3A_554 = tpu.memref_slice %arg11[%run_scoped3A_202, %dma_wait3A_553] : memref<8x125xi32, #tpu.memory_space<vmem>> -> memref<1x125xi32, #tpu.memory_space<vmem>>
        %dma_wait3A_555 = tpu.memref_squeeze %dma_wait3A_554 : memref<1x125xi32, #tpu.memory_space<vmem>> -> memref<125xi32, #tpu.memory_space<vmem>>
        %dma_wait3A_556 = arith.constant 0 : i32
        %dma_wait3A_557 = tpu.memref_slice %arg24[%dma_wait3A_556] : memref<10240xf32, #tpu.memory_space<vmem_shared>> -> memref<10240xf32, #tpu.memory_space<vmem_shared>>
        tpu.wait_indirect_dma semaphore(%run_scoped3A_547 : memref<!tpu.dma_semaphore, #tpu.memory_space<semaphore_mem>>) src(%arg23 : memref<125xf32, #tpu.memory_space<vmem>>) dst(%dma_wait3A_557 : memref<10240xf32, #tpu.memory_space<vmem_shared>>)
        tpu.yield
      }) : () -> ()
      %dma_wait3A_203 = arith.constant 0 : i32
      %dma_wait3A_204 = arith.constant 0 : i32
      %dma_wait3A_205 = tpu.memref_slice %arg16[%dma_wait3A_203, %dma_wait3A_204] : memref<10240x128xf32, #tpu.memory_space<vmem_shared>> -> memref<125x128xf32, #tpu.memory_space<vmem_shared>>
      %dma_wait3A_206 = arith.constant 0 : i32
      %dma_wait3A_207 = arith.constant 0 : i32
      %dma_wait3A_208 = tpu.memref_slice %arg16[%dma_wait3A_206, %dma_wait3A_207] : memref<10240x128xf32, #tpu.memory_space<vmem_shared>> -> memref<125x128xf32, #tpu.memory_space<vmem_shared>>
      tpu.wait_dma2 semaphore(%arg21 : memref<!tpu.dma_semaphore, #tpu.memory_space<semaphore_mem>>) src(%arg14 : memref<125x128xf32, #tpu.memory_space<vmem>>) dst(%dma_wait3A_208 : memref<125x128xf32, #tpu.memory_space<vmem_shared>>)
      %dma_start3A_209 = arith.constant 6 : i32
      %dma_start3A_210 = arith.constant 0 : i32
      %dma_start3A_211 = tpu.memref_slice %arg11[%dma_start3A_209, %dma_start3A_210] : memref<8x125xi32, #tpu.memory_space<vmem>> -> memref<1x125xi32, #tpu.memory_space<vmem>>
      %dma_start3A_212 = tpu.memref_squeeze %dma_start3A_211 : memref<1x125xi32, #tpu.memory_space<vmem>> -> memref<125xi32, #tpu.memory_space<vmem>>
      %dma_start3A_213 = arith.constant 0 : i32
      %dma_start3A_214 = arith.constant 0 : i32
      %dma_start3A_215 = tpu.memref_slice %arg2[%dma_start3A_213, %dma_start3A_214] : memref<10240x128xf32, #tpu.memory_space<hbm>> -> memref<10240x128xf32, #tpu.memory_space<hbm>>
      tpu.enqueue_indirect_dma source(%dma_start3A_215 : memref<10240x128xf32, #tpu.memory_space<hbm>>) target(%arg14 : memref<125x128xf32, #tpu.memory_space<vmem>>) offsets(%dma_start3A_212 : memref<125xi32, #tpu.memory_space<vmem>>) semaphore(%arg17 : memref<!tpu.dma_semaphore, #tpu.memory_space<semaphore_mem>>)
      %dma_wait3A_216 = arith.constant 5 : i32
      %dma_wait3A_217 = arith.constant 0 : i32
      %dma_wait3A_218 = tpu.memref_slice %arg11[%dma_wait3A_216, %dma_wait3A_217] : memref<8x125xi32, #tpu.memory_space<vmem>> -> memref<1x125xi32, #tpu.memory_space<vmem>>
      %dma_wait3A_219 = tpu.memref_squeeze %dma_wait3A_218 : memref<1x125xi32, #tpu.memory_space<vmem>> -> memref<125xi32, #tpu.memory_space<vmem>>
      %dma_wait3A_220 = arith.constant 0 : i32
      %dma_wait3A_221 = arith.constant 0 : i32
      %dma_wait3A_222 = tpu.memref_slice %arg2[%dma_wait3A_220, %dma_wait3A_221] : memref<10240x128xf32, #tpu.memory_space<hbm>> -> memref<10240x128xf32, #tpu.memory_space<hbm>>
      tpu.wait_indirect_dma semaphore(%arg18 : memref<!tpu.dma_semaphore, #tpu.memory_space<semaphore_mem>>) src(%dma_wait3A_222 : memref<10240x128xf32, #tpu.memory_space<hbm>>) dst(%arg15 : memref<125x128xf32, #tpu.memory_space<vmem>>)
      %dma_start3A_223 = arith.constant 5 : i32
      %dma_start3A_224 = arith.constant 0 : i32
      %dma_start3A_225 = tpu.memref_slice %arg10[%dma_start3A_223, %dma_start3A_224] : memref<8x125xi32, #tpu.memory_space<vmem>> -> memref<1x125xi32, #tpu.memory_space<vmem>>
      %dma_start3A_226 = tpu.memref_squeeze %dma_start3A_225 : memref<1x125xi32, #tpu.memory_space<vmem>> -> memref<125xi32, #tpu.memory_space<vmem>>
      %dma_start3A_227 = arith.constant 0 : i32
      %dma_start3A_228 = arith.constant 0 : i32
      %dma_start3A_229 = tpu.memref_slice %arg16[%dma_start3A_227, %dma_start3A_228] : memref<10240x128xf32, #tpu.memory_space<vmem_shared>> -> memref<10240x128xf32, #tpu.memory_space<vmem_shared>>
      tpu.enqueue_indirect_dma source(%arg15 : memref<125x128xf32, #tpu.memory_space<vmem>>) target(%dma_start3A_229 : memref<10240x128xf32, #tpu.memory_space<vmem_shared>>) offsets(%dma_start3A_226 : memref<125xi32, #tpu.memory_space<vmem>>) semaphore(%arg22 : memref<!tpu.dma_semaphore, #tpu.memory_space<semaphore_mem>>) {add = true}
      %run_scoped3A_230 = arith.constant 5 : i32
      "tpu.region"() ({
        %run_scoped3A_547 = tpu.sem_alloc : memref<!tpu.dma_semaphore, #tpu.memory_space<semaphore_mem>>
        %dma_start3A_548 = arith.constant 0 : i32
        %dma_start3A_549 = tpu.memref_slice %arg10[%run_scoped3A_230, %dma_start3A_548] : memref<8x125xi32, #tpu.memory_space<vmem>> -> memref<1x125xi32, #tpu.memory_space<vmem>>
        %dma_start3A_550 = tpu.memref_squeeze %dma_start3A_549 : memref<1x125xi32, #tpu.memory_space<vmem>> -> memref<125xi32, #tpu.memory_space<vmem>>
        %dma_start3A_551 = arith.constant 0 : i32
        %dma_start3A_552 = tpu.memref_slice %arg25[%dma_start3A_551] : memref<10240xf32, #tpu.memory_space<vmem_shared>> -> memref<10240xf32, #tpu.memory_space<vmem_shared>>
        tpu.enqueue_indirect_dma source(%dma_start3A_552 : memref<10240xf32, #tpu.memory_space<vmem_shared>>) target(%arg23 : memref<125xf32, #tpu.memory_space<vmem>>) offsets(%dma_start3A_550 : memref<125xi32, #tpu.memory_space<vmem>>) semaphore(%run_scoped3A_547 : memref<!tpu.dma_semaphore, #tpu.memory_space<semaphore_mem>>)
        %dma_wait3A_553 = arith.constant 0 : i32
        %dma_wait3A_554 = tpu.memref_slice %arg10[%run_scoped3A_230, %dma_wait3A_553] : memref<8x125xi32, #tpu.memory_space<vmem>> -> memref<1x125xi32, #tpu.memory_space<vmem>>
        %dma_wait3A_555 = tpu.memref_squeeze %dma_wait3A_554 : memref<1x125xi32, #tpu.memory_space<vmem>> -> memref<125xi32, #tpu.memory_space<vmem>>
        %dma_wait3A_556 = arith.constant 0 : i32
        %dma_wait3A_557 = tpu.memref_slice %arg25[%dma_wait3A_556] : memref<10240xf32, #tpu.memory_space<vmem_shared>> -> memref<10240xf32, #tpu.memory_space<vmem_shared>>
        tpu.wait_indirect_dma semaphore(%run_scoped3A_547 : memref<!tpu.dma_semaphore, #tpu.memory_space<semaphore_mem>>) src(%dma_wait3A_557 : memref<10240xf32, #tpu.memory_space<vmem_shared>>) dst(%arg23 : memref<125xf32, #tpu.memory_space<vmem>>)
        tpu.yield
      }) : () -> ()
      %run_scoped3A_231 = arith.constant 5 : i32
      "tpu.region"() ({
        %run_scoped3A_547 = tpu.sem_alloc : memref<!tpu.dma_semaphore, #tpu.memory_space<semaphore_mem>>
        %dma_start3A_548 = arith.constant 0 : i32
        %dma_start3A_549 = tpu.memref_slice %arg11[%run_scoped3A_231, %dma_start3A_548] : memref<8x125xi32, #tpu.memory_space<vmem>> -> memref<1x125xi32, #tpu.memory_space<vmem>>
        %dma_start3A_550 = tpu.memref_squeeze %dma_start3A_549 : memref<1x125xi32, #tpu.memory_space<vmem>> -> memref<125xi32, #tpu.memory_space<vmem>>
        %dma_start3A_551 = arith.constant 0 : i32
        %dma_start3A_552 = tpu.memref_slice %arg24[%dma_start3A_551] : memref<10240xf32, #tpu.memory_space<vmem_shared>> -> memref<10240xf32, #tpu.memory_space<vmem_shared>>
        tpu.enqueue_indirect_dma source(%arg23 : memref<125xf32, #tpu.memory_space<vmem>>) target(%dma_start3A_552 : memref<10240xf32, #tpu.memory_space<vmem_shared>>) offsets(%dma_start3A_550 : memref<125xi32, #tpu.memory_space<vmem>>) semaphore(%run_scoped3A_547 : memref<!tpu.dma_semaphore, #tpu.memory_space<semaphore_mem>>) {add = true}
        %dma_wait3A_553 = arith.constant 0 : i32
        %dma_wait3A_554 = tpu.memref_slice %arg11[%run_scoped3A_231, %dma_wait3A_553] : memref<8x125xi32, #tpu.memory_space<vmem>> -> memref<1x125xi32, #tpu.memory_space<vmem>>
        %dma_wait3A_555 = tpu.memref_squeeze %dma_wait3A_554 : memref<1x125xi32, #tpu.memory_space<vmem>> -> memref<125xi32, #tpu.memory_space<vmem>>
        %dma_wait3A_556 = arith.constant 0 : i32
        %dma_wait3A_557 = tpu.memref_slice %arg24[%dma_wait3A_556] : memref<10240xf32, #tpu.memory_space<vmem_shared>> -> memref<10240xf32, #tpu.memory_space<vmem_shared>>
        tpu.wait_indirect_dma semaphore(%run_scoped3A_547 : memref<!tpu.dma_semaphore, #tpu.memory_space<semaphore_mem>>) src(%arg23 : memref<125xf32, #tpu.memory_space<vmem>>) dst(%dma_wait3A_557 : memref<10240xf32, #tpu.memory_space<vmem_shared>>)
        tpu.yield
      }) : () -> ()
      %dma_wait3A_232 = arith.constant 0 : i32
      %dma_wait3A_233 = arith.constant 0 : i32
      %dma_wait3A_234 = tpu.memref_slice %arg16[%dma_wait3A_232, %dma_wait3A_233] : memref<10240x128xf32, #tpu.memory_space<vmem_shared>> -> memref<125x128xf32, #tpu.memory_space<vmem_shared>>
      %dma_wait3A_235 = arith.constant 0 : i32
      %dma_wait3A_236 = arith.constant 0 : i32
      %dma_wait3A_237 = tpu.memref_slice %arg16[%dma_wait3A_235, %dma_wait3A_236] : memref<10240x128xf32, #tpu.memory_space<vmem_shared>> -> memref<125x128xf32, #tpu.memory_space<vmem_shared>>
      tpu.wait_dma2 semaphore(%arg22 : memref<!tpu.dma_semaphore, #tpu.memory_space<semaphore_mem>>) src(%arg15 : memref<125x128xf32, #tpu.memory_space<vmem>>) dst(%dma_wait3A_237 : memref<125x128xf32, #tpu.memory_space<vmem_shared>>)
      %dma_start3A_238 = arith.constant 7 : i32
      %dma_start3A_239 = arith.constant 0 : i32
      %dma_start3A_240 = tpu.memref_slice %arg11[%dma_start3A_238, %dma_start3A_239] : memref<8x125xi32, #tpu.memory_space<vmem>> -> memref<1x125xi32, #tpu.memory_space<vmem>>
      %dma_start3A_241 = tpu.memref_squeeze %dma_start3A_240 : memref<1x125xi32, #tpu.memory_space<vmem>> -> memref<125xi32, #tpu.memory_space<vmem>>
      %dma_start3A_242 = arith.constant 0 : i32
      %dma_start3A_243 = arith.constant 0 : i32
      %dma_start3A_244 = tpu.memref_slice %arg2[%dma_start3A_242, %dma_start3A_243] : memref<10240x128xf32, #tpu.memory_space<hbm>> -> memref<10240x128xf32, #tpu.memory_space<hbm>>
      tpu.enqueue_indirect_dma source(%dma_start3A_244 : memref<10240x128xf32, #tpu.memory_space<hbm>>) target(%arg15 : memref<125x128xf32, #tpu.memory_space<vmem>>) offsets(%dma_start3A_241 : memref<125xi32, #tpu.memory_space<vmem>>) semaphore(%arg18 : memref<!tpu.dma_semaphore, #tpu.memory_space<semaphore_mem>>)
      %dma_wait3A_245 = arith.constant 6 : i32
      %dma_wait3A_246 = arith.constant 0 : i32
      %dma_wait3A_247 = tpu.memref_slice %arg11[%dma_wait3A_245, %dma_wait3A_246] : memref<8x125xi32, #tpu.memory_space<vmem>> -> memref<1x125xi32, #tpu.memory_space<vmem>>
      %dma_wait3A_248 = tpu.memref_squeeze %dma_wait3A_247 : memref<1x125xi32, #tpu.memory_space<vmem>> -> memref<125xi32, #tpu.memory_space<vmem>>
      %dma_wait3A_249 = arith.constant 0 : i32
      %dma_wait3A_250 = arith.constant 0 : i32
      %dma_wait3A_251 = tpu.memref_slice %arg2[%dma_wait3A_249, %dma_wait3A_250] : memref<10240x128xf32, #tpu.memory_space<hbm>> -> memref<10240x128xf32, #tpu.memory_space<hbm>>
      tpu.wait_indirect_dma semaphore(%arg17 : memref<!tpu.dma_semaphore, #tpu.memory_space<semaphore_mem>>) src(%dma_wait3A_251 : memref<10240x128xf32, #tpu.memory_space<hbm>>) dst(%arg14 : memref<125x128xf32, #tpu.memory_space<vmem>>)
      %dma_start3A_252 = arith.constant 6 : i32
      %dma_start3A_253 = arith.constant 0 : i32
      %dma_start3A_254 = tpu.memref_slice %arg10[%dma_start3A_252, %dma_start3A_253] : memref<8x125xi32, #tpu.memory_space<vmem>> -> memref<1x125xi32, #tpu.memory_space<vmem>>
      %dma_start3A_255 = tpu.memref_squeeze %dma_start3A_254 : memref<1x125xi32, #tpu.memory_space<vmem>> -> memref<125xi32, #tpu.memory_space<vmem>>
      %dma_start3A_256 = arith.constant 0 : i32
      %dma_start3A_257 = arith.constant 0 : i32
      %dma_start3A_258 = tpu.memref_slice %arg16[%dma_start3A_256, %dma_start3A_257] : memref<10240x128xf32, #tpu.memory_space<vmem_shared>> -> memref<10240x128xf32, #tpu.memory_space<vmem_shared>>
      tpu.enqueue_indirect_dma source(%arg14 : memref<125x128xf32, #tpu.memory_space<vmem>>) target(%dma_start3A_258 : memref<10240x128xf32, #tpu.memory_space<vmem_shared>>) offsets(%dma_start3A_255 : memref<125xi32, #tpu.memory_space<vmem>>) semaphore(%arg21 : memref<!tpu.dma_semaphore, #tpu.memory_space<semaphore_mem>>) {add = true}
      %run_scoped3A_259 = arith.constant 6 : i32
      "tpu.region"() ({
        %run_scoped3A_547 = tpu.sem_alloc : memref<!tpu.dma_semaphore, #tpu.memory_space<semaphore_mem>>
        %dma_start3A_548 = arith.constant 0 : i32
        %dma_start3A_549 = tpu.memref_slice %arg10[%run_scoped3A_259, %dma_start3A_548] : memref<8x125xi32, #tpu.memory_space<vmem>> -> memref<1x125xi32, #tpu.memory_space<vmem>>
        %dma_start3A_550 = tpu.memref_squeeze %dma_start3A_549 : memref<1x125xi32, #tpu.memory_space<vmem>> -> memref<125xi32, #tpu.memory_space<vmem>>
        %dma_start3A_551 = arith.constant 0 : i32
        %dma_start3A_552 = tpu.memref_slice %arg25[%dma_start3A_551] : memref<10240xf32, #tpu.memory_space<vmem_shared>> -> memref<10240xf32, #tpu.memory_space<vmem_shared>>
        tpu.enqueue_indirect_dma source(%dma_start3A_552 : memref<10240xf32, #tpu.memory_space<vmem_shared>>) target(%arg23 : memref<125xf32, #tpu.memory_space<vmem>>) offsets(%dma_start3A_550 : memref<125xi32, #tpu.memory_space<vmem>>) semaphore(%run_scoped3A_547 : memref<!tpu.dma_semaphore, #tpu.memory_space<semaphore_mem>>)
        %dma_wait3A_553 = arith.constant 0 : i32
        %dma_wait3A_554 = tpu.memref_slice %arg10[%run_scoped3A_259, %dma_wait3A_553] : memref<8x125xi32, #tpu.memory_space<vmem>> -> memref<1x125xi32, #tpu.memory_space<vmem>>
        %dma_wait3A_555 = tpu.memref_squeeze %dma_wait3A_554 : memref<1x125xi32, #tpu.memory_space<vmem>> -> memref<125xi32, #tpu.memory_space<vmem>>
        %dma_wait3A_556 = arith.constant 0 : i32
        %dma_wait3A_557 = tpu.memref_slice %arg25[%dma_wait3A_556] : memref<10240xf32, #tpu.memory_space<vmem_shared>> -> memref<10240xf32, #tpu.memory_space<vmem_shared>>
        tpu.wait_indirect_dma semaphore(%run_scoped3A_547 : memref<!tpu.dma_semaphore, #tpu.memory_space<semaphore_mem>>) src(%dma_wait3A_557 : memref<10240xf32, #tpu.memory_space<vmem_shared>>) dst(%arg23 : memref<125xf32, #tpu.memory_space<vmem>>)
        tpu.yield
      }) : () -> ()
      %run_scoped3A_260 = arith.constant 6 : i32
      "tpu.region"() ({
        %run_scoped3A_547 = tpu.sem_alloc : memref<!tpu.dma_semaphore, #tpu.memory_space<semaphore_mem>>
        %dma_start3A_548 = arith.constant 0 : i32
        %dma_start3A_549 = tpu.memref_slice %arg11[%run_scoped3A_260, %dma_start3A_548] : memref<8x125xi32, #tpu.memory_space<vmem>> -> memref<1x125xi32, #tpu.memory_space<vmem>>
        %dma_start3A_550 = tpu.memref_squeeze %dma_start3A_549 : memref<1x125xi32, #tpu.memory_space<vmem>> -> memref<125xi32, #tpu.memory_space<vmem>>
        %dma_start3A_551 = arith.constant 0 : i32
        %dma_start3A_552 = tpu.memref_slice %arg24[%dma_start3A_551] : memref<10240xf32, #tpu.memory_space<vmem_shared>> -> memref<10240xf32, #tpu.memory_space<vmem_shared>>
        tpu.enqueue_indirect_dma source(%arg23 : memref<125xf32, #tpu.memory_space<vmem>>) target(%dma_start3A_552 : memref<10240xf32, #tpu.memory_space<vmem_shared>>) offsets(%dma_start3A_550 : memref<125xi32, #tpu.memory_space<vmem>>) semaphore(%run_scoped3A_547 : memref<!tpu.dma_semaphore, #tpu.memory_space<semaphore_mem>>) {add = true}
        %dma_wait3A_553 = arith.constant 0 : i32
        %dma_wait3A_554 = tpu.memref_slice %arg11[%run_scoped3A_260, %dma_wait3A_553] : memref<8x125xi32, #tpu.memory_space<vmem>> -> memref<1x125xi32, #tpu.memory_space<vmem>>
        %dma_wait3A_555 = tpu.memref_squeeze %dma_wait3A_554 : memref<1x125xi32, #tpu.memory_space<vmem>> -> memref<125xi32, #tpu.memory_space<vmem>>
        %dma_wait3A_556 = arith.constant 0 : i32
        %dma_wait3A_557 = tpu.memref_slice %arg24[%dma_wait3A_556] : memref<10240xf32, #tpu.memory_space<vmem_shared>> -> memref<10240xf32, #tpu.memory_space<vmem_shared>>
        tpu.wait_indirect_dma semaphore(%run_scoped3A_547 : memref<!tpu.dma_semaphore, #tpu.memory_space<semaphore_mem>>) src(%arg23 : memref<125xf32, #tpu.memory_space<vmem>>) dst(%dma_wait3A_557 : memref<10240xf32, #tpu.memory_space<vmem_shared>>)
        tpu.yield
      }) : () -> ()
      %dma_wait3A_261 = arith.constant 7 : i32
      %dma_wait3A_262 = arith.constant 0 : i32
      %dma_wait3A_263 = tpu.memref_slice %arg11[%dma_wait3A_261, %dma_wait3A_262] : memref<8x125xi32, #tpu.memory_space<vmem>> -> memref<1x125xi32, #tpu.memory_space<vmem>>
      %dma_wait3A_264 = tpu.memref_squeeze %dma_wait3A_263 : memref<1x125xi32, #tpu.memory_space<vmem>> -> memref<125xi32, #tpu.memory_space<vmem>>
      %dma_wait3A_265 = arith.constant 0 : i32
      %dma_wait3A_266 = arith.constant 0 : i32
      %dma_wait3A_267 = tpu.memref_slice %arg2[%dma_wait3A_265, %dma_wait3A_266] : memref<10240x128xf32, #tpu.memory_space<hbm>> -> memref<10240x128xf32, #tpu.memory_space<hbm>>
      tpu.wait_indirect_dma semaphore(%arg18 : memref<!tpu.dma_semaphore, #tpu.memory_space<semaphore_mem>>) src(%dma_wait3A_267 : memref<10240x128xf32, #tpu.memory_space<hbm>>) dst(%arg15 : memref<125x128xf32, #tpu.memory_space<vmem>>)
      %dma_start3A_268 = arith.constant 7 : i32
      %dma_start3A_269 = arith.constant 0 : i32
      %dma_start3A_270 = tpu.memref_slice %arg10[%dma_start3A_268, %dma_start3A_269] : memref<8x125xi32, #tpu.memory_space<vmem>> -> memref<1x125xi32, #tpu.memory_space<vmem>>
      %dma_start3A_271 = tpu.memref_squeeze %dma_start3A_270 : memref<1x125xi32, #tpu.memory_space<vmem>> -> memref<125xi32, #tpu.memory_space<vmem>>
      %dma_start3A_272 = arith.constant 0 : i32
      %dma_start3A_273 = arith.constant 0 : i32
      %dma_start3A_274 = tpu.memref_slice %arg16[%dma_start3A_272, %dma_start3A_273] : memref<10240x128xf32, #tpu.memory_space<vmem_shared>> -> memref<10240x128xf32, #tpu.memory_space<vmem_shared>>
      tpu.enqueue_indirect_dma source(%arg15 : memref<125x128xf32, #tpu.memory_space<vmem>>) target(%dma_start3A_274 : memref<10240x128xf32, #tpu.memory_space<vmem_shared>>) offsets(%dma_start3A_271 : memref<125xi32, #tpu.memory_space<vmem>>) semaphore(%arg22 : memref<!tpu.dma_semaphore, #tpu.memory_space<semaphore_mem>>) {add = true}
      %run_scoped3A_275 = arith.constant 7 : i32
      "tpu.region"() ({
        %run_scoped3A_547 = tpu.sem_alloc : memref<!tpu.dma_semaphore, #tpu.memory_space<semaphore_mem>>
        %dma_start3A_548 = arith.constant 0 : i32
        %dma_start3A_549 = tpu.memref_slice %arg10[%run_scoped3A_275, %dma_start3A_548] : memref<8x125xi32, #tpu.memory_space<vmem>> -> memref<1x125xi32, #tpu.memory_space<vmem>>
        %dma_start3A_550 = tpu.memref_squeeze %dma_start3A_549 : memref<1x125xi32, #tpu.memory_space<vmem>> -> memref<125xi32, #tpu.memory_space<vmem>>
        %dma_start3A_551 = arith.constant 0 : i32
        %dma_start3A_552 = tpu.memref_slice %arg25[%dma_start3A_551] : memref<10240xf32, #tpu.memory_space<vmem_shared>> -> memref<10240xf32, #tpu.memory_space<vmem_shared>>
        tpu.enqueue_indirect_dma source(%dma_start3A_552 : memref<10240xf32, #tpu.memory_space<vmem_shared>>) target(%arg23 : memref<125xf32, #tpu.memory_space<vmem>>) offsets(%dma_start3A_550 : memref<125xi32, #tpu.memory_space<vmem>>) semaphore(%run_scoped3A_547 : memref<!tpu.dma_semaphore, #tpu.memory_space<semaphore_mem>>)
        %dma_wait3A_553 = arith.constant 0 : i32
        %dma_wait3A_554 = tpu.memref_slice %arg10[%run_scoped3A_275, %dma_wait3A_553] : memref<8x125xi32, #tpu.memory_space<vmem>> -> memref<1x125xi32, #tpu.memory_space<vmem>>
        %dma_wait3A_555 = tpu.memref_squeeze %dma_wait3A_554 : memref<1x125xi32, #tpu.memory_space<vmem>> -> memref<125xi32, #tpu.memory_space<vmem>>
        %dma_wait3A_556 = arith.constant 0 : i32
        %dma_wait3A_557 = tpu.memref_slice %arg25[%dma_wait3A_556] : memref<10240xf32, #tpu.memory_space<vmem_shared>> -> memref<10240xf32, #tpu.memory_space<vmem_shared>>
        tpu.wait_indirect_dma semaphore(%run_scoped3A_547 : memref<!tpu.dma_semaphore, #tpu.memory_space<semaphore_mem>>) src(%dma_wait3A_557 : memref<10240xf32, #tpu.memory_space<vmem_shared>>) dst(%arg23 : memref<125xf32, #tpu.memory_space<vmem>>)
        tpu.yield
      }) : () -> ()
      %run_scoped3A_276 = arith.constant 7 : i32
      "tpu.region"() ({
        %run_scoped3A_547 = tpu.sem_alloc : memref<!tpu.dma_semaphore, #tpu.memory_space<semaphore_mem>>
        %dma_start3A_548 = arith.constant 0 : i32
        %dma_start3A_549 = tpu.memref_slice %arg11[%run_scoped3A_276, %dma_start3A_548] : memref<8x125xi32, #tpu.memory_space<vmem>> -> memref<1x125xi32, #tpu.memory_space<vmem>>
        %dma_start3A_550 = tpu.memref_squeeze %dma_start3A_549 : memref<1x125xi32, #tpu.memory_space<vmem>> -> memref<125xi32, #tpu.memory_space<vmem>>
        %dma_start3A_551 = arith.constant 0 : i32
        %dma_start3A_552 = tpu.memref_slice %arg24[%dma_start3A_551] : memref<10240xf32, #tpu.memory_space<vmem_shared>> -> memref<10240xf32, #tpu.memory_space<vmem_shared>>
        tpu.enqueue_indirect_dma source(%arg23 : memref<125xf32, #tpu.memory_space<vmem>>) target(%dma_start3A_552 : memref<10240xf32, #tpu.memory_space<vmem_shared>>) offsets(%dma_start3A_550 : memref<125xi32, #tpu.memory_space<vmem>>) semaphore(%run_scoped3A_547 : memref<!tpu.dma_semaphore, #tpu.memory_space<semaphore_mem>>) {add = true}
        %dma_wait3A_553 = arith.constant 0 : i32
        %dma_wait3A_554 = tpu.memref_slice %arg11[%run_scoped3A_276, %dma_wait3A_553] : memref<8x125xi32, #tpu.memory_space<vmem>> -> memref<1x125xi32, #tpu.memory_space<vmem>>
        %dma_wait3A_555 = tpu.memref_squeeze %dma_wait3A_554 : memref<1x125xi32, #tpu.memory_space<vmem>> -> memref<125xi32, #tpu.memory_space<vmem>>
        %dma_wait3A_556 = arith.constant 0 : i32
        %dma_wait3A_557 = tpu.memref_slice %arg24[%dma_wait3A_556] : memref<10240xf32, #tpu.memory_space<vmem_shared>> -> memref<10240xf32, #tpu.memory_space<vmem_shared>>
        tpu.wait_indirect_dma semaphore(%run_scoped3A_547 : memref<!tpu.dma_semaphore, #tpu.memory_space<semaphore_mem>>) src(%arg23 : memref<125xf32, #tpu.memory_space<vmem>>) dst(%dma_wait3A_557 : memref<10240xf32, #tpu.memory_space<vmem_shared>>)
        tpu.yield
      }) : () -> ()
      %dma_wait3A_277 = arith.constant 0 : i32
      %dma_wait3A_278 = arith.constant 0 : i32
      %dma_wait3A_279 = tpu.memref_slice %arg16[%dma_wait3A_277, %dma_wait3A_278] : memref<10240x128xf32, #tpu.memory_space<vmem_shared>> -> memref<125x128xf32, #tpu.memory_space<vmem_shared>>
      %dma_wait3A_280 = arith.constant 0 : i32
      %dma_wait3A_281 = arith.constant 0 : i32
      %dma_wait3A_282 = tpu.memref_slice %arg16[%dma_wait3A_280, %dma_wait3A_281] : memref<10240x128xf32, #tpu.memory_space<vmem_shared>> -> memref<125x128xf32, #tpu.memory_space<vmem_shared>>
      tpu.wait_dma2 semaphore(%arg21 : memref<!tpu.dma_semaphore, #tpu.memory_space<semaphore_mem>>) src(%arg14 : memref<125x128xf32, #tpu.memory_space<vmem>>) dst(%dma_wait3A_282 : memref<125x128xf32, #tpu.memory_space<vmem_shared>>)
      %dma_wait3A_283 = arith.constant 0 : i32
      %dma_wait3A_284 = arith.constant 0 : i32
      %dma_wait3A_285 = tpu.memref_slice %arg16[%dma_wait3A_283, %dma_wait3A_284] : memref<10240x128xf32, #tpu.memory_space<vmem_shared>> -> memref<125x128xf32, #tpu.memory_space<vmem_shared>>
      %dma_wait3A_286 = arith.constant 0 : i32
      %dma_wait3A_287 = arith.constant 0 : i32
      %dma_wait3A_288 = tpu.memref_slice %arg16[%dma_wait3A_286, %dma_wait3A_287] : memref<10240x128xf32, #tpu.memory_space<vmem_shared>> -> memref<125x128xf32, #tpu.memory_space<vmem_shared>>
      tpu.wait_dma2 semaphore(%arg22 : memref<!tpu.dma_semaphore, #tpu.memory_space<semaphore_mem>>) src(%arg15 : memref<125x128xf32, #tpu.memory_space<vmem>>) dst(%dma_wait3A_288 : memref<125x128xf32, #tpu.memory_space<vmem_shared>>)
      %mul3A_289 = arith.constant 2 : i32
      %mul3A_290 = arith.muli %add3A_34, %mul3A_289 : i32
      %add3A_291 = arith.constant 1 : i32
      %add3A_292 = arith.addi %mul3A_290, %add3A_291 : i32
      %mul3A_293 = arith.constant 8 : i32
      %mul3A_294 = arith.muli %add3A_292, %mul3A_293 : i32
      %multiple_of3A_295 = tpu.assume_multiple %mul3A_294, 8 : i32
      %dma_wait3A_296 = arith.constant 0 : i32
      %dma_wait3A_297 = tpu.memref_slice %arg5[%add3A, %multiple_of3A_295, %dma_wait3A_296] : memref<32x80x125xi32, #tpu.memory_space<hbm>> -> memref<1x8x125xi32, #tpu.memory_space<hbm>>
      %dma_wait3A_298 = tpu.memref_squeeze %dma_wait3A_297 : memref<1x8x125xi32, #tpu.memory_space<hbm>> -> memref<8x125xi32, #tpu.memory_space<hbm>>
      %dma_wait3A_299 = arith.constant 0 : i32
      %dma_wait3A_300 = tpu.memref_slice %arg5[%add3A, %multiple_of3A_295, %dma_wait3A_299] : memref<32x80x125xi32, #tpu.memory_space<hbm>> -> memref<1x8x125xi32, #tpu.memory_space<hbm>>
      %dma_wait3A_301 = tpu.memref_squeeze %dma_wait3A_300 : memref<1x8x125xi32, #tpu.memory_space<hbm>> -> memref<8x125xi32, #tpu.memory_space<hbm>>
      tpu.wait_dma2 semaphore(%arg20 : memref<!tpu.dma_semaphore, #tpu.memory_space<semaphore_mem>>) src(%dma_wait3A_301 : memref<8x125xi32, #tpu.memory_space<hbm>>) dst(%arg12 : memref<8x125xi32, #tpu.memory_space<vmem>>)
      %dma_wait3A_302 = arith.constant 0 : i32
      %dma_wait3A_303 = tpu.memref_slice %arg4[%add3A, %multiple_of3A_295, %dma_wait3A_302] : memref<32x80x125xi32, #tpu.memory_space<hbm>> -> memref<1x8x125xi32, #tpu.memory_space<hbm>>
      %dma_wait3A_304 = tpu.memref_squeeze %dma_wait3A_303 : memref<1x8x125xi32, #tpu.memory_space<hbm>> -> memref<8x125xi32, #tpu.memory_space<hbm>>
      %dma_wait3A_305 = arith.constant 0 : i32
      %dma_wait3A_306 = tpu.memref_slice %arg4[%add3A, %multiple_of3A_295, %dma_wait3A_305] : memref<32x80x125xi32, #tpu.memory_space<hbm>> -> memref<1x8x125xi32, #tpu.memory_space<hbm>>
      %dma_wait3A_307 = tpu.memref_squeeze %dma_wait3A_306 : memref<1x8x125xi32, #tpu.memory_space<hbm>> -> memref<8x125xi32, #tpu.memory_space<hbm>>
      tpu.wait_dma2 semaphore(%arg20 : memref<!tpu.dma_semaphore, #tpu.memory_space<semaphore_mem>>) src(%dma_wait3A_307 : memref<8x125xi32, #tpu.memory_space<hbm>>) dst(%arg13 : memref<8x125xi32, #tpu.memory_space<vmem>>)
      %add3A_308 = arith.constant 1 : i32
      %add3A_309 = arith.addi %add3A_292, %add3A_308 : i32
      %lt3A_310 = arith.constant 10 : i32
      %lt3A_311 = arith.cmpi slt, %add3A_309, %lt3A_310 : i32
      %convert_element_type3A_312 = arith.extui %lt3A_311 : i1 to i32
      %cond3A_313 = arith.constant 0 : i32
      %cond3A_314 = arith.cmpi ne, %convert_element_type3A_312, %cond3A_313 : i32
      scf.if %cond3A_314 {
        %add3A_547 = arith.constant 1 : i32
        %add3A_548 = arith.addi %add3A_292, %add3A_547 : i32
        %mul3A_549 = arith.constant 8 : i32
        %mul3A_550 = arith.muli %add3A_548, %mul3A_549 : i32
        %multiple_of3A_551 = tpu.assume_multiple %mul3A_550, 8 : i32
        %dma_start3A_552 = arith.constant 0 : i32
        %dma_start3A_553 = tpu.memref_slice %arg5[%add3A, %multiple_of3A_551, %dma_start3A_552] : memref<32x80x125xi32, #tpu.memory_space<hbm>> -> memref<1x8x125xi32, #tpu.memory_space<hbm>>
        %dma_start3A_554 = tpu.memref_squeeze %dma_start3A_553 : memref<1x8x125xi32, #tpu.memory_space<hbm>> -> memref<8x125xi32, #tpu.memory_space<hbm>>
        %dma_start3A_555 = arith.constant 0 : i32
        %dma_start3A_556 = tpu.memref_slice %arg5[%add3A, %multiple_of3A_551, %dma_start3A_555] : memref<32x80x125xi32, #tpu.memory_space<hbm>> -> memref<1x8x125xi32, #tpu.memory_space<hbm>>
        %dma_start3A_557 = tpu.memref_squeeze %dma_start3A_556 : memref<1x8x125xi32, #tpu.memory_space<hbm>> -> memref<8x125xi32, #tpu.memory_space<hbm>>
        tpu.enqueue_dma source(%dma_start3A_557 : memref<8x125xi32, #tpu.memory_space<hbm>>) target(%arg10 : memref<8x125xi32, #tpu.memory_space<vmem>>) target_semaphore(%arg19 : memref<!tpu.dma_semaphore, #tpu.memory_space<semaphore_mem>>)
        %dma_start3A_558 = arith.constant 0 : i32
        %dma_start3A_559 = tpu.memref_slice %arg4[%add3A, %multiple_of3A_551, %dma_start3A_558] : memref<32x80x125xi32, #tpu.memory_space<hbm>> -> memref<1x8x125xi32, #tpu.memory_space<hbm>>
        %dma_start3A_560 = tpu.memref_squeeze %dma_start3A_559 : memref<1x8x125xi32, #tpu.memory_space<hbm>> -> memref<8x125xi32, #tpu.memory_space<hbm>>
        %dma_start3A_561 = arith.constant 0 : i32
        %dma_start3A_562 = tpu.memref_slice %arg4[%add3A, %multiple_of3A_551, %dma_start3A_561] : memref<32x80x125xi32, #tpu.memory_space<hbm>> -> memref<1x8x125xi32, #tpu.memory_space<hbm>>
        %dma_start3A_563 = tpu.memref_squeeze %dma_start3A_562 : memref<1x8x125xi32, #tpu.memory_space<hbm>> -> memref<8x125xi32, #tpu.memory_space<hbm>>
        tpu.enqueue_dma source(%dma_start3A_563 : memref<8x125xi32, #tpu.memory_space<hbm>>) target(%arg11 : memref<8x125xi32, #tpu.memory_space<vmem>>) target_semaphore(%arg19 : memref<!tpu.dma_semaphore, #tpu.memory_space<semaphore_mem>>)
      } else {
      }
      %dma_start3A_315 = arith.constant 0 : i32
      %dma_start3A_316 = arith.constant 0 : i32
      %dma_start3A_317 = tpu.memref_slice %arg13[%dma_start3A_315, %dma_start3A_316] : memref<8x125xi32, #tpu.memory_space<vmem>> -> memref<1x125xi32, #tpu.memory_space<vmem>>
      %dma_start3A_318 = tpu.memref_squeeze %dma_start3A_317 : memref<1x125xi32, #tpu.memory_space<vmem>> -> memref<125xi32, #tpu.memory_space<vmem>>
      %dma_start3A_319 = arith.constant 0 : i32
      %dma_start3A_320 = arith.constant 0 : i32
      %dma_start3A_321 = tpu.memref_slice %arg2[%dma_start3A_319, %dma_start3A_320] : memref<10240x128xf32, #tpu.memory_space<hbm>> -> memref<10240x128xf32, #tpu.memory_space<hbm>>
      tpu.enqueue_indirect_dma source(%dma_start3A_321 : memref<10240x128xf32, #tpu.memory_space<hbm>>) target(%arg14 : memref<125x128xf32, #tpu.memory_space<vmem>>) offsets(%dma_start3A_318 : memref<125xi32, #tpu.memory_space<vmem>>) semaphore(%arg17 : memref<!tpu.dma_semaphore, #tpu.memory_space<semaphore_mem>>)
      %dma_start3A_322 = arith.constant 1 : i32
      %dma_start3A_323 = arith.constant 0 : i32
      %dma_start3A_324 = tpu.memref_slice %arg13[%dma_start3A_322, %dma_start3A_323] : memref<8x125xi32, #tpu.memory_space<vmem>> -> memref<1x125xi32, #tpu.memory_space<vmem>>
      %dma_start3A_325 = tpu.memref_squeeze %dma_start3A_324 : memref<1x125xi32, #tpu.memory_space<vmem>> -> memref<125xi32, #tpu.memory_space<vmem>>
      %dma_start3A_326 = arith.constant 0 : i32
      %dma_start3A_327 = arith.constant 0 : i32
      %dma_start3A_328 = tpu.memref_slice %arg2[%dma_start3A_326, %dma_start3A_327] : memref<10240x128xf32, #tpu.memory_space<hbm>> -> memref<10240x128xf32, #tpu.memory_space<hbm>>
      tpu.enqueue_indirect_dma source(%dma_start3A_328 : memref<10240x128xf32, #tpu.memory_space<hbm>>) target(%arg15 : memref<125x128xf32, #tpu.memory_space<vmem>>) offsets(%dma_start3A_325 : memref<125xi32, #tpu.memory_space<vmem>>) semaphore(%arg18 : memref<!tpu.dma_semaphore, #tpu.memory_space<semaphore_mem>>)
      %dma_wait3A_329 = arith.constant 0 : i32
      %dma_wait3A_330 = arith.constant 0 : i32
      %dma_wait3A_331 = tpu.memref_slice %arg13[%dma_wait3A_329, %dma_wait3A_330] : memref<8x125xi32, #tpu.memory_space<vmem>> -> memref<1x125xi32, #tpu.memory_space<vmem>>
      %dma_wait3A_332 = tpu.memref_squeeze %dma_wait3A_331 : memref<1x125xi32, #tpu.memory_space<vmem>> -> memref<125xi32, #tpu.memory_space<vmem>>
      %dma_wait3A_333 = arith.constant 0 : i32
      %dma_wait3A_334 = arith.constant 0 : i32
      %dma_wait3A_335 = tpu.memref_slice %arg2[%dma_wait3A_333, %dma_wait3A_334] : memref<10240x128xf32, #tpu.memory_space<hbm>> -> memref<10240x128xf32, #tpu.memory_space<hbm>>
      tpu.wait_indirect_dma semaphore(%arg17 : memref<!tpu.dma_semaphore, #tpu.memory_space<semaphore_mem>>) src(%dma_wait3A_335 : memref<10240x128xf32, #tpu.memory_space<hbm>>) dst(%arg14 : memref<125x128xf32, #tpu.memory_space<vmem>>)
      %dma_start3A_336 = arith.constant 0 : i32
      %dma_start3A_337 = arith.constant 0 : i32
      %dma_start3A_338 = tpu.memref_slice %arg12[%dma_start3A_336, %dma_start3A_337] : memref<8x125xi32, #tpu.memory_space<vmem>> -> memref<1x125xi32, #tpu.memory_space<vmem>>
      %dma_start3A_339 = tpu.memref_squeeze %dma_start3A_338 : memref<1x125xi32, #tpu.memory_space<vmem>> -> memref<125xi32, #tpu.memory_space<vmem>>
      %dma_start3A_340 = arith.constant 0 : i32
      %dma_start3A_341 = arith.constant 0 : i32
      %dma_start3A_342 = tpu.memref_slice %arg16[%dma_start3A_340, %dma_start3A_341] : memref<10240x128xf32, #tpu.memory_space<vmem_shared>> -> memref<10240x128xf32, #tpu.memory_space<vmem_shared>>
      tpu.enqueue_indirect_dma source(%arg14 : memref<125x128xf32, #tpu.memory_space<vmem>>) target(%dma_start3A_342 : memref<10240x128xf32, #tpu.memory_space<vmem_shared>>) offsets(%dma_start3A_339 : memref<125xi32, #tpu.memory_space<vmem>>) semaphore(%arg21 : memref<!tpu.dma_semaphore, #tpu.memory_space<semaphore_mem>>) {add = true}
      %run_scoped3A_343 = arith.constant 0 : i32
      "tpu.region"() ({
        %run_scoped3A_547 = tpu.sem_alloc : memref<!tpu.dma_semaphore, #tpu.memory_space<semaphore_mem>>
        %dma_start3A_548 = arith.constant 0 : i32
        %dma_start3A_549 = tpu.memref_slice %arg12[%run_scoped3A_343, %dma_start3A_548] : memref<8x125xi32, #tpu.memory_space<vmem>> -> memref<1x125xi32, #tpu.memory_space<vmem>>
        %dma_start3A_550 = tpu.memref_squeeze %dma_start3A_549 : memref<1x125xi32, #tpu.memory_space<vmem>> -> memref<125xi32, #tpu.memory_space<vmem>>
        %dma_start3A_551 = arith.constant 0 : i32
        %dma_start3A_552 = tpu.memref_slice %arg25[%dma_start3A_551] : memref<10240xf32, #tpu.memory_space<vmem_shared>> -> memref<10240xf32, #tpu.memory_space<vmem_shared>>
        tpu.enqueue_indirect_dma source(%dma_start3A_552 : memref<10240xf32, #tpu.memory_space<vmem_shared>>) target(%arg23 : memref<125xf32, #tpu.memory_space<vmem>>) offsets(%dma_start3A_550 : memref<125xi32, #tpu.memory_space<vmem>>) semaphore(%run_scoped3A_547 : memref<!tpu.dma_semaphore, #tpu.memory_space<semaphore_mem>>)
        %dma_wait3A_553 = arith.constant 0 : i32
        %dma_wait3A_554 = tpu.memref_slice %arg12[%run_scoped3A_343, %dma_wait3A_553] : memref<8x125xi32, #tpu.memory_space<vmem>> -> memref<1x125xi32, #tpu.memory_space<vmem>>
        %dma_wait3A_555 = tpu.memref_squeeze %dma_wait3A_554 : memref<1x125xi32, #tpu.memory_space<vmem>> -> memref<125xi32, #tpu.memory_space<vmem>>
        %dma_wait3A_556 = arith.constant 0 : i32
        %dma_wait3A_557 = tpu.memref_slice %arg25[%dma_wait3A_556] : memref<10240xf32, #tpu.memory_space<vmem_shared>> -> memref<10240xf32, #tpu.memory_space<vmem_shared>>
        tpu.wait_indirect_dma semaphore(%run_scoped3A_547 : memref<!tpu.dma_semaphore, #tpu.memory_space<semaphore_mem>>) src(%dma_wait3A_557 : memref<10240xf32, #tpu.memory_space<vmem_shared>>) dst(%arg23 : memref<125xf32, #tpu.memory_space<vmem>>)
        tpu.yield
      }) : () -> ()
      %run_scoped3A_344 = arith.constant 0 : i32
      "tpu.region"() ({
        %run_scoped3A_547 = tpu.sem_alloc : memref<!tpu.dma_semaphore, #tpu.memory_space<semaphore_mem>>
        %dma_start3A_548 = arith.constant 0 : i32
        %dma_start3A_549 = tpu.memref_slice %arg13[%run_scoped3A_344, %dma_start3A_548] : memref<8x125xi32, #tpu.memory_space<vmem>> -> memref<1x125xi32, #tpu.memory_space<vmem>>
        %dma_start3A_550 = tpu.memref_squeeze %dma_start3A_549 : memref<1x125xi32, #tpu.memory_space<vmem>> -> memref<125xi32, #tpu.memory_space<vmem>>
        %dma_start3A_551 = arith.constant 0 : i32
        %dma_start3A_552 = tpu.memref_slice %arg24[%dma_start3A_551] : memref<10240xf32, #tpu.memory_space<vmem_shared>> -> memref<10240xf32, #tpu.memory_space<vmem_shared>>
        tpu.enqueue_indirect_dma source(%arg23 : memref<125xf32, #tpu.memory_space<vmem>>) target(%dma_start3A_552 : memref<10240xf32, #tpu.memory_space<vmem_shared>>) offsets(%dma_start3A_550 : memref<125xi32, #tpu.memory_space<vmem>>) semaphore(%run_scoped3A_547 : memref<!tpu.dma_semaphore, #tpu.memory_space<semaphore_mem>>) {add = true}
        %dma_wait3A_553 = arith.constant 0 : i32
        %dma_wait3A_554 = tpu.memref_slice %arg13[%run_scoped3A_344, %dma_wait3A_553] : memref<8x125xi32, #tpu.memory_space<vmem>> -> memref<1x125xi32, #tpu.memory_space<vmem>>
        %dma_wait3A_555 = tpu.memref_squeeze %dma_wait3A_554 : memref<1x125xi32, #tpu.memory_space<vmem>> -> memref<125xi32, #tpu.memory_space<vmem>>
        %dma_wait3A_556 = arith.constant 0 : i32
        %dma_wait3A_557 = tpu.memref_slice %arg24[%dma_wait3A_556] : memref<10240xf32, #tpu.memory_space<vmem_shared>> -> memref<10240xf32, #tpu.memory_space<vmem_shared>>
        tpu.wait_indirect_dma semaphore(%run_scoped3A_547 : memref<!tpu.dma_semaphore, #tpu.memory_space<semaphore_mem>>) src(%arg23 : memref<125xf32, #tpu.memory_space<vmem>>) dst(%dma_wait3A_557 : memref<10240xf32, #tpu.memory_space<vmem_shared>>)
        tpu.yield
      }) : () -> ()
      %dma_wait3A_345 = arith.constant 0 : i32
      %dma_wait3A_346 = arith.constant 0 : i32
      %dma_wait3A_347 = tpu.memref_slice %arg16[%dma_wait3A_345, %dma_wait3A_346] : memref<10240x128xf32, #tpu.memory_space<vmem_shared>> -> memref<125x128xf32, #tpu.memory_space<vmem_shared>>
      %dma_wait3A_348 = arith.constant 0 : i32
      %dma_wait3A_349 = arith.constant 0 : i32
      %dma_wait3A_350 = tpu.memref_slice %arg16[%dma_wait3A_348, %dma_wait3A_349] : memref<10240x128xf32, #tpu.memory_space<vmem_shared>> -> memref<125x128xf32, #tpu.memory_space<vmem_shared>>
      tpu.wait_dma2 semaphore(%arg21 : memref<!tpu.dma_semaphore, #tpu.memory_space<semaphore_mem>>) src(%arg14 : memref<125x128xf32, #tpu.memory_space<vmem>>) dst(%dma_wait3A_350 : memref<125x128xf32, #tpu.memory_space<vmem_shared>>)
      %dma_start3A_351 = arith.constant 2 : i32
      %dma_start3A_352 = arith.constant 0 : i32
      %dma_start3A_353 = tpu.memref_slice %arg13[%dma_start3A_351, %dma_start3A_352] : memref<8x125xi32, #tpu.memory_space<vmem>> -> memref<1x125xi32, #tpu.memory_space<vmem>>
      %dma_start3A_354 = tpu.memref_squeeze %dma_start3A_353 : memref<1x125xi32, #tpu.memory_space<vmem>> -> memref<125xi32, #tpu.memory_space<vmem>>
      %dma_start3A_355 = arith.constant 0 : i32
      %dma_start3A_356 = arith.constant 0 : i32
      %dma_start3A_357 = tpu.memref_slice %arg2[%dma_start3A_355, %dma_start3A_356] : memref<10240x128xf32, #tpu.memory_space<hbm>> -> memref<10240x128xf32, #tpu.memory_space<hbm>>
      tpu.enqueue_indirect_dma source(%dma_start3A_357 : memref<10240x128xf32, #tpu.memory_space<hbm>>) target(%arg14 : memref<125x128xf32, #tpu.memory_space<vmem>>) offsets(%dma_start3A_354 : memref<125xi32, #tpu.memory_space<vmem>>) semaphore(%arg17 : memref<!tpu.dma_semaphore, #tpu.memory_space<semaphore_mem>>)
      %dma_wait3A_358 = arith.constant 1 : i32
      %dma_wait3A_359 = arith.constant 0 : i32
      %dma_wait3A_360 = tpu.memref_slice %arg13[%dma_wait3A_358, %dma_wait3A_359] : memref<8x125xi32, #tpu.memory_space<vmem>> -> memref<1x125xi32, #tpu.memory_space<vmem>>
      %dma_wait3A_361 = tpu.memref_squeeze %dma_wait3A_360 : memref<1x125xi32, #tpu.memory_space<vmem>> -> memref<125xi32, #tpu.memory_space<vmem>>
      %dma_wait3A_362 = arith.constant 0 : i32
      %dma_wait3A_363 = arith.constant 0 : i32
      %dma_wait3A_364 = tpu.memref_slice %arg2[%dma_wait3A_362, %dma_wait3A_363] : memref<10240x128xf32, #tpu.memory_space<hbm>> -> memref<10240x128xf32, #tpu.memory_space<hbm>>
      tpu.wait_indirect_dma semaphore(%arg18 : memref<!tpu.dma_semaphore, #tpu.memory_space<semaphore_mem>>) src(%dma_wait3A_364 : memref<10240x128xf32, #tpu.memory_space<hbm>>) dst(%arg15 : memref<125x128xf32, #tpu.memory_space<vmem>>)
      %dma_start3A_365 = arith.constant 1 : i32
      %dma_start3A_366 = arith.constant 0 : i32
      %dma_start3A_367 = tpu.memref_slice %arg12[%dma_start3A_365, %dma_start3A_366] : memref<8x125xi32, #tpu.memory_space<vmem>> -> memref<1x125xi32, #tpu.memory_space<vmem>>
      %dma_start3A_368 = tpu.memref_squeeze %dma_start3A_367 : memref<1x125xi32, #tpu.memory_space<vmem>> -> memref<125xi32, #tpu.memory_space<vmem>>
      %dma_start3A_369 = arith.constant 0 : i32
      %dma_start3A_370 = arith.constant 0 : i32
      %dma_start3A_371 = tpu.memref_slice %arg16[%dma_start3A_369, %dma_start3A_370] : memref<10240x128xf32, #tpu.memory_space<vmem_shared>> -> memref<10240x128xf32, #tpu.memory_space<vmem_shared>>
      tpu.enqueue_indirect_dma source(%arg15 : memref<125x128xf32, #tpu.memory_space<vmem>>) target(%dma_start3A_371 : memref<10240x128xf32, #tpu.memory_space<vmem_shared>>) offsets(%dma_start3A_368 : memref<125xi32, #tpu.memory_space<vmem>>) semaphore(%arg22 : memref<!tpu.dma_semaphore, #tpu.memory_space<semaphore_mem>>) {add = true}
      %run_scoped3A_372 = arith.constant 1 : i32
      "tpu.region"() ({
        %run_scoped3A_547 = tpu.sem_alloc : memref<!tpu.dma_semaphore, #tpu.memory_space<semaphore_mem>>
        %dma_start3A_548 = arith.constant 0 : i32
        %dma_start3A_549 = tpu.memref_slice %arg12[%run_scoped3A_372, %dma_start3A_548] : memref<8x125xi32, #tpu.memory_space<vmem>> -> memref<1x125xi32, #tpu.memory_space<vmem>>
        %dma_start3A_550 = tpu.memref_squeeze %dma_start3A_549 : memref<1x125xi32, #tpu.memory_space<vmem>> -> memref<125xi32, #tpu.memory_space<vmem>>
        %dma_start3A_551 = arith.constant 0 : i32
        %dma_start3A_552 = tpu.memref_slice %arg25[%dma_start3A_551] : memref<10240xf32, #tpu.memory_space<vmem_shared>> -> memref<10240xf32, #tpu.memory_space<vmem_shared>>
        tpu.enqueue_indirect_dma source(%dma_start3A_552 : memref<10240xf32, #tpu.memory_space<vmem_shared>>) target(%arg23 : memref<125xf32, #tpu.memory_space<vmem>>) offsets(%dma_start3A_550 : memref<125xi32, #tpu.memory_space<vmem>>) semaphore(%run_scoped3A_547 : memref<!tpu.dma_semaphore, #tpu.memory_space<semaphore_mem>>)
        %dma_wait3A_553 = arith.constant 0 : i32
        %dma_wait3A_554 = tpu.memref_slice %arg12[%run_scoped3A_372, %dma_wait3A_553] : memref<8x125xi32, #tpu.memory_space<vmem>> -> memref<1x125xi32, #tpu.memory_space<vmem>>
        %dma_wait3A_555 = tpu.memref_squeeze %dma_wait3A_554 : memref<1x125xi32, #tpu.memory_space<vmem>> -> memref<125xi32, #tpu.memory_space<vmem>>
        %dma_wait3A_556 = arith.constant 0 : i32
        %dma_wait3A_557 = tpu.memref_slice %arg25[%dma_wait3A_556] : memref<10240xf32, #tpu.memory_space<vmem_shared>> -> memref<10240xf32, #tpu.memory_space<vmem_shared>>
        tpu.wait_indirect_dma semaphore(%run_scoped3A_547 : memref<!tpu.dma_semaphore, #tpu.memory_space<semaphore_mem>>) src(%dma_wait3A_557 : memref<10240xf32, #tpu.memory_space<vmem_shared>>) dst(%arg23 : memref<125xf32, #tpu.memory_space<vmem>>)
        tpu.yield
      }) : () -> ()
      %run_scoped3A_373 = arith.constant 1 : i32
      "tpu.region"() ({
        %run_scoped3A_547 = tpu.sem_alloc : memref<!tpu.dma_semaphore, #tpu.memory_space<semaphore_mem>>
        %dma_start3A_548 = arith.constant 0 : i32
        %dma_start3A_549 = tpu.memref_slice %arg13[%run_scoped3A_373, %dma_start3A_548] : memref<8x125xi32, #tpu.memory_space<vmem>> -> memref<1x125xi32, #tpu.memory_space<vmem>>
        %dma_start3A_550 = tpu.memref_squeeze %dma_start3A_549 : memref<1x125xi32, #tpu.memory_space<vmem>> -> memref<125xi32, #tpu.memory_space<vmem>>
        %dma_start3A_551 = arith.constant 0 : i32
        %dma_start3A_552 = tpu.memref_slice %arg24[%dma_start3A_551] : memref<10240xf32, #tpu.memory_space<vmem_shared>> -> memref<10240xf32, #tpu.memory_space<vmem_shared>>
        tpu.enqueue_indirect_dma source(%arg23 : memref<125xf32, #tpu.memory_space<vmem>>) target(%dma_start3A_552 : memref<10240xf32, #tpu.memory_space<vmem_shared>>) offsets(%dma_start3A_550 : memref<125xi32, #tpu.memory_space<vmem>>) semaphore(%run_scoped3A_547 : memref<!tpu.dma_semaphore, #tpu.memory_space<semaphore_mem>>) {add = true}
        %dma_wait3A_553 = arith.constant 0 : i32
        %dma_wait3A_554 = tpu.memref_slice %arg13[%run_scoped3A_373, %dma_wait3A_553] : memref<8x125xi32, #tpu.memory_space<vmem>> -> memref<1x125xi32, #tpu.memory_space<vmem>>
        %dma_wait3A_555 = tpu.memref_squeeze %dma_wait3A_554 : memref<1x125xi32, #tpu.memory_space<vmem>> -> memref<125xi32, #tpu.memory_space<vmem>>
        %dma_wait3A_556 = arith.constant 0 : i32
        %dma_wait3A_557 = tpu.memref_slice %arg24[%dma_wait3A_556] : memref<10240xf32, #tpu.memory_space<vmem_shared>> -> memref<10240xf32, #tpu.memory_space<vmem_shared>>
        tpu.wait_indirect_dma semaphore(%run_scoped3A_547 : memref<!tpu.dma_semaphore, #tpu.memory_space<semaphore_mem>>) src(%arg23 : memref<125xf32, #tpu.memory_space<vmem>>) dst(%dma_wait3A_557 : memref<10240xf32, #tpu.memory_space<vmem_shared>>)
        tpu.yield
      }) : () -> ()
      %dma_wait3A_374 = arith.constant 0 : i32
      %dma_wait3A_375 = arith.constant 0 : i32
      %dma_wait3A_376 = tpu.memref_slice %arg16[%dma_wait3A_374, %dma_wait3A_375] : memref<10240x128xf32, #tpu.memory_space<vmem_shared>> -> memref<125x128xf32, #tpu.memory_space<vmem_shared>>
      %dma_wait3A_377 = arith.constant 0 : i32
      %dma_wait3A_378 = arith.constant 0 : i32
      %dma_wait3A_379 = tpu.memref_slice %arg16[%dma_wait3A_377, %dma_wait3A_378] : memref<10240x128xf32, #tpu.memory_space<vmem_shared>> -> memref<125x128xf32, #tpu.memory_space<vmem_shared>>
      tpu.wait_dma2 semaphore(%arg22 : memref<!tpu.dma_semaphore, #tpu.memory_space<semaphore_mem>>) src(%arg15 : memref<125x128xf32, #tpu.memory_space<vmem>>) dst(%dma_wait3A_379 : memref<125x128xf32, #tpu.memory_space<vmem_shared>>)
      %dma_start3A_380 = arith.constant 3 : i32
      %dma_start3A_381 = arith.constant 0 : i32
      %dma_start3A_382 = tpu.memref_slice %arg13[%dma_start3A_380, %dma_start3A_381] : memref<8x125xi32, #tpu.memory_space<vmem>> -> memref<1x125xi32, #tpu.memory_space<vmem>>
      %dma_start3A_383 = tpu.memref_squeeze %dma_start3A_382 : memref<1x125xi32, #tpu.memory_space<vmem>> -> memref<125xi32, #tpu.memory_space<vmem>>
      %dma_start3A_384 = arith.constant 0 : i32
      %dma_start3A_385 = arith.constant 0 : i32
      %dma_start3A_386 = tpu.memref_slice %arg2[%dma_start3A_384, %dma_start3A_385] : memref<10240x128xf32, #tpu.memory_space<hbm>> -> memref<10240x128xf32, #tpu.memory_space<hbm>>
      tpu.enqueue_indirect_dma source(%dma_start3A_386 : memref<10240x128xf32, #tpu.memory_space<hbm>>) target(%arg15 : memref<125x128xf32, #tpu.memory_space<vmem>>) offsets(%dma_start3A_383 : memref<125xi32, #tpu.memory_space<vmem>>) semaphore(%arg18 : memref<!tpu.dma_semaphore, #tpu.memory_space<semaphore_mem>>)
      %dma_wait3A_387 = arith.constant 2 : i32
      %dma_wait3A_388 = arith.constant 0 : i32
      %dma_wait3A_389 = tpu.memref_slice %arg13[%dma_wait3A_387, %dma_wait3A_388] : memref<8x125xi32, #tpu.memory_space<vmem>> -> memref<1x125xi32, #tpu.memory_space<vmem>>
      %dma_wait3A_390 = tpu.memref_squeeze %dma_wait3A_389 : memref<1x125xi32, #tpu.memory_space<vmem>> -> memref<125xi32, #tpu.memory_space<vmem>>
      %dma_wait3A_391 = arith.constant 0 : i32
      %dma_wait3A_392 = arith.constant 0 : i32
      %dma_wait3A_393 = tpu.memref_slice %arg2[%dma_wait3A_391, %dma_wait3A_392] : memref<10240x128xf32, #tpu.memory_space<hbm>> -> memref<10240x128xf32, #tpu.memory_space<hbm>>
      tpu.wait_indirect_dma semaphore(%arg17 : memref<!tpu.dma_semaphore, #tpu.memory_space<semaphore_mem>>) src(%dma_wait3A_393 : memref<10240x128xf32, #tpu.memory_space<hbm>>) dst(%arg14 : memref<125x128xf32, #tpu.memory_space<vmem>>)
      %dma_start3A_394 = arith.constant 2 : i32
      %dma_start3A_395 = arith.constant 0 : i32
      %dma_start3A_396 = tpu.memref_slice %arg12[%dma_start3A_394, %dma_start3A_395] : memref<8x125xi32, #tpu.memory_space<vmem>> -> memref<1x125xi32, #tpu.memory_space<vmem>>
      %dma_start3A_397 = tpu.memref_squeeze %dma_start3A_396 : memref<1x125xi32, #tpu.memory_space<vmem>> -> memref<125xi32, #tpu.memory_space<vmem>>
      %dma_start3A_398 = arith.constant 0 : i32
      %dma_start3A_399 = arith.constant 0 : i32
      %dma_start3A_400 = tpu.memref_slice %arg16[%dma_start3A_398, %dma_start3A_399] : memref<10240x128xf32, #tpu.memory_space<vmem_shared>> -> memref<10240x128xf32, #tpu.memory_space<vmem_shared>>
      tpu.enqueue_indirect_dma source(%arg14 : memref<125x128xf32, #tpu.memory_space<vmem>>) target(%dma_start3A_400 : memref<10240x128xf32, #tpu.memory_space<vmem_shared>>) offsets(%dma_start3A_397 : memref<125xi32, #tpu.memory_space<vmem>>) semaphore(%arg21 : memref<!tpu.dma_semaphore, #tpu.memory_space<semaphore_mem>>) {add = true}
      %run_scoped3A_401 = arith.constant 2 : i32
      "tpu.region"() ({
        %run_scoped3A_547 = tpu.sem_alloc : memref<!tpu.dma_semaphore, #tpu.memory_space<semaphore_mem>>
        %dma_start3A_548 = arith.constant 0 : i32
        %dma_start3A_549 = tpu.memref_slice %arg12[%run_scoped3A_401, %dma_start3A_548] : memref<8x125xi32, #tpu.memory_space<vmem>> -> memref<1x125xi32, #tpu.memory_space<vmem>>
        %dma_start3A_550 = tpu.memref_squeeze %dma_start3A_549 : memref<1x125xi32, #tpu.memory_space<vmem>> -> memref<125xi32, #tpu.memory_space<vmem>>
        %dma_start3A_551 = arith.constant 0 : i32
        %dma_start3A_552 = tpu.memref_slice %arg25[%dma_start3A_551] : memref<10240xf32, #tpu.memory_space<vmem_shared>> -> memref<10240xf32, #tpu.memory_space<vmem_shared>>
        tpu.enqueue_indirect_dma source(%dma_start3A_552 : memref<10240xf32, #tpu.memory_space<vmem_shared>>) target(%arg23 : memref<125xf32, #tpu.memory_space<vmem>>) offsets(%dma_start3A_550 : memref<125xi32, #tpu.memory_space<vmem>>) semaphore(%run_scoped3A_547 : memref<!tpu.dma_semaphore, #tpu.memory_space<semaphore_mem>>)
        %dma_wait3A_553 = arith.constant 0 : i32
        %dma_wait3A_554 = tpu.memref_slice %arg12[%run_scoped3A_401, %dma_wait3A_553] : memref<8x125xi32, #tpu.memory_space<vmem>> -> memref<1x125xi32, #tpu.memory_space<vmem>>
        %dma_wait3A_555 = tpu.memref_squeeze %dma_wait3A_554 : memref<1x125xi32, #tpu.memory_space<vmem>> -> memref<125xi32, #tpu.memory_space<vmem>>
        %dma_wait3A_556 = arith.constant 0 : i32
        %dma_wait3A_557 = tpu.memref_slice %arg25[%dma_wait3A_556] : memref<10240xf32, #tpu.memory_space<vmem_shared>> -> memref<10240xf32, #tpu.memory_space<vmem_shared>>
        tpu.wait_indirect_dma semaphore(%run_scoped3A_547 : memref<!tpu.dma_semaphore, #tpu.memory_space<semaphore_mem>>) src(%dma_wait3A_557 : memref<10240xf32, #tpu.memory_space<vmem_shared>>) dst(%arg23 : memref<125xf32, #tpu.memory_space<vmem>>)
        tpu.yield
      }) : () -> ()
      %run_scoped3A_402 = arith.constant 2 : i32
      "tpu.region"() ({
        %run_scoped3A_547 = tpu.sem_alloc : memref<!tpu.dma_semaphore, #tpu.memory_space<semaphore_mem>>
        %dma_start3A_548 = arith.constant 0 : i32
        %dma_start3A_549 = tpu.memref_slice %arg13[%run_scoped3A_402, %dma_start3A_548] : memref<8x125xi32, #tpu.memory_space<vmem>> -> memref<1x125xi32, #tpu.memory_space<vmem>>
        %dma_start3A_550 = tpu.memref_squeeze %dma_start3A_549 : memref<1x125xi32, #tpu.memory_space<vmem>> -> memref<125xi32, #tpu.memory_space<vmem>>
        %dma_start3A_551 = arith.constant 0 : i32
        %dma_start3A_552 = tpu.memref_slice %arg24[%dma_start3A_551] : memref<10240xf32, #tpu.memory_space<vmem_shared>> -> memref<10240xf32, #tpu.memory_space<vmem_shared>>
        tpu.enqueue_indirect_dma source(%arg23 : memref<125xf32, #tpu.memory_space<vmem>>) target(%dma_start3A_552 : memref<10240xf32, #tpu.memory_space<vmem_shared>>) offsets(%dma_start3A_550 : memref<125xi32, #tpu.memory_space<vmem>>) semaphore(%run_scoped3A_547 : memref<!tpu.dma_semaphore, #tpu.memory_space<semaphore_mem>>) {add = true}
        %dma_wait3A_553 = arith.constant 0 : i32
        %dma_wait3A_554 = tpu.memref_slice %arg13[%run_scoped3A_402, %dma_wait3A_553] : memref<8x125xi32, #tpu.memory_space<vmem>> -> memref<1x125xi32, #tpu.memory_space<vmem>>
        %dma_wait3A_555 = tpu.memref_squeeze %dma_wait3A_554 : memref<1x125xi32, #tpu.memory_space<vmem>> -> memref<125xi32, #tpu.memory_space<vmem>>
        %dma_wait3A_556 = arith.constant 0 : i32
        %dma_wait3A_557 = tpu.memref_slice %arg24[%dma_wait3A_556] : memref<10240xf32, #tpu.memory_space<vmem_shared>> -> memref<10240xf32, #tpu.memory_space<vmem_shared>>
        tpu.wait_indirect_dma semaphore(%run_scoped3A_547 : memref<!tpu.dma_semaphore, #tpu.memory_space<semaphore_mem>>) src(%arg23 : memref<125xf32, #tpu.memory_space<vmem>>) dst(%dma_wait3A_557 : memref<10240xf32, #tpu.memory_space<vmem_shared>>)
        tpu.yield
      }) : () -> ()
      %dma_wait3A_403 = arith.constant 0 : i32
      %dma_wait3A_404 = arith.constant 0 : i32
      %dma_wait3A_405 = tpu.memref_slice %arg16[%dma_wait3A_403, %dma_wait3A_404] : memref<10240x128xf32, #tpu.memory_space<vmem_shared>> -> memref<125x128xf32, #tpu.memory_space<vmem_shared>>
      %dma_wait3A_406 = arith.constant 0 : i32
      %dma_wait3A_407 = arith.constant 0 : i32
      %dma_wait3A_408 = tpu.memref_slice %arg16[%dma_wait3A_406, %dma_wait3A_407] : memref<10240x128xf32, #tpu.memory_space<vmem_shared>> -> memref<125x128xf32, #tpu.memory_space<vmem_shared>>
      tpu.wait_dma2 semaphore(%arg21 : memref<!tpu.dma_semaphore, #tpu.memory_space<semaphore_mem>>) src(%arg14 : memref<125x128xf32, #tpu.memory_space<vmem>>) dst(%dma_wait3A_408 : memref<125x128xf32, #tpu.memory_space<vmem_shared>>)
      %dma_start3A_409 = arith.constant 4 : i32
      %dma_start3A_410 = arith.constant 0 : i32
      %dma_start3A_411 = tpu.memref_slice %arg13[%dma_start3A_409, %dma_start3A_410] : memref<8x125xi32, #tpu.memory_space<vmem>> -> memref<1x125xi32, #tpu.memory_space<vmem>>
      %dma_start3A_412 = tpu.memref_squeeze %dma_start3A_411 : memref<1x125xi32, #tpu.memory_space<vmem>> -> memref<125xi32, #tpu.memory_space<vmem>>
      %dma_start3A_413 = arith.constant 0 : i32
      %dma_start3A_414 = arith.constant 0 : i32
      %dma_start3A_415 = tpu.memref_slice %arg2[%dma_start3A_413, %dma_start3A_414] : memref<10240x128xf32, #tpu.memory_space<hbm>> -> memref<10240x128xf32, #tpu.memory_space<hbm>>
      tpu.enqueue_indirect_dma source(%dma_start3A_415 : memref<10240x128xf32, #tpu.memory_space<hbm>>) target(%arg14 : memref<125x128xf32, #tpu.memory_space<vmem>>) offsets(%dma_start3A_412 : memref<125xi32, #tpu.memory_space<vmem>>) semaphore(%arg17 : memref<!tpu.dma_semaphore, #tpu.memory_space<semaphore_mem>>)
      %dma_wait3A_416 = arith.constant 3 : i32
      %dma_wait3A_417 = arith.constant 0 : i32
      %dma_wait3A_418 = tpu.memref_slice %arg13[%dma_wait3A_416, %dma_wait3A_417] : memref<8x125xi32, #tpu.memory_space<vmem>> -> memref<1x125xi32, #tpu.memory_space<vmem>>
      %dma_wait3A_419 = tpu.memref_squeeze %dma_wait3A_418 : memref<1x125xi32, #tpu.memory_space<vmem>> -> memref<125xi32, #tpu.memory_space<vmem>>
      %dma_wait3A_420 = arith.constant 0 : i32
      %dma_wait3A_421 = arith.constant 0 : i32
      %dma_wait3A_422 = tpu.memref_slice %arg2[%dma_wait3A_420, %dma_wait3A_421] : memref<10240x128xf32, #tpu.memory_space<hbm>> -> memref<10240x128xf32, #tpu.memory_space<hbm>>
      tpu.wait_indirect_dma semaphore(%arg18 : memref<!tpu.dma_semaphore, #tpu.memory_space<semaphore_mem>>) src(%dma_wait3A_422 : memref<10240x128xf32, #tpu.memory_space<hbm>>) dst(%arg15 : memref<125x128xf32, #tpu.memory_space<vmem>>)
      %dma_start3A_423 = arith.constant 3 : i32
      %dma_start3A_424 = arith.constant 0 : i32
      %dma_start3A_425 = tpu.memref_slice %arg12[%dma_start3A_423, %dma_start3A_424] : memref<8x125xi32, #tpu.memory_space<vmem>> -> memref<1x125xi32, #tpu.memory_space<vmem>>
      %dma_start3A_426 = tpu.memref_squeeze %dma_start3A_425 : memref<1x125xi32, #tpu.memory_space<vmem>> -> memref<125xi32, #tpu.memory_space<vmem>>
      %dma_start3A_427 = arith.constant 0 : i32
      %dma_start3A_428 = arith.constant 0 : i32
      %dma_start3A_429 = tpu.memref_slice %arg16[%dma_start3A_427, %dma_start3A_428] : memref<10240x128xf32, #tpu.memory_space<vmem_shared>> -> memref<10240x128xf32, #tpu.memory_space<vmem_shared>>
      tpu.enqueue_indirect_dma source(%arg15 : memref<125x128xf32, #tpu.memory_space<vmem>>) target(%dma_start3A_429 : memref<10240x128xf32, #tpu.memory_space<vmem_shared>>) offsets(%dma_start3A_426 : memref<125xi32, #tpu.memory_space<vmem>>) semaphore(%arg22 : memref<!tpu.dma_semaphore, #tpu.memory_space<semaphore_mem>>) {add = true}
      %run_scoped3A_430 = arith.constant 3 : i32
      "tpu.region"() ({
        %run_scoped3A_547 = tpu.sem_alloc : memref<!tpu.dma_semaphore, #tpu.memory_space<semaphore_mem>>
        %dma_start3A_548 = arith.constant 0 : i32
        %dma_start3A_549 = tpu.memref_slice %arg12[%run_scoped3A_430, %dma_start3A_548] : memref<8x125xi32, #tpu.memory_space<vmem>> -> memref<1x125xi32, #tpu.memory_space<vmem>>
        %dma_start3A_550 = tpu.memref_squeeze %dma_start3A_549 : memref<1x125xi32, #tpu.memory_space<vmem>> -> memref<125xi32, #tpu.memory_space<vmem>>
        %dma_start3A_551 = arith.constant 0 : i32
        %dma_start3A_552 = tpu.memref_slice %arg25[%dma_start3A_551] : memref<10240xf32, #tpu.memory_space<vmem_shared>> -> memref<10240xf32, #tpu.memory_space<vmem_shared>>
        tpu.enqueue_indirect_dma source(%dma_start3A_552 : memref<10240xf32, #tpu.memory_space<vmem_shared>>) target(%arg23 : memref<125xf32, #tpu.memory_space<vmem>>) offsets(%dma_start3A_550 : memref<125xi32, #tpu.memory_space<vmem>>) semaphore(%run_scoped3A_547 : memref<!tpu.dma_semaphore, #tpu.memory_space<semaphore_mem>>)
        %dma_wait3A_553 = arith.constant 0 : i32
        %dma_wait3A_554 = tpu.memref_slice %arg12[%run_scoped3A_430, %dma_wait3A_553] : memref<8x125xi32, #tpu.memory_space<vmem>> -> memref<1x125xi32, #tpu.memory_space<vmem>>
        %dma_wait3A_555 = tpu.memref_squeeze %dma_wait3A_554 : memref<1x125xi32, #tpu.memory_space<vmem>> -> memref<125xi32, #tpu.memory_space<vmem>>
        %dma_wait3A_556 = arith.constant 0 : i32
        %dma_wait3A_557 = tpu.memref_slice %arg25[%dma_wait3A_556] : memref<10240xf32, #tpu.memory_space<vmem_shared>> -> memref<10240xf32, #tpu.memory_space<vmem_shared>>
        tpu.wait_indirect_dma semaphore(%run_scoped3A_547 : memref<!tpu.dma_semaphore, #tpu.memory_space<semaphore_mem>>) src(%dma_wait3A_557 : memref<10240xf32, #tpu.memory_space<vmem_shared>>) dst(%arg23 : memref<125xf32, #tpu.memory_space<vmem>>)
        tpu.yield
      }) : () -> ()
      %run_scoped3A_431 = arith.constant 3 : i32
      "tpu.region"() ({
        %run_scoped3A_547 = tpu.sem_alloc : memref<!tpu.dma_semaphore, #tpu.memory_space<semaphore_mem>>
        %dma_start3A_548 = arith.constant 0 : i32
        %dma_start3A_549 = tpu.memref_slice %arg13[%run_scoped3A_431, %dma_start3A_548] : memref<8x125xi32, #tpu.memory_space<vmem>> -> memref<1x125xi32, #tpu.memory_space<vmem>>
        %dma_start3A_550 = tpu.memref_squeeze %dma_start3A_549 : memref<1x125xi32, #tpu.memory_space<vmem>> -> memref<125xi32, #tpu.memory_space<vmem>>
        %dma_start3A_551 = arith.constant 0 : i32
        %dma_start3A_552 = tpu.memref_slice %arg24[%dma_start3A_551] : memref<10240xf32, #tpu.memory_space<vmem_shared>> -> memref<10240xf32, #tpu.memory_space<vmem_shared>>
        tpu.enqueue_indirect_dma source(%arg23 : memref<125xf32, #tpu.memory_space<vmem>>) target(%dma_start3A_552 : memref<10240xf32, #tpu.memory_space<vmem_shared>>) offsets(%dma_start3A_550 : memref<125xi32, #tpu.memory_space<vmem>>) semaphore(%run_scoped3A_547 : memref<!tpu.dma_semaphore, #tpu.memory_space<semaphore_mem>>) {add = true}
        %dma_wait3A_553 = arith.constant 0 : i32
        %dma_wait3A_554 = tpu.memref_slice %arg13[%run_scoped3A_431, %dma_wait3A_553] : memref<8x125xi32, #tpu.memory_space<vmem>> -> memref<1x125xi32, #tpu.memory_space<vmem>>
        %dma_wait3A_555 = tpu.memref_squeeze %dma_wait3A_554 : memref<1x125xi32, #tpu.memory_space<vmem>> -> memref<125xi32, #tpu.memory_space<vmem>>
        %dma_wait3A_556 = arith.constant 0 : i32
        %dma_wait3A_557 = tpu.memref_slice %arg24[%dma_wait3A_556] : memref<10240xf32, #tpu.memory_space<vmem_shared>> -> memref<10240xf32, #tpu.memory_space<vmem_shared>>
        tpu.wait_indirect_dma semaphore(%run_scoped3A_547 : memref<!tpu.dma_semaphore, #tpu.memory_space<semaphore_mem>>) src(%arg23 : memref<125xf32, #tpu.memory_space<vmem>>) dst(%dma_wait3A_557 : memref<10240xf32, #tpu.memory_space<vmem_shared>>)
        tpu.yield
      }) : () -> ()
      %dma_wait3A_432 = arith.constant 0 : i32
      %dma_wait3A_433 = arith.constant 0 : i32
      %dma_wait3A_434 = tpu.memref_slice %arg16[%dma_wait3A_432, %dma_wait3A_433] : memref<10240x128xf32, #tpu.memory_space<vmem_shared>> -> memref<125x128xf32, #tpu.memory_space<vmem_shared>>
      %dma_wait3A_435 = arith.constant 0 : i32
      %dma_wait3A_436 = arith.constant 0 : i32
      %dma_wait3A_437 = tpu.memref_slice %arg16[%dma_wait3A_435, %dma_wait3A_436] : memref<10240x128xf32, #tpu.memory_space<vmem_shared>> -> memref<125x128xf32, #tpu.memory_space<vmem_shared>>
      tpu.wait_dma2 semaphore(%arg22 : memref<!tpu.dma_semaphore, #tpu.memory_space<semaphore_mem>>) src(%arg15 : memref<125x128xf32, #tpu.memory_space<vmem>>) dst(%dma_wait3A_437 : memref<125x128xf32, #tpu.memory_space<vmem_shared>>)
      %dma_start3A_438 = arith.constant 5 : i32
      %dma_start3A_439 = arith.constant 0 : i32
      %dma_start3A_440 = tpu.memref_slice %arg13[%dma_start3A_438, %dma_start3A_439] : memref<8x125xi32, #tpu.memory_space<vmem>> -> memref<1x125xi32, #tpu.memory_space<vmem>>
      %dma_start3A_441 = tpu.memref_squeeze %dma_start3A_440 : memref<1x125xi32, #tpu.memory_space<vmem>> -> memref<125xi32, #tpu.memory_space<vmem>>
      %dma_start3A_442 = arith.constant 0 : i32
      %dma_start3A_443 = arith.constant 0 : i32
      %dma_start3A_444 = tpu.memref_slice %arg2[%dma_start3A_442, %dma_start3A_443] : memref<10240x128xf32, #tpu.memory_space<hbm>> -> memref<10240x128xf32, #tpu.memory_space<hbm>>
      tpu.enqueue_indirect_dma source(%dma_start3A_444 : memref<10240x128xf32, #tpu.memory_space<hbm>>) target(%arg15 : memref<125x128xf32, #tpu.memory_space<vmem>>) offsets(%dma_start3A_441 : memref<125xi32, #tpu.memory_space<vmem>>) semaphore(%arg18 : memref<!tpu.dma_semaphore, #tpu.memory_space<semaphore_mem>>)
      %dma_wait3A_445 = arith.constant 4 : i32
      %dma_wait3A_446 = arith.constant 0 : i32
      %dma_wait3A_447 = tpu.memref_slice %arg13[%dma_wait3A_445, %dma_wait3A_446] : memref<8x125xi32, #tpu.memory_space<vmem>> -> memref<1x125xi32, #tpu.memory_space<vmem>>
      %dma_wait3A_448 = tpu.memref_squeeze %dma_wait3A_447 : memref<1x125xi32, #tpu.memory_space<vmem>> -> memref<125xi32, #tpu.memory_space<vmem>>
      %dma_wait3A_449 = arith.constant 0 : i32
      %dma_wait3A_450 = arith.constant 0 : i32
      %dma_wait3A_451 = tpu.memref_slice %arg2[%dma_wait3A_449, %dma_wait3A_450] : memref<10240x128xf32, #tpu.memory_space<hbm>> -> memref<10240x128xf32, #tpu.memory_space<hbm>>
      tpu.wait_indirect_dma semaphore(%arg17 : memref<!tpu.dma_semaphore, #tpu.memory_space<semaphore_mem>>) src(%dma_wait3A_451 : memref<10240x128xf32, #tpu.memory_space<hbm>>) dst(%arg14 : memref<125x128xf32, #tpu.memory_space<vmem>>)
      %dma_start3A_452 = arith.constant 4 : i32
      %dma_start3A_453 = arith.constant 0 : i32
      %dma_start3A_454 = tpu.memref_slice %arg12[%dma_start3A_452, %dma_start3A_453] : memref<8x125xi32, #tpu.memory_space<vmem>> -> memref<1x125xi32, #tpu.memory_space<vmem>>
      %dma_start3A_455 = tpu.memref_squeeze %dma_start3A_454 : memref<1x125xi32, #tpu.memory_space<vmem>> -> memref<125xi32, #tpu.memory_space<vmem>>
      %dma_start3A_456 = arith.constant 0 : i32
      %dma_start3A_457 = arith.constant 0 : i32
      %dma_start3A_458 = tpu.memref_slice %arg16[%dma_start3A_456, %dma_start3A_457] : memref<10240x128xf32, #tpu.memory_space<vmem_shared>> -> memref<10240x128xf32, #tpu.memory_space<vmem_shared>>
      tpu.enqueue_indirect_dma source(%arg14 : memref<125x128xf32, #tpu.memory_space<vmem>>) target(%dma_start3A_458 : memref<10240x128xf32, #tpu.memory_space<vmem_shared>>) offsets(%dma_start3A_455 : memref<125xi32, #tpu.memory_space<vmem>>) semaphore(%arg21 : memref<!tpu.dma_semaphore, #tpu.memory_space<semaphore_mem>>) {add = true}
      %run_scoped3A_459 = arith.constant 4 : i32
      "tpu.region"() ({
        %run_scoped3A_547 = tpu.sem_alloc : memref<!tpu.dma_semaphore, #tpu.memory_space<semaphore_mem>>
        %dma_start3A_548 = arith.constant 0 : i32
        %dma_start3A_549 = tpu.memref_slice %arg12[%run_scoped3A_459, %dma_start3A_548] : memref<8x125xi32, #tpu.memory_space<vmem>> -> memref<1x125xi32, #tpu.memory_space<vmem>>
        %dma_start3A_550 = tpu.memref_squeeze %dma_start3A_549 : memref<1x125xi32, #tpu.memory_space<vmem>> -> memref<125xi32, #tpu.memory_space<vmem>>
        %dma_start3A_551 = arith.constant 0 : i32
        %dma_start3A_552 = tpu.memref_slice %arg25[%dma_start3A_551] : memref<10240xf32, #tpu.memory_space<vmem_shared>> -> memref<10240xf32, #tpu.memory_space<vmem_shared>>
        tpu.enqueue_indirect_dma source(%dma_start3A_552 : memref<10240xf32, #tpu.memory_space<vmem_shared>>) target(%arg23 : memref<125xf32, #tpu.memory_space<vmem>>) offsets(%dma_start3A_550 : memref<125xi32, #tpu.memory_space<vmem>>) semaphore(%run_scoped3A_547 : memref<!tpu.dma_semaphore, #tpu.memory_space<semaphore_mem>>)
        %dma_wait3A_553 = arith.constant 0 : i32
        %dma_wait3A_554 = tpu.memref_slice %arg12[%run_scoped3A_459, %dma_wait3A_553] : memref<8x125xi32, #tpu.memory_space<vmem>> -> memref<1x125xi32, #tpu.memory_space<vmem>>
        %dma_wait3A_555 = tpu.memref_squeeze %dma_wait3A_554 : memref<1x125xi32, #tpu.memory_space<vmem>> -> memref<125xi32, #tpu.memory_space<vmem>>
        %dma_wait3A_556 = arith.constant 0 : i32
        %dma_wait3A_557 = tpu.memref_slice %arg25[%dma_wait3A_556] : memref<10240xf32, #tpu.memory_space<vmem_shared>> -> memref<10240xf32, #tpu.memory_space<vmem_shared>>
        tpu.wait_indirect_dma semaphore(%run_scoped3A_547 : memref<!tpu.dma_semaphore, #tpu.memory_space<semaphore_mem>>) src(%dma_wait3A_557 : memref<10240xf32, #tpu.memory_space<vmem_shared>>) dst(%arg23 : memref<125xf32, #tpu.memory_space<vmem>>)
        tpu.yield
      }) : () -> ()
      %run_scoped3A_460 = arith.constant 4 : i32
      "tpu.region"() ({
        %run_scoped3A_547 = tpu.sem_alloc : memref<!tpu.dma_semaphore, #tpu.memory_space<semaphore_mem>>
        %dma_start3A_548 = arith.constant 0 : i32
        %dma_start3A_549 = tpu.memref_slice %arg13[%run_scoped3A_460, %dma_start3A_548] : memref<8x125xi32, #tpu.memory_space<vmem>> -> memref<1x125xi32, #tpu.memory_space<vmem>>
        %dma_start3A_550 = tpu.memref_squeeze %dma_start3A_549 : memref<1x125xi32, #tpu.memory_space<vmem>> -> memref<125xi32, #tpu.memory_space<vmem>>
        %dma_start3A_551 = arith.constant 0 : i32
        %dma_start3A_552 = tpu.memref_slice %arg24[%dma_start3A_551] : memref<10240xf32, #tpu.memory_space<vmem_shared>> -> memref<10240xf32, #tpu.memory_space<vmem_shared>>
        tpu.enqueue_indirect_dma source(%arg23 : memref<125xf32, #tpu.memory_space<vmem>>) target(%dma_start3A_552 : memref<10240xf32, #tpu.memory_space<vmem_shared>>) offsets(%dma_start3A_550 : memref<125xi32, #tpu.memory_space<vmem>>) semaphore(%run_scoped3A_547 : memref<!tpu.dma_semaphore, #tpu.memory_space<semaphore_mem>>) {add = true}
        %dma_wait3A_553 = arith.constant 0 : i32
        %dma_wait3A_554 = tpu.memref_slice %arg13[%run_scoped3A_460, %dma_wait3A_553] : memref<8x125xi32, #tpu.memory_space<vmem>> -> memref<1x125xi32, #tpu.memory_space<vmem>>
        %dma_wait3A_555 = tpu.memref_squeeze %dma_wait3A_554 : memref<1x125xi32, #tpu.memory_space<vmem>> -> memref<125xi32, #tpu.memory_space<vmem>>
        %dma_wait3A_556 = arith.constant 0 : i32
        %dma_wait3A_557 = tpu.memref_slice %arg24[%dma_wait3A_556] : memref<10240xf32, #tpu.memory_space<vmem_shared>> -> memref<10240xf32, #tpu.memory_space<vmem_shared>>
        tpu.wait_indirect_dma semaphore(%run_scoped3A_547 : memref<!tpu.dma_semaphore, #tpu.memory_space<semaphore_mem>>) src(%arg23 : memref<125xf32, #tpu.memory_space<vmem>>) dst(%dma_wait3A_557 : memref<10240xf32, #tpu.memory_space<vmem_shared>>)
        tpu.yield
      }) : () -> ()
      %dma_wait3A_461 = arith.constant 0 : i32
      %dma_wait3A_462 = arith.constant 0 : i32
      %dma_wait3A_463 = tpu.memref_slice %arg16[%dma_wait3A_461, %dma_wait3A_462] : memref<10240x128xf32, #tpu.memory_space<vmem_shared>> -> memref<125x128xf32, #tpu.memory_space<vmem_shared>>
      %dma_wait3A_464 = arith.constant 0 : i32
      %dma_wait3A_465 = arith.constant 0 : i32
      %dma_wait3A_466 = tpu.memref_slice %arg16[%dma_wait3A_464, %dma_wait3A_465] : memref<10240x128xf32, #tpu.memory_space<vmem_shared>> -> memref<125x128xf32, #tpu.memory_space<vmem_shared>>
      tpu.wait_dma2 semaphore(%arg21 : memref<!tpu.dma_semaphore, #tpu.memory_space<semaphore_mem>>) src(%arg14 : memref<125x128xf32, #tpu.memory_space<vmem>>) dst(%dma_wait3A_466 : memref<125x128xf32, #tpu.memory_space<vmem_shared>>)
      %dma_start3A_467 = arith.constant 6 : i32
      %dma_start3A_468 = arith.constant 0 : i32
      %dma_start3A_469 = tpu.memref_slice %arg13[%dma_start3A_467, %dma_start3A_468] : memref<8x125xi32, #tpu.memory_space<vmem>> -> memref<1x125xi32, #tpu.memory_space<vmem>>
      %dma_start3A_470 = tpu.memref_squeeze %dma_start3A_469 : memref<1x125xi32, #tpu.memory_space<vmem>> -> memref<125xi32, #tpu.memory_space<vmem>>
      %dma_start3A_471 = arith.constant 0 : i32
      %dma_start3A_472 = arith.constant 0 : i32
      %dma_start3A_473 = tpu.memref_slice %arg2[%dma_start3A_471, %dma_start3A_472] : memref<10240x128xf32, #tpu.memory_space<hbm>> -> memref<10240x128xf32, #tpu.memory_space<hbm>>
      tpu.enqueue_indirect_dma source(%dma_start3A_473 : memref<10240x128xf32, #tpu.memory_space<hbm>>) target(%arg14 : memref<125x128xf32, #tpu.memory_space<vmem>>) offsets(%dma_start3A_470 : memref<125xi32, #tpu.memory_space<vmem>>) semaphore(%arg17 : memref<!tpu.dma_semaphore, #tpu.memory_space<semaphore_mem>>)
      %dma_wait3A_474 = arith.constant 5 : i32
      %dma_wait3A_475 = arith.constant 0 : i32
      %dma_wait3A_476 = tpu.memref_slice %arg13[%dma_wait3A_474, %dma_wait3A_475] : memref<8x125xi32, #tpu.memory_space<vmem>> -> memref<1x125xi32, #tpu.memory_space<vmem>>
      %dma_wait3A_477 = tpu.memref_squeeze %dma_wait3A_476 : memref<1x125xi32, #tpu.memory_space<vmem>> -> memref<125xi32, #tpu.memory_space<vmem>>
      %dma_wait3A_478 = arith.constant 0 : i32
      %dma_wait3A_479 = arith.constant 0 : i32
      %dma_wait3A_480 = tpu.memref_slice %arg2[%dma_wait3A_478, %dma_wait3A_479] : memref<10240x128xf32, #tpu.memory_space<hbm>> -> memref<10240x128xf32, #tpu.memory_space<hbm>>
      tpu.wait_indirect_dma semaphore(%arg18 : memref<!tpu.dma_semaphore, #tpu.memory_space<semaphore_mem>>) src(%dma_wait3A_480 : memref<10240x128xf32, #tpu.memory_space<hbm>>) dst(%arg15 : memref<125x128xf32, #tpu.memory_space<vmem>>)
      %dma_start3A_481 = arith.constant 5 : i32
      %dma_start3A_482 = arith.constant 0 : i32
      %dma_start3A_483 = tpu.memref_slice %arg12[%dma_start3A_481, %dma_start3A_482] : memref<8x125xi32, #tpu.memory_space<vmem>> -> memref<1x125xi32, #tpu.memory_space<vmem>>
      %dma_start3A_484 = tpu.memref_squeeze %dma_start3A_483 : memref<1x125xi32, #tpu.memory_space<vmem>> -> memref<125xi32, #tpu.memory_space<vmem>>
      %dma_start3A_485 = arith.constant 0 : i32
      %dma_start3A_486 = arith.constant 0 : i32
      %dma_start3A_487 = tpu.memref_slice %arg16[%dma_start3A_485, %dma_start3A_486] : memref<10240x128xf32, #tpu.memory_space<vmem_shared>> -> memref<10240x128xf32, #tpu.memory_space<vmem_shared>>
      tpu.enqueue_indirect_dma source(%arg15 : memref<125x128xf32, #tpu.memory_space<vmem>>) target(%dma_start3A_487 : memref<10240x128xf32, #tpu.memory_space<vmem_shared>>) offsets(%dma_start3A_484 : memref<125xi32, #tpu.memory_space<vmem>>) semaphore(%arg22 : memref<!tpu.dma_semaphore, #tpu.memory_space<semaphore_mem>>) {add = true}
      %run_scoped3A_488 = arith.constant 5 : i32
      "tpu.region"() ({
        %run_scoped3A_547 = tpu.sem_alloc : memref<!tpu.dma_semaphore, #tpu.memory_space<semaphore_mem>>
        %dma_start3A_548 = arith.constant 0 : i32
        %dma_start3A_549 = tpu.memref_slice %arg12[%run_scoped3A_488, %dma_start3A_548] : memref<8x125xi32, #tpu.memory_space<vmem>> -> memref<1x125xi32, #tpu.memory_space<vmem>>
        %dma_start3A_550 = tpu.memref_squeeze %dma_start3A_549 : memref<1x125xi32, #tpu.memory_space<vmem>> -> memref<125xi32, #tpu.memory_space<vmem>>
        %dma_start3A_551 = arith.constant 0 : i32
        %dma_start3A_552 = tpu.memref_slice %arg25[%dma_start3A_551] : memref<10240xf32, #tpu.memory_space<vmem_shared>> -> memref<10240xf32, #tpu.memory_space<vmem_shared>>
        tpu.enqueue_indirect_dma source(%dma_start3A_552 : memref<10240xf32, #tpu.memory_space<vmem_shared>>) target(%arg23 : memref<125xf32, #tpu.memory_space<vmem>>) offsets(%dma_start3A_550 : memref<125xi32, #tpu.memory_space<vmem>>) semaphore(%run_scoped3A_547 : memref<!tpu.dma_semaphore, #tpu.memory_space<semaphore_mem>>)
        %dma_wait3A_553 = arith.constant 0 : i32
        %dma_wait3A_554 = tpu.memref_slice %arg12[%run_scoped3A_488, %dma_wait3A_553] : memref<8x125xi32, #tpu.memory_space<vmem>> -> memref<1x125xi32, #tpu.memory_space<vmem>>
        %dma_wait3A_555 = tpu.memref_squeeze %dma_wait3A_554 : memref<1x125xi32, #tpu.memory_space<vmem>> -> memref<125xi32, #tpu.memory_space<vmem>>
        %dma_wait3A_556 = arith.constant 0 : i32
        %dma_wait3A_557 = tpu.memref_slice %arg25[%dma_wait3A_556] : memref<10240xf32, #tpu.memory_space<vmem_shared>> -> memref<10240xf32, #tpu.memory_space<vmem_shared>>
        tpu.wait_indirect_dma semaphore(%run_scoped3A_547 : memref<!tpu.dma_semaphore, #tpu.memory_space<semaphore_mem>>) src(%dma_wait3A_557 : memref<10240xf32, #tpu.memory_space<vmem_shared>>) dst(%arg23 : memref<125xf32, #tpu.memory_space<vmem>>)
        tpu.yield
      }) : () -> ()
      %run_scoped3A_489 = arith.constant 5 : i32
      "tpu.region"() ({
        %run_scoped3A_547 = tpu.sem_alloc : memref<!tpu.dma_semaphore, #tpu.memory_space<semaphore_mem>>
        %dma_start3A_548 = arith.constant 0 : i32
        %dma_start3A_549 = tpu.memref_slice %arg13[%run_scoped3A_489, %dma_start3A_548] : memref<8x125xi32, #tpu.memory_space<vmem>> -> memref<1x125xi32, #tpu.memory_space<vmem>>
        %dma_start3A_550 = tpu.memref_squeeze %dma_start3A_549 : memref<1x125xi32, #tpu.memory_space<vmem>> -> memref<125xi32, #tpu.memory_space<vmem>>
        %dma_start3A_551 = arith.constant 0 : i32
        %dma_start3A_552 = tpu.memref_slice %arg24[%dma_start3A_551] : memref<10240xf32, #tpu.memory_space<vmem_shared>> -> memref<10240xf32, #tpu.memory_space<vmem_shared>>
        tpu.enqueue_indirect_dma source(%arg23 : memref<125xf32, #tpu.memory_space<vmem>>) target(%dma_start3A_552 : memref<10240xf32, #tpu.memory_space<vmem_shared>>) offsets(%dma_start3A_550 : memref<125xi32, #tpu.memory_space<vmem>>) semaphore(%run_scoped3A_547 : memref<!tpu.dma_semaphore, #tpu.memory_space<semaphore_mem>>) {add = true}
        %dma_wait3A_553 = arith.constant 0 : i32
        %dma_wait3A_554 = tpu.memref_slice %arg13[%run_scoped3A_489, %dma_wait3A_553] : memref<8x125xi32, #tpu.memory_space<vmem>> -> memref<1x125xi32, #tpu.memory_space<vmem>>
        %dma_wait3A_555 = tpu.memref_squeeze %dma_wait3A_554 : memref<1x125xi32, #tpu.memory_space<vmem>> -> memref<125xi32, #tpu.memory_space<vmem>>
        %dma_wait3A_556 = arith.constant 0 : i32
        %dma_wait3A_557 = tpu.memref_slice %arg24[%dma_wait3A_556] : memref<10240xf32, #tpu.memory_space<vmem_shared>> -> memref<10240xf32, #tpu.memory_space<vmem_shared>>
        tpu.wait_indirect_dma semaphore(%run_scoped3A_547 : memref<!tpu.dma_semaphore, #tpu.memory_space<semaphore_mem>>) src(%arg23 : memref<125xf32, #tpu.memory_space<vmem>>) dst(%dma_wait3A_557 : memref<10240xf32, #tpu.memory_space<vmem_shared>>)
        tpu.yield
      }) : () -> ()
      %dma_wait3A_490 = arith.constant 0 : i32
      %dma_wait3A_491 = arith.constant 0 : i32
      %dma_wait3A_492 = tpu.memref_slice %arg16[%dma_wait3A_490, %dma_wait3A_491] : memref<10240x128xf32, #tpu.memory_space<vmem_shared>> -> memref<125x128xf32, #tpu.memory_space<vmem_shared>>
      %dma_wait3A_493 = arith.constant 0 : i32
      %dma_wait3A_494 = arith.constant 0 : i32
      %dma_wait3A_495 = tpu.memref_slice %arg16[%dma_wait3A_493, %dma_wait3A_494] : memref<10240x128xf32, #tpu.memory_space<vmem_shared>> -> memref<125x128xf32, #tpu.memory_space<vmem_shared>>
      tpu.wait_dma2 semaphore(%arg22 : memref<!tpu.dma_semaphore, #tpu.memory_space<semaphore_mem>>) src(%arg15 : memref<125x128xf32, #tpu.memory_space<vmem>>) dst(%dma_wait3A_495 : memref<125x128xf32, #tpu.memory_space<vmem_shared>>)
      %dma_start3A_496 = arith.constant 7 : i32
      %dma_start3A_497 = arith.constant 0 : i32
      %dma_start3A_498 = tpu.memref_slice %arg13[%dma_start3A_496, %dma_start3A_497] : memref<8x125xi32, #tpu.memory_space<vmem>> -> memref<1x125xi32, #tpu.memory_space<vmem>>
      %dma_start3A_499 = tpu.memref_squeeze %dma_start3A_498 : memref<1x125xi32, #tpu.memory_space<vmem>> -> memref<125xi32, #tpu.memory_space<vmem>>
      %dma_start3A_500 = arith.constant 0 : i32
      %dma_start3A_501 = arith.constant 0 : i32
      %dma_start3A_502 = tpu.memref_slice %arg2[%dma_start3A_500, %dma_start3A_501] : memref<10240x128xf32, #tpu.memory_space<hbm>> -> memref<10240x128xf32, #tpu.memory_space<hbm>>
      tpu.enqueue_indirect_dma source(%dma_start3A_502 : memref<10240x128xf32, #tpu.memory_space<hbm>>) target(%arg15 : memref<125x128xf32, #tpu.memory_space<vmem>>) offsets(%dma_start3A_499 : memref<125xi32, #tpu.memory_space<vmem>>) semaphore(%arg18 : memref<!tpu.dma_semaphore, #tpu.memory_space<semaphore_mem>>)
      %dma_wait3A_503 = arith.constant 6 : i32
      %dma_wait3A_504 = arith.constant 0 : i32
      %dma_wait3A_505 = tpu.memref_slice %arg13[%dma_wait3A_503, %dma_wait3A_504] : memref<8x125xi32, #tpu.memory_space<vmem>> -> memref<1x125xi32, #tpu.memory_space<vmem>>
      %dma_wait3A_506 = tpu.memref_squeeze %dma_wait3A_505 : memref<1x125xi32, #tpu.memory_space<vmem>> -> memref<125xi32, #tpu.memory_space<vmem>>
      %dma_wait3A_507 = arith.constant 0 : i32
      %dma_wait3A_508 = arith.constant 0 : i32
      %dma_wait3A_509 = tpu.memref_slice %arg2[%dma_wait3A_507, %dma_wait3A_508] : memref<10240x128xf32, #tpu.memory_space<hbm>> -> memref<10240x128xf32, #tpu.memory_space<hbm>>
      tpu.wait_indirect_dma semaphore(%arg17 : memref<!tpu.dma_semaphore, #tpu.memory_space<semaphore_mem>>) src(%dma_wait3A_509 : memref<10240x128xf32, #tpu.memory_space<hbm>>) dst(%arg14 : memref<125x128xf32, #tpu.memory_space<vmem>>)
      %dma_start3A_510 = arith.constant 6 : i32
      %dma_start3A_511 = arith.constant 0 : i32
      %dma_start3A_512 = tpu.memref_slice %arg12[%dma_start3A_510, %dma_start3A_511] : memref<8x125xi32, #tpu.memory_space<vmem>> -> memref<1x125xi32, #tpu.memory_space<vmem>>
      %dma_start3A_513 = tpu.memref_squeeze %dma_start3A_512 : memref<1x125xi32, #tpu.memory_space<vmem>> -> memref<125xi32, #tpu.memory_space<vmem>>
      %dma_start3A_514 = arith.constant 0 : i32
      %dma_start3A_515 = arith.constant 0 : i32
      %dma_start3A_516 = tpu.memref_slice %arg16[%dma_start3A_514, %dma_start3A_515] : memref<10240x128xf32, #tpu.memory_space<vmem_shared>> -> memref<10240x128xf32, #tpu.memory_space<vmem_shared>>
      tpu.enqueue_indirect_dma source(%arg14 : memref<125x128xf32, #tpu.memory_space<vmem>>) target(%dma_start3A_516 : memref<10240x128xf32, #tpu.memory_space<vmem_shared>>) offsets(%dma_start3A_513 : memref<125xi32, #tpu.memory_space<vmem>>) semaphore(%arg21 : memref<!tpu.dma_semaphore, #tpu.memory_space<semaphore_mem>>) {add = true}
      %run_scoped3A_517 = arith.constant 6 : i32
      "tpu.region"() ({
        %run_scoped3A_547 = tpu.sem_alloc : memref<!tpu.dma_semaphore, #tpu.memory_space<semaphore_mem>>
        %dma_start3A_548 = arith.constant 0 : i32
        %dma_start3A_549 = tpu.memref_slice %arg12[%run_scoped3A_517, %dma_start3A_548] : memref<8x125xi32, #tpu.memory_space<vmem>> -> memref<1x125xi32, #tpu.memory_space<vmem>>
        %dma_start3A_550 = tpu.memref_squeeze %dma_start3A_549 : memref<1x125xi32, #tpu.memory_space<vmem>> -> memref<125xi32, #tpu.memory_space<vmem>>
        %dma_start3A_551 = arith.constant 0 : i32
        %dma_start3A_552 = tpu.memref_slice %arg25[%dma_start3A_551] : memref<10240xf32, #tpu.memory_space<vmem_shared>> -> memref<10240xf32, #tpu.memory_space<vmem_shared>>
        tpu.enqueue_indirect_dma source(%dma_start3A_552 : memref<10240xf32, #tpu.memory_space<vmem_shared>>) target(%arg23 : memref<125xf32, #tpu.memory_space<vmem>>) offsets(%dma_start3A_550 : memref<125xi32, #tpu.memory_space<vmem>>) semaphore(%run_scoped3A_547 : memref<!tpu.dma_semaphore, #tpu.memory_space<semaphore_mem>>)
        %dma_wait3A_553 = arith.constant 0 : i32
        %dma_wait3A_554 = tpu.memref_slice %arg12[%run_scoped3A_517, %dma_wait3A_553] : memref<8x125xi32, #tpu.memory_space<vmem>> -> memref<1x125xi32, #tpu.memory_space<vmem>>
        %dma_wait3A_555 = tpu.memref_squeeze %dma_wait3A_554 : memref<1x125xi32, #tpu.memory_space<vmem>> -> memref<125xi32, #tpu.memory_space<vmem>>
        %dma_wait3A_556 = arith.constant 0 : i32
        %dma_wait3A_557 = tpu.memref_slice %arg25[%dma_wait3A_556] : memref<10240xf32, #tpu.memory_space<vmem_shared>> -> memref<10240xf32, #tpu.memory_space<vmem_shared>>
        tpu.wait_indirect_dma semaphore(%run_scoped3A_547 : memref<!tpu.dma_semaphore, #tpu.memory_space<semaphore_mem>>) src(%dma_wait3A_557 : memref<10240xf32, #tpu.memory_space<vmem_shared>>) dst(%arg23 : memref<125xf32, #tpu.memory_space<vmem>>)
        tpu.yield
      }) : () -> ()
      %run_scoped3A_518 = arith.constant 6 : i32
      "tpu.region"() ({
        %run_scoped3A_547 = tpu.sem_alloc : memref<!tpu.dma_semaphore, #tpu.memory_space<semaphore_mem>>
        %dma_start3A_548 = arith.constant 0 : i32
        %dma_start3A_549 = tpu.memref_slice %arg13[%run_scoped3A_518, %dma_start3A_548] : memref<8x125xi32, #tpu.memory_space<vmem>> -> memref<1x125xi32, #tpu.memory_space<vmem>>
        %dma_start3A_550 = tpu.memref_squeeze %dma_start3A_549 : memref<1x125xi32, #tpu.memory_space<vmem>> -> memref<125xi32, #tpu.memory_space<vmem>>
        %dma_start3A_551 = arith.constant 0 : i32
        %dma_start3A_552 = tpu.memref_slice %arg24[%dma_start3A_551] : memref<10240xf32, #tpu.memory_space<vmem_shared>> -> memref<10240xf32, #tpu.memory_space<vmem_shared>>
        tpu.enqueue_indirect_dma source(%arg23 : memref<125xf32, #tpu.memory_space<vmem>>) target(%dma_start3A_552 : memref<10240xf32, #tpu.memory_space<vmem_shared>>) offsets(%dma_start3A_550 : memref<125xi32, #tpu.memory_space<vmem>>) semaphore(%run_scoped3A_547 : memref<!tpu.dma_semaphore, #tpu.memory_space<semaphore_mem>>) {add = true}
        %dma_wait3A_553 = arith.constant 0 : i32
        %dma_wait3A_554 = tpu.memref_slice %arg13[%run_scoped3A_518, %dma_wait3A_553] : memref<8x125xi32, #tpu.memory_space<vmem>> -> memref<1x125xi32, #tpu.memory_space<vmem>>
        %dma_wait3A_555 = tpu.memref_squeeze %dma_wait3A_554 : memref<1x125xi32, #tpu.memory_space<vmem>> -> memref<125xi32, #tpu.memory_space<vmem>>
        %dma_wait3A_556 = arith.constant 0 : i32
        %dma_wait3A_557 = tpu.memref_slice %arg24[%dma_wait3A_556] : memref<10240xf32, #tpu.memory_space<vmem_shared>> -> memref<10240xf32, #tpu.memory_space<vmem_shared>>
        tpu.wait_indirect_dma semaphore(%run_scoped3A_547 : memref<!tpu.dma_semaphore, #tpu.memory_space<semaphore_mem>>) src(%arg23 : memref<125xf32, #tpu.memory_space<vmem>>) dst(%dma_wait3A_557 : memref<10240xf32, #tpu.memory_space<vmem_shared>>)
        tpu.yield
      }) : () -> ()
      %dma_wait3A_519 = arith.constant 7 : i32
      %dma_wait3A_520 = arith.constant 0 : i32
      %dma_wait3A_521 = tpu.memref_slice %arg13[%dma_wait3A_519, %dma_wait3A_520] : memref<8x125xi32, #tpu.memory_space<vmem>> -> memref<1x125xi32, #tpu.memory_space<vmem>>
      %dma_wait3A_522 = tpu.memref_squeeze %dma_wait3A_521 : memref<1x125xi32, #tpu.memory_space<vmem>> -> memref<125xi32, #tpu.memory_space<vmem>>
      %dma_wait3A_523 = arith.constant 0 : i32
      %dma_wait3A_524 = arith.constant 0 : i32
      %dma_wait3A_525 = tpu.memref_slice %arg2[%dma_wait3A_523, %dma_wait3A_524] : memref<10240x128xf32, #tpu.memory_space<hbm>> -> memref<10240x128xf32, #tpu.memory_space<hbm>>
      tpu.wait_indirect_dma semaphore(%arg18 : memref<!tpu.dma_semaphore, #tpu.memory_space<semaphore_mem>>) src(%dma_wait3A_525 : memref<10240x128xf32, #tpu.memory_space<hbm>>) dst(%arg15 : memref<125x128xf32, #tpu.memory_space<vmem>>)
      %dma_start3A_526 = arith.constant 7 : i32
      %dma_start3A_527 = arith.constant 0 : i32
      %dma_start3A_528 = tpu.memref_slice %arg12[%dma_start3A_526, %dma_start3A_527] : memref<8x125xi32, #tpu.memory_space<vmem>> -> memref<1x125xi32, #tpu.memory_space<vmem>>
      %dma_start3A_529 = tpu.memref_squeeze %dma_start3A_528 : memref<1x125xi32, #tpu.memory_space<vmem>> -> memref<125xi32, #tpu.memory_space<vmem>>
      %dma_start3A_530 = arith.constant 0 : i32
      %dma_start3A_531 = arith.constant 0 : i32
      %dma_start3A_532 = tpu.memref_slice %arg16[%dma_start3A_530, %dma_start3A_531] : memref<10240x128xf32, #tpu.memory_space<vmem_shared>> -> memref<10240x128xf32, #tpu.memory_space<vmem_shared>>
      tpu.enqueue_indirect_dma source(%arg15 : memref<125x128xf32, #tpu.memory_space<vmem>>) target(%dma_start3A_532 : memref<10240x128xf32, #tpu.memory_space<vmem_shared>>) offsets(%dma_start3A_529 : memref<125xi32, #tpu.memory_space<vmem>>) semaphore(%arg22 : memref<!tpu.dma_semaphore, #tpu.memory_space<semaphore_mem>>) {add = true}
      %run_scoped3A_533 = arith.constant 7 : i32
      "tpu.region"() ({
        %run_scoped3A_547 = tpu.sem_alloc : memref<!tpu.dma_semaphore, #tpu.memory_space<semaphore_mem>>
        %dma_start3A_548 = arith.constant 0 : i32
        %dma_start3A_549 = tpu.memref_slice %arg12[%run_scoped3A_533, %dma_start3A_548] : memref<8x125xi32, #tpu.memory_space<vmem>> -> memref<1x125xi32, #tpu.memory_space<vmem>>
        %dma_start3A_550 = tpu.memref_squeeze %dma_start3A_549 : memref<1x125xi32, #tpu.memory_space<vmem>> -> memref<125xi32, #tpu.memory_space<vmem>>
        %dma_start3A_551 = arith.constant 0 : i32
        %dma_start3A_552 = tpu.memref_slice %arg25[%dma_start3A_551] : memref<10240xf32, #tpu.memory_space<vmem_shared>> -> memref<10240xf32, #tpu.memory_space<vmem_shared>>
        tpu.enqueue_indirect_dma source(%dma_start3A_552 : memref<10240xf32, #tpu.memory_space<vmem_shared>>) target(%arg23 : memref<125xf32, #tpu.memory_space<vmem>>) offsets(%dma_start3A_550 : memref<125xi32, #tpu.memory_space<vmem>>) semaphore(%run_scoped3A_547 : memref<!tpu.dma_semaphore, #tpu.memory_space<semaphore_mem>>)
        %dma_wait3A_553 = arith.constant 0 : i32
        %dma_wait3A_554 = tpu.memref_slice %arg12[%run_scoped3A_533, %dma_wait3A_553] : memref<8x125xi32, #tpu.memory_space<vmem>> -> memref<1x125xi32, #tpu.memory_space<vmem>>
        %dma_wait3A_555 = tpu.memref_squeeze %dma_wait3A_554 : memref<1x125xi32, #tpu.memory_space<vmem>> -> memref<125xi32, #tpu.memory_space<vmem>>
        %dma_wait3A_556 = arith.constant 0 : i32
        %dma_wait3A_557 = tpu.memref_slice %arg25[%dma_wait3A_556] : memref<10240xf32, #tpu.memory_space<vmem_shared>> -> memref<10240xf32, #tpu.memory_space<vmem_shared>>
        tpu.wait_indirect_dma semaphore(%run_scoped3A_547 : memref<!tpu.dma_semaphore, #tpu.memory_space<semaphore_mem>>) src(%dma_wait3A_557 : memref<10240xf32, #tpu.memory_space<vmem_shared>>) dst(%arg23 : memref<125xf32, #tpu.memory_space<vmem>>)
        tpu.yield
      }) : () -> ()
      %run_scoped3A_534 = arith.constant 7 : i32
      "tpu.region"() ({
        %run_scoped3A_547 = tpu.sem_alloc : memref<!tpu.dma_semaphore, #tpu.memory_space<semaphore_mem>>
        %dma_start3A_548 = arith.constant 0 : i32
        %dma_start3A_549 = tpu.memref_slice %arg13[%run_scoped3A_534, %dma_start3A_548] : memref<8x125xi32, #tpu.memory_space<vmem>> -> memref<1x125xi32, #tpu.memory_space<vmem>>
        %dma_start3A_550 = tpu.memref_squeeze %dma_start3A_549 : memref<1x125xi32, #tpu.memory_space<vmem>> -> memref<125xi32, #tpu.memory_space<vmem>>
        %dma_start3A_551 = arith.constant 0 : i32
        %dma_start3A_552 = tpu.memref_slice %arg24[%dma_start3A_551] : memref<10240xf32, #tpu.memory_space<vmem_shared>> -> memref<10240xf32, #tpu.memory_space<vmem_shared>>
        tpu.enqueue_indirect_dma source(%arg23 : memref<125xf32, #tpu.memory_space<vmem>>) target(%dma_start3A_552 : memref<10240xf32, #tpu.memory_space<vmem_shared>>) offsets(%dma_start3A_550 : memref<125xi32, #tpu.memory_space<vmem>>) semaphore(%run_scoped3A_547 : memref<!tpu.dma_semaphore, #tpu.memory_space<semaphore_mem>>) {add = true}
        %dma_wait3A_553 = arith.constant 0 : i32
        %dma_wait3A_554 = tpu.memref_slice %arg13[%run_scoped3A_534, %dma_wait3A_553] : memref<8x125xi32, #tpu.memory_space<vmem>> -> memref<1x125xi32, #tpu.memory_space<vmem>>
        %dma_wait3A_555 = tpu.memref_squeeze %dma_wait3A_554 : memref<1x125xi32, #tpu.memory_space<vmem>> -> memref<125xi32, #tpu.memory_space<vmem>>
        %dma_wait3A_556 = arith.constant 0 : i32
        %dma_wait3A_557 = tpu.memref_slice %arg24[%dma_wait3A_556] : memref<10240xf32, #tpu.memory_space<vmem_shared>> -> memref<10240xf32, #tpu.memory_space<vmem_shared>>
        tpu.wait_indirect_dma semaphore(%run_scoped3A_547 : memref<!tpu.dma_semaphore, #tpu.memory_space<semaphore_mem>>) src(%arg23 : memref<125xf32, #tpu.memory_space<vmem>>) dst(%dma_wait3A_557 : memref<10240xf32, #tpu.memory_space<vmem_shared>>)
        tpu.yield
      }) : () -> ()
      %dma_wait3A_535 = arith.constant 0 : i32
      %dma_wait3A_536 = arith.constant 0 : i32
      %dma_wait3A_537 = tpu.memref_slice %arg16[%dma_wait3A_535, %dma_wait3A_536] : memref<10240x128xf32, #tpu.memory_space<vmem_shared>> -> memref<125x128xf32, #tpu.memory_space<vmem_shared>>
      %dma_wait3A_538 = arith.constant 0 : i32
      %dma_wait3A_539 = arith.constant 0 : i32
      %dma_wait3A_540 = tpu.memref_slice %arg16[%dma_wait3A_538, %dma_wait3A_539] : memref<10240x128xf32, #tpu.memory_space<vmem_shared>> -> memref<125x128xf32, #tpu.memory_space<vmem_shared>>
      tpu.wait_dma2 semaphore(%arg21 : memref<!tpu.dma_semaphore, #tpu.memory_space<semaphore_mem>>) src(%arg14 : memref<125x128xf32, #tpu.memory_space<vmem>>) dst(%dma_wait3A_540 : memref<125x128xf32, #tpu.memory_space<vmem_shared>>)
      %dma_wait3A_541 = arith.constant 0 : i32
      %dma_wait3A_542 = arith.constant 0 : i32
      %dma_wait3A_543 = tpu.memref_slice %arg16[%dma_wait3A_541, %dma_wait3A_542] : memref<10240x128xf32, #tpu.memory_space<vmem_shared>> -> memref<125x128xf32, #tpu.memory_space<vmem_shared>>
      %dma_wait3A_544 = arith.constant 0 : i32
      %dma_wait3A_545 = arith.constant 0 : i32
      %dma_wait3A_546 = tpu.memref_slice %arg16[%dma_wait3A_544, %dma_wait3A_545] : memref<10240x128xf32, #tpu.memory_space<vmem_shared>> -> memref<125x128xf32, #tpu.memory_space<vmem_shared>>
      tpu.wait_dma2 semaphore(%arg22 : memref<!tpu.dma_semaphore, #tpu.memory_space<semaphore_mem>>) src(%arg15 : memref<125x128xf32, #tpu.memory_space<vmem>>) dst(%dma_wait3A_546 : memref<125x128xf32, #tpu.memory_space<vmem_shared>>)
    }
    %scan3A_24 = arith.constant 5 : i32
    %barrier3A_25 = arith.constant 0 : index
    tpu.barrier barrier_id(%barrier3A_25)
    "tpu.region"() ({
      %run_scoped3A_30 = tpu.sem_alloc : memref<!tpu.dma_semaphore, #tpu.memory_space<semaphore_mem>>
      %dma_start3A_31 = arith.constant 0 : i32
      %dma_start3A_32 = tpu.memref_slice %arg8[%arg0, %mul3A_2, %dma_start3A_31] : memref<2x10240x128xf32, #tpu.memory_space<hbm>> -> memref<1x640x128xf32, #tpu.memory_space<hbm>>
      %dma_start3A_33 = tpu.memref_squeeze %dma_start3A_32 : memref<1x640x128xf32, #tpu.memory_space<hbm>> -> memref<640x128xf32, #tpu.memory_space<hbm>>
      %dma_start3A_34 = arith.constant 0 : i32
      %dma_start3A_35 = tpu.memref_slice %arg16[%mul3A_2, %dma_start3A_34] : memref<10240x128xf32, #tpu.memory_space<vmem_shared>> -> memref<640x128xf32, #tpu.memory_space<vmem_shared>>
      tpu.enqueue_dma source(%dma_start3A_35 : memref<640x128xf32, #tpu.memory_space<vmem_shared>>) target(%dma_start3A_33 : memref<640x128xf32, #tpu.memory_space<hbm>>) target_semaphore(%run_scoped3A_30 : memref<!tpu.dma_semaphore, #tpu.memory_space<semaphore_mem>>)
      %dma_wait3A = arith.constant 0 : i32
      %dma_wait3A_36 = tpu.memref_slice %arg8[%arg0, %mul3A_2, %dma_wait3A] : memref<2x10240x128xf32, #tpu.memory_space<hbm>> -> memref<1x640x128xf32, #tpu.memory_space<hbm>>
      %dma_wait3A_37 = tpu.memref_squeeze %dma_wait3A_36 : memref<1x640x128xf32, #tpu.memory_space<hbm>> -> memref<640x128xf32, #tpu.memory_space<hbm>>
      %dma_wait3A_38 = arith.constant 0 : i32
      %dma_wait3A_39 = tpu.memref_slice %arg16[%mul3A_2, %dma_wait3A_38] : memref<10240x128xf32, #tpu.memory_space<vmem_shared>> -> memref<640x128xf32, #tpu.memory_space<vmem_shared>>
      tpu.wait_dma2 semaphore(%run_scoped3A_30 : memref<!tpu.dma_semaphore, #tpu.memory_space<semaphore_mem>>) src(%dma_wait3A_39 : memref<640x128xf32, #tpu.memory_space<vmem_shared>>) dst(%dma_wait3A_37 : memref<640x128xf32, #tpu.memory_space<hbm>>)
      tpu.yield
    }) : () -> ()
    %mul3A_26 = arith.constant 640 : i32
    %mul3A_27 = arith.muli %arg1, %mul3A_26 : i32
    %mul3A_28 = arith.constant 640 : i32
    %mul3A_29 = arith.muli %arg1, %mul3A_28 : i32
    %run_scoped3A = arith.constant 0 : i32
    "tpu.region"() ({
      %run_scoped3A_30 = tpu.sem_alloc : memref<!tpu.dma_semaphore, #tpu.memory_space<semaphore_mem>>
      %dma_start3A_31 = tpu.memref_slice %arg9[%arg0, %run_scoped3A, %mul3A_29] : memref<2x1x10240xf32, #tpu.memory_space<hbm>> -> memref<1x1x640xf32, #tpu.memory_space<hbm>>
      %dma_start3A_32 = tpu.memref_squeeze %dma_start3A_31 : memref<1x1x640xf32, #tpu.memory_space<hbm>> -> memref<640xf32, #tpu.memory_space<hbm>>
      %dma_start3A_33 = tpu.memref_slice %arg24[%mul3A_27] : memref<10240xf32, #tpu.memory_space<vmem_shared>> -> memref<640xf32, #tpu.memory_space<vmem_shared>>
      tpu.enqueue_dma source(%dma_start3A_33 : memref<640xf32, #tpu.memory_space<vmem_shared>>) target(%dma_start3A_32 : memref<640xf32, #tpu.memory_space<hbm>>) target_semaphore(%run_scoped3A_30 : memref<!tpu.dma_semaphore, #tpu.memory_space<semaphore_mem>>)
      %dma_wait3A = tpu.memref_slice %arg9[%arg0, %run_scoped3A, %mul3A_29] : memref<2x1x10240xf32, #tpu.memory_space<hbm>> -> memref<1x1x640xf32, #tpu.memory_space<hbm>>
      %dma_wait3A_34 = tpu.memref_squeeze %dma_wait3A : memref<1x1x640xf32, #tpu.memory_space<hbm>> -> memref<640xf32, #tpu.memory_space<hbm>>
      %dma_wait3A_35 = tpu.memref_slice %arg24[%mul3A_27] : memref<10240xf32, #tpu.memory_space<vmem_shared>> -> memref<640xf32, #tpu.memory_space<vmem_shared>>
      tpu.wait_dma2 semaphore(%run_scoped3A_30 : memref<!tpu.dma_semaphore, #tpu.memory_space<semaphore_mem>>) src(%dma_wait3A_35 : memref<640xf32, #tpu.memory_space<vmem_shared>>) dst(%dma_wait3A_34 : memref<640xf32, #tpu.memory_space<hbm>>)
      tpu.yield
    }) : () -> ()
    return
  }
}

module attributes {stable_mosaic.version = 14 : i64} {
  func.func @body(%arg0: memref<10240x128xf32, #tpu.memory_space<vmem>>, %arg1: memref<128x128xf32, #tpu.memory_space<vmem>>, %arg2: memref<10240x128xf32, #tpu.memory_space<vmem>>) attributes {dimension_semantics = [], scalar_prefetch = 0 : i64, scratch_operands = 0 : i64, tpu.core_type = #tpu.core_type<tc>} {
    %get3A = arith.constant 0 : index
    %get3A_0 = arith.constant 0 : index
    %get3A_1 = vector.load %arg0[%get3A, %get3A_0] : memref<10240x128xf32, #tpu.memory_space<vmem>>, vector<10240x128xf32>
    %get3A_2 = arith.constant 0 : index
    %get3A_3 = arith.constant 0 : index
    %get3A_4 = vector.load %arg1[%get3A_2, %get3A_3] : memref<128x128xf32, #tpu.memory_space<vmem>>, vector<128x128xf32>
    %dot_general3A = arith.constant dense<0.000000e+00> : vector<10240x128xf32>
    %dot_general3A_5 = tpu.matmul %get3A_1, %get3A_4, %dot_general3A {dimension_numbers = #tpu.dot_dimension_numbers<[1], [0], [0], [1], [0, 0, 1, 1], [], []>, transpose_lhs_hint = false} : vector<10240x128xf32>, vector<128x128xf32>, vector<10240x128xf32> -> vector<10240x128xf32>
    %swap3A = arith.constant 0 : index
    %swap3A_6 = arith.constant 0 : index
    %swap3A_7 = vector.load %arg2[%swap3A, %swap3A_6] : memref<10240x128xf32, #tpu.memory_space<vmem>>, vector<10240x128xf32>
    tpu.vector_store %arg2[%swap3A, %swap3A_6], %dot_general3A_5 {strides = array<i32>} : memref<10240x128xf32, #tpu.memory_space<vmem>>, vector<10240x128xf32>,
    return
  }
}

module attributes {stable_mosaic.version = 14 : i64} {
  func.func @body(%arg0: memref<10240x128xf32, #tpu.memory_space<vmem>>, %arg1: memref<128x128xf32, #tpu.memory_space<vmem>>, %arg2: memref<1x128xf32, #tpu.memory_space<vmem>>, %arg3: memref<10240x128xf32, #tpu.memory_space<vmem>>) attributes {dimension_semantics = [], scalar_prefetch = 0 : i64, scratch_operands = 0 : i64, tpu.core_type = #tpu.core_type<tc>} {
    %get3A = arith.constant 0 : index
    %get3A_0 = arith.constant 0 : index
    %get3A_1 = vector.load %arg0[%get3A, %get3A_0] : memref<10240x128xf32, #tpu.memory_space<vmem>>, vector<10240x128xf32>
    %get3A_2 = arith.constant 0 : index
    %get3A_3 = arith.constant 0 : index
    %get3A_4 = vector.load %arg1[%get3A_2, %get3A_3] : memref<128x128xf32, #tpu.memory_space<vmem>>, vector<128x128xf32>
    %dot_general3A = arith.constant dense<0.000000e+00> : vector<10240x128xf32>
    %dot_general3A_5 = tpu.matmul %get3A_1, %get3A_4, %dot_general3A {dimension_numbers = #tpu.dot_dimension_numbers<[1], [0], [0], [1], [0, 0, 1, 1], [], []>, transpose_lhs_hint = false} : vector<10240x128xf32>, vector<128x128xf32>, vector<10240x128xf32> -> vector<10240x128xf32>
    %get3A_6 = arith.constant 0 : index
    %get3A_7 = arith.constant 0 : index
    %get3A_8 = vector.load %arg2[%get3A_6, %get3A_7] : memref<1x128xf32, #tpu.memory_space<vmem>>, vector<1x128xf32>
    %add3A = vector.broadcast %get3A_8 : vector<1x128xf32> to vector<10240x128xf32>
    %add3A_9 = arith.addf %dot_general3A_5, %add3A : vector<10240x128xf32>
    %swap3A = arith.constant 0 : index
    %swap3A_10 = arith.constant 0 : index
    %swap3A_11 = vector.load %arg3[%swap3A, %swap3A_10] : memref<10240x128xf32, #tpu.memory_space<vmem>>, vector<10240x128xf32>
    tpu.vector_store %arg3[%swap3A, %swap3A_10], %add3A_9 {strides = array<i32>} : memref<10240x128xf32, #tpu.memory_space<vmem>>, vector<10240x128xf32>,
    return
  }
}

module attributes {stable_mosaic.version = 14 : i64} {
  func.func @body(%arg0: memref<10240x128xf32, #tpu.memory_space<vmem>>, %arg1: memref<2x10240x128xf32, #tpu.memory_space<vmem>>, %arg2: memref<2x1x10240xf32, #tpu.memory_space<vmem>>, %arg3: memref<128x128xf32, #tpu.memory_space<vmem>>, %arg4: memref<10240x128xf32, #tpu.memory_space<vmem>>, %arg5: memref<10240x128xf32, #tpu.memory_space<vmem>>, %arg6: memref<10240xf32, #tpu.memory_space<vmem>>) attributes {dimension_semantics = [], scalar_prefetch = 0 : i64, scratch_operands = 0 : i64, tpu.core_type = #tpu.core_type<tc>} {
    %get3A = arith.constant 0 : index
    %get3A_0 = arith.constant 0 : index
    %get3A_1 = arith.constant 0 : index
    %get3A_2 = vector.load %arg2[%get3A, %get3A_0, %get3A_1] : memref<2x1x10240xf32, #tpu.memory_space<vmem>>, vector<1x1x10240xf32>
    %get3A_3 = vector.shape_cast %get3A_2 : vector<1x1x10240xf32> to vector<10240xf32>
    %get3A_4 = arith.constant 1 : index
    %get3A_5 = arith.constant 0 : index
    %get3A_6 = arith.constant 0 : index
    %get3A_7 = vector.load %arg2[%get3A_4, %get3A_5, %get3A_6] : memref<2x1x10240xf32, #tpu.memory_space<vmem>>, vector<1x1x10240xf32>
    %get3A_8 = vector.shape_cast %get3A_7 : vector<1x1x10240xf32> to vector<10240xf32>
    %add3A = arith.addf %get3A_3, %get3A_8 : vector<10240xf32>
    %max3A = arith.constant 1.000000e+00 : f32
    %max3A_9 = vector.broadcast %max3A : f32 to vector<10240xf32>
    %max3A_10 = arith.maximumf %add3A, %max3A_9 : vector<10240xf32>
    %div3A = arith.constant 1.000000e+00 : f32
    %div3A_11 = vector.broadcast %div3A : f32 to vector<10240xf32>
    %div3A_12 = arith.divf %div3A_11, %max3A_10 : vector<10240xf32>
    %broadcast_in_dim3A = vector.shape_cast %div3A_12 : vector<10240xf32> to vector<10240x1xf32>
    %broadcast_in_dim3A_13 = vector.broadcast %broadcast_in_dim3A : vector<10240x1xf32> to vector<10240x128xf32>
    %swap3A = arith.constant 0 : index
    %swap3A_14 = vector.load %arg6[%swap3A] : memref<10240xf32, #tpu.memory_space<vmem>>, vector<10240xf32>
    tpu.vector_store %arg6[%swap3A], %div3A_12 {strides = array<i32>} : memref<10240xf32, #tpu.memory_space<vmem>>, vector<10240xf32>,
    %get3A_15 = arith.constant 0 : index
    %get3A_16 = arith.constant 0 : index
    %get3A_17 = vector.load %arg0[%get3A_15, %get3A_16] : memref<10240x128xf32, #tpu.memory_space<vmem>>, vector<10240x128xf32>
    %get3A_18 = arith.constant 0 : index
    %get3A_19 = arith.constant 0 : index
    %get3A_20 = arith.constant 0 : index
    %get3A_21 = vector.load %arg1[%get3A_18, %get3A_19, %get3A_20] : memref<2x10240x128xf32, #tpu.memory_space<vmem>>, vector<1x10240x128xf32>
    %get3A_22 = vector.shape_cast %get3A_21 : vector<1x10240x128xf32> to vector<10240x128xf32>
    %get3A_23 = arith.constant 1 : index
    %get3A_24 = arith.constant 0 : index
    %get3A_25 = arith.constant 0 : index
    %get3A_26 = vector.load %arg1[%get3A_23, %get3A_24, %get3A_25] : memref<2x10240x128xf32, #tpu.memory_space<vmem>>, vector<1x10240x128xf32>
    %get3A_27 = vector.shape_cast %get3A_26 : vector<1x10240x128xf32> to vector<10240x128xf32>
    %add3A_28 = arith.addf %get3A_22, %get3A_27 : vector<10240x128xf32>
    %mul3A = arith.mulf %broadcast_in_dim3A_13, %add3A_28 : vector<10240x128xf32>
    %add3A_29 = arith.addf %get3A_17, %mul3A : vector<10240x128xf32>
    %max3A_30 = arith.constant 0.000000e+00 : f32
    %max3A_31 = vector.broadcast %max3A_30 : f32 to vector<10240x128xf32>
    %max3A_32 = arith.maximumf %add3A_29, %max3A_31 : vector<10240x128xf32>
    %swap3A_33 = arith.constant 0 : index
    %swap3A_34 = arith.constant 0 : index
    %swap3A_35 = vector.load %arg4[%swap3A_33, %swap3A_34] : memref<10240x128xf32, #tpu.memory_space<vmem>>, vector<10240x128xf32>
    tpu.vector_store %arg4[%swap3A_33, %swap3A_34], %max3A_32 {strides = array<i32>} : memref<10240x128xf32, #tpu.memory_space<vmem>>, vector<10240x128xf32>,
    %get3A_36 = arith.constant 0 : index
    %get3A_37 = arith.constant 0 : index
    %get3A_38 = vector.load %arg3[%get3A_36, %get3A_37] : memref<128x128xf32, #tpu.memory_space<vmem>>, vector<128x128xf32>
    %dot_general3A = arith.constant dense<0.000000e+00> : vector<10240x128xf32>
    %dot_general3A_39 = tpu.matmul %max3A_32, %get3A_38, %dot_general3A {dimension_numbers = #tpu.dot_dimension_numbers<[1], [0], [0], [1], [0, 0, 1, 1], [], []>, transpose_lhs_hint = false} : vector<10240x128xf32>, vector<128x128xf32>, vector<10240x128xf32> -> vector<10240x128xf32>
    %swap3A_40 = arith.constant 0 : index
    %swap3A_41 = arith.constant 0 : index
    %swap3A_42 = vector.load %arg5[%swap3A_40, %swap3A_41] : memref<10240x128xf32, #tpu.memory_space<vmem>>, vector<10240x128xf32>
    tpu.vector_store %arg5[%swap3A_40, %swap3A_41], %dot_general3A_39 {strides = array<i32>} : memref<10240x128xf32, #tpu.memory_space<vmem>>, vector<10240x128xf32>,
    return
  }
}

module attributes {stable_mosaic.version = 14 : i64} {
  func.func @body(%arg0: memref<10240x128xf32, #tpu.memory_space<vmem>>, %arg1: memref<2x10240x128xf32, #tpu.memory_space<vmem>>, %arg2: memref<2x1x10240xf32, #tpu.memory_space<vmem>>, %arg3: memref<128x128xf32, #tpu.memory_space<vmem>>, %arg4: memref<10240x128xf32, #tpu.memory_space<vmem>>, %arg5: memref<10240x128xf32, #tpu.memory_space<vmem>>) attributes {dimension_semantics = [], scalar_prefetch = 0 : i64, scratch_operands = 0 : i64, tpu.core_type = #tpu.core_type<tc>} {
    %get3A = arith.constant 0 : index
    %get3A_0 = arith.constant 0 : index
    %get3A_1 = arith.constant 0 : index
    %get3A_2 = vector.load %arg2[%get3A, %get3A_0, %get3A_1] : memref<2x1x10240xf32, #tpu.memory_space<vmem>>, vector<1x1x10240xf32>
    %get3A_3 = vector.shape_cast %get3A_2 : vector<1x1x10240xf32> to vector<10240xf32>
    %get3A_4 = arith.constant 1 : index
    %get3A_5 = arith.constant 0 : index
    %get3A_6 = arith.constant 0 : index
    %get3A_7 = vector.load %arg2[%get3A_4, %get3A_5, %get3A_6] : memref<2x1x10240xf32, #tpu.memory_space<vmem>>, vector<1x1x10240xf32>
    %get3A_8 = vector.shape_cast %get3A_7 : vector<1x1x10240xf32> to vector<10240xf32>
    %add3A = arith.addf %get3A_3, %get3A_8 : vector<10240xf32>
    %max3A = arith.constant 1.000000e+00 : f32
    %max3A_9 = vector.broadcast %max3A : f32 to vector<10240xf32>
    %max3A_10 = arith.maximumf %add3A, %max3A_9 : vector<10240xf32>
    %div3A = arith.constant 1.000000e+00 : f32
    %div3A_11 = vector.broadcast %div3A : f32 to vector<10240xf32>
    %div3A_12 = arith.divf %div3A_11, %max3A_10 : vector<10240xf32>
    %broadcast_in_dim3A = vector.shape_cast %div3A_12 : vector<10240xf32> to vector<10240x1xf32>
    %broadcast_in_dim3A_13 = vector.broadcast %broadcast_in_dim3A : vector<10240x1xf32> to vector<10240x128xf32>
    %get3A_14 = arith.constant 0 : index
    %get3A_15 = arith.constant 0 : index
    %get3A_16 = vector.load %arg0[%get3A_14, %get3A_15] : memref<10240x128xf32, #tpu.memory_space<vmem>>, vector<10240x128xf32>
    %get3A_17 = arith.constant 0 : index
    %get3A_18 = arith.constant 0 : index
    %get3A_19 = arith.constant 0 : index
    %get3A_20 = vector.load %arg1[%get3A_17, %get3A_18, %get3A_19] : memref<2x10240x128xf32, #tpu.memory_space<vmem>>, vector<1x10240x128xf32>
    %get3A_21 = vector.shape_cast %get3A_20 : vector<1x10240x128xf32> to vector<10240x128xf32>
    %get3A_22 = arith.constant 1 : index
    %get3A_23 = arith.constant 0 : index
    %get3A_24 = arith.constant 0 : index
    %get3A_25 = vector.load %arg1[%get3A_22, %get3A_23, %get3A_24] : memref<2x10240x128xf32, #tpu.memory_space<vmem>>, vector<1x10240x128xf32>
    %get3A_26 = vector.shape_cast %get3A_25 : vector<1x10240x128xf32> to vector<10240x128xf32>
    %add3A_27 = arith.addf %get3A_21, %get3A_26 : vector<10240x128xf32>
    %mul3A = arith.mulf %broadcast_in_dim3A_13, %add3A_27 : vector<10240x128xf32>
    %add3A_28 = arith.addf %get3A_16, %mul3A : vector<10240x128xf32>
    %max3A_29 = arith.constant 0.000000e+00 : f32
    %max3A_30 = vector.broadcast %max3A_29 : f32 to vector<10240x128xf32>
    %max3A_31 = arith.maximumf %add3A_28, %max3A_30 : vector<10240x128xf32>
    %swap3A = arith.constant 0 : index
    %swap3A_32 = arith.constant 0 : index
    %swap3A_33 = vector.load %arg4[%swap3A, %swap3A_32] : memref<10240x128xf32, #tpu.memory_space<vmem>>, vector<10240x128xf32>
    tpu.vector_store %arg4[%swap3A, %swap3A_32], %max3A_31 {strides = array<i32>} : memref<10240x128xf32, #tpu.memory_space<vmem>>, vector<10240x128xf32>,
    %get3A_34 = arith.constant 0 : index
    %get3A_35 = arith.constant 0 : index
    %get3A_36 = vector.load %arg3[%get3A_34, %get3A_35] : memref<128x128xf32, #tpu.memory_space<vmem>>, vector<128x128xf32>
    %dot_general3A = arith.constant dense<0.000000e+00> : vector<10240x128xf32>
    %dot_general3A_37 = tpu.matmul %max3A_31, %get3A_36, %dot_general3A {dimension_numbers = #tpu.dot_dimension_numbers<[1], [0], [0], [1], [0, 0, 1, 1], [], []>, transpose_lhs_hint = false} : vector<10240x128xf32>, vector<128x128xf32>, vector<10240x128xf32> -> vector<10240x128xf32>
    %swap3A_38 = arith.constant 0 : index
    %swap3A_39 = arith.constant 0 : index
    %swap3A_40 = vector.load %arg5[%swap3A_38, %swap3A_39] : memref<10240x128xf32, #tpu.memory_space<vmem>>, vector<10240x128xf32>
    tpu.vector_store %arg5[%swap3A_38, %swap3A_39], %dot_general3A_37 {strides = array<i32>} : memref<10240x128xf32, #tpu.memory_space<vmem>>, vector<10240x128xf32>,
    return
  }
}

module attributes {stable_mosaic.version = 14 : i64} {
  func.func @body(%arg0: memref<10240x128xf32, #tpu.memory_space<vmem>>, %arg1: memref<2x10240x128xf32, #tpu.memory_space<vmem>>, %arg2: memref<2x1x10240xf32, #tpu.memory_space<vmem>>, %arg3: memref<2x1x10240xf32, #tpu.memory_space<vmem>>, %arg4: memref<128x16xf32, #tpu.memory_space<vmem>>, %arg5: memref<128x16xf32, #tpu.memory_space<vmem>>, %arg6: memref<1x16xf32, #tpu.memory_space<vmem>>, %arg7: memref<1x16xf32, #tpu.memory_space<vmem>>) attributes {dimension_semantics = [], scalar_prefetch = 0 : i64, scratch_operands = 0 : i64, tpu.core_type = #tpu.core_type<tc>} {
    %get3A = arith.constant 0 : index
    %get3A_0 = arith.constant 0 : index
    %get3A_1 = arith.constant 0 : index
    %get3A_2 = vector.load %arg2[%get3A, %get3A_0, %get3A_1] : memref<2x1x10240xf32, #tpu.memory_space<vmem>>, vector<1x1x10240xf32>
    %get3A_3 = vector.shape_cast %get3A_2 : vector<1x1x10240xf32> to vector<10240xf32>
    %get3A_4 = arith.constant 1 : index
    %get3A_5 = arith.constant 0 : index
    %get3A_6 = arith.constant 0 : index
    %get3A_7 = vector.load %arg2[%get3A_4, %get3A_5, %get3A_6] : memref<2x1x10240xf32, #tpu.memory_space<vmem>>, vector<1x1x10240xf32>
    %get3A_8 = vector.shape_cast %get3A_7 : vector<1x1x10240xf32> to vector<10240xf32>
    %add3A = arith.addf %get3A_3, %get3A_8 : vector<10240xf32>
    %max3A = arith.constant 1.000000e+00 : f32
    %max3A_9 = vector.broadcast %max3A : f32 to vector<10240xf32>
    %max3A_10 = arith.maximumf %add3A, %max3A_9 : vector<10240xf32>
    %div3A = arith.constant 1.000000e+00 : f32
    %div3A_11 = vector.broadcast %div3A : f32 to vector<10240xf32>
    %div3A_12 = arith.divf %div3A_11, %max3A_10 : vector<10240xf32>
    %broadcast_in_dim3A = vector.shape_cast %div3A_12 : vector<10240xf32> to vector<10240x1xf32>
    %broadcast_in_dim3A_13 = vector.broadcast %broadcast_in_dim3A : vector<10240x1xf32> to vector<10240x128xf32>
    %get3A_14 = arith.constant 0 : index
    %get3A_15 = arith.constant 0 : index
    %get3A_16 = vector.load %arg0[%get3A_14, %get3A_15] : memref<10240x128xf32, #tpu.memory_space<vmem>>, vector<10240x128xf32>
    %get3A_17 = arith.constant 0 : index
    %get3A_18 = arith.constant 0 : index
    %get3A_19 = arith.constant 0 : index
    %get3A_20 = vector.load %arg1[%get3A_17, %get3A_18, %get3A_19] : memref<2x10240x128xf32, #tpu.memory_space<vmem>>, vector<1x10240x128xf32>
    %get3A_21 = vector.shape_cast %get3A_20 : vector<1x10240x128xf32> to vector<10240x128xf32>
    %get3A_22 = arith.constant 1 : index
    %get3A_23 = arith.constant 0 : index
    %get3A_24 = arith.constant 0 : index
    %get3A_25 = vector.load %arg1[%get3A_22, %get3A_23, %get3A_24] : memref<2x10240x128xf32, #tpu.memory_space<vmem>>, vector<1x10240x128xf32>
    %get3A_26 = vector.shape_cast %get3A_25 : vector<1x10240x128xf32> to vector<10240x128xf32>
    %add3A_27 = arith.addf %get3A_21, %get3A_26 : vector<10240x128xf32>
    %mul3A = arith.mulf %broadcast_in_dim3A_13, %add3A_27 : vector<10240x128xf32>
    %add3A_28 = arith.addf %get3A_16, %mul3A : vector<10240x128xf32>
    %max3A_29 = arith.constant 0.000000e+00 : f32
    %max3A_30 = vector.broadcast %max3A_29 : f32 to vector<10240x128xf32>
    %max3A_31 = arith.maximumf %add3A_28, %max3A_30 : vector<10240x128xf32>
    %get3A_32 = arith.constant 0 : index
    %get3A_33 = arith.constant 0 : index
    %get3A_34 = arith.constant 0 : index
    %get3A_35 = vector.load %arg3[%get3A_32, %get3A_33, %get3A_34] : memref<2x1x10240xf32, #tpu.memory_space<vmem>>, vector<1x1x10240xf32>
    %get3A_36 = vector.shape_cast %get3A_35 : vector<1x1x10240xf32> to vector<10240xf32>
    %get3A_37 = arith.constant 1 : index
    %get3A_38 = arith.constant 0 : index
    %get3A_39 = arith.constant 0 : index
    %get3A_40 = vector.load %arg3[%get3A_37, %get3A_38, %get3A_39] : memref<2x1x10240xf32, #tpu.memory_space<vmem>>, vector<1x1x10240xf32>
    %get3A_41 = vector.shape_cast %get3A_40 : vector<1x1x10240xf32> to vector<10240xf32>
    %add3A_42 = arith.addf %get3A_36, %get3A_41 : vector<10240xf32>
    %reshape3A = vector.shape_cast %add3A_42 : vector<10240xf32> to vector<1x10240xf32>
    %reduce_sum3A = arith.constant dense<0.000000e+00> : vector<128xf32>
    %reduce_sum3A_43 = vector.multi_reduction <add>, %max3A_31, %reduce_sum3A [0] : vector<10240x128xf32> to vector<128xf32>
    %broadcast_in_dim3A_44 = vector.shape_cast %reduce_sum3A_43 : vector<128xf32> to vector<1x128xf32>
    %mul3A_45 = arith.constant 9.99999974E-5 : f32
    %mul3A_46 = vector.broadcast %mul3A_45 : f32 to vector<1x128xf32>
    %mul3A_47 = arith.mulf %broadcast_in_dim3A_44, %mul3A_46 : vector<1x128xf32>
    %dot_general3A = arith.constant dense<0.000000e+00> : vector<1x128xf32>
    %dot_general3A_48 = tpu.matmul %reshape3A, %max3A_31, %dot_general3A {dimension_numbers = #tpu.dot_dimension_numbers<[1], [0], [0], [1], [0, 0, 1, 1], [], []>, transpose_lhs_hint = false} : vector<1x10240xf32>, vector<10240x128xf32>, vector<1x128xf32> -> vector<1x128xf32>
    %mul3A_49 = arith.constant 9.99999974E-5 : f32
    %mul3A_50 = vector.broadcast %mul3A_49 : f32 to vector<1x128xf32>
    %mul3A_51 = arith.mulf %dot_general3A_48, %mul3A_50 : vector<1x128xf32>
    %get3A_52 = arith.constant 0 : index
    %get3A_53 = arith.constant 0 : index
    %get3A_54 = vector.load %arg4[%get3A_52, %get3A_53] : memref<128x16xf32, #tpu.memory_space<vmem>>, vector<128x16xf32>
    %dot_general3A_55 = arith.constant dense<0.000000e+00> : vector<1x16xf32>
    %dot_general3A_56 = tpu.matmul %mul3A_47, %get3A_54, %dot_general3A_55 {dimension_numbers = #tpu.dot_dimension_numbers<[1], [0], [0], [1], [0, 0, 1, 1], [], []>, transpose_lhs_hint = false} : vector<1x128xf32>, vector<128x16xf32>, vector<1x16xf32> -> vector<1x16xf32>
    %get3A_57 = arith.constant 0 : index
    %get3A_58 = arith.constant 0 : index
    %get3A_59 = vector.load %arg5[%get3A_57, %get3A_58] : memref<128x16xf32, #tpu.memory_space<vmem>>, vector<128x16xf32>
    %dot_general3A_60 = arith.constant dense<0.000000e+00> : vector<1x16xf32>
    %dot_general3A_61 = tpu.matmul %mul3A_51, %get3A_59, %dot_general3A_60 {dimension_numbers = #tpu.dot_dimension_numbers<[1], [0], [0], [1], [0, 0, 1, 1], [], []>, transpose_lhs_hint = false} : vector<1x128xf32>, vector<128x16xf32>, vector<1x16xf32> -> vector<1x16xf32>
    %add3A_62 = arith.addf %dot_general3A_56, %dot_general3A_61 : vector<1x16xf32>
    %get3A_63 = arith.constant 0 : index
    %get3A_64 = arith.constant 0 : index
    %get3A_65 = vector.load %arg6[%get3A_63, %get3A_64] : memref<1x16xf32, #tpu.memory_space<vmem>>, vector<1x16xf32>
    %add3A_66 = arith.addf %add3A_62, %get3A_65 : vector<1x16xf32>
    %swap3A = arith.constant 0 : index
    %swap3A_67 = arith.constant 0 : index
    %swap3A_68 = vector.load %arg7[%swap3A, %swap3A_67] : memref<1x16xf32, #tpu.memory_space<vmem>>, vector<1x16xf32>
    tpu.vector_store %arg7[%swap3A, %swap3A_67], %add3A_66 {strides = array<i32>} : memref<1x16xf32, #tpu.memory_space<vmem>>, vector<1x16xf32>,
    return
  }
}

</mosaic_0001>

<sc_bundles>
// kernel: kernel.12.cloned.1.call-start
scs
__scs_entry_jumppad:
0x0: {  	(pc) =	sbr.rel $0x88, $3  }
0x1: {  	(tag) =	ssettag $0x0;
	lr =	simm.s32 $0x1  }
0x2: {  	[smem:$0x3F93] =	sst lr;
	_ =	strace $0xD0000000  }
0x3: {  	_ = 	snop  }
0x4: {  	_ = 	snop  }
0x5: {  	_ = 	snop  }
0x6: {  	_ = 	snop  }
0x7: {  	_ = 	snop  }
__scs_overlays_trampoline_lowered:
0x8: {  	[smem:$0x3FA2] =	sst s0  }
0x9: {  	[smem:$0x3FA3] =	sst s1  }
0xa: {  	[smem:$0x3FA4] =	sst s2  }
0xb: {  	[smem:$0x3FA5] =	sst s3  }
0xc: {  	[smem:$0x3FA6] =	sst s4  }
0xd: {  	[smem:$0x3FA7] =	sst s5  }
0xe: {  	[smem:$0x3FA8] =	sst s6  }
0xf: {  	[smem:$0x3FA9] =	sst s7  }
0x10: {  	[smem:$0x3FAA] =	sst s8  }
0x11: {  	[smem:$0x3FAB] =	sst s9;
	s0 =	simm.s32 @!p0 $0x0  }
0x12: {  	s1 =	sld [smem:$0x3F91];
	s0 =	simm.s32 @p0 $0x1  }
0x13: {  	[smem:$0x3FAC] =	sst s0;
	s0 =	simm.s32 @!p1 $0x0  }
0x14: {  	s2 =	sld [smem:$0x3F90];
	s0 =	simm.s32 @p1 $0x1  }
0x15: {  	[smem:$0x3FAD] =	sst s0;
	s0 =	simm.s32 @!p2 $0x0  }
0x16: {  	s3 =	sld [smem:$0x3FDB];
	s0 =	simm.s32 @p2 $0x1  }
0x17: {  	s4 =	simm.s32 $0x1BF5;
	[smem:$0x3FAF] =	sst s0  }
0x18: {  	s0 =	sld [smem:$0x3F92];
	_ =	swait.ge [sflag:s4], $0x0  }
0x19: {  	s7 =	sld [smem:$0x3F93]  }
0x1a: {  	s8 =	sadd.s32 $0xFFFFE003, lr  }
0x1b: {  	s9 =	sadd.s32 $0xFFFFFEF7, lr;
	s5 =	simm.s32 $0xFFFFFFFF;
	p2 =	slt.u32 s8, $0xFFFFF086  }
0x1c: {  	p1 =	slt.u32 s9, $0xF7A;
	s5 =	simm.s32 @!p2 $0x0  }
0x1d: {  	s5 =	simm.s32 @p1 $0x1;
	p0 =	seq.s32 s7, s2  }
0x1e: {  	s7 =	smul.u32 @!p0 $0xF7A, s2;
	p2 =	seq.s32 @!p0 s5, $0x0  }
0x1f: {  	s9 =	smul.u32 $0xF7A, s1;
	s8 =	simm.s32 @!p0 $0x1BF5;
	p2 =	por !p2, p0  }
0x20: {  	[sflag:s8] =	ssyncset.s32 @!p0 $0xFFFFF086;
	s6 =	sadd.s32 @!p0 s3, s7;
	s7 =	simm.s32 @!p0 $0x108  }
0x21: {  	s3 =	sadd.s32 s3, s9;
	s6 =	sadd.s32 @!p0 $0x88, s6;
	s7 =	simm.s32 @p2 $0x1082  }
0x22: {  	[simem:s7], [sflag:s8] =	dma.local @!p0 [hbm:s6], $0xF7A  }
0x23: {  	s9 =	sor.u32 $0xD0000000, s2;
	s6 =	simm.s32 $0x108;
	_ =	swait.ge @!p0 [sflag:s8], $0x0  }
0x24: {  	s3 =	sadd.s32 $0x88, s3;
	s6 =	simm.s32 @!p1 $0x1082;
	[sflag:s4] =	ssyncset.s32 $0xFFFFF086  }
0x25: {  	[simem:s6], [sflag:s4] =	dma.local [hbm:s3], $0xF7A  }
0x26: {  	[smem:$0x3F93] =	sst s1;
	(tag) =	ssettag s2;
	_ =	strace s9  }
0x27: {  	s1 =	sld [smem:$0x3FA3]  }
0x28: {  	s2 =	sld [smem:$0x3FA4]  }
0x29: {  	s4 =	sld [smem:$0x3FA6]  }
0x2a: {  	p0 =	seq.s32 s5, $0x0;
	s5 =	sld [smem:$0x3FA7]  }
0x2b: {  	s6 =	sld [smem:$0x3FA8]  }
0x2c: {  	s7 =	sld [smem:$0x3FA9]  }
0x2d: {  	s3 =	simm.s32 $0x108;
	s8 =	sld [smem:$0x3FAA]  }
0x2e: {  	s3 =	simm.s32 @!p0 $0x1082;
	s9 =	sld [smem:$0x3FAB]  }
0x2f: {  	lr =	sadd.s32 s0, s3;
	s0 =	sld [smem:$0x3FA2]  }
0x30: {  	s3 =	sld [smem:$0x3FA5]  }
0x31: {  	[smem:$0x3FAE] =	sst s10  }
0x32: {  	s10 =	sld [smem:$0x3FAC];
	_ =	sdelay $0x3  }
0x33: {  	p0 =	seq.s32 s10, $0x1;
	s10 =	sld [smem:$0x3FAE];
	_ =	sdelay $0x3  }
0x34: {  	[smem:$0x3FAE] =	sst s10  }
0x35: {  	s10 =	sld [smem:$0x3FAD];
	_ =	sdelay $0x3  }
0x36: {  	p1 =	seq.s32 s10, $0x1;
	s10 =	sld [smem:$0x3FAE];
	_ =	sdelay $0x3  }
0x37: {  	[smem:$0x3FAE] =	sst s10  }
0x38: {  	s10 =	sld [smem:$0x3FAF]  }
0x39: {  	_ = 	snop;
	(pc) =	sbr.ind lr, $3  }
0x3a: {  	_ = 	snop  }
0x3b: {  	_ = 	snop  }
0x3c: {  	p2 =	seq.s32 s10, $0x1;
	s10 =	sld [smem:$0x3FAE]  }
0x3d: {  	_ =	shalt  }
0x3e: {  	_ =	shalt  }
0x3f: {  	_ =	shalt  }
0x40: {  	_ =	shalt  }
0x41: {  	_ =	shalt  }
0x42: {  	_ =	shalt  }
0x43: {  	_ =	shalt  }
0x44: {  	_ =	shalt  }
0x45: {  	_ =	shalt  }
0x46: {  	_ =	shalt  }
0x47: {  	_ =	shalt  }
0x48: {  	_ =	shalt  }
0x49: {  	_ =	shalt  }
0x4a: {  	_ =	shalt  }
0x4b: {  	_ =	shalt  }
0x4c: {  	_ =	shalt  }
0x4d: {  	_ =	shalt  }
0x4e: {  	_ =	shalt  }
0x4f: {  	_ =	shalt  }
0x50: {  	_ =	shalt  }
0x51: {  	_ =	shalt  }
0x52: {  	_ =	shalt  }
0x53: {  	_ =	shalt  }
0x54: {  	_ =	shalt  }
0x55: {  	_ =	shalt  }
0x56: {  	_ =	shalt  }
0x57: {  	_ =	shalt  }
0x58: {  	_ =	shalt  }
0x59: {  	_ =	shalt  }
0x5a: {  	_ =	shalt  }
0x5b: {  	_ =	shalt  }
0x5c: {  	_ =	shalt  }
0x5d: {  	_ =	shalt  }
0x5e: {  	_ =	shalt  }
0x5f: {  	_ =	shalt  }
0x60: {  	_ =	shalt  }
0x61: {  	_ =	shalt  }
0x62: {  	_ =	shalt  }
0x63: {  	_ =	shalt  }
0x64: {  	_ =	shalt  }
0x65: {  	_ =	shalt  }
0x66: {  	_ =	shalt  }
0x67: {  	_ =	shalt  }
0x68: {  	_ =	shalt  }
0x69: {  	_ =	shalt  }
0x6a: {  	_ =	shalt  }
0x6b: {  	_ =	shalt  }
0x6c: {  	_ =	shalt  }
0x6d: {  	_ =	shalt  }
0x6e: {  	_ =	shalt  }
0x6f: {  	_ =	shalt  }
0x70: {  	_ =	shalt  }
0x71: {  	_ =	shalt  }
0x72: {  	_ =	shalt  }
0x73: {  	_ =	shalt  }
0x74: {  	_ =	shalt  }
0x75: {  	_ =	shalt  }
0x76: {  	_ =	shalt  }
0x77: {  	_ =	shalt  }
0x78: {  	_ =	shalt  }
0x79: {  	_ =	shalt  }
0x7a: {  	_ =	shalt  }
0x7b: {  	_ =	shalt  }
0x7c: {  	_ =	shalt  }
0x7d: {  	_ =	shalt  }
0x7e: {  	_ =	shalt  }
0x7f: {  	_ =	shalt  }
0x80: {  	_ =	shalt  }
0x81: {  	_ =	shalt  }
0x82: {  	_ =	shalt  }
0x83: {  	_ =	shalt  }
0x84: {  	_ =	shalt  }
0x85: {  	_ =	shalt  }
0x86: {  	_ =	shalt  }
0x87: {  	_ =	shalt  }
.Lfunc_end0:
.L_simem_size_0:
called_computation_lowered:
.L_overlay_start_0:
0x88: {  	s2 =	sld [smem:$0x3FD9]  }
0x89: {  	s3 =	sld [smem:$0x3FFE];
	_ =	sdelay $0x1  }
0x8a: {  	s1 =	srdreg.scid  }
0x8b: {  	s0 =	sand.u32 $0x1, s1  }
0x8c: {  	s17 =	sshll.u32 s0, $0xA;
	s2 =	sadd.s32 s3, s2  }
0x8d: {  	s2 =	sadd.s32 s2, s17  }
0x8e: {  	[smem:$0x3FBA] =	sst s2  }
0x8f: {  	_ = 	snop  }
0x90: {  	s2 =	sld [smem:$0x3FD0];
	(tm) =	ssettm $0x1  }
0x91: {  	s18 =	sld [smem:$0x3FFB];
	_ =	sdelay $0x3  }
0x92: {  	_ =	strace s18  }
0x93: {  	s3 =	sld [smem:$0x3FFC];
	_ =	sdelay $0x3  }
0x94: {  	_ =	strace s3  }
0x95: {  	s3 =	sld [smem:$0x3FFD];
	_ =	sdelay $0x3  }
0x96: {  	_ =	strace s3  }
0x97: {  	_ =	strace $0x8FFFFFFF  }
0x98: {  	s19 =	sld [smem:$0x3FDB];
	_ =	sdelay $0x1  }
0x99: {  	s4 =	simm.s32 $_scs_section_size  }
0x9a: {  	s5 =	simm.s32 $_size__tile_overlayer_lowered;
	s6 =	simm.s32 $_tile_overlayer_lowered  }
0x9b: {  	s22 =	simm.s32 $0x1BFF;
	s21 =	sshll.u32 s6, $0x1;
	s3 =	sadd.s32 s4, s19  }
0x9c: {  	s7 =	simm.s32 $0x0;
	s20 =	sshll.u32 s5, $0x1;
	s5 =	sadd.s32 s21, s3  }
0x9d: {  	[timem:s7], [sflag:s22] =	dma.local [hbm:s5], s20  }
0x9e: {  	_ =	swait.ge [sflag:s22], s20  }
0x9f: {  	s4 =	ssub.s32 $0x0, s20;
	[sflag:s22] =	ssyncset.done $0x0  }
0xa0: {  	[sflag:s22] =	ssyncadd.s32 s4;
	_ =	sdelay $0x1  }
0xa1: {  	s23 =	simm.s32 $0x1B8B  }
0xa2: {  	_ =	swait.ge [sflag:s23], $0x1  }
0xa3: {  	[sflag:s23] =	ssyncset.done $0x0  }
0xa4: {  	s25 =	simm.s32 $0x1B8E;
	s24 =	sld [smem:$0x3FFE];
	[sflag:s23] =	ssyncadd.s32 $0xFFFFFFFF  }
0xa5: {  	s26 =	simm.s32 $execute0_lowered;
	[smem:$0x3FD2] =	sst s25  }
0xa6: {  	s5 =	sshll.u32 s26, $0x1;
	_ =	strace $0x80000046;
	[dreg:$0x1] =	wrdreg $0xFFFFFFFF  }
0xa7: {  	s28 =	simm.s32 $_size_execute0_lowered;
	s3 =	sadd.s32 s3, s5;
	[dreg:$0x0] =	wrdreg $0x0  }
0xa8: {  	s5 =	sshll.u32 s28, $0x1;
	[dreg:$0x2] =	wrdreg s3  }
0xa9: {  	[dreg:$0x3] =	wrdreg s5  }
0xaa: {  	[dreg:$0x4] =	wrdreg $0xC0  }
0xab: {  	_ =	task [dreg:s7], $0x5FFFF  }
0xac: {  	[dreg:$0x1] =	wrdreg $0xFFFFFFFF  }
0xad: {  	[dreg:$0x0] =	wrdreg $0x60  }
0xae: {  	[dreg:$0x2] =	wrdreg s24  }
0xaf: {  	[dreg:$0x3] =	wrdreg s2  }
0xb0: {  	[dreg:$0x4] =	wrdreg $0x90000  }
0xb1: {  	[dreg:$0x5] =	wrdreg $0x1D0800  }
0xb2: {  	[dreg:$0x6] =	wrdreg $0x9  }
0xb3: {  	_ =	task.clear_ibuf [dreg:s7], $0x7FFFF;
	_ =	strace $0x90000046  }
0xb4: {  	s29 =	simm.s32 $0x9;
	_ =	strace $0x80000048  }
0xb5: {  	_ =	swait.ge [sflag:s29], $0x1  }
0xb6: {  	[sflag:s29] =	ssyncadd.s32 $0xFFFFFFFF  }
0xb7: {  	_ =	strace $0x90000048  }
0xb8: {  	_ =	sfence  }
0xb9: {  	s30 =	sld [smem:$0x0];
	_ =	sdelay $0x2  }
0xba: {  	s31 =	sshll.u32 s1, $0xD;
	s1 =	sshrl.u32 s1, $0x2  }
0xbb: {  	s3 =	sand.u32 $0x4000, s31;
	s1 =	sadd.s32 s1, s30  }
0xbc: {  	s0 =	sor.u32 s3, s0;
	s1 =	sshll.u32 s1, $0x11  }
0xbd: {  	s0 =	sor.u32 s1, s0  }
0xbe: {  	s0 =	sadd.s32 $0x8F2B, s0  }
0xbf: {  	[sflag:s0] =	ssyncadd.remote.s32 $0x1  }
0xc0: {  	_ =	sfence.sel $0xFFFF  }
0xc1: {  	[dreg:$0x0] =	wrdreg $0xFFFFFFFF;
	(pc) =	sbr.abs _section_cstart, $3  }
0xc2: {  	[dreg:$0x1] =	wrdreg $0xFFFFFFFF  }
0xc3: {  	_ =	task.clear_ibuf [dreg:s7], $0x2FFFF;
	_ =	strace $0x9FFFFFFF  }
0xc4: {  	(tm) =	ssettm $0x7FFFFFFF  }
0xc5: {  	_ =	shalt  }
tec
execute0_lowered:
.L_overlay_start_1:
0x0: {  	(tag) =	ssettag $0x1  }
0x1: {  	s0 =	rddreg [dreg:$0x0]  }
0x2: {  	s2 =	rddreg [dreg:$0x2]  }
0x3: {  	s3 =	rddreg [dreg:$0x3];
	s5 =	simm.s32 $0x0;
	s1 =	srdreg.scid  }
0x4: {  	s13 =	stileid.u32;
	s25 =	simm.s32 $0x480;
	s15 =	simm.s32 $0x680  }
0x5: {  	s16 =	simm.s32 $0x700;
	s28 =	simm.s32 $0x1000;
	s29 =	simm.s32 $0x5000  }
0x6: {  	s30 =	simm.s32 $0x1;
	s31 =	simm.s32 $0x5;
	s7 =	smul.u32 $0x14000, s13  }
0x7: {  	[smem:$0x7FF] =	sst s5;
	s1 =	sand.u32 $0x1, s1;
	s8 =	smul.u32 $0x280, s13  }
0x8: {  	s9 =	sadd.s32 $0x3F800, s0;
	s10 =	sadd.s32 $0x42000, s0;
	s11 =	smul.u32 $0x2800, s13  }
0x9: {  	s12 =	smul.u32 $0x50000, s13;
	_ =	strace $0x80000047;
	[dreg:$0x17] =	wrdreg s9  }
0xa: {  	s14 =	sadd.s32 $0x3800, s0;
	s4 =	smul.u32 $0x140000, s1;
	[dreg:$0x18] =	wrdreg s10  }
0xb: {  	s6 =	sadd.s32 $0x17800, s0;
	s17 =	smul.u32 $0x2800, s1;
	[dreg:$0x16] =	wrdreg s14  }
0xc: {  	s20 =	sadd.s32 $0xD800, s0;
	s18 =	smul.u32 $0x28000, s1;
	[dreg:$0x7] =	wrdreg s25  }
0xd: {  	s19 =	sshll.u32 s1, $0x4;
	s1 =	ssub.s32 $0x2, s1;
	[dreg:$0xb] =	wrdreg s15  }
0xe: {  	[dreg:$0xc] =	wrdreg s16;
	s25 =	simm.s32 $0xF00;
	s15 =	simm.s32 $0x100  }
0xf: {  	s16 =	simm.s32 $0x4;
	[dreg:$0x15] =	wrdreg s20;
	s10 =	sor.u32 s13, s19  }
0x10: {  	s22 =	sshrl.u32 s1, $0x1;
	s26 =	sshrl.u32 s12, $0x2;
	s12 =	simm.s32 $0x580  }
0x11: {  	s13 =	sshll.u32 s13, $0x6;
	s19 =	simm.s32 $0xD00;
	[dreg:$0x13] =	wrdreg s25  }
0x12: {  	s4 =	sadd.s32 s7, s4;
	s9 =	sadd.s32 s8, s17;
	s10 =	smul.u32 $0x2800, s10  }
0x13: {  	s7 =	sadd.s32 s11, s18;
	s1 =	ssub.s32 s1, s22;
	[dreg:$0x9] =	wrdreg s12  }
0x14: {  	s11 =	simm.s32 $0x500;
	s8 =	sadd.s32 s8, s3;
	[dreg:$0xf] =	wrdreg s19  }
0x15: {  	s17 =	simm.s32 $0x780;
	s18 =	simm.s32 $0xC80;
	[dreg:$0x8] =	wrdreg s11  }
0x16: {  	s22 =	simm.s32 $0xD80;
	s12 =	simm.s32 $0x400;
	[dreg:$0x1c] =	wrdreg s8  }
0x17: {  	s19 =	simm.s32 $0x0;
	s4 =	sshrl.u32 s4, $0x3;
	[dreg:$0xd] =	wrdreg s17  }
0x18: {  	s9 =	sshrl.u32 s9, $0x3;
	s21 =	sor.u32 $0x400, s7;
	[dreg:$0xe] =	wrdreg s18  }
0x19: {  	s11 =	sor.u32 $0x1C07, s13;
	s1 =	smax.u32 s1, $0x1;
	[dreg:$0x10] =	wrdreg s22  }
0x1a: {  	s22 =	simm.s32 $0x1D000;
	s17 =	simm.s32 $0x180;
	s4 =	sadd.s32 s4, s0  }
0x1b: {  	s0 =	sadd.s32 s9, s0;
	s10 =	sshrl.u32 s10, $0x3;
	[dreg:$0x1f] =	wrdreg s1  }
0x1c: {  	s9 =	sshrl.u32 s21, $0x3;
	s21 =	sadd.s32 $0x800, s7;
	[dreg:$0x1b] =	wrdreg s11  }
0x1d: {  	s13 =	simm.s32 $0x200;
	s23 =	sadd.s32 s20, s10;
	[smem:$0x7FC] =	sst s21  }
0x1e: {  	s18 =	simm.s32 $0x280;
	s24 =	sadd.s32 s9, s14;
	[dreg:$0x19] =	wrdreg s23  }
0x1f: {  	s8 =	simm.s32 $0x380;
	s10 =	sadd.s32 s14, s10;
	[dreg:$0x5] =	wrdreg s24  }
0x20: {  	s1 =	simm.s32 $0x6;
	s9 =	sadd.s32 s9, s20;
	[dreg:$0x1a] =	wrdreg s10  }
0x21: {  	s7 =	simm.s32 $0x300;
	s14 =	simm.s32 $0x600;
	[dreg:$0x6] =	wrdreg s9  }
0x22: {  	s4 =	sadd.s32 $0x42C00, s4;
	s0 =	sadd.s32 $0x42200, s0;
	[dreg:$0xa] =	wrdreg s14  }
0x23: {  	s21 =	simm.s32 $0x7;
	s10 =	sadd.s32 s26, s2;
	[dreg:$0x1d] =	wrdreg s4  }
0x24: {  	[dreg:$0x1e] =	wrdreg s0;
	s23 =	simm.s32 $0xE00;
	s24 =	simm.s32 $0xE80  }
0x25: {  	s26 =	simm.s32 $0xF80;
	s0 =	simm.s32 $0x2;
	[dreg:$0x11] =	wrdreg s23  }
0x26: {  	s14 =	simm.s32 $0x80;
	s9 =	sshrl.u32 s10, $0x3;
	[dreg:$0x12] =	wrdreg s24  }
0x27: {  	s23 =	simm.s32 $0x3;
	s24 =	simm.s32 $0x800;
	[dreg:$0x14] =	wrdreg s26  }
0x28: {  	s10 =	simm.s32 $0xC00;
	s26 =	simm.s32 $0x7D;
	[smem:$0x7FD] =	sst s9  }
.LBB2_1:
0x29: {  	[smem:$0x7FA] =	sst s19  }
0x2a: {  	s4 =	rddreg [dreg:$0x19]  }
0x2b: {  	s19 =	rddreg [dreg:$0x1a]  }
0x2c: {  	[tilespmem:s5], [sflag:$0x3] =	stream.linear.gather [hbm4b:s4+s5], $0x400, $0x38;
	[tilespmem:$0x1D300] =	vst v63  }
0x2d: {  	s25 =	rddreg [dreg:$0x17]  }
0x2e: {  	[tilespmem:s12], [sflag:$0x3] =	stream.linear.gather [hbm4b:s19+s5], $0x400, $0x38;
	[tilespmem:$0x1D300] =	vst v63  }
0x2f: {  	[spmem:s9], [sflag:s11] =	dma.local [hbm:s25], $0x2800  }
0x30: {  	_ =	swait.ge [sflag:s21], $0x2800  }
0x31: {  	s9 =	rddreg [dreg:$0x1c]  }
0x32: {  	[sflag:s21] =	ssyncset.done $0x0;
	s25 =	rddreg [dreg:$0x18];
	s19 =	sshrl.u32 s9, $0x3  }
0x33: {  	[sflag:s21] =	ssyncadd.s32 $0xFFFFD800;
	[smem:$0x7FB] =	sst s19  }
0x34: {  	[spmem:s19], [sflag:s11] =	dma.local [hbm:s25], $0x50  }
0x35: {  	_ =	swait.ge [sflag:s21], $0x50  }
0x36: {  	[sflag:s21] =	ssyncset.done $0x0  }
0x37: {  	[sflag:s21] =	ssyncadd.s32 $0xFFFFFFB0  }
0x38: {  	s11 =	rddreg [dreg:$0x1]  }
0x39: {  	[tilespmem:s22], [sflag:$0x7] =	stream.linear.gather [hbm4b:s11+s5], $0x80, $0x38;
	[tilespmem:$0x1D300] =	vst v63  }
0x3a: {  	_ =	swait.ge [sflag:s21], $0x80  }
0x3b: {  	[sflag:s21] =	ssyncset.done $0x0  }
0x3c: {  	[sflag:s21] =	ssyncadd.s32 $0xFFFFFF80  }
0x3d: {  	[bflag:$0x0] =	sbarrier.arrive $0xFFFF  }
0x3e: {  	_ =	swait.ge [sflag:s23], $0x400  }
0x3f: {  	[sflag:s23] =	ssyncset.done $0x0  }
0x40: {  	[sflag:s23] =	ssyncadd.s32 $0xFFFFFC00  }
0x41: {  	_ =	swait.ge [sflag:s23], $0x400  }
0x42: {  	s19 =	rddreg [dreg:$0x6];
	[sflag:s23] =	ssyncset.done $0x0  }
0x43: {  	s25 =	rddreg [dreg:$0x5];
	[sflag:s23] =	ssyncadd.s32 $0xFFFFFC00;
	s4 =	sadd.s32 $0x0, s19  }
0x44: {  	[tilespmem:s24], [sflag:$0x4] =	stream.linear.gather [hbm4b:s4+s5], $0x400, $0x38;
	[tilespmem:$0x1D300] =	vst v63  }
0x45: {  	s9 =	sadd.s32 $0x0, s25  }
0x46: {  	[tilespmem:s10], [sflag:$0x4] =	stream.linear.gather [hbm4b:s9+s5], $0x400, $0x38;
	[tilespmem:$0x1D300] =	vst v63  }
0x47: {  	_ = 	snop  }
0x48: {  	[tilespmem:s28], [sflag:$0x1] =	stream.indirect.gather [hbm4b:s6+s26], $0x80, s12, s26, $0xb8;
	[tilespmem:$0x1D300] =	vst v63  }
0x49: {  	s11 =	rddreg [dreg:$0x7]  }
0x4a: {  	[tilespmem:s29], [sflag:$0x2] =	stream.indirect.gather [hbm4b:s6+s26], $0x80, s11, s26, $0xb8;
	[tilespmem:$0x1D300] =	vst v63  }
0x4b: {  	_ =	swait.ge [sflag:s30], $0x3E80  }
0x4c: {  	[sflag:s30] =	ssyncset.done $0x0  }
0x4d: {  	[sflag:s30] =	ssyncadd.s32 $0xFFFFC180  }
0x4e: {  	[spmem:s2] =	stream.indirect.scatter.add.f32 [tilespmem:s28], [sflag:$0x5], $0x80, s5, s26, $0xb8;
	[tilespmem:$0x1D300] =	vst v63  }
0x4f: {  	_ = 	snop  }
0x50: {  	[spmem:s3] =	stream.indirect.scatter.add.f32 [tilespmem:s22], [sflag:$0x7], $0x1, s5, s26, $0xb8;
	[tilespmem:$0x1D300] =	vst v63  }
0x51: {  	_ =	swait.ge [sflag:s21], $0x7D  }
0x52: {  	[sflag:s21] =	ssyncset.done $0x0  }
0x53: {  	[sflag:s21] =	ssyncadd.s32 $0xFFFFFF83  }
0x54: {  	_ =	swait.ge [sflag:s31], $0x3E80  }
0x55: {  	[sflag:s31] =	ssyncset.done $0x0  }
0x56: {  	s12 =	rddreg [dreg:$0x8];
	[sflag:s31] =	ssyncadd.s32 $0xFFFFC180  }
0x57: {  	[tilespmem:s28], [sflag:$0x1] =	stream.indirect.gather [hbm4b:s6+s26], $0x80, s12, s26, $0xb8;
	[tilespmem:$0x1D300] =	vst v63  }
0x58: {  	_ =	swait.ge [sflag:s0], $0x3E80  }
0x59: {  	[sflag:s0] =	ssyncset.done $0x0  }
0x5a: {  	[sflag:s0] =	ssyncadd.s32 $0xFFFFC180  }
0x5b: {  	[spmem:s2] =	stream.indirect.scatter.add.f32 [tilespmem:s29], [sflag:$0x6], $0x80, s14, s26, $0xb8;
	[tilespmem:$0x1D300] =	vst v63  }
0x5c: {  	_ = 	snop  }
0x5d: {  	[spmem:s3] =	stream.indirect.scatter.add.f32 [tilespmem:s22], [sflag:$0x7], $0x1, s14, s26, $0xb8;
	[tilespmem:$0x1D300] =	vst v63  }
0x5e: {  	_ =	swait.ge [sflag:s21], $0x7D  }
0x5f: {  	[sflag:s21] =	ssyncset.done $0x0  }
0x60: {  	[sflag:s21] =	ssyncadd.s32 $0xFFFFFF83  }
0x61: {  	_ =	swait.ge [sflag:s1], $0x3E80  }
0x62: {  	[sflag:s1] =	ssyncset.done $0x0  }
0x63: {  	s14 =	rddreg [dreg:$0x9];
	[sflag:s1] =	ssyncadd.s32 $0xFFFFC180  }
0x64: {  	[tilespmem:s29], [sflag:$0x2] =	stream.indirect.gather [hbm4b:s6+s26], $0x80, s14, s26, $0xb8;
	[tilespmem:$0x1D300] =	vst v63  }
0x65: {  	_ =	swait.ge [sflag:s30], $0x3E80  }
0x66: {  	[sflag:s30] =	ssyncset.done $0x0  }
0x67: {  	[sflag:s30] =	ssyncadd.s32 $0xFFFFC180  }
0x68: {  	[spmem:s2] =	stream.indirect.scatter.add.f32 [tilespmem:s28], [sflag:$0x5], $0x80, s15, s26, $0xb8;
	[tilespmem:$0x1D300] =	vst v63  }
0x69: {  	_ = 	snop  }
0x6a: {  	[spmem:s3] =	stream.indirect.scatter.add.f32 [tilespmem:s22], [sflag:$0x7], $0x1, s15, s26, $0xb8;
	[tilespmem:$0x1D300] =	vst v63  }
0x6b: {  	_ =	swait.ge [sflag:s21], $0x7D  }
0x6c: {  	[sflag:s21] =	ssyncset.done $0x0  }
0x6d: {  	[sflag:s21] =	ssyncadd.s32 $0xFFFFFF83  }
0x6e: {  	_ =	swait.ge [sflag:s31], $0x3E80  }
0x6f: {  	[sflag:s31] =	ssyncset.done $0x0  }
0x70: {  	s19 =	rddreg [dreg:$0xa];
	[sflag:s31] =	ssyncadd.s32 $0xFFFFC180  }
0x71: {  	[tilespmem:s28], [sflag:$0x1] =	stream.indirect.gather [hbm4b:s6+s26], $0x80, s19, s26, $0xb8;
	[tilespmem:$0x1D300] =	vst v63  }
0x72: {  	_ =	swait.ge [sflag:s0], $0x3E80  }
0x73: {  	[sflag:s0] =	ssyncset.done $0x0  }
0x74: {  	[sflag:s0] =	ssyncadd.s32 $0xFFFFC180  }
0x75: {  	[spmem:s2] =	stream.indirect.scatter.add.f32 [tilespmem:s29], [sflag:$0x6], $0x80, s17, s26, $0xb8;
	[tilespmem:$0x1D300] =	vst v63  }
0x76: {  	_ = 	snop  }
0x77: {  	[spmem:s3] =	stream.indirect.scatter.add.f32 [tilespmem:s22], [sflag:$0x7], $0x1, s17, s26, $0xb8;
	[tilespmem:$0x1D300] =	vst v63  }
0x78: {  	_ =	swait.ge [sflag:s21], $0x7D  }
0x79: {  	[sflag:s21] =	ssyncset.done $0x0  }
0x7a: {  	[sflag:s21] =	ssyncadd.s32 $0xFFFFFF83  }
0x7b: {  	_ =	swait.ge [sflag:s1], $0x3E80  }
0x7c: {  	[sflag:s1] =	ssyncset.done $0x0  }
0x7d: {  	s25 =	rddreg [dreg:$0xb];
	[sflag:s1] =	ssyncadd.s32 $0xFFFFC180  }
0x7e: {  	[tilespmem:s29], [sflag:$0x2] =	stream.indirect.gather [hbm4b:s6+s26], $0x80, s25, s26, $0xb8;
	[tilespmem:$0x1D300] =	vst v63  }
0x7f: {  	_ =	swait.ge [sflag:s30], $0x3E80  }
0x80: {  	[sflag:s30] =	ssyncset.done $0x0  }
0x81: {  	[sflag:s30] =	ssyncadd.s32 $0xFFFFC180  }
0x82: {  	[spmem:s2] =	stream.indirect.scatter.add.f32 [tilespmem:s28], [sflag:$0x5], $0x80, s13, s26, $0xb8;
	[tilespmem:$0x1D300] =	vst v63  }
0x83: {  	_ = 	snop  }
0x84: {  	[spmem:s3] =	stream.indirect.scatter.add.f32 [tilespmem:s22], [sflag:$0x7], $0x1, s13, s26, $0xb8;
	[tilespmem:$0x1D300] =	vst v63  }
0x85: {  	_ =	swait.ge [sflag:s21], $0x7D  }
0x86: {  	[sflag:s21] =	ssyncset.done $0x0  }
0x87: {  	[sflag:s21] =	ssyncadd.s32 $0xFFFFFF83  }
0x88: {  	_ =	swait.ge [sflag:s31], $0x3E80  }
0x89: {  	[sflag:s31] =	ssyncset.done $0x0  }
0x8a: {  	s9 =	rddreg [dreg:$0xc];
	[sflag:s31] =	ssyncadd.s32 $0xFFFFC180  }
0x8b: {  	[tilespmem:s28], [sflag:$0x1] =	stream.indirect.gather [hbm4b:s6+s26], $0x80, s9, s26, $0xb8;
	[tilespmem:$0x1D300] =	vst v63  }
0x8c: {  	_ =	swait.ge [sflag:s0], $0x3E80  }
0x8d: {  	[sflag:s0] =	ssyncset.done $0x0  }
0x8e: {  	[sflag:s0] =	ssyncadd.s32 $0xFFFFC180  }
0x8f: {  	[spmem:s2] =	stream.indirect.scatter.add.f32 [tilespmem:s29], [sflag:$0x6], $0x80, s18, s26, $0xb8;
	[tilespmem:$0x1D300] =	vst v63  }
0x90: {  	_ = 	snop  }
0x91: {  	[spmem:s3] =	stream.indirect.scatter.add.f32 [tilespmem:s22], [sflag:$0x7], $0x1, s18, s26, $0xb8;
	[tilespmem:$0x1D300] =	vst v63  }
0x92: {  	_ =	swait.ge [sflag:s21], $0x7D  }
0x93: {  	[sflag:s21] =	ssyncset.done $0x0  }
0x94: {  	[sflag:s21] =	ssyncadd.s32 $0xFFFFFF83  }
0x95: {  	_ =	swait.ge [sflag:s1], $0x3E80  }
0x96: {  	[sflag:s1] =	ssyncset.done $0x0  }
0x97: {  	s10 =	rddreg [dreg:$0xd];
	[sflag:s1] =	ssyncadd.s32 $0xFFFFC180  }
0x98: {  	[tilespmem:s29], [sflag:$0x2] =	stream.indirect.gather [hbm4b:s6+s26], $0x80, s10, s26, $0xb8;
	[tilespmem:$0x1D300] =	vst v63  }
0x99: {  	_ =	swait.ge [sflag:s30], $0x3E80  }
0x9a: {  	[sflag:s30] =	ssyncset.done $0x0  }
0x9b: {  	[sflag:s30] =	ssyncadd.s32 $0xFFFFC180  }
0x9c: {  	[spmem:s2] =	stream.indirect.scatter.add.f32 [tilespmem:s28], [sflag:$0x5], $0x80, s7, s26, $0xb8;
	[tilespmem:$0x1D300] =	vst v63  }
0x9d: {  	_ = 	snop  }
0x9e: {  	[spmem:s3] =	stream.indirect.scatter.add.f32 [tilespmem:s22], [sflag:$0x7], $0x1, s7, s26, $0xb8;
	[tilespmem:$0x1D300] =	vst v63  }
0x9f: {  	_ =	swait.ge [sflag:s21], $0x7D  }
0xa0: {  	[sflag:s21] =	ssyncset.done $0x0  }
0xa1: {  	[sflag:s21] =	ssyncadd.s32 $0xFFFFFF83  }
0xa2: {  	_ =	swait.ge [sflag:s0], $0x3E80  }
0xa3: {  	[sflag:s0] =	ssyncset.done $0x0  }
0xa4: {  	[sflag:s0] =	ssyncadd.s32 $0xFFFFC180  }
0xa5: {  	[spmem:s2] =	stream.indirect.scatter.add.f32 [tilespmem:s29], [sflag:$0x6], $0x80, s8, s26, $0xb8;
	[tilespmem:$0x1D300] =	vst v63  }
0xa6: {  	_ = 	snop  }
0xa7: {  	[spmem:s3] =	stream.indirect.scatter.add.f32 [tilespmem:s22], [sflag:$0x7], $0x1, s8, s26, $0xb8;
	[tilespmem:$0x1D300] =	vst v63  }
0xa8: {  	_ =	swait.ge [sflag:s21], $0x7D  }
0xa9: {  	[sflag:s21] =	ssyncset.done $0x0  }
0xaa: {  	[sflag:s21] =	ssyncadd.s32 $0xFFFFFF83  }
0xab: {  	_ =	swait.ge [sflag:s31], $0x3E80  }
0xac: {  	[sflag:s31] =	ssyncset.done $0x0  }
0xad: {  	[sflag:s31] =	ssyncadd.s32 $0xFFFFC180  }
0xae: {  	_ =	swait.ge [sflag:s1], $0x3E80  }
0xaf: {  	[sflag:s1] =	ssyncset.done $0x0  }
0xb0: {  	[sflag:s1] =	ssyncadd.s32 $0xFFFFC180  }
0xb1: {  	_ =	swait.ge [sflag:s16], $0x400  }
0xb2: {  	[sflag:s16] =	ssyncset.done $0x0  }
0xb3: {  	[sflag:s16] =	ssyncadd.s32 $0xFFFFFC00  }
0xb4: {  	_ =	swait.ge [sflag:s16], $0x400  }
0xb5: {  	s10 =	sld [smem:$0x7FC];
	_ =	sdelay $0x1  }
0xb6: {  	p0 =	por $0x0, $0x0  }
0xb7: {  	s25 =	simm.s32 @!p0 $0x0;
	[sflag:s16] =	ssyncset.done $0x0;
	s4 =	sshrl.u32 @!p0 s10, $0x3  }
0xb8: {  	s12 =	rddreg [dreg:$0x16];
	[sflag:s16] =	ssyncadd.s32 $0xFFFFFC00;
	s9 =	sadd.s32 @!p0 s20, s4  }
0xb9: {  	[tilespmem:s25], [sflag:$0x3] =	stream.linear.gather @!p0 [hbm4b:s9+s25], $0x400, $0x38;
	[tilespmem:$0x1D300] =	vst v63  }
0xba: {  	s4 =	sadd.s32 @!p0 s12, s4;
	s9 =	simm.s32 @!p0 $0x400  }
0xbb: {  	[tilespmem:s9], [sflag:$0x3] =	stream.linear.gather @!p0 [hbm4b:s4+s25], $0x400, $0x38;
	[tilespmem:$0x1D300] =	vst v63  }
0xbc: {  	s11 =	simm.s32 $0xC00  }
0xbd: {  	[tilespmem:s28], [sflag:$0x1] =	stream.indirect.gather [hbm4b:s6+s26], $0x80, s11, s26, $0xb8;
	[tilespmem:$0x1D300] =	vst v63  }
0xbe: {  	s13 =	rddreg [dreg:$0xe]  }
0xbf: {  	[tilespmem:s29], [sflag:$0x2] =	stream.indirect.gather [hbm4b:s6+s26], $0x80, s13, s26, $0xb8;
	[tilespmem:$0x1D300] =	vst v63  }
0xc0: {  	_ =	swait.ge [sflag:s30], $0x3E80  }
0xc1: {  	[sflag:s30] =	ssyncset.done $0x0  }
0xc2: {  	[sflag:s30] =	ssyncadd.s32 $0xFFFFC180  }
0xc3: {  	[spmem:s2] =	stream.indirect.scatter.add.f32 [tilespmem:s28], [sflag:$0x5], $0x80, s24, s26, $0xb8;
	[tilespmem:$0x1D300] =	vst v63  }
0xc4: {  	_ = 	snop  }
0xc5: {  	[spmem:s3] =	stream.indirect.scatter.add.f32 [tilespmem:s22], [sflag:$0x7], $0x1, s24, s26, $0xb8;
	[tilespmem:$0x1D300] =	vst v63  }
0xc6: {  	_ =	swait.ge [sflag:s21], $0x7D  }
0xc7: {  	[sflag:s21] =	ssyncset.done $0x0  }
0xc8: {  	[sflag:s21] =	ssyncadd.s32 $0xFFFFFF83  }
0xc9: {  	_ =	swait.ge [sflag:s31], $0x3E80  }
0xca: {  	[sflag:s31] =	ssyncset.done $0x0  }
0xcb: {  	s14 =	rddreg [dreg:$0xf];
	[sflag:s31] =	ssyncadd.s32 $0xFFFFC180  }
0xcc: {  	[tilespmem:s28], [sflag:$0x1] =	stream.indirect.gather [hbm4b:s6+s26], $0x80, s14, s26, $0xb8;
	[tilespmem:$0x1D300] =	vst v63  }
0xcd: {  	_ =	swait.ge [sflag:s0], $0x3E80  }
0xce: {  	[sflag:s0] =	ssyncset.done $0x0  }
0xcf: {  	s14 =	simm.s32 $0x880;
	[sflag:s0] =	ssyncadd.s32 $0xFFFFC180  }
0xd0: {  	[spmem:s2] =	stream.indirect.scatter.add.f32 [tilespmem:s29], [sflag:$0x6], $0x80, s14, s26, $0xb8;
	[tilespmem:$0x1D300] =	vst v63  }
0xd1: {  	_ = 	snop  }
0xd2: {  	[spmem:s3] =	stream.indirect.scatter.add.f32 [tilespmem:s22], [sflag:$0x7], $0x1, s14, s26, $0xb8;
	[tilespmem:$0x1D300] =	vst v63  }
0xd3: {  	_ =	swait.ge [sflag:s21], $0x7D  }
0xd4: {  	[sflag:s21] =	ssyncset.done $0x0  }
0xd5: {  	[sflag:s21] =	ssyncadd.s32 $0xFFFFFF83  }
0xd6: {  	_ =	swait.ge [sflag:s1], $0x3E80  }
0xd7: {  	[sflag:s1] =	ssyncset.done $0x0  }
0xd8: {  	s15 =	rddreg [dreg:$0x10];
	[sflag:s1] =	ssyncadd.s32 $0xFFFFC180  }
0xd9: {  	[tilespmem:s29], [sflag:$0x2] =	stream.indirect.gather [hbm4b:s6+s26], $0x80, s15, s26, $0xb8;
	[tilespmem:$0x1D300] =	vst v63  }
0xda: {  	_ =	swait.ge [sflag:s30], $0x3E80  }
0xdb: {  	[sflag:s30] =	ssyncset.done $0x0  }
0xdc: {  	s20 =	simm.s32 $0x900;
	[sflag:s30] =	ssyncadd.s32 $0xFFFFC180  }
0xdd: {  	[spmem:s2] =	stream.indirect.scatter.add.f32 [tilespmem:s28], [sflag:$0x5], $0x80, s20, s26, $0xb8;
	[tilespmem:$0x1D300] =	vst v63  }
0xde: {  	_ = 	snop  }
0xdf: {  	[spmem:s3] =	stream.indirect.scatter.add.f32 [tilespmem:s22], [sflag:$0x7], $0x1, s20, s26, $0xb8;
	[tilespmem:$0x1D300] =	vst v63  }
0xe0: {  	_ =	swait.ge [sflag:s21], $0x7D  }
0xe1: {  	[sflag:s21] =	ssyncset.done $0x0  }
0xe2: {  	[sflag:s21] =	ssyncadd.s32 $0xFFFFFF83  }
0xe3: {  	_ =	swait.ge [sflag:s31], $0x3E80  }
0xe4: {  	[sflag:s31] =	ssyncset.done $0x0  }
0xe5: {  	s17 =	rddreg [dreg:$0x11];
	[sflag:s31] =	ssyncadd.s32 $0xFFFFC180  }
0xe6: {  	[tilespmem:s28], [sflag:$0x1] =	stream.indirect.gather [hbm4b:s6+s26], $0x80, s17, s26, $0xb8;
	[tilespmem:$0x1D300] =	vst v63  }
0xe7: {  	_ =	swait.ge [sflag:s0], $0x3E80  }
0xe8: {  	[sflag:s0] =	ssyncset.done $0x0  }
0xe9: {  	s15 =	simm.s32 $0x980;
	[sflag:s0] =	ssyncadd.s32 $0xFFFFC180  }
0xea: {  	[spmem:s2] =	stream.indirect.scatter.add.f32 [tilespmem:s29], [sflag:$0x6], $0x80, s15, s26, $0xb8;
	[tilespmem:$0x1D300] =	vst v63  }
0xeb: {  	_ = 	snop  }
0xec: {  	[spmem:s3] =	stream.indirect.scatter.add.f32 [tilespmem:s22], [sflag:$0x7], $0x1, s15, s26, $0xb8;
	[tilespmem:$0x1D300] =	vst v63  }
0xed: {  	_ =	swait.ge [sflag:s21], $0x7D  }
0xee: {  	[sflag:s21] =	ssyncset.done $0x0  }
0xef: {  	[sflag:s21] =	ssyncadd.s32 $0xFFFFFF83  }
0xf0: {  	_ =	swait.ge [sflag:s1], $0x3E80  }
0xf1: {  	[sflag:s1] =	ssyncset.done $0x0  }
0xf2: {  	s18 =	rddreg [dreg:$0x12];
	[sflag:s1] =	ssyncadd.s32 $0xFFFFC180  }
0xf3: {  	[tilespmem:s29], [sflag:$0x2] =	stream.indirect.gather [hbm4b:s6+s26], $0x80, s18, s26, $0xb8;
	[tilespmem:$0x1D300] =	vst v63  }
0xf4: {  	_ =	swait.ge [sflag:s30], $0x3E80  }
0xf5: {  	[sflag:s30] =	ssyncset.done $0x0  }
0xf6: {  	s17 =	simm.s32 $0xA00;
	[sflag:s30] =	ssyncadd.s32 $0xFFFFC180  }
0xf7: {  	[spmem:s2] =	stream.indirect.scatter.add.f32 [tilespmem:s28], [sflag:$0x5], $0x80, s17, s26, $0xb8;
	[tilespmem:$0x1D300] =	vst v63  }
0xf8: {  	_ = 	snop  }
0xf9: {  	[spmem:s3] =	stream.indirect.scatter.add.f32 [tilespmem:s22], [sflag:$0x7], $0x1, s17, s26, $0xb8;
	[tilespmem:$0x1D300] =	vst v63  }
0xfa: {  	_ =	swait.ge [sflag:s21], $0x7D  }
0xfb: {  	[sflag:s21] =	ssyncset.done $0x0  }
0xfc: {  	[sflag:s21] =	ssyncadd.s32 $0xFFFFFF83  }
0xfd: {  	_ =	swait.ge [sflag:s31], $0x3E80  }
0xfe: {  	[sflag:s31] =	ssyncset.done $0x0  }
0xff: {  	s19 =	rddreg [dreg:$0x13];
	[sflag:s31] =	ssyncadd.s32 $0xFFFFC180  }
0x100: {  	[tilespmem:s28], [sflag:$0x1] =	stream.indirect.gather [hbm4b:s6+s26], $0x80, s19, s26, $0xb8;
	[tilespmem:$0x1D300] =	vst v63  }
0x101: {  	_ =	swait.ge [sflag:s0], $0x3E80  }
0x102: {  	[sflag:s0] =	ssyncset.done $0x0  }
0x103: {  	s18 =	simm.s32 $0xA80;
	[sflag:s0] =	ssyncadd.s32 $0xFFFFC180  }
0x104: {  	[spmem:s2] =	stream.indirect.scatter.add.f32 [tilespmem:s29], [sflag:$0x6], $0x80, s18, s26, $0xb8;
	[tilespmem:$0x1D300] =	vst v63  }
0x105: {  	_ = 	snop  }
0x106: {  	[spmem:s3] =	stream.indirect.scatter.add.f32 [tilespmem:s22], [sflag:$0x7], $0x1, s18, s26, $0xb8;
	[tilespmem:$0x1D300] =	vst v63  }
0x107: {  	_ =	swait.ge [sflag:s21], $0x7D  }
0x108: {  	[sflag:s21] =	ssyncset.done $0x0  }
0x109: {  	[sflag:s21] =	ssyncadd.s32 $0xFFFFFF83  }
0x10a: {  	_ =	swait.ge [sflag:s1], $0x3E80  }
0x10b: {  	[sflag:s1] =	ssyncset.done $0x0  }
0x10c: {  	s25 =	rddreg [dreg:$0x14];
	[sflag:s1] =	ssyncadd.s32 $0xFFFFC180  }
0x10d: {  	[tilespmem:s29], [sflag:$0x2] =	stream.indirect.gather [hbm4b:s6+s26], $0x80, s25, s26, $0xb8;
	[tilespmem:$0x1D300] =	vst v63  }
0x10e: {  	_ =	swait.ge [sflag:s30], $0x3E80  }
0x10f: {  	[sflag:s30] =	ssyncset.done $0x0  }
0x110: {  	s13 =	simm.s32 $0xB00;
	[sflag:s30] =	ssyncadd.s32 $0xFFFFC180  }
0x111: {  	[spmem:s2] =	stream.indirect.scatter.add.f32 [tilespmem:s28], [sflag:$0x5], $0x80, s13, s26, $0xb8;
	[tilespmem:$0x1D300] =	vst v63  }
0x112: {  	_ = 	snop  }
0x113: {  	[spmem:s3] =	stream.indirect.scatter.add.f32 [tilespmem:s22], [sflag:$0x7], $0x1, s13, s26, $0xb8;
	[tilespmem:$0x1D300] =	vst v63  }
0x114: {  	_ =	swait.ge [sflag:s21], $0x7D  }
0x115: {  	[sflag:s21] =	ssyncset.done $0x0  }
0x116: {  	[sflag:s21] =	ssyncadd.s32 $0xFFFFFF83  }
0x117: {  	_ =	swait.ge [sflag:s0], $0x3E80  }
0x118: {  	[sflag:s0] =	ssyncset.done $0x0  }
0x119: {  	s19 =	simm.s32 $0xB80;
	[sflag:s0] =	ssyncadd.s32 $0xFFFFC180  }
0x11a: {  	[spmem:s2] =	stream.indirect.scatter.add.f32 [tilespmem:s29], [sflag:$0x6], $0x80, s19, s26, $0xb8;
	[tilespmem:$0x1D300] =	vst v63  }
0x11b: {  	_ = 	snop  }
0x11c: {  	[spmem:s3] =	stream.indirect.scatter.add.f32 [tilespmem:s22], [sflag:$0x7], $0x1, s19, s26, $0xb8;
	[tilespmem:$0x1D300] =	vst v63  }
0x11d: {  	_ =	swait.ge [sflag:s21], $0x7D  }
0x11e: {  	[sflag:s21] =	ssyncset.done $0x0  }
0x11f: {  	[sflag:s21] =	ssyncadd.s32 $0xFFFFFF83  }
0x120: {  	_ =	swait.ge [sflag:s31], $0x3E80  }
0x121: {  	[sflag:s31] =	ssyncset.done $0x0  }
0x122: {  	[sflag:s31] =	ssyncadd.s32 $0xFFFFC180  }
0x123: {  	s8 =	simm.s32 $0x380;
	_ =	swait.ge [sflag:s1], $0x3E80  }
0x124: {  	s4 =	smov.u32 s10;
	s25 =	simm.s32 $0x100;
	[sflag:s1] =	ssyncset.done $0x0  }
.LBB2_2:
0x125: {  	[sflag:s1] =	ssyncadd.s32 $0xFFFFC180  }
0x126: {  	_ =	swait.ge [sflag:s23], $0x400  }
0x127: {  	[sflag:s23] =	ssyncset.done $0x0  }
0x128: {  	[sflag:s23] =	ssyncadd.s32 $0xFFFFFC00  }
0x129: {  	_ =	swait.ge [sflag:s23], $0x400  }
0x12a: {  	s9 =	smov.u32 s25;
	s10 =	rddreg [dreg:$0x6];
	[sflag:s23] =	ssyncset.done $0x0  }
0x12b: {  	s11 =	rddreg [dreg:$0x5];
	[sflag:s23] =	ssyncadd.s32 $0xFFFFFC00;
	s10 =	sadd.s32 s9, s10  }
0x12c: {  	[tilespmem:s24], [sflag:$0x4] =	stream.linear.gather [hbm4b:s10+s5], $0x400, $0x38;
	[tilespmem:$0x1D300] =	vst v63  }
0x12d: {  	s7 =	simm.s32 $0xC00;
	s11 =	sadd.s32 s9, s11  }
0x12e: {  	[tilespmem:s7], [sflag:$0x4] =	stream.linear.gather [hbm4b:s11+s5], $0x400, $0x38;
	[tilespmem:$0x1D300] =	vst v63  }
0x12f: {  	s11 =	simm.s32 $0x400  }
0x130: {  	[tilespmem:s28], [sflag:$0x1] =	stream.indirect.gather [hbm4b:s6+s26], $0x80, s11, s26, $0xb8;
	[tilespmem:$0x1D300] =	vst v63  }
0x131: {  	s10 =	rddreg [dreg:$0x7]  }
0x132: {  	[tilespmem:s29], [sflag:$0x2] =	stream.indirect.gather [hbm4b:s6+s26], $0x80, s10, s26, $0xb8;
	[tilespmem:$0x1D300] =	vst v63  }
0x133: {  	_ =	swait.ge [sflag:s30], $0x3E80  }
0x134: {  	[sflag:s30] =	ssyncset.done $0x0  }
0x135: {  	[sflag:s30] =	ssyncadd.s32 $0xFFFFC180  }
0x136: {  	[spmem:s2] =	stream.indirect.scatter.add.f32 [tilespmem:s28], [sflag:$0x5], $0x80, s5, s26, $0xb8;
	[tilespmem:$0x1D300] =	vst v63  }
0x137: {  	_ = 	snop  }
0x138: {  	[spmem:s3] =	stream.indirect.scatter.add.f32 [tilespmem:s22], [sflag:$0x7], $0x1, s5, s26, $0xb8;
	[tilespmem:$0x1D300] =	vst v63  }
0x139: {  	_ =	swait.ge [sflag:s21], $0x7D  }
0x13a: {  	[sflag:s21] =	ssyncset.done $0x0  }
0x13b: {  	[sflag:s21] =	ssyncadd.s32 $0xFFFFFF83  }
0x13c: {  	_ =	swait.ge [sflag:s31], $0x3E80  }
0x13d: {  	[sflag:s31] =	ssyncset.done $0x0  }
0x13e: {  	s11 =	rddreg [dreg:$0x8];
	[sflag:s31] =	ssyncadd.s32 $0xFFFFC180  }
0x13f: {  	[tilespmem:s28], [sflag:$0x1] =	stream.indirect.gather [hbm4b:s6+s26], $0x80, s11, s26, $0xb8;
	[tilespmem:$0x1D300] =	vst v63  }
0x140: {  	_ =	swait.ge [sflag:s0], $0x3E80  }
0x141: {  	[sflag:s0] =	ssyncset.done $0x0  }
0x142: {  	s11 =	simm.s32 $0x80;
	[sflag:s0] =	ssyncadd.s32 $0xFFFFC180  }
0x143: {  	[spmem:s2] =	stream.indirect.scatter.add.f32 [tilespmem:s29], [sflag:$0x6], $0x80, s11, s26, $0xb8;
	[tilespmem:$0x1D300] =	vst v63  }
0x144: {  	_ = 	snop  }
0x145: {  	[spmem:s3] =	stream.indirect.scatter.add.f32 [tilespmem:s22], [sflag:$0x7], $0x1, s11, s26, $0xb8;
	[tilespmem:$0x1D300] =	vst v63  }
0x146: {  	_ =	swait.ge [sflag:s21], $0x7D  }
0x147: {  	[sflag:s21] =	ssyncset.done $0x0  }
0x148: {  	[sflag:s21] =	ssyncadd.s32 $0xFFFFFF83  }
0x149: {  	_ =	swait.ge [sflag:s1], $0x3E80  }
0x14a: {  	[sflag:s1] =	ssyncset.done $0x0  }
0x14b: {  	s11 =	rddreg [dreg:$0x9];
	[sflag:s1] =	ssyncadd.s32 $0xFFFFC180  }
0x14c: {  	[tilespmem:s29], [sflag:$0x2] =	stream.indirect.gather [hbm4b:s6+s26], $0x80, s11, s26, $0xb8;
	[tilespmem:$0x1D300] =	vst v63  }
0x14d: {  	_ =	swait.ge [sflag:s30], $0x3E80  }
0x14e: {  	[sflag:s30] =	ssyncset.done $0x0  }
0x14f: {  	s11 =	simm.s32 $0x100;
	[sflag:s30] =	ssyncadd.s32 $0xFFFFC180  }
0x150: {  	[spmem:s2] =	stream.indirect.scatter.add.f32 [tilespmem:s28], [sflag:$0x5], $0x80, s11, s26, $0xb8;
	[tilespmem:$0x1D300] =	vst v63  }
0x151: {  	_ = 	snop  }
0x152: {  	[spmem:s3] =	stream.indirect.scatter.add.f32 [tilespmem:s22], [sflag:$0x7], $0x1, s11, s26, $0xb8;
	[tilespmem:$0x1D300] =	vst v63  }
0x153: {  	_ =	swait.ge [sflag:s21], $0x7D  }
0x154: {  	[sflag:s21] =	ssyncset.done $0x0  }
0x155: {  	[sflag:s21] =	ssyncadd.s32 $0xFFFFFF83  }
0x156: {  	_ =	swait.ge [sflag:s31], $0x3E80  }
0x157: {  	[sflag:s31] =	ssyncset.done $0x0  }
0x158: {  	s11 =	rddreg [dreg:$0xa];
	[sflag:s31] =	ssyncadd.s32 $0xFFFFC180  }
0x159: {  	[tilespmem:s28], [sflag:$0x1] =	stream.indirect.gather [hbm4b:s6+s26], $0x80, s11, s26, $0xb8;
	[tilespmem:$0x1D300] =	vst v63  }
0x15a: {  	_ =	swait.ge [sflag:s0], $0x3E80  }
0x15b: {  	[sflag:s0] =	ssyncset.done $0x0  }
0x15c: {  	s11 =	simm.s32 $0x180;
	[sflag:s0] =	ssyncadd.s32 $0xFFFFC180  }
0x15d: {  	[spmem:s2] =	stream.indirect.scatter.add.f32 [tilespmem:s29], [sflag:$0x6], $0x80, s11, s26, $0xb8;
	[tilespmem:$0x1D300] =	vst v63  }
0x15e: {  	_ = 	snop  }
0x15f: {  	[spmem:s3] =	stream.indirect.scatter.add.f32 [tilespmem:s22], [sflag:$0x7], $0x1, s11, s26, $0xb8;
	[tilespmem:$0x1D300] =	vst v63  }
0x160: {  	_ =	swait.ge [sflag:s21], $0x7D  }
0x161: {  	[sflag:s21] =	ssyncset.done $0x0  }
0x162: {  	[sflag:s21] =	ssyncadd.s32 $0xFFFFFF83  }
0x163: {  	_ =	swait.ge [sflag:s1], $0x3E80  }
0x164: {  	[sflag:s1] =	ssyncset.done $0x0  }
0x165: {  	s11 =	rddreg [dreg:$0xb];
	[sflag:s1] =	ssyncadd.s32 $0xFFFFC180  }
0x166: {  	[tilespmem:s29], [sflag:$0x2] =	stream.indirect.gather [hbm4b:s6+s26], $0x80, s11, s26, $0xb8;
	[tilespmem:$0x1D300] =	vst v63  }
0x167: {  	_ =	swait.ge [sflag:s30], $0x3E80  }
0x168: {  	[sflag:s30] =	ssyncset.done $0x0  }
0x169: {  	s11 =	simm.s32 $0x200;
	[sflag:s30] =	ssyncadd.s32 $0xFFFFC180  }
0x16a: {  	[spmem:s2] =	stream.indirect.scatter.add.f32 [tilespmem:s28], [sflag:$0x5], $0x80, s11, s26, $0xb8;
	[tilespmem:$0x1D300] =	vst v63  }
0x16b: {  	_ = 	snop  }
0x16c: {  	[spmem:s3] =	stream.indirect.scatter.add.f32 [tilespmem:s22], [sflag:$0x7], $0x1, s11, s26, $0xb8;
	[tilespmem:$0x1D300] =	vst v63  }
0x16d: {  	_ =	swait.ge [sflag:s21], $0x7D  }
0x16e: {  	[sflag:s21] =	ssyncset.done $0x0  }
0x16f: {  	[sflag:s21] =	ssyncadd.s32 $0xFFFFFF83  }
0x170: {  	_ =	swait.ge [sflag:s31], $0x3E80  }
0x171: {  	[sflag:s31] =	ssyncset.done $0x0  }
0x172: {  	s11 =	rddreg [dreg:$0xc];
	[sflag:s31] =	ssyncadd.s32 $0xFFFFC180  }
0x173: {  	[tilespmem:s28], [sflag:$0x1] =	stream.indirect.gather [hbm4b:s6+s26], $0x80, s11, s26, $0xb8;
	[tilespmem:$0x1D300] =	vst v63  }
0x174: {  	_ =	swait.ge [sflag:s0], $0x3E80  }
0x175: {  	[sflag:s0] =	ssyncset.done $0x0  }
0x176: {  	s11 =	simm.s32 $0x280;
	[sflag:s0] =	ssyncadd.s32 $0xFFFFC180  }
0x177: {  	[spmem:s2] =	stream.indirect.scatter.add.f32 [tilespmem:s29], [sflag:$0x6], $0x80, s11, s26, $0xb8;
	[tilespmem:$0x1D300] =	vst v63  }
0x178: {  	_ = 	snop  }
0x179: {  	[spmem:s3] =	stream.indirect.scatter.add.f32 [tilespmem:s22], [sflag:$0x7], $0x1, s11, s26, $0xb8;
	[tilespmem:$0x1D300] =	vst v63  }
0x17a: {  	_ =	swait.ge [sflag:s21], $0x7D  }
0x17b: {  	[sflag:s21] =	ssyncset.done $0x0  }
0x17c: {  	[sflag:s21] =	ssyncadd.s32 $0xFFFFFF83  }
0x17d: {  	_ =	swait.ge [sflag:s1], $0x3E80  }
0x17e: {  	[sflag:s1] =	ssyncset.done $0x0  }
0x17f: {  	s11 =	rddreg [dreg:$0xd];
	[sflag:s1] =	ssyncadd.s32 $0xFFFFC180  }
0x180: {  	[tilespmem:s29], [sflag:$0x2] =	stream.indirect.gather [hbm4b:s6+s26], $0x80, s11, s26, $0xb8;
	[tilespmem:$0x1D300] =	vst v63  }
0x181: {  	_ =	swait.ge [sflag:s30], $0x3E80  }
0x182: {  	[sflag:s30] =	ssyncset.done $0x0  }
0x183: {  	s11 =	simm.s32 $0x300;
	[sflag:s30] =	ssyncadd.s32 $0xFFFFC180  }
0x184: {  	[spmem:s2] =	stream.indirect.scatter.add.f32 [tilespmem:s28], [sflag:$0x5], $0x80, s11, s26, $0xb8;
	[tilespmem:$0x1D300] =	vst v63  }
0x185: {  	_ = 	snop  }
0x186: {  	[spmem:s3] =	stream.indirect.scatter.add.f32 [tilespmem:s22], [sflag:$0x7], $0x1, s11, s26, $0xb8;
	[tilespmem:$0x1D300] =	vst v63  }
0x187: {  	_ =	swait.ge [sflag:s21], $0x7D  }
0x188: {  	[sflag:s21] =	ssyncset.done $0x0  }
0x189: {  	[sflag:s21] =	ssyncadd.s32 $0xFFFFFF83  }
0x18a: {  	_ =	swait.ge [sflag:s0], $0x3E80  }
0x18b: {  	[sflag:s0] =	ssyncset.done $0x0  }
0x18c: {  	[sflag:s0] =	ssyncadd.s32 $0xFFFFC180  }
0x18d: {  	[spmem:s2] =	stream.indirect.scatter.add.f32 [tilespmem:s29], [sflag:$0x6], $0x80, s8, s26, $0xb8;
	[tilespmem:$0x1D300] =	vst v63  }
0x18e: {  	_ = 	snop  }
0x18f: {  	[spmem:s3] =	stream.indirect.scatter.add.f32 [tilespmem:s22], [sflag:$0x7], $0x1, s8, s26, $0xb8;
	[tilespmem:$0x1D300] =	vst v63  }
0x190: {  	_ =	swait.ge [sflag:s21], $0x7D  }
0x191: {  	[sflag:s21] =	ssyncset.done $0x0  }
0x192: {  	[sflag:s21] =	ssyncadd.s32 $0xFFFFFF83  }
0x193: {  	_ =	swait.ge [sflag:s31], $0x3E80  }
0x194: {  	[sflag:s31] =	ssyncset.done $0x0  }
0x195: {  	[sflag:s31] =	ssyncadd.s32 $0xFFFFC180  }
0x196: {  	_ =	swait.ge [sflag:s1], $0x3E80  }
0x197: {  	[sflag:s1] =	ssyncset.done $0x0  }
0x198: {  	[sflag:s1] =	ssyncadd.s32 $0xFFFFC180  }
0x199: {  	_ =	swait.ge [sflag:s16], $0x400  }
0x19a: {  	[sflag:s16] =	ssyncset.done $0x0  }
0x19b: {  	[sflag:s16] =	ssyncadd.s32 $0xFFFFFC00  }
0x19c: {  	s4 =	sadd.s32 $0x800, s4;
	p1 =	seq.s32 s9, $0x400;
	_ =	swait.ge [sflag:s16], $0x400  }
0x19d: {  	s9 =	sshrl.u32 @!p1 s4, $0x3;
	[sflag:s16] =	ssyncset.done $0x0;
	s10 =	rddreg [dreg:$0x15]  }
0x19e: {  	s11 =	simm.s32 @!p1 $0x0;
	[sflag:s16] =	ssyncadd.s32 $0xFFFFFC00;
	s10 =	sadd.s32 @!p1 s10, s9  }
0x19f: {  	[tilespmem:s11], [sflag:$0x3] =	stream.linear.gather @!p1 [hbm4b:s10+s11], $0x400, $0x38;
	[tilespmem:$0x1D300] =	vst v63  }
0x1a0: {  	s9 =	sadd.s32 @!p1 s12, s9;
	s10 =	simm.s32 @!p1 $0x400  }
0x1a1: {  	[tilespmem:s10], [sflag:$0x3] =	stream.linear.gather @!p1 [hbm4b:s9+s11], $0x400, $0x38;
	[tilespmem:$0x1D300] =	vst v63  }
0x1a2: {  	_ = 	snop  }
0x1a3: {  	[tilespmem:s28], [sflag:$0x1] =	stream.indirect.gather [hbm4b:s6+s26], $0x80, s7, s26, $0xb8;
	[tilespmem:$0x1D300] =	vst v63  }
0x1a4: {  	s11 =	rddreg [dreg:$0xe]  }
0x1a5: {  	[tilespmem:s29], [sflag:$0x2] =	stream.indirect.gather [hbm4b:s6+s26], $0x80, s11, s26, $0xb8;
	[tilespmem:$0x1D300] =	vst v63  }
0x1a6: {  	_ =	swait.ge [sflag:s30], $0x3E80  }
0x1a7: {  	[sflag:s30] =	ssyncset.done $0x0  }
0x1a8: {  	[sflag:s30] =	ssyncadd.s32 $0xFFFFC180  }
0x1a9: {  	[spmem:s2] =	stream.indirect.scatter.add.f32 [tilespmem:s28], [sflag:$0x5], $0x80, s24, s26, $0xb8;
	[tilespmem:$0x1D300] =	vst v63  }
0x1aa: {  	_ = 	snop  }
0x1ab: {  	[spmem:s3] =	stream.indirect.scatter.add.f32 [tilespmem:s22], [sflag:$0x7], $0x1, s24, s26, $0xb8;
	[tilespmem:$0x1D300] =	vst v63  }
0x1ac: {  	_ =	swait.ge [sflag:s21], $0x7D  }
0x1ad: {  	[sflag:s21] =	ssyncset.done $0x0  }
0x1ae: {  	[sflag:s21] =	ssyncadd.s32 $0xFFFFFF83  }
0x1af: {  	_ =	swait.ge [sflag:s31], $0x3E80  }
0x1b0: {  	[sflag:s31] =	ssyncset.done $0x0  }
0x1b1: {  	s7 =	rddreg [dreg:$0xf];
	[sflag:s31] =	ssyncadd.s32 $0xFFFFC180  }
0x1b2: {  	[tilespmem:s28], [sflag:$0x1] =	stream.indirect.gather [hbm4b:s6+s26], $0x80, s7, s26, $0xb8;
	[tilespmem:$0x1D300] =	vst v63  }
0x1b3: {  	_ =	swait.ge [sflag:s0], $0x3E80  }
0x1b4: {  	[sflag:s0] =	ssyncset.done $0x0  }
0x1b5: {  	[sflag:s0] =	ssyncadd.s32 $0xFFFFC180  }
0x1b6: {  	[spmem:s2] =	stream.indirect.scatter.add.f32 [tilespmem:s29], [sflag:$0x6], $0x80, s14, s26, $0xb8;
	[tilespmem:$0x1D300] =	vst v63  }
0x1b7: {  	_ = 	snop  }
0x1b8: {  	[spmem:s3] =	stream.indirect.scatter.add.f32 [tilespmem:s22], [sflag:$0x7], $0x1, s14, s26, $0xb8;
	[tilespmem:$0x1D300] =	vst v63  }
0x1b9: {  	_ =	swait.ge [sflag:s21], $0x7D  }
0x1ba: {  	[sflag:s21] =	ssyncset.done $0x0  }
0x1bb: {  	[sflag:s21] =	ssyncadd.s32 $0xFFFFFF83  }
0x1bc: {  	_ =	swait.ge [sflag:s1], $0x3E80  }
0x1bd: {  	[sflag:s1] =	ssyncset.done $0x0  }
0x1be: {  	s10 =	rddreg [dreg:$0x10];
	[sflag:s1] =	ssyncadd.s32 $0xFFFFC180  }
0x1bf: {  	[tilespmem:s29], [sflag:$0x2] =	stream.indirect.gather [hbm4b:s6+s26], $0x80, s10, s26, $0xb8;
	[tilespmem:$0x1D300] =	vst v63  }
0x1c0: {  	_ =	swait.ge [sflag:s30], $0x3E80  }
0x1c1: {  	[sflag:s30] =	ssyncset.done $0x0  }
0x1c2: {  	[sflag:s30] =	ssyncadd.s32 $0xFFFFC180  }
0x1c3: {  	[spmem:s2] =	stream.indirect.scatter.add.f32 [tilespmem:s28], [sflag:$0x5], $0x80, s20, s26, $0xb8;
	[tilespmem:$0x1D300] =	vst v63  }
0x1c4: {  	_ = 	snop  }
0x1c5: {  	[spmem:s3] =	stream.indirect.scatter.add.f32 [tilespmem:s22], [sflag:$0x7], $0x1, s20, s26, $0xb8;
	[tilespmem:$0x1D300] =	vst v63  }
0x1c6: {  	_ =	swait.ge [sflag:s21], $0x7D  }
0x1c7: {  	[sflag:s21] =	ssyncset.done $0x0  }
0x1c8: {  	[sflag:s21] =	ssyncadd.s32 $0xFFFFFF83  }
0x1c9: {  	_ =	swait.ge [sflag:s31], $0x3E80  }
0x1ca: {  	[sflag:s31] =	ssyncset.done $0x0  }
0x1cb: {  	s11 =	rddreg [dreg:$0x11];
	[sflag:s31] =	ssyncadd.s32 $0xFFFFC180  }
0x1cc: {  	[tilespmem:s28], [sflag:$0x1] =	stream.indirect.gather [hbm4b:s6+s26], $0x80, s11, s26, $0xb8;
	[tilespmem:$0x1D300] =	vst v63  }
0x1cd: {  	_ =	swait.ge [sflag:s0], $0x3E80  }
0x1ce: {  	[sflag:s0] =	ssyncset.done $0x0  }
0x1cf: {  	[sflag:s0] =	ssyncadd.s32 $0xFFFFC180  }
0x1d0: {  	[spmem:s2] =	stream.indirect.scatter.add.f32 [tilespmem:s29], [sflag:$0x6], $0x80, s15, s26, $0xb8;
	[tilespmem:$0x1D300] =	vst v63  }
0x1d1: {  	_ = 	snop  }
0x1d2: {  	[spmem:s3] =	stream.indirect.scatter.add.f32 [tilespmem:s22], [sflag:$0x7], $0x1, s15, s26, $0xb8;
	[tilespmem:$0x1D300] =	vst v63  }
0x1d3: {  	_ =	swait.ge [sflag:s21], $0x7D  }
0x1d4: {  	[sflag:s21] =	ssyncset.done $0x0  }
0x1d5: {  	[sflag:s21] =	ssyncadd.s32 $0xFFFFFF83  }
0x1d6: {  	_ =	swait.ge [sflag:s1], $0x3E80  }
0x1d7: {  	[sflag:s1] =	ssyncset.done $0x0  }
0x1d8: {  	s7 =	rddreg [dreg:$0x12];
	[sflag:s1] =	ssyncadd.s32 $0xFFFFC180  }
0x1d9: {  	[tilespmem:s29], [sflag:$0x2] =	stream.indirect.gather [hbm4b:s6+s26], $0x80, s7, s26, $0xb8;
	[tilespmem:$0x1D300] =	vst v63  }
0x1da: {  	_ =	swait.ge [sflag:s30], $0x3E80  }
0x1db: {  	[sflag:s30] =	ssyncset.done $0x0  }
0x1dc: {  	[sflag:s30] =	ssyncadd.s32 $0xFFFFC180  }
0x1dd: {  	[spmem:s2] =	stream.indirect.scatter.add.f32 [tilespmem:s28], [sflag:$0x5], $0x80, s17, s26, $0xb8;
	[tilespmem:$0x1D300] =	vst v63  }
0x1de: {  	_ = 	snop  }
0x1df: {  	[spmem:s3] =	stream.indirect.scatter.add.f32 [tilespmem:s22], [sflag:$0x7], $0x1, s17, s26, $0xb8;
	[tilespmem:$0x1D300] =	vst v63  }
0x1e0: {  	_ =	swait.ge [sflag:s21], $0x7D  }
0x1e1: {  	[sflag:s21] =	ssyncset.done $0x0  }
0x1e2: {  	[sflag:s21] =	ssyncadd.s32 $0xFFFFFF83  }
0x1e3: {  	_ =	swait.ge [sflag:s31], $0x3E80  }
0x1e4: {  	[sflag:s31] =	ssyncset.done $0x0  }
0x1e5: {  	s10 =	rddreg [dreg:$0x13];
	[sflag:s31] =	ssyncadd.s32 $0xFFFFC180  }
0x1e6: {  	[tilespmem:s28], [sflag:$0x1] =	stream.indirect.gather [hbm4b:s6+s26], $0x80, s10, s26, $0xb8;
	[tilespmem:$0x1D300] =	vst v63  }
0x1e7: {  	_ =	swait.ge [sflag:s0], $0x3E80  }
0x1e8: {  	[sflag:s0] =	ssyncset.done $0x0  }
0x1e9: {  	[sflag:s0] =	ssyncadd.s32 $0xFFFFC180  }
0x1ea: {  	[spmem:s2] =	stream.indirect.scatter.add.f32 [tilespmem:s29], [sflag:$0x6], $0x80, s18, s26, $0xb8;
	[tilespmem:$0x1D300] =	vst v63  }
0x1eb: {  	_ = 	snop  }
0x1ec: {  	[spmem:s3] =	stream.indirect.scatter.add.f32 [tilespmem:s22], [sflag:$0x7], $0x1, s18, s26, $0xb8;
	[tilespmem:$0x1D300] =	vst v63  }
0x1ed: {  	_ =	swait.ge [sflag:s21], $0x7D  }
0x1ee: {  	[sflag:s21] =	ssyncset.done $0x0  }
0x1ef: {  	[sflag:s21] =	ssyncadd.s32 $0xFFFFFF83  }
0x1f0: {  	_ =	swait.ge [sflag:s1], $0x3E80  }
0x1f1: {  	[sflag:s1] =	ssyncset.done $0x0  }
0x1f2: {  	s11 =	rddreg [dreg:$0x14];
	[sflag:s1] =	ssyncadd.s32 $0xFFFFC180  }
0x1f3: {  	[tilespmem:s29], [sflag:$0x2] =	stream.indirect.gather [hbm4b:s6+s26], $0x80, s11, s26, $0xb8;
	[tilespmem:$0x1D300] =	vst v63  }
0x1f4: {  	_ =	swait.ge [sflag:s30], $0x3E80  }
0x1f5: {  	[sflag:s30] =	ssyncset.done $0x0  }
0x1f6: {  	[sflag:s30] =	ssyncadd.s32 $0xFFFFC180  }
0x1f7: {  	[spmem:s2] =	stream.indirect.scatter.add.f32 [tilespmem:s28], [sflag:$0x5], $0x80, s13, s26, $0xb8;
	[tilespmem:$0x1D300] =	vst v63  }
0x1f8: {  	_ = 	snop  }
0x1f9: {  	[spmem:s3] =	stream.indirect.scatter.add.f32 [tilespmem:s22], [sflag:$0x7], $0x1, s13, s26, $0xb8;
	[tilespmem:$0x1D300] =	vst v63  }
0x1fa: {  	_ =	swait.ge [sflag:s21], $0x7D  }
0x1fb: {  	[sflag:s21] =	ssyncset.done $0x0  }
0x1fc: {  	[sflag:s21] =	ssyncadd.s32 $0xFFFFFF83  }
0x1fd: {  	_ =	swait.ge [sflag:s0], $0x3E80  }
0x1fe: {  	[sflag:s0] =	ssyncset.done $0x0  }
0x1ff: {  	[sflag:s0] =	ssyncadd.s32 $0xFFFFC180  }
0x200: {  	[spmem:s2] =	stream.indirect.scatter.add.f32 [tilespmem:s29], [sflag:$0x6], $0x80, s19, s26, $0xb8;
	[tilespmem:$0x1D300] =	vst v63  }
0x201: {  	_ = 	snop  }
0x202: {  	[spmem:s3] =	stream.indirect.scatter.add.f32 [tilespmem:s22], [sflag:$0x7], $0x1, s19, s26, $0xb8;
	[tilespmem:$0x1D300] =	vst v63  }
0x203: {  	_ =	swait.ge [sflag:s21], $0x7D  }
0x204: {  	s25 =	sadd.s32 $0x100, s25;
	[sflag:s21] =	ssyncset.done $0x0  }
0x205: {  	p0 =	sne.s32 s25, $0x500;
	[sflag:s21] =	ssyncadd.s32 $0xFFFFFF83  }
.Ltmp0:
0x206: {  	_ =	swait.ge [sflag:s31], $0x3E80;
	(pc) =	sbr.rel @p0 .LBB2_2-.Ltmp0, $4  }
0x207: {  	[sflag:s31] =	ssyncset.done $0x0  }
0x208: {  	[sflag:s31] =	ssyncadd.s32 $0xFFFFC180  }
0x209: {  	_ =	swait.ge [sflag:s1], $0x3E80  }
0x20a: {  	[sflag:s1] =	ssyncset.done $0x0  }
0x20b: {  	[sflag:s1] =	ssyncadd.s32 $0xFFFFC180  }
0x20c: {  	[bflag:$0x0] =	sbarrier.arrive $0xFFFF  }
0x20d: {  	s9 =	sld [smem:$0x7FD]  }
0x20e: {  	s11 =	rddreg [dreg:$0x1b]  }
0x20f: {  	s4 =	rddreg [dreg:$0x1d]  }
0x210: {  	[hbm:s4], [sflag:s11] =	dma.local [spmem:s9], $0x2800  }
0x211: {  	_ =	swait.ge [sflag:s21], $0x2800  }
0x212: {  	s7 =	sld [smem:$0x7FB]  }
0x213: {  	[sflag:s21] =	ssyncset.done $0x0  }
0x214: {  	s20 =	rddreg [dreg:$0x1e];
	[sflag:s21] =	ssyncadd.s32 $0xFFFFD800  }
0x215: {  	[hbm:s20], [sflag:s11] =	dma.local [spmem:s7], $0x50  }
0x216: {  	_ =	swait.ge [sflag:s21], $0x50  }
0x217: {  	s19 =	sld [smem:$0x7FA];
	_ =	sdelay $0x2  }
0x218: {  	s25 =	rddreg [dreg:$0x1f];
	s19 =	sadd.s32 $0x1, s19  }
0x219: {  	p0 =	sne.s32 s19, s25  }
.Ltmp1:
0x21a: {  	_ = 	snop;
	(pc) =	sbr.rel @p0 .LBB2_1-.Ltmp1, $4  }
0x21b: {  	s12 =	simm.s32 $0x400;
	s10 =	simm.s32 $0xC00;
	s14 =	simm.s32 $0x80  }
0x21c: {  	s15 =	simm.s32 $0x100;
	s17 =	simm.s32 $0x180;
	s13 =	simm.s32 $0x200  }
0x21d: {  	s18 =	simm.s32 $0x280;
	s8 =	simm.s32 $0x380;
	[sflag:s21] =	ssyncset.done $0x0  }
0x21e: {  	s7 =	simm.s32 $0x300;
	s20 =	rddreg [dreg:$0x15];
	[sflag:s21] =	ssyncadd.s32 $0xFFFFFFB0  }
0x21f: {  	_ =	sfence.sel $0x180000  }
0x220: {  	[bflag:$0x0] =	sbarrier.arrive $0xFFFF  }
0x221: {  	_ =	strace $0x90000047  }
0x222: {  	s0 =	stileid.u32;
	[bflag:$0x2] =	sbarrier.arrive $0xFFFF  }
0x223: {  	p0 =	sne.s32 s0, $0x0;
	s0 =	rddreg [dreg:$0x4]  }
0x224: {  	s0 =	sadd.s32 @!p0 $0x100000, s0  }
0x225: {  	[sflag:s0] =	ssyncadd.tile.s32 @!p0 $0x1;
	_ =	shalt  }
.Lfunc_end2:
_tile_overlayer_lowered:
.L_overlay_start_2:
0x226: {  	(tag) =	ssettag $0x2  }
0x227: {  	s0 =	rddreg [dreg:$0x0];
	s2 =	stileid.u32  }
0x228: {  	s1 =	rddreg [dreg:$0x1];
	p0 =	sne.s32 s2, $0x0  }
0x229: {  	s3 =	rddreg [dreg:$0x2];
	[bflag:$0x3] =	sbarrier.arrive $0xFFFF;
	s2 =	simm.s32 @!p0 $0x1C07  }
0x22a: {  	[timem:s3], [sflag:s2] =	dma.local @!p0 [hbm:s0], s1  }
0x22b: {  	s0 =	simm.s32 @!p0 $0x7  }
0x22c: {  	_ =	swait.ge @!p0 [sflag:s0], s1  }
0x22d: {  	s1 =	ssub.s32 @!p0 $0x0, s1;
	[sflag:s0] =	ssyncset.done @!p0 $0x0  }
0x22e: {  	[sflag:s0] =	ssyncadd.s32 @!p0 s1  }
0x22f: {  	[bflag:$0x3] =	sbarrier.arrive $0xFFFF  }
0x230: {  	_ =	shalt  }

// kernel: kernel.15.cloned.1.call-start
scs
__scs_entry_jumppad:
0x0: {  	(pc) =	sbr.rel $0x88, $3  }
0x1: {  	(tag) =	ssettag $0x0;
	lr =	simm.s32 $0x1  }
0x2: {  	[smem:$0x3F93] =	sst lr;
	_ =	strace $0xD0000000  }
0x3: {  	_ = 	snop  }
0x4: {  	_ = 	snop  }
0x5: {  	_ = 	snop  }
0x6: {  	_ = 	snop  }
0x7: {  	_ = 	snop  }
__scs_overlays_trampoline_lowered:
0x8: {  	[smem:$0x3FA2] =	sst s0  }
0x9: {  	[smem:$0x3FA3] =	sst s1  }
0xa: {  	[smem:$0x3FA4] =	sst s2  }
0xb: {  	[smem:$0x3FA5] =	sst s3  }
0xc: {  	[smem:$0x3FA6] =	sst s4  }
0xd: {  	[smem:$0x3FA7] =	sst s5  }
0xe: {  	[smem:$0x3FA8] =	sst s6  }
0xf: {  	[smem:$0x3FA9] =	sst s7  }
0x10: {  	[smem:$0x3FAA] =	sst s8  }
0x11: {  	[smem:$0x3FAB] =	sst s9;
	s0 =	simm.s32 @!p0 $0x0  }
0x12: {  	s1 =	sld [smem:$0x3F91];
	s0 =	simm.s32 @p0 $0x1  }
0x13: {  	[smem:$0x3FAC] =	sst s0;
	s0 =	simm.s32 @!p1 $0x0  }
0x14: {  	s2 =	sld [smem:$0x3F90];
	s0 =	simm.s32 @p1 $0x1  }
0x15: {  	[smem:$0x3FAD] =	sst s0;
	s0 =	simm.s32 @!p2 $0x0  }
0x16: {  	s3 =	sld [smem:$0x3FDB];
	s0 =	simm.s32 @p2 $0x1  }
0x17: {  	s4 =	simm.s32 $0x1BF5;
	[smem:$0x3FAF] =	sst s0  }
0x18: {  	s0 =	sld [smem:$0x3F92];
	_ =	swait.ge [sflag:s4], $0x0  }
0x19: {  	s7 =	sld [smem:$0x3F93]  }
0x1a: {  	s8 =	sadd.s32 $0xFFFFE003, lr  }
0x1b: {  	s9 =	sadd.s32 $0xFFFFFEF7, lr;
	s5 =	simm.s32 $0xFFFFFFFF;
	p2 =	slt.u32 s8, $0xFFFFF086  }
0x1c: {  	p1 =	slt.u32 s9, $0xF7A;
	s5 =	simm.s32 @!p2 $0x0  }
0x1d: {  	s5 =	simm.s32 @p1 $0x1;
	p0 =	seq.s32 s7, s2  }
0x1e: {  	s7 =	smul.u32 @!p0 $0xF7A, s2;
	p2 =	seq.s32 @!p0 s5, $0x0  }
0x1f: {  	s9 =	smul.u32 $0xF7A, s1;
	s8 =	simm.s32 @!p0 $0x1BF5;
	p2 =	por !p2, p0  }
0x20: {  	[sflag:s8] =	ssyncset.s32 @!p0 $0xFFFFF086;
	s6 =	sadd.s32 @!p0 s3, s7;
	s7 =	simm.s32 @!p0 $0x108  }
0x21: {  	s3 =	sadd.s32 s3, s9;
	s6 =	sadd.s32 @!p0 $0x88, s6;
	s7 =	simm.s32 @p2 $0x1082  }
0x22: {  	[simem:s7], [sflag:s8] =	dma.local @!p0 [hbm:s6], $0xF7A  }
0x23: {  	s9 =	sor.u32 $0xD0000000, s2;
	s6 =	simm.s32 $0x108;
	_ =	swait.ge @!p0 [sflag:s8], $0x0  }
0x24: {  	s3 =	sadd.s32 $0x88, s3;
	s6 =	simm.s32 @!p1 $0x1082;
	[sflag:s4] =	ssyncset.s32 $0xFFFFF086  }
0x25: {  	[simem:s6], [sflag:s4] =	dma.local [hbm:s3], $0xF7A  }
0x26: {  	[smem:$0x3F93] =	sst s1;
	(tag) =	ssettag s2;
	_ =	strace s9  }
0x27: {  	s1 =	sld [smem:$0x3FA3]  }
0x28: {  	s2 =	sld [smem:$0x3FA4]  }
0x29: {  	s4 =	sld [smem:$0x3FA6]  }
0x2a: {  	p0 =	seq.s32 s5, $0x0;
	s5 =	sld [smem:$0x3FA7]  }
0x2b: {  	s6 =	sld [smem:$0x3FA8]  }
0x2c: {  	s7 =	sld [smem:$0x3FA9]  }
0x2d: {  	s3 =	simm.s32 $0x108;
	s8 =	sld [smem:$0x3FAA]  }
0x2e: {  	s3 =	simm.s32 @!p0 $0x1082;
	s9 =	sld [smem:$0x3FAB]  }
0x2f: {  	lr =	sadd.s32 s0, s3;
	s0 =	sld [smem:$0x3FA2]  }
0x30: {  	s3 =	sld [smem:$0x3FA5]  }
0x31: {  	[smem:$0x3FAE] =	sst s10  }
0x32: {  	s10 =	sld [smem:$0x3FAC];
	_ =	sdelay $0x3  }
0x33: {  	p0 =	seq.s32 s10, $0x1;
	s10 =	sld [smem:$0x3FAE];
	_ =	sdelay $0x3  }
0x34: {  	[smem:$0x3FAE] =	sst s10  }
0x35: {  	s10 =	sld [smem:$0x3FAD];
	_ =	sdelay $0x3  }
0x36: {  	p1 =	seq.s32 s10, $0x1;
	s10 =	sld [smem:$0x3FAE];
	_ =	sdelay $0x3  }
0x37: {  	[smem:$0x3FAE] =	sst s10  }
0x38: {  	s10 =	sld [smem:$0x3FAF]  }
0x39: {  	_ = 	snop;
	(pc) =	sbr.ind lr, $3  }
0x3a: {  	_ = 	snop  }
0x3b: {  	_ = 	snop  }
0x3c: {  	p2 =	seq.s32 s10, $0x1;
	s10 =	sld [smem:$0x3FAE]  }
0x3d: {  	_ =	shalt  }
0x3e: {  	_ =	shalt  }
0x3f: {  	_ =	shalt  }
0x40: {  	_ =	shalt  }
0x41: {  	_ =	shalt  }
0x42: {  	_ =	shalt  }
0x43: {  	_ =	shalt  }
0x44: {  	_ =	shalt  }
0x45: {  	_ =	shalt  }
0x46: {  	_ =	shalt  }
0x47: {  	_ =	shalt  }
0x48: {  	_ =	shalt  }
0x49: {  	_ =	shalt  }
0x4a: {  	_ =	shalt  }
0x4b: {  	_ =	shalt  }
0x4c: {  	_ =	shalt  }
0x4d: {  	_ =	shalt  }
0x4e: {  	_ =	shalt  }
0x4f: {  	_ =	shalt  }
0x50: {  	_ =	shalt  }
0x51: {  	_ =	shalt  }
0x52: {  	_ =	shalt  }
0x53: {  	_ =	shalt  }
0x54: {  	_ =	shalt  }
0x55: {  	_ =	shalt  }
0x56: {  	_ =	shalt  }
0x57: {  	_ =	shalt  }
0x58: {  	_ =	shalt  }
0x59: {  	_ =	shalt  }
0x5a: {  	_ =	shalt  }
0x5b: {  	_ =	shalt  }
0x5c: {  	_ =	shalt  }
0x5d: {  	_ =	shalt  }
0x5e: {  	_ =	shalt  }
0x5f: {  	_ =	shalt  }
0x60: {  	_ =	shalt  }
0x61: {  	_ =	shalt  }
0x62: {  	_ =	shalt  }
0x63: {  	_ =	shalt  }
0x64: {  	_ =	shalt  }
0x65: {  	_ =	shalt  }
0x66: {  	_ =	shalt  }
0x67: {  	_ =	shalt  }
0x68: {  	_ =	shalt  }
0x69: {  	_ =	shalt  }
0x6a: {  	_ =	shalt  }
0x6b: {  	_ =	shalt  }
0x6c: {  	_ =	shalt  }
0x6d: {  	_ =	shalt  }
0x6e: {  	_ =	shalt  }
0x6f: {  	_ =	shalt  }
0x70: {  	_ =	shalt  }
0x71: {  	_ =	shalt  }
0x72: {  	_ =	shalt  }
0x73: {  	_ =	shalt  }
0x74: {  	_ =	shalt  }
0x75: {  	_ =	shalt  }
0x76: {  	_ =	shalt  }
0x77: {  	_ =	shalt  }
0x78: {  	_ =	shalt  }
0x79: {  	_ =	shalt  }
0x7a: {  	_ =	shalt  }
0x7b: {  	_ =	shalt  }
0x7c: {  	_ =	shalt  }
0x7d: {  	_ =	shalt  }
0x7e: {  	_ =	shalt  }
0x7f: {  	_ =	shalt  }
0x80: {  	_ =	shalt  }
0x81: {  	_ =	shalt  }
0x82: {  	_ =	shalt  }
0x83: {  	_ =	shalt  }
0x84: {  	_ =	shalt  }
0x85: {  	_ =	shalt  }
0x86: {  	_ =	shalt  }
0x87: {  	_ =	shalt  }
.Lfunc_end0:
.L_simem_size_0:
called_computation.1_lowered:
.L_overlay_start_0:
0x88: {  	s2 =	sld [smem:$0x3FD9]  }
0x89: {  	s3 =	sld [smem:$0x3FFE];
	_ =	sdelay $0x1  }
0x8a: {  	s1 =	srdreg.scid  }
0x8b: {  	s0 =	sand.u32 $0x1, s1  }
0x8c: {  	s16 =	sshll.u32 s0, $0xA;
	s2 =	sadd.s32 s3, s2  }
0x8d: {  	s2 =	sadd.s32 s2, s16  }
0x8e: {  	[smem:$0x3FBA] =	sst s2  }
0x8f: {  	_ = 	snop  }
0x90: {  	(tm) =	ssettm $0x1  }
0x91: {  	s17 =	sld [smem:$0x3FFB];
	_ =	sdelay $0x3  }
0x92: {  	_ =	strace s17  }
0x93: {  	s2 =	sld [smem:$0x3FFC];
	_ =	sdelay $0x3  }
0x94: {  	_ =	strace s2  }
0x95: {  	s2 =	sld [smem:$0x3FFD];
	_ =	sdelay $0x3  }
0x96: {  	_ =	strace s2  }
0x97: {  	_ =	strace $0x8FFFFFFF  }
0x98: {  	s18 =	sld [smem:$0x3FDB];
	_ =	sdelay $0x1  }
0x99: {  	s19 =	simm.s32 $_scs_section_size  }
0x9a: {  	s4 =	simm.s32 $_size__tile_overlayer_lowered;
	s5 =	simm.s32 $_tile_overlayer_lowered  }
0x9b: {  	s22 =	simm.s32 $0x1BFF;
	s21 =	sshll.u32 s5, $0x1;
	s2 =	sadd.s32 s19, s18  }
0x9c: {  	s6 =	simm.s32 $0x0;
	s20 =	sshll.u32 s4, $0x1;
	s4 =	sadd.s32 s21, s2  }
0x9d: {  	[timem:s6], [sflag:s22] =	dma.local [hbm:s4], s20  }
0x9e: {  	_ =	swait.ge [sflag:s22], s20  }
0x9f: {  	s3 =	ssub.s32 $0x0, s20;
	[sflag:s22] =	ssyncset.done $0x0  }
0xa0: {  	[sflag:s22] =	ssyncadd.s32 s3;
	_ =	sdelay $0x1  }
0xa1: {  	s23 =	simm.s32 $0x1B8B  }
0xa2: {  	_ =	swait.ge [sflag:s23], $0x1  }
0xa3: {  	[sflag:s23] =	ssyncset.done $0x0  }
0xa4: {  	s25 =	simm.s32 $0x1B8E;
	s24 =	sld [smem:$0x3FFE];
	[sflag:s23] =	ssyncadd.s32 $0xFFFFFFFF  }
0xa5: {  	s26 =	simm.s32 $execute0_lowered;
	[smem:$0x3FD2] =	sst s25  }
0xa6: {  	s4 =	sshll.u32 s26, $0x1;
	_ =	strace $0x80000049;
	[dreg:$0x1] =	wrdreg $0xFFFFFFFF  }
0xa7: {  	s28 =	simm.s32 $_size_execute0_lowered;
	s2 =	sadd.s32 s2, s4;
	[dreg:$0x0] =	wrdreg $0x0  }
0xa8: {  	s4 =	sshll.u32 s28, $0x1;
	[dreg:$0x2] =	wrdreg s2  }
0xa9: {  	[dreg:$0x3] =	wrdreg s4  }
0xaa: {  	[dreg:$0x4] =	wrdreg $0xC0  }
0xab: {  	_ =	task [dreg:s6], $0x5FFFF  }
0xac: {  	[dreg:$0x1] =	wrdreg $0xFFFFFFFF  }
0xad: {  	[dreg:$0x0] =	wrdreg $0x60  }
0xae: {  	[dreg:$0x2] =	wrdreg s24  }
0xaf: {  	[dreg:$0x3] =	wrdreg $0x90000  }
0xb0: {  	[dreg:$0x4] =	wrdreg $0x1D0800  }
0xb1: {  	[dreg:$0x5] =	wrdreg $0x1D3000  }
0xb2: {  	[dreg:$0x6] =	wrdreg $0x9  }
0xb3: {  	_ =	task.clear_ibuf [dreg:s6], $0x7FFFF;
	_ =	strace $0x90000049  }
0xb4: {  	s29 =	simm.s32 $0x9;
	_ =	strace $0x8000004B  }
0xb5: {  	_ =	swait.ge [sflag:s29], $0x1  }
0xb6: {  	[sflag:s29] =	ssyncadd.s32 $0xFFFFFFFF  }
0xb7: {  	_ =	strace $0x9000004B  }
0xb8: {  	_ =	sfence  }
0xb9: {  	s30 =	sld [smem:$0x0];
	_ =	sdelay $0x2  }
0xba: {  	s31 =	sshll.u32 s1, $0xD;
	s1 =	sshrl.u32 s1, $0x2  }
0xbb: {  	s3 =	sand.u32 $0x4000, s31;
	s1 =	sadd.s32 s1, s30  }
0xbc: {  	s0 =	sor.u32 s3, s0;
	s1 =	sshll.u32 s1, $0x11  }
0xbd: {  	s0 =	sor.u32 s1, s0  }
0xbe: {  	s0 =	sadd.s32 $0x8F2B, s0  }
0xbf: {  	[sflag:s0] =	ssyncadd.remote.s32 $0x1  }
0xc0: {  	_ =	sfence.sel $0xFFFF  }
0xc1: {  	[dreg:$0x0] =	wrdreg $0xFFFFFFFF;
	(pc) =	sbr.abs _section_cstart, $3  }
0xc2: {  	[dreg:$0x1] =	wrdreg $0xFFFFFFFF  }
0xc3: {  	_ =	task.clear_ibuf [dreg:s6], $0x2FFFF;
	_ =	strace $0x9FFFFFFF  }
0xc4: {  	(tm) =	ssettm $0x7FFFFFFF  }
0xc5: {  	_ =	shalt  }
tec
execute0_lowered:
.L_overlay_start_1:
0x0: {  	(tag) =	ssettag $0x1  }
0x1: {  	s0 =	rddreg [dreg:$0x0]  }
0x2: {  	s1 =	rddreg [dreg:$0x1]  }
0x3: {  	s2 =	rddreg [dreg:$0x2]  }
0x4: {  	s4 =	rddreg [dreg:$0x3]  }
0x5: {  	s5 =	simm.s32 $0x0;
	s14 =	stileid.u32;
	s6 =	srdreg.scid  }
0x6: {  	s28 =	simm.s32 $0x7D;
	s29 =	simm.s32 $0x1000;
	s31 =	simm.s32 $0x5000  }
0x7: {  	s30 =	simm.s32 $0x4;
	[smem:$0x7FF] =	sst s5;
	s3 =	smul.u32 $0x280, s14  }
0x8: {  	s7 =	sand.u32 $0x1, s6;
	s6 =	sadd.s32 $0x17800, s0;
	s10 =	smul.u32 $0x14000, s14  }
0x9: {  	s19 =	sadd.s32 $0x3800, s0;
	s23 =	sadd.s32 $0xD800, s0;
	s24 =	smul.u32 $0x50000, s14  }
0xa: {  	s11 =	sadd.s32 $0x3F800, s0;
	s12 =	sadd.s32 $0x42000, s0;
	s26 =	smul.u32 $0x2800, s14  }
0xb: {  	_ =	strace $0x8000004A;
	s9 =	smul.u32 $0x140000, s7;
	[dreg:$0x8] =	wrdreg s11  }
0xc: {  	s16 =	sshll.u32 s14, $0x6;
	s20 =	smul.u32 $0x2800, s7;
	[dreg:$0x9] =	wrdreg s12  }
0xd: {  	s21 =	sshll.u32 s7, $0x4;
	s22 =	ssub.s32 $0x2, s7;
	s7 =	smul.u32 $0x28000, s7  }
0xe: {  	[dreg:$0x7] =	wrdreg s23;
	s8 =	sshrl.u32 s3, $0x3;
	s13 =	sshrl.u32 s22, $0x1  }
0xf: {  	s15 =	sshrl.u32 s24, $0x2;
	s17 =	sadd.s32 s3, s2;
	s8 =	sadd.s32 s8, s0  }
0x10: {  	s9 =	sadd.s32 s10, s9;
	s11 =	sadd.s32 s3, s20;
	s10 =	sor.u32 s14, s21  }
0x11: {  	s7 =	sadd.s32 s26, s7;
	[dreg:$0xe] =	wrdreg s17;
	s3 =	sadd.s32 s3, s4  }
0x12: {  	s14 =	simm.s32 $0x480;
	s17 =	simm.s32 $0x0;
	s9 =	sshrl.u32 s9, $0x3  }
0x13: {  	s11 =	sshrl.u32 s11, $0x3;
	s10 =	smul.u32 $0x2800, s10;
	s18 =	sor.u32 $0x400, s7  }
0x14: {  	s8 =	sadd.s32 $0x42200, s8;
	s7 =	sadd.s32 $0x800, s7;
	s26 =	sshrl.u32 s3, $0x3  }
0x15: {  	s3 =	simm.s32 $0x1D000;
	s9 =	sadd.s32 s9, s0;
	[dreg:$0xf] =	wrdreg s8  }
0x16: {  	s0 =	sadd.s32 s11, s0;
	s11 =	ssub.s32 s22, s13;
	[dreg:$0x13] =	wrdreg s7  }
0x17: {  	s21 =	sshrl.u32 s18, $0x3;
	[dreg:$0x14] =	wrdreg s26;
	s26 =	simm.s32 $0xC00  }
0x18: {  	s7 =	simm.s32 $0x500;
	s8 =	simm.s32 $0x80;
	s13 =	simm.s32 $0x6  }
0x19: {  	s18 =	simm.s32 $0x580;
	s10 =	sshrl.u32 s10, $0x3;
	s20 =	sadd.s32 $0x42800, s9  }
0x1a: {  	s0 =	sadd.s32 $0x92800, s0;
	s22 =	smax.u32 s11, $0x1;
	[dreg:$0x10] =	wrdreg s20  }
0x1b: {  	s24 =	sadd.s32 s21, s19;
	s9 =	simm.s32 $0x5;
	[dreg:$0x11] =	wrdreg s0  }
0x1c: {  	s11 =	simm.s32 $0x2;
	s25 =	sadd.s32 s23, s10;
	[dreg:$0x12] =	wrdreg s22  }
0x1d: {  	s10 =	sadd.s32 s19, s10;
	[dreg:$0x5] =	wrdreg s24;
	s22 =	simm.s32 $0x7  }
0x1e: {  	s24 =	simm.s32 $0x3;
	s0 =	simm.s32 $0x1;
	[dreg:$0xa] =	wrdreg s25  }
0x1f: {  	s20 =	simm.s32 $0x600;
	[dreg:$0xb] =	wrdreg s10;
	s10 =	sadd.s32 s15, s1  }
0x20: {  	s15 =	sor.u32 $0x1C07, s16;
	s25 =	sadd.s32 s21, s23;
	[dreg:$0xc] =	wrdreg s10  }
0x21: {  	s16 =	simm.s32 $0x400;
	s21 =	simm.s32 $0x180;
	[dreg:$0x6] =	wrdreg s25  }
0x22: {  	s25 =	simm.s32 $0x800;
	s10 =	simm.s32 $0x100;
	[dreg:$0xd] =	wrdreg s15  }
.LBB2_1:
0x23: {  	[dreg:$0x15] =	wrdreg s17  }
0x24: {  	s12 =	rddreg [dreg:$0xa]  }
0x25: {  	[tilespmem:s5], [sflag:$0x3] =	stream.linear.gather [hbm4b:s12+s5], $0x400, $0x38;
	[tilespmem:$0x1D580] =	vst v63  }
0x26: {  	s17 =	rddreg [dreg:$0xb]  }
0x27: {  	[tilespmem:s16], [sflag:$0x3] =	stream.linear.gather [hbm4b:s17+s5], $0x400, $0x38;
	[tilespmem:$0x1D580] =	vst v63  }
0x28: {  	s17 =	rddreg [dreg:$0xc]  }
0x29: {  	s12 =	rddreg [dreg:$0x8];
	s17 =	sshrl.u32 s17, $0x3  }
0x2a: {  	[dreg:$0x16] =	wrdreg s17  }
0x2b: {  	[spmem:s17], [sflag:s15] =	dma.local [hbm:s12], $0x2800  }
0x2c: {  	_ =	swait.ge [sflag:s22], $0x2800  }
0x2d: {  	s17 =	rddreg [dreg:$0xe]  }
0x2e: {  	[sflag:s22] =	ssyncset.done $0x0;
	s12 =	rddreg [dreg:$0x9];
	s17 =	sshrl.u32 s17, $0x3  }
0x2f: {  	[sflag:s22] =	ssyncadd.s32 $0xFFFFD800;
	[dreg:$0x17] =	wrdreg s17  }
0x30: {  	[spmem:s17], [sflag:s15] =	dma.local [hbm:s12], $0x50  }
0x31: {  	_ =	swait.ge [sflag:s22], $0x50  }
0x32: {  	[sflag:s22] =	ssyncset.done $0x0;
	s12 =	rddreg [dreg:$0xf]  }
0x33: {  	s17 =	rddreg [dreg:$0x14];
	[sflag:s22] =	ssyncadd.s32 $0xFFFFFFB0  }
0x34: {  	[spmem:s17], [sflag:s15] =	dma.local [hbm:s12], $0x50  }
0x35: {  	_ =	swait.ge [sflag:s22], $0x50  }
0x36: {  	[sflag:s22] =	ssyncset.done $0x0  }
0x37: {  	[sflag:s22] =	ssyncadd.s32 $0xFFFFFFB0  }
0x38: {  	[bflag:$0x0] =	sbarrier.arrive $0xFFFF  }
0x39: {  	_ =	swait.ge [sflag:s24], $0x400  }
0x3a: {  	[sflag:s24] =	ssyncset.done $0x0  }
0x3b: {  	[sflag:s24] =	ssyncadd.s32 $0xFFFFFC00  }
0x3c: {  	_ =	swait.ge [sflag:s24], $0x400  }
0x3d: {  	s15 =	rddreg [dreg:$0x6];
	[sflag:s24] =	ssyncset.done $0x0  }
0x3e: {  	s17 =	rddreg [dreg:$0x5];
	[sflag:s24] =	ssyncadd.s32 $0xFFFFFC00;
	s12 =	sadd.s32 $0x0, s15  }
0x3f: {  	[tilespmem:s25], [sflag:$0x4] =	stream.linear.gather [hbm4b:s12+s5], $0x400, $0x38;
	[tilespmem:$0x1D580] =	vst v63  }
0x40: {  	s17 =	sadd.s32 $0x0, s17  }
0x41: {  	[tilespmem:s26], [sflag:$0x4] =	stream.linear.gather [hbm4b:s17+s5], $0x400, $0x38;
	[tilespmem:$0x1D580] =	vst v63  }
0x42: {  	_ = 	snop  }
0x43: {  	[tilespmem:s29], [sflag:$0x1] =	stream.indirect.gather [hbm4b:s6+s28], $0x80, s16, s28, $0xb8;
	[tilespmem:$0x1D580] =	vst v63  }
0x44: {  	_ = 	snop  }
0x45: {  	[tilespmem:s31], [sflag:$0x2] =	stream.indirect.gather [hbm4b:s6+s28], $0x80, s14, s28, $0xb8;
	[tilespmem:$0x1D580] =	vst v63  }
0x46: {  	_ =	swait.ge [sflag:s0], $0x3E80  }
0x47: {  	[sflag:s0] =	ssyncset.done $0x0  }
0x48: {  	[sflag:s0] =	ssyncadd.s32 $0xFFFFC180  }
0x49: {  	[spmem:s1] =	stream.indirect.scatter.add.f32 [tilespmem:s29], [sflag:$0x5], $0x80, s5, s28, $0xb8;
	[tilespmem:$0x1D580] =	vst v63  }
0x4a: {  	_ = 	snop  }
0x4b: {  	[tilespmem:s3], [sflag:$0x7] =	stream.indirect.gather [spmem:s4], $0x1, s5, s28, $0xb8;
	[tilespmem:$0x1D580] =	vst v63  }
0x4c: {  	_ =	swait.ge [sflag:s22], $0x7D  }
0x4d: {  	[sflag:s22] =	ssyncset.done $0x0  }
0x4e: {  	[sflag:s22] =	ssyncadd.s32 $0xFFFFFF83  }
0x4f: {  	[spmem:s2] =	stream.indirect.scatter.add.f32 [tilespmem:s3], [sflag:$0x7], $0x1, s16, s28, $0xb8;
	[tilespmem:$0x1D580] =	vst v63  }
0x50: {  	_ =	swait.ge [sflag:s22], $0x7D  }
0x51: {  	[sflag:s22] =	ssyncset.done $0x0  }
0x52: {  	[sflag:s22] =	ssyncadd.s32 $0xFFFFFF83  }
0x53: {  	_ =	swait.ge [sflag:s9], $0x3E80  }
0x54: {  	[sflag:s9] =	ssyncset.done $0x0  }
0x55: {  	[sflag:s9] =	ssyncadd.s32 $0xFFFFC180  }
0x56: {  	[tilespmem:s29], [sflag:$0x1] =	stream.indirect.gather [hbm4b:s6+s28], $0x80, s7, s28, $0xb8;
	[tilespmem:$0x1D580] =	vst v63  }
0x57: {  	_ =	swait.ge [sflag:s11], $0x3E80  }
0x58: {  	[sflag:s11] =	ssyncset.done $0x0  }
0x59: {  	[sflag:s11] =	ssyncadd.s32 $0xFFFFC180  }
0x5a: {  	[spmem:s1] =	stream.indirect.scatter.add.f32 [tilespmem:s31], [sflag:$0x6], $0x80, s8, s28, $0xb8;
	[tilespmem:$0x1D580] =	vst v63  }
0x5b: {  	_ = 	snop  }
0x5c: {  	[tilespmem:s3], [sflag:$0x7] =	stream.indirect.gather [spmem:s4], $0x1, s8, s28, $0xb8;
	[tilespmem:$0x1D580] =	vst v63  }
0x5d: {  	_ =	swait.ge [sflag:s22], $0x7D  }
0x5e: {  	[sflag:s22] =	ssyncset.done $0x0  }
0x5f: {  	[sflag:s22] =	ssyncadd.s32 $0xFFFFFF83  }
0x60: {  	[spmem:s2] =	stream.indirect.scatter.add.f32 [tilespmem:s3], [sflag:$0x7], $0x1, s14, s28, $0xb8;
	[tilespmem:$0x1D580] =	vst v63  }
0x61: {  	_ =	swait.ge [sflag:s22], $0x7D  }
0x62: {  	[sflag:s22] =	ssyncset.done $0x0  }
0x63: {  	[sflag:s22] =	ssyncadd.s32 $0xFFFFFF83  }
0x64: {  	_ =	swait.ge [sflag:s13], $0x3E80  }
0x65: {  	[sflag:s13] =	ssyncset.done $0x0  }
0x66: {  	[sflag:s13] =	ssyncadd.s32 $0xFFFFC180  }
0x67: {  	[tilespmem:s31], [sflag:$0x2] =	stream.indirect.gather [hbm4b:s6+s28], $0x80, s18, s28, $0xb8;
	[tilespmem:$0x1D580] =	vst v63  }
0x68: {  	_ =	swait.ge [sflag:s0], $0x3E80  }
0x69: {  	[sflag:s0] =	ssyncset.done $0x0  }
0x6a: {  	[sflag:s0] =	ssyncadd.s32 $0xFFFFC180  }
0x6b: {  	[spmem:s1] =	stream.indirect.scatter.add.f32 [tilespmem:s29], [sflag:$0x5], $0x80, s10, s28, $0xb8;
	[tilespmem:$0x1D580] =	vst v63  }
0x6c: {  	_ = 	snop  }
0x6d: {  	[tilespmem:s3], [sflag:$0x7] =	stream.indirect.gather [spmem:s4], $0x1, s10, s28, $0xb8;
	[tilespmem:$0x1D580] =	vst v63  }
0x6e: {  	_ =	swait.ge [sflag:s22], $0x7D  }
0x6f: {  	[sflag:s22] =	ssyncset.done $0x0  }
0x70: {  	[sflag:s22] =	ssyncadd.s32 $0xFFFFFF83  }
0x71: {  	[spmem:s2] =	stream.indirect.scatter.add.f32 [tilespmem:s3], [sflag:$0x7], $0x1, s7, s28, $0xb8;
	[tilespmem:$0x1D580] =	vst v63  }
0x72: {  	_ =	swait.ge [sflag:s22], $0x7D  }
0x73: {  	[sflag:s22] =	ssyncset.done $0x0  }
0x74: {  	[sflag:s22] =	ssyncadd.s32 $0xFFFFFF83  }
0x75: {  	_ =	swait.ge [sflag:s9], $0x3E80  }
0x76: {  	[sflag:s9] =	ssyncset.done $0x0  }
0x77: {  	[sflag:s9] =	ssyncadd.s32 $0xFFFFC180  }
0x78: {  	[tilespmem:s29], [sflag:$0x1] =	stream.indirect.gather [hbm4b:s6+s28], $0x80, s20, s28, $0xb8;
	[tilespmem:$0x1D580] =	vst v63  }
0x79: {  	_ =	swait.ge [sflag:s11], $0x3E80  }
0x7a: {  	[sflag:s11] =	ssyncset.done $0x0  }
0x7b: {  	[sflag:s11] =	ssyncadd.s32 $0xFFFFC180  }
0x7c: {  	[spmem:s1] =	stream.indirect.scatter.add.f32 [tilespmem:s31], [sflag:$0x6], $0x80, s21, s28, $0xb8;
	[tilespmem:$0x1D580] =	vst v63  }
0x7d: {  	_ = 	snop  }
0x7e: {  	[tilespmem:s3], [sflag:$0x7] =	stream.indirect.gather [spmem:s4], $0x1, s21, s28, $0xb8;
	[tilespmem:$0x1D580] =	vst v63  }
0x7f: {  	_ =	swait.ge [sflag:s22], $0x7D  }
0x80: {  	[sflag:s22] =	ssyncset.done $0x0  }
0x81: {  	[sflag:s22] =	ssyncadd.s32 $0xFFFFFF83  }
0x82: {  	[spmem:s2] =	stream.indirect.scatter.add.f32 [tilespmem:s3], [sflag:$0x7], $0x1, s18, s28, $0xb8;
	[tilespmem:$0x1D580] =	vst v63  }
0x83: {  	_ =	swait.ge [sflag:s22], $0x7D  }
0x84: {  	[sflag:s22] =	ssyncset.done $0x0  }
0x85: {  	[sflag:s22] =	ssyncadd.s32 $0xFFFFFF83  }
0x86: {  	_ =	swait.ge [sflag:s13], $0x3E80  }
0x87: {  	[sflag:s13] =	ssyncset.done $0x0  }
0x88: {  	s12 =	simm.s32 $0x680;
	[sflag:s13] =	ssyncadd.s32 $0xFFFFC180  }
0x89: {  	[tilespmem:s31], [sflag:$0x2] =	stream.indirect.gather [hbm4b:s6+s28], $0x80, s12, s28, $0xb8;
	[tilespmem:$0x1D580] =	vst v63  }
0x8a: {  	_ =	swait.ge [sflag:s0], $0x3E80  }
0x8b: {  	[sflag:s0] =	ssyncset.done $0x0  }
0x8c: {  	s14 =	simm.s32 $0x200;
	[sflag:s0] =	ssyncadd.s32 $0xFFFFC180  }
0x8d: {  	[spmem:s1] =	stream.indirect.scatter.add.f32 [tilespmem:s29], [sflag:$0x5], $0x80, s14, s28, $0xb8;
	[tilespmem:$0x1D580] =	vst v63  }
0x8e: {  	_ = 	snop  }
0x8f: {  	[tilespmem:s3], [sflag:$0x7] =	stream.indirect.gather [spmem:s4], $0x1, s14, s28, $0xb8;
	[tilespmem:$0x1D580] =	vst v63  }
0x90: {  	_ =	swait.ge [sflag:s22], $0x7D  }
0x91: {  	[sflag:s22] =	ssyncset.done $0x0  }
0x92: {  	[sflag:s22] =	ssyncadd.s32 $0xFFFFFF83  }
0x93: {  	[spmem:s2] =	stream.indirect.scatter.add.f32 [tilespmem:s3], [sflag:$0x7], $0x1, s20, s28, $0xb8;
	[tilespmem:$0x1D580] =	vst v63  }
0x94: {  	_ =	swait.ge [sflag:s22], $0x7D  }
0x95: {  	[sflag:s22] =	ssyncset.done $0x0  }
0x96: {  	[sflag:s22] =	ssyncadd.s32 $0xFFFFFF83  }
0x97: {  	_ =	swait.ge [sflag:s9], $0x3E80  }
0x98: {  	[sflag:s9] =	ssyncset.done $0x0  }
0x99: {  	s15 =	simm.s32 $0x700;
	[sflag:s9] =	ssyncadd.s32 $0xFFFFC180  }
0x9a: {  	[tilespmem:s29], [sflag:$0x1] =	stream.indirect.gather [hbm4b:s6+s28], $0x80, s15, s28, $0xb8;
	[tilespmem:$0x1D580] =	vst v63  }
0x9b: {  	_ =	swait.ge [sflag:s11], $0x3E80  }
0x9c: {  	[sflag:s11] =	ssyncset.done $0x0  }
0x9d: {  	s16 =	simm.s32 $0x280;
	[sflag:s11] =	ssyncadd.s32 $0xFFFFC180  }
0x9e: {  	[spmem:s1] =	stream.indirect.scatter.add.f32 [tilespmem:s31], [sflag:$0x6], $0x80, s16, s28, $0xb8;
	[tilespmem:$0x1D580] =	vst v63  }
0x9f: {  	_ = 	snop  }
0xa0: {  	[tilespmem:s3], [sflag:$0x7] =	stream.indirect.gather [spmem:s4], $0x1, s16, s28, $0xb8;
	[tilespmem:$0x1D580] =	vst v63  }
0xa1: {  	_ =	swait.ge [sflag:s22], $0x7D  }
0xa2: {  	[sflag:s22] =	ssyncset.done $0x0  }
0xa3: {  	[sflag:s22] =	ssyncadd.s32 $0xFFFFFF83  }
0xa4: {  	[spmem:s2] =	stream.indirect.scatter.add.f32 [tilespmem:s3], [sflag:$0x7], $0x1, s12, s28, $0xb8;
	[tilespmem:$0x1D580] =	vst v63  }
0xa5: {  	_ =	swait.ge [sflag:s22], $0x7D  }
0xa6: {  	[sflag:s22] =	ssyncset.done $0x0  }
0xa7: {  	[sflag:s22] =	ssyncadd.s32 $0xFFFFFF83  }
0xa8: {  	_ =	swait.ge [sflag:s13], $0x3E80  }
0xa9: {  	[sflag:s13] =	ssyncset.done $0x0  }
0xaa: {  	s17 =	simm.s32 $0x780;
	[sflag:s13] =	ssyncadd.s32 $0xFFFFC180  }
0xab: {  	[tilespmem:s31], [sflag:$0x2] =	stream.indirect.gather [hbm4b:s6+s28], $0x80, s17, s28, $0xb8;
	[tilespmem:$0x1D580] =	vst v63  }
0xac: {  	_ =	swait.ge [sflag:s0], $0x3E80  }
0xad: {  	[sflag:s0] =	ssyncset.done $0x0  }
0xae: {  	s18 =	simm.s32 $0x300;
	[sflag:s0] =	ssyncadd.s32 $0xFFFFC180  }
0xaf: {  	[spmem:s1] =	stream.indirect.scatter.add.f32 [tilespmem:s29], [sflag:$0x5], $0x80, s18, s28, $0xb8;
	[tilespmem:$0x1D580] =	vst v63  }
0xb0: {  	_ = 	snop  }
0xb1: {  	[tilespmem:s3], [sflag:$0x7] =	stream.indirect.gather [spmem:s4], $0x1, s18, s28, $0xb8;
	[tilespmem:$0x1D580] =	vst v63  }
0xb2: {  	_ =	swait.ge [sflag:s22], $0x7D  }
0xb3: {  	[sflag:s22] =	ssyncset.done $0x0  }
0xb4: {  	[sflag:s22] =	ssyncadd.s32 $0xFFFFFF83  }
0xb5: {  	[spmem:s2] =	stream.indirect.scatter.add.f32 [tilespmem:s3], [sflag:$0x7], $0x1, s15, s28, $0xb8;
	[tilespmem:$0x1D580] =	vst v63  }
0xb6: {  	_ =	swait.ge [sflag:s22], $0x7D  }
0xb7: {  	[sflag:s22] =	ssyncset.done $0x0  }
0xb8: {  	[sflag:s22] =	ssyncadd.s32 $0xFFFFFF83  }
0xb9: {  	_ =	swait.ge [sflag:s11], $0x3E80  }
0xba: {  	[sflag:s11] =	ssyncset.done $0x0  }
0xbb: {  	s20 =	simm.s32 $0x380;
	[sflag:s11] =	ssyncadd.s32 $0xFFFFC180  }
0xbc: {  	[spmem:s1] =	stream.indirect.scatter.add.f32 [tilespmem:s31], [sflag:$0x6], $0x80, s20, s28, $0xb8;
	[tilespmem:$0x1D580] =	vst v63  }
0xbd: {  	_ = 	snop  }
0xbe: {  	[tilespmem:s3], [sflag:$0x7] =	stream.indirect.gather [spmem:s4], $0x1, s20, s28, $0xb8;
	[tilespmem:$0x1D580] =	vst v63  }
0xbf: {  	_ =	swait.ge [sflag:s22], $0x7D  }
0xc0: {  	[sflag:s22] =	ssyncset.done $0x0  }
0xc1: {  	[sflag:s22] =	ssyncadd.s32 $0xFFFFFF83  }
0xc2: {  	[spmem:s2] =	stream.indirect.scatter.add.f32 [tilespmem:s3], [sflag:$0x7], $0x1, s17, s28, $0xb8;
	[tilespmem:$0x1D580] =	vst v63  }
0xc3: {  	_ =	swait.ge [sflag:s22], $0x7D  }
0xc4: {  	[sflag:s22] =	ssyncset.done $0x0  }
0xc5: {  	[sflag:s22] =	ssyncadd.s32 $0xFFFFFF83  }
0xc6: {  	_ =	swait.ge [sflag:s9], $0x3E80  }
0xc7: {  	[sflag:s9] =	ssyncset.done $0x0  }
0xc8: {  	[sflag:s9] =	ssyncadd.s32 $0xFFFFC180  }
0xc9: {  	_ =	swait.ge [sflag:s13], $0x3E80  }
0xca: {  	[sflag:s13] =	ssyncset.done $0x0  }
0xcb: {  	[sflag:s13] =	ssyncadd.s32 $0xFFFFC180  }
0xcc: {  	_ =	swait.ge [sflag:s30], $0x400  }
0xcd: {  	[sflag:s30] =	ssyncset.done $0x0  }
0xce: {  	[sflag:s30] =	ssyncadd.s32 $0xFFFFFC00  }
0xcf: {  	_ =	swait.ge [sflag:s30], $0x400  }
0xd0: {  	p0 =	por $0x0, $0x0;
	s17 =	rddreg [dreg:$0x13]  }
0xd1: {  	[sflag:s30] =	ssyncset.done $0x0;
	s12 =	sshrl.u32 @!p0 s17, $0x3  }
0xd2: {  	s16 =	simm.s32 @!p0 $0x0;
	[sflag:s30] =	ssyncadd.s32 $0xFFFFFC00;
	s15 =	sadd.s32 @!p0 s23, s12  }
0xd3: {  	[tilespmem:s16], [sflag:$0x3] =	stream.linear.gather @!p0 [hbm4b:s15+s16], $0x400, $0x38;
	[tilespmem:$0x1D580] =	vst v63  }
0xd4: {  	s12 =	sadd.s32 @!p0 s19, s12;
	s15 =	simm.s32 @!p0 $0x400  }
0xd5: {  	[tilespmem:s15], [sflag:$0x3] =	stream.linear.gather @!p0 [hbm4b:s12+s16], $0x400, $0x38;
	[tilespmem:$0x1D580] =	vst v63  }
0xd6: {  	_ = 	snop  }
0xd7: {  	[tilespmem:s29], [sflag:$0x1] =	stream.indirect.gather [hbm4b:s6+s28], $0x80, s26, s28, $0xb8;
	[tilespmem:$0x1D580] =	vst v63  }
0xd8: {  	s21 =	simm.s32 $0xC80  }
0xd9: {  	[tilespmem:s31], [sflag:$0x2] =	stream.indirect.gather [hbm4b:s6+s28], $0x80, s21, s28, $0xb8;
	[tilespmem:$0x1D580] =	vst v63  }
0xda: {  	_ =	swait.ge [sflag:s0], $0x3E80  }
0xdb: {  	[sflag:s0] =	ssyncset.done $0x0  }
0xdc: {  	[sflag:s0] =	ssyncadd.s32 $0xFFFFC180  }
0xdd: {  	[spmem:s1] =	stream.indirect.scatter.add.f32 [tilespmem:s29], [sflag:$0x5], $0x80, s25, s28, $0xb8;
	[tilespmem:$0x1D580] =	vst v63  }
0xde: {  	_ = 	snop  }
0xdf: {  	[tilespmem:s3], [sflag:$0x7] =	stream.indirect.gather [spmem:s4], $0x1, s25, s28, $0xb8;
	[tilespmem:$0x1D580] =	vst v63  }
0xe0: {  	_ =	swait.ge [sflag:s22], $0x7D  }
0xe1: {  	[sflag:s22] =	ssyncset.done $0x0  }
0xe2: {  	[sflag:s22] =	ssyncadd.s32 $0xFFFFFF83  }
0xe3: {  	[spmem:s2] =	stream.indirect.scatter.add.f32 [tilespmem:s3], [sflag:$0x7], $0x1, s26, s28, $0xb8;
	[tilespmem:$0x1D580] =	vst v63  }
0xe4: {  	_ =	swait.ge [sflag:s22], $0x7D  }
0xe5: {  	[sflag:s22] =	ssyncset.done $0x0  }
0xe6: {  	[sflag:s22] =	ssyncadd.s32 $0xFFFFFF83  }
0xe7: {  	_ =	swait.ge [sflag:s9], $0x3E80  }
0xe8: {  	[sflag:s9] =	ssyncset.done $0x0  }
0xe9: {  	s23 =	simm.s32 $0xD00;
	[sflag:s9] =	ssyncadd.s32 $0xFFFFC180  }
0xea: {  	[tilespmem:s29], [sflag:$0x1] =	stream.indirect.gather [hbm4b:s6+s28], $0x80, s23, s28, $0xb8;
	[tilespmem:$0x1D580] =	vst v63  }
0xeb: {  	_ =	swait.ge [sflag:s11], $0x3E80  }
0xec: {  	[sflag:s11] =	ssyncset.done $0x0  }
0xed: {  	s25 =	simm.s32 $0x880;
	[sflag:s11] =	ssyncadd.s32 $0xFFFFC180  }
0xee: {  	[spmem:s1] =	stream.indirect.scatter.add.f32 [tilespmem:s31], [sflag:$0x6], $0x80, s25, s28, $0xb8;
	[tilespmem:$0x1D580] =	vst v63  }
0xef: {  	_ = 	snop  }
0xf0: {  	[tilespmem:s3], [sflag:$0x7] =	stream.indirect.gather [spmem:s4], $0x1, s25, s28, $0xb8;
	[tilespmem:$0x1D580] =	vst v63  }
0xf1: {  	_ =	swait.ge [sflag:s22], $0x7D  }
0xf2: {  	[sflag:s22] =	ssyncset.done $0x0  }
0xf3: {  	[sflag:s22] =	ssyncadd.s32 $0xFFFFFF83  }
0xf4: {  	[spmem:s2] =	stream.indirect.scatter.add.f32 [tilespmem:s3], [sflag:$0x7], $0x1, s21, s28, $0xb8;
	[tilespmem:$0x1D580] =	vst v63  }
0xf5: {  	_ =	swait.ge [sflag:s22], $0x7D  }
0xf6: {  	[sflag:s22] =	ssyncset.done $0x0  }
0xf7: {  	[sflag:s22] =	ssyncadd.s32 $0xFFFFFF83  }
0xf8: {  	_ =	swait.ge [sflag:s13], $0x3E80  }
0xf9: {  	[sflag:s13] =	ssyncset.done $0x0  }
0xfa: {  	s26 =	simm.s32 $0xD80;
	[sflag:s13] =	ssyncadd.s32 $0xFFFFC180  }
0xfb: {  	[tilespmem:s31], [sflag:$0x2] =	stream.indirect.gather [hbm4b:s6+s28], $0x80, s26, s28, $0xb8;
	[tilespmem:$0x1D580] =	vst v63  }
0xfc: {  	_ =	swait.ge [sflag:s0], $0x3E80  }
0xfd: {  	[sflag:s0] =	ssyncset.done $0x0  }
0xfe: {  	s12 =	simm.s32 $0x900;
	[sflag:s0] =	ssyncadd.s32 $0xFFFFC180  }
0xff: {  	[spmem:s1] =	stream.indirect.scatter.add.f32 [tilespmem:s29], [sflag:$0x5], $0x80, s12, s28, $0xb8;
	[tilespmem:$0x1D580] =	vst v63  }
0x100: {  	_ = 	snop  }
0x101: {  	[tilespmem:s3], [sflag:$0x7] =	stream.indirect.gather [spmem:s4], $0x1, s12, s28, $0xb8;
	[tilespmem:$0x1D580] =	vst v63  }
0x102: {  	_ =	swait.ge [sflag:s22], $0x7D  }
0x103: {  	[sflag:s22] =	ssyncset.done $0x0  }
0x104: {  	[sflag:s22] =	ssyncadd.s32 $0xFFFFFF83  }
0x105: {  	[spmem:s2] =	stream.indirect.scatter.add.f32 [tilespmem:s3], [sflag:$0x7], $0x1, s23, s28, $0xb8;
	[tilespmem:$0x1D580] =	vst v63  }
0x106: {  	_ =	swait.ge [sflag:s22], $0x7D  }
0x107: {  	[sflag:s22] =	ssyncset.done $0x0  }
0x108: {  	[sflag:s22] =	ssyncadd.s32 $0xFFFFFF83  }
0x109: {  	_ =	swait.ge [sflag:s9], $0x3E80  }
0x10a: {  	[sflag:s9] =	ssyncset.done $0x0  }
0x10b: {  	s14 =	simm.s32 $0xE00;
	[sflag:s9] =	ssyncadd.s32 $0xFFFFC180  }
0x10c: {  	[tilespmem:s29], [sflag:$0x1] =	stream.indirect.gather [hbm4b:s6+s28], $0x80, s14, s28, $0xb8;
	[tilespmem:$0x1D580] =	vst v63  }
0x10d: {  	_ =	swait.ge [sflag:s11], $0x3E80  }
0x10e: {  	[sflag:s11] =	ssyncset.done $0x0  }
0x10f: {  	s15 =	simm.s32 $0x980;
	[sflag:s11] =	ssyncadd.s32 $0xFFFFC180  }
0x110: {  	[spmem:s1] =	stream.indirect.scatter.add.f32 [tilespmem:s31], [sflag:$0x6], $0x80, s15, s28, $0xb8;
	[tilespmem:$0x1D580] =	vst v63  }
0x111: {  	_ = 	snop  }
0x112: {  	[tilespmem:s3], [sflag:$0x7] =	stream.indirect.gather [spmem:s4], $0x1, s15, s28, $0xb8;
	[tilespmem:$0x1D580] =	vst v63  }
0x113: {  	_ =	swait.ge [sflag:s22], $0x7D  }
0x114: {  	[sflag:s22] =	ssyncset.done $0x0  }
0x115: {  	[sflag:s22] =	ssyncadd.s32 $0xFFFFFF83  }
0x116: {  	[spmem:s2] =	stream.indirect.scatter.add.f32 [tilespmem:s3], [sflag:$0x7], $0x1, s26, s28, $0xb8;
	[tilespmem:$0x1D580] =	vst v63  }
0x117: {  	_ =	swait.ge [sflag:s22], $0x7D  }
0x118: {  	[sflag:s22] =	ssyncset.done $0x0  }
0x119: {  	[sflag:s22] =	ssyncadd.s32 $0xFFFFFF83  }
0x11a: {  	_ =	swait.ge [sflag:s13], $0x3E80  }
0x11b: {  	[sflag:s13] =	ssyncset.done $0x0  }
0x11c: {  	s16 =	simm.s32 $0xE80;
	[sflag:s13] =	ssyncadd.s32 $0xFFFFC180  }
0x11d: {  	[tilespmem:s31], [sflag:$0x2] =	stream.indirect.gather [hbm4b:s6+s28], $0x80, s16, s28, $0xb8;
	[tilespmem:$0x1D580] =	vst v63  }
0x11e: {  	_ =	swait.ge [sflag:s0], $0x3E80  }
0x11f: {  	[sflag:s0] =	ssyncset.done $0x0  }
0x120: {  	s18 =	simm.s32 $0xA00;
	[sflag:s0] =	ssyncadd.s32 $0xFFFFC180  }
0x121: {  	[spmem:s1] =	stream.indirect.scatter.add.f32 [tilespmem:s29], [sflag:$0x5], $0x80, s18, s28, $0xb8;
	[tilespmem:$0x1D580] =	vst v63  }
0x122: {  	_ = 	snop  }
0x123: {  	[tilespmem:s3], [sflag:$0x7] =	stream.indirect.gather [spmem:s4], $0x1, s18, s28, $0xb8;
	[tilespmem:$0x1D580] =	vst v63  }
0x124: {  	_ =	swait.ge [sflag:s22], $0x7D  }
0x125: {  	[sflag:s22] =	ssyncset.done $0x0  }
0x126: {  	[sflag:s22] =	ssyncadd.s32 $0xFFFFFF83  }
0x127: {  	[spmem:s2] =	stream.indirect.scatter.add.f32 [tilespmem:s3], [sflag:$0x7], $0x1, s14, s28, $0xb8;
	[tilespmem:$0x1D580] =	vst v63  }
0x128: {  	_ =	swait.ge [sflag:s22], $0x7D  }
0x129: {  	[sflag:s22] =	ssyncset.done $0x0  }
0x12a: {  	[sflag:s22] =	ssyncadd.s32 $0xFFFFFF83  }
0x12b: {  	_ =	swait.ge [sflag:s9], $0x3E80  }
0x12c: {  	[sflag:s9] =	ssyncset.done $0x0  }
0x12d: {  	s20 =	simm.s32 $0xF00;
	[sflag:s9] =	ssyncadd.s32 $0xFFFFC180  }
0x12e: {  	[tilespmem:s29], [sflag:$0x1] =	stream.indirect.gather [hbm4b:s6+s28], $0x80, s20, s28, $0xb8;
	[tilespmem:$0x1D580] =	vst v63  }
0x12f: {  	_ =	swait.ge [sflag:s11], $0x3E80  }
0x130: {  	[sflag:s11] =	ssyncset.done $0x0  }
0x131: {  	s21 =	simm.s32 $0xA80;
	[sflag:s11] =	ssyncadd.s32 $0xFFFFC180  }
0x132: {  	[spmem:s1] =	stream.indirect.scatter.add.f32 [tilespmem:s31], [sflag:$0x6], $0x80, s21, s28, $0xb8;
	[tilespmem:$0x1D580] =	vst v63  }
0x133: {  	_ = 	snop  }
0x134: {  	[tilespmem:s3], [sflag:$0x7] =	stream.indirect.gather [spmem:s4], $0x1, s21, s28, $0xb8;
	[tilespmem:$0x1D580] =	vst v63  }
0x135: {  	_ =	swait.ge [sflag:s22], $0x7D  }
0x136: {  	[sflag:s22] =	ssyncset.done $0x0  }
0x137: {  	[sflag:s22] =	ssyncadd.s32 $0xFFFFFF83  }
0x138: {  	[spmem:s2] =	stream.indirect.scatter.add.f32 [tilespmem:s3], [sflag:$0x7], $0x1, s16, s28, $0xb8;
	[tilespmem:$0x1D580] =	vst v63  }
0x139: {  	_ =	swait.ge [sflag:s22], $0x7D  }
0x13a: {  	[sflag:s22] =	ssyncset.done $0x0  }
0x13b: {  	[sflag:s22] =	ssyncadd.s32 $0xFFFFFF83  }
0x13c: {  	_ =	swait.ge [sflag:s13], $0x3E80  }
0x13d: {  	[sflag:s13] =	ssyncset.done $0x0  }
0x13e: {  	s23 =	simm.s32 $0xF80;
	[sflag:s13] =	ssyncadd.s32 $0xFFFFC180  }
0x13f: {  	[tilespmem:s31], [sflag:$0x2] =	stream.indirect.gather [hbm4b:s6+s28], $0x80, s23, s28, $0xb8;
	[tilespmem:$0x1D580] =	vst v63  }
0x140: {  	_ =	swait.ge [sflag:s0], $0x3E80  }
0x141: {  	[sflag:s0] =	ssyncset.done $0x0  }
0x142: {  	s26 =	simm.s32 $0xB00;
	[sflag:s0] =	ssyncadd.s32 $0xFFFFC180  }
0x143: {  	[spmem:s1] =	stream.indirect.scatter.add.f32 [tilespmem:s29], [sflag:$0x5], $0x80, s26, s28, $0xb8;
	[tilespmem:$0x1D580] =	vst v63  }
0x144: {  	_ = 	snop  }
0x145: {  	[tilespmem:s3], [sflag:$0x7] =	stream.indirect.gather [spmem:s4], $0x1, s26, s28, $0xb8;
	[tilespmem:$0x1D580] =	vst v63  }
0x146: {  	_ =	swait.ge [sflag:s22], $0x7D  }
0x147: {  	[sflag:s22] =	ssyncset.done $0x0  }
0x148: {  	[sflag:s22] =	ssyncadd.s32 $0xFFFFFF83  }
0x149: {  	[spmem:s2] =	stream.indirect.scatter.add.f32 [tilespmem:s3], [sflag:$0x7], $0x1, s20, s28, $0xb8;
	[tilespmem:$0x1D580] =	vst v63  }
0x14a: {  	_ =	swait.ge [sflag:s22], $0x7D  }
0x14b: {  	[sflag:s22] =	ssyncset.done $0x0  }
0x14c: {  	[sflag:s22] =	ssyncadd.s32 $0xFFFFFF83  }
0x14d: {  	_ =	swait.ge [sflag:s11], $0x3E80  }
0x14e: {  	[sflag:s11] =	ssyncset.done $0x0  }
0x14f: {  	s25 =	simm.s32 $0xB80;
	[sflag:s11] =	ssyncadd.s32 $0xFFFFC180  }
0x150: {  	[spmem:s1] =	stream.indirect.scatter.add.f32 [tilespmem:s31], [sflag:$0x6], $0x80, s25, s28, $0xb8;
	[tilespmem:$0x1D580] =	vst v63  }
0x151: {  	_ = 	snop  }
0x152: {  	[tilespmem:s3], [sflag:$0x7] =	stream.indirect.gather [spmem:s4], $0x1, s25, s28, $0xb8;
	[tilespmem:$0x1D580] =	vst v63  }
0x153: {  	_ =	swait.ge [sflag:s22], $0x7D  }
0x154: {  	[sflag:s22] =	ssyncset.done $0x0  }
0x155: {  	[sflag:s22] =	ssyncadd.s32 $0xFFFFFF83  }
0x156: {  	[spmem:s2] =	stream.indirect.scatter.add.f32 [tilespmem:s3], [sflag:$0x7], $0x1, s23, s28, $0xb8;
	[tilespmem:$0x1D580] =	vst v63  }
0x157: {  	_ =	swait.ge [sflag:s22], $0x7D  }
0x158: {  	[sflag:s22] =	ssyncset.done $0x0  }
0x159: {  	[sflag:s22] =	ssyncadd.s32 $0xFFFFFF83  }
0x15a: {  	s8 =	simm.s32 $0x80;
	_ =	swait.ge [sflag:s9], $0x3E80  }
0x15b: {  	s7 =	simm.s32 $0x500;
	s12 =	simm.s32 $0x100;
	[sflag:s9] =	ssyncset.done $0x0  }
0x15c: {  	s15 =	smov.u32 s17;
	s14 =	simm.s32 $0x480;
	[sflag:s9] =	ssyncadd.s32 $0xFFFFC180  }
0x15d: {  	s21 =	simm.s32 $0x580;
	s26 =	simm.s32 $0x800;
	_ =	swait.ge [sflag:s13], $0x3E80  }
0x15e: {  	s20 =	simm.s32 $0xC00;
	s23 =	simm.s32 $0x180;
	[sflag:s13] =	ssyncset.done $0x0  }
.LBB2_2:
0x15f: {  	[sflag:s13] =	ssyncadd.s32 $0xFFFFC180  }
0x160: {  	_ =	swait.ge [sflag:s24], $0x400  }
0x161: {  	[sflag:s24] =	ssyncset.done $0x0  }
0x162: {  	[sflag:s24] =	ssyncadd.s32 $0xFFFFFC00  }
0x163: {  	_ =	swait.ge [sflag:s24], $0x400  }
0x164: {  	s16 =	smov.u32 s12;
	s17 =	rddreg [dreg:$0x6];
	[sflag:s24] =	ssyncset.done $0x0  }
0x165: {  	s18 =	rddreg [dreg:$0x5];
	[sflag:s24] =	ssyncadd.s32 $0xFFFFFC00;
	s17 =	sadd.s32 s16, s17  }
0x166: {  	[tilespmem:s26], [sflag:$0x4] =	stream.linear.gather [hbm4b:s17+s5], $0x400, $0x38;
	[tilespmem:$0x1D580] =	vst v63  }
0x167: {  	s10 =	sadd.s32 s16, s18  }
0x168: {  	[tilespmem:s20], [sflag:$0x4] =	stream.linear.gather [hbm4b:s10+s5], $0x400, $0x38;
	[tilespmem:$0x1D580] =	vst v63  }
0x169: {  	s10 =	simm.s32 $0x400  }
0x16a: {  	[tilespmem:s29], [sflag:$0x1] =	stream.indirect.gather [hbm4b:s6+s28], $0x80, s10, s28, $0xb8;
	[tilespmem:$0x1D580] =	vst v63  }
0x16b: {  	_ = 	snop  }
0x16c: {  	[tilespmem:s31], [sflag:$0x2] =	stream.indirect.gather [hbm4b:s6+s28], $0x80, s14, s28, $0xb8;
	[tilespmem:$0x1D580] =	vst v63  }
0x16d: {  	_ =	swait.ge [sflag:s0], $0x3E80  }
0x16e: {  	[sflag:s0] =	ssyncset.done $0x0  }
0x16f: {  	[sflag:s0] =	ssyncadd.s32 $0xFFFFC180  }
0x170: {  	[spmem:s1] =	stream.indirect.scatter.add.f32 [tilespmem:s29], [sflag:$0x5], $0x80, s5, s28, $0xb8;
	[tilespmem:$0x1D580] =	vst v63  }
0x171: {  	_ = 	snop  }
0x172: {  	[tilespmem:s3], [sflag:$0x7] =	stream.indirect.gather [spmem:s4], $0x1, s5, s28, $0xb8;
	[tilespmem:$0x1D580] =	vst v63  }
0x173: {  	_ =	swait.ge [sflag:s22], $0x7D  }
0x174: {  	[sflag:s22] =	ssyncset.done $0x0  }
0x175: {  	[sflag:s22] =	ssyncadd.s32 $0xFFFFFF83  }
0x176: {  	[spmem:s2] =	stream.indirect.scatter.add.f32 [tilespmem:s3], [sflag:$0x7], $0x1, s10, s28, $0xb8;
	[tilespmem:$0x1D580] =	vst v63  }
0x177: {  	_ =	swait.ge [sflag:s22], $0x7D  }
0x178: {  	[sflag:s22] =	ssyncset.done $0x0  }
0x179: {  	[sflag:s22] =	ssyncadd.s32 $0xFFFFFF83  }
0x17a: {  	_ =	swait.ge [sflag:s9], $0x3E80  }
0x17b: {  	[sflag:s9] =	ssyncset.done $0x0  }
0x17c: {  	[sflag:s9] =	ssyncadd.s32 $0xFFFFC180  }
0x17d: {  	[tilespmem:s29], [sflag:$0x1] =	stream.indirect.gather [hbm4b:s6+s28], $0x80, s7, s28, $0xb8;
	[tilespmem:$0x1D580] =	vst v63  }
0x17e: {  	_ =	swait.ge [sflag:s11], $0x3E80  }
0x17f: {  	[sflag:s11] =	ssyncset.done $0x0  }
0x180: {  	[sflag:s11] =	ssyncadd.s32 $0xFFFFC180  }
0x181: {  	[spmem:s1] =	stream.indirect.scatter.add.f32 [tilespmem:s31], [sflag:$0x6], $0x80, s8, s28, $0xb8;
	[tilespmem:$0x1D580] =	vst v63  }
0x182: {  	_ = 	snop  }
0x183: {  	[tilespmem:s3], [sflag:$0x7] =	stream.indirect.gather [spmem:s4], $0x1, s8, s28, $0xb8;
	[tilespmem:$0x1D580] =	vst v63  }
0x184: {  	_ =	swait.ge [sflag:s22], $0x7D  }
0x185: {  	[sflag:s22] =	ssyncset.done $0x0  }
0x186: {  	[sflag:s22] =	ssyncadd.s32 $0xFFFFFF83  }
0x187: {  	[spmem:s2] =	stream.indirect.scatter.add.f32 [tilespmem:s3], [sflag:$0x7], $0x1, s14, s28, $0xb8;
	[tilespmem:$0x1D580] =	vst v63  }
0x188: {  	_ =	swait.ge [sflag:s22], $0x7D  }
0x189: {  	[sflag:s22] =	ssyncset.done $0x0  }
0x18a: {  	[sflag:s22] =	ssyncadd.s32 $0xFFFFFF83  }
0x18b: {  	_ =	swait.ge [sflag:s13], $0x3E80  }
0x18c: {  	[sflag:s13] =	ssyncset.done $0x0  }
0x18d: {  	[sflag:s13] =	ssyncadd.s32 $0xFFFFC180  }
0x18e: {  	[tilespmem:s31], [sflag:$0x2] =	stream.indirect.gather [hbm4b:s6+s28], $0x80, s21, s28, $0xb8;
	[tilespmem:$0x1D580] =	vst v63  }
0x18f: {  	_ =	swait.ge [sflag:s0], $0x3E80  }
0x190: {  	[sflag:s0] =	ssyncset.done $0x0  }
0x191: {  	s17 =	simm.s32 $0x100;
	[sflag:s0] =	ssyncadd.s32 $0xFFFFC180  }
0x192: {  	[spmem:s1] =	stream.indirect.scatter.add.f32 [tilespmem:s29], [sflag:$0x5], $0x80, s17, s28, $0xb8;
	[tilespmem:$0x1D580] =	vst v63  }
0x193: {  	_ = 	snop  }
0x194: {  	[tilespmem:s3], [sflag:$0x7] =	stream.indirect.gather [spmem:s4], $0x1, s17, s28, $0xb8;
	[tilespmem:$0x1D580] =	vst v63  }
0x195: {  	_ =	swait.ge [sflag:s22], $0x7D  }
0x196: {  	[sflag:s22] =	ssyncset.done $0x0  }
0x197: {  	[sflag:s22] =	ssyncadd.s32 $0xFFFFFF83  }
0x198: {  	[spmem:s2] =	stream.indirect.scatter.add.f32 [tilespmem:s3], [sflag:$0x7], $0x1, s7, s28, $0xb8;
	[tilespmem:$0x1D580] =	vst v63  }
0x199: {  	_ =	swait.ge [sflag:s22], $0x7D  }
0x19a: {  	[sflag:s22] =	ssyncset.done $0x0  }
0x19b: {  	[sflag:s22] =	ssyncadd.s32 $0xFFFFFF83  }
0x19c: {  	_ =	swait.ge [sflag:s9], $0x3E80  }
0x19d: {  	[sflag:s9] =	ssyncset.done $0x0  }
0x19e: {  	s10 =	simm.s32 $0x600;
	[sflag:s9] =	ssyncadd.s32 $0xFFFFC180  }
0x19f: {  	[tilespmem:s29], [sflag:$0x1] =	stream.indirect.gather [hbm4b:s6+s28], $0x80, s10, s28, $0xb8;
	[tilespmem:$0x1D580] =	vst v63  }
0x1a0: {  	_ =	swait.ge [sflag:s11], $0x3E80  }
0x1a1: {  	[sflag:s11] =	ssyncset.done $0x0  }
0x1a2: {  	[sflag:s11] =	ssyncadd.s32 $0xFFFFC180  }
0x1a3: {  	[spmem:s1] =	stream.indirect.scatter.add.f32 [tilespmem:s31], [sflag:$0x6], $0x80, s23, s28, $0xb8;
	[tilespmem:$0x1D580] =	vst v63  }
0x1a4: {  	_ = 	snop  }
0x1a5: {  	[tilespmem:s3], [sflag:$0x7] =	stream.indirect.gather [spmem:s4], $0x1, s23, s28, $0xb8;
	[tilespmem:$0x1D580] =	vst v63  }
0x1a6: {  	_ =	swait.ge [sflag:s22], $0x7D  }
0x1a7: {  	[sflag:s22] =	ssyncset.done $0x0  }
0x1a8: {  	[sflag:s22] =	ssyncadd.s32 $0xFFFFFF83  }
0x1a9: {  	[spmem:s2] =	stream.indirect.scatter.add.f32 [tilespmem:s3], [sflag:$0x7], $0x1, s21, s28, $0xb8;
	[tilespmem:$0x1D580] =	vst v63  }
0x1aa: {  	_ =	swait.ge [sflag:s22], $0x7D  }
0x1ab: {  	[sflag:s22] =	ssyncset.done $0x0  }
0x1ac: {  	[sflag:s22] =	ssyncadd.s32 $0xFFFFFF83  }
0x1ad: {  	_ =	swait.ge [sflag:s13], $0x3E80  }
0x1ae: {  	[sflag:s13] =	ssyncset.done $0x0  }
0x1af: {  	s17 =	simm.s32 $0x680;
	[sflag:s13] =	ssyncadd.s32 $0xFFFFC180  }
0x1b0: {  	[tilespmem:s31], [sflag:$0x2] =	stream.indirect.gather [hbm4b:s6+s28], $0x80, s17, s28, $0xb8;
	[tilespmem:$0x1D580] =	vst v63  }
0x1b1: {  	_ =	swait.ge [sflag:s0], $0x3E80  }
0x1b2: {  	[sflag:s0] =	ssyncset.done $0x0  }
0x1b3: {  	s18 =	simm.s32 $0x200;
	[sflag:s0] =	ssyncadd.s32 $0xFFFFC180  }
0x1b4: {  	[spmem:s1] =	stream.indirect.scatter.add.f32 [tilespmem:s29], [sflag:$0x5], $0x80, s18, s28, $0xb8;
	[tilespmem:$0x1D580] =	vst v63  }
0x1b5: {  	_ = 	snop  }
0x1b6: {  	[tilespmem:s3], [sflag:$0x7] =	stream.indirect.gather [spmem:s4], $0x1, s18, s28, $0xb8;
	[tilespmem:$0x1D580] =	vst v63  }
0x1b7: {  	_ =	swait.ge [sflag:s22], $0x7D  }
0x1b8: {  	[sflag:s22] =	ssyncset.done $0x0  }
0x1b9: {  	[sflag:s22] =	ssyncadd.s32 $0xFFFFFF83  }
0x1ba: {  	[spmem:s2] =	stream.indirect.scatter.add.f32 [tilespmem:s3], [sflag:$0x7], $0x1, s10, s28, $0xb8;
	[tilespmem:$0x1D580] =	vst v63  }
0x1bb: {  	_ =	swait.ge [sflag:s22], $0x7D  }
0x1bc: {  	[sflag:s22] =	ssyncset.done $0x0  }
0x1bd: {  	[sflag:s22] =	ssyncadd.s32 $0xFFFFFF83  }
0x1be: {  	_ =	swait.ge [sflag:s9], $0x3E80  }
0x1bf: {  	[sflag:s9] =	ssyncset.done $0x0  }
0x1c0: {  	s18 =	simm.s32 $0x700;
	[sflag:s9] =	ssyncadd.s32 $0xFFFFC180  }
0x1c1: {  	[tilespmem:s29], [sflag:$0x1] =	stream.indirect.gather [hbm4b:s6+s28], $0x80, s18, s28, $0xb8;
	[tilespmem:$0x1D580] =	vst v63  }
0x1c2: {  	_ =	swait.ge [sflag:s11], $0x3E80  }
0x1c3: {  	[sflag:s11] =	ssyncset.done $0x0  }
0x1c4: {  	s10 =	simm.s32 $0x280;
	[sflag:s11] =	ssyncadd.s32 $0xFFFFC180  }
0x1c5: {  	[spmem:s1] =	stream.indirect.scatter.add.f32 [tilespmem:s31], [sflag:$0x6], $0x80, s10, s28, $0xb8;
	[tilespmem:$0x1D580] =	vst v63  }
0x1c6: {  	_ = 	snop  }
0x1c7: {  	[tilespmem:s3], [sflag:$0x7] =	stream.indirect.gather [spmem:s4], $0x1, s10, s28, $0xb8;
	[tilespmem:$0x1D580] =	vst v63  }
0x1c8: {  	_ =	swait.ge [sflag:s22], $0x7D  }
0x1c9: {  	[sflag:s22] =	ssyncset.done $0x0  }
0x1ca: {  	[sflag:s22] =	ssyncadd.s32 $0xFFFFFF83  }
0x1cb: {  	[spmem:s2] =	stream.indirect.scatter.add.f32 [tilespmem:s3], [sflag:$0x7], $0x1, s17, s28, $0xb8;
	[tilespmem:$0x1D580] =	vst v63  }
0x1cc: {  	_ =	swait.ge [sflag:s22], $0x7D  }
0x1cd: {  	[sflag:s22] =	ssyncset.done $0x0  }
0x1ce: {  	[sflag:s22] =	ssyncadd.s32 $0xFFFFFF83  }
0x1cf: {  	_ =	swait.ge [sflag:s13], $0x3E80  }
0x1d0: {  	[sflag:s13] =	ssyncset.done $0x0  }
0x1d1: {  	s10 =	simm.s32 $0x780;
	[sflag:s13] =	ssyncadd.s32 $0xFFFFC180  }
0x1d2: {  	[tilespmem:s31], [sflag:$0x2] =	stream.indirect.gather [hbm4b:s6+s28], $0x80, s10, s28, $0xb8;
	[tilespmem:$0x1D580] =	vst v63  }
0x1d3: {  	_ =	swait.ge [sflag:s0], $0x3E80  }
0x1d4: {  	[sflag:s0] =	ssyncset.done $0x0  }
0x1d5: {  	s17 =	simm.s32 $0x300;
	[sflag:s0] =	ssyncadd.s32 $0xFFFFC180  }
0x1d6: {  	[spmem:s1] =	stream.indirect.scatter.add.f32 [tilespmem:s29], [sflag:$0x5], $0x80, s17, s28, $0xb8;
	[tilespmem:$0x1D580] =	vst v63  }
0x1d7: {  	_ = 	snop  }
0x1d8: {  	[tilespmem:s3], [sflag:$0x7] =	stream.indirect.gather [spmem:s4], $0x1, s17, s28, $0xb8;
	[tilespmem:$0x1D580] =	vst v63  }
0x1d9: {  	_ =	swait.ge [sflag:s22], $0x7D  }
0x1da: {  	[sflag:s22] =	ssyncset.done $0x0  }
0x1db: {  	[sflag:s22] =	ssyncadd.s32 $0xFFFFFF83  }
0x1dc: {  	[spmem:s2] =	stream.indirect.scatter.add.f32 [tilespmem:s3], [sflag:$0x7], $0x1, s18, s28, $0xb8;
	[tilespmem:$0x1D580] =	vst v63  }
0x1dd: {  	_ =	swait.ge [sflag:s22], $0x7D  }
0x1de: {  	[sflag:s22] =	ssyncset.done $0x0  }
0x1df: {  	[sflag:s22] =	ssyncadd.s32 $0xFFFFFF83  }
0x1e0: {  	_ =	swait.ge [sflag:s11], $0x3E80  }
0x1e1: {  	[sflag:s11] =	ssyncset.done $0x0  }
0x1e2: {  	s18 =	simm.s32 $0x380;
	[sflag:s11] =	ssyncadd.s32 $0xFFFFC180  }
0x1e3: {  	[spmem:s1] =	stream.indirect.scatter.add.f32 [tilespmem:s31], [sflag:$0x6], $0x80, s18, s28, $0xb8;
	[tilespmem:$0x1D580] =	vst v63  }
0x1e4: {  	_ = 	snop  }
0x1e5: {  	[tilespmem:s3], [sflag:$0x7] =	stream.indirect.gather [spmem:s4], $0x1, s18, s28, $0xb8;
	[tilespmem:$0x1D580] =	vst v63  }
0x1e6: {  	_ =	swait.ge [sflag:s22], $0x7D  }
0x1e7: {  	[sflag:s22] =	ssyncset.done $0x0  }
0x1e8: {  	[sflag:s22] =	ssyncadd.s32 $0xFFFFFF83  }
0x1e9: {  	[spmem:s2] =	stream.indirect.scatter.add.f32 [tilespmem:s3], [sflag:$0x7], $0x1, s10, s28, $0xb8;
	[tilespmem:$0x1D580] =	vst v63  }
0x1ea: {  	_ =	swait.ge [sflag:s22], $0x7D  }
0x1eb: {  	[sflag:s22] =	ssyncset.done $0x0  }
0x1ec: {  	[sflag:s22] =	ssyncadd.s32 $0xFFFFFF83  }
0x1ed: {  	_ =	swait.ge [sflag:s9], $0x3E80  }
0x1ee: {  	[sflag:s9] =	ssyncset.done $0x0  }
0x1ef: {  	[sflag:s9] =	ssyncadd.s32 $0xFFFFC180  }
0x1f0: {  	_ =	swait.ge [sflag:s13], $0x3E80  }
0x1f1: {  	[sflag:s13] =	ssyncset.done $0x0  }
0x1f2: {  	[sflag:s13] =	ssyncadd.s32 $0xFFFFC180  }
0x1f3: {  	_ =	swait.ge [sflag:s30], $0x400  }
0x1f4: {  	[sflag:s30] =	ssyncset.done $0x0  }
0x1f5: {  	[sflag:s30] =	ssyncadd.s32 $0xFFFFFC00  }
0x1f6: {  	s15 =	sadd.s32 $0x800, s15;
	p1 =	seq.s32 s16, $0x400;
	_ =	swait.ge [sflag:s30], $0x400  }
0x1f7: {  	s16 =	sshrl.u32 @!p1 s15, $0x3;
	[sflag:s30] =	ssyncset.done $0x0;
	s10 =	rddreg [dreg:$0x7]  }
0x1f8: {  	s18 =	simm.s32 @!p1 $0x0;
	[sflag:s30] =	ssyncadd.s32 $0xFFFFFC00;
	s17 =	sadd.s32 @!p1 s10, s16  }
0x1f9: {  	[tilespmem:s18], [sflag:$0x3] =	stream.linear.gather @!p1 [hbm4b:s17+s18], $0x400, $0x38;
	[tilespmem:$0x1D580] =	vst v63  }
0x1fa: {  	s16 =	sadd.s32 @!p1 s19, s16;
	s17 =	simm.s32 @!p1 $0x400  }
0x1fb: {  	[tilespmem:s17], [sflag:$0x3] =	stream.linear.gather @!p1 [hbm4b:s16+s18], $0x400, $0x38;
	[tilespmem:$0x1D580] =	vst v63  }
0x1fc: {  	_ = 	snop  }
0x1fd: {  	[tilespmem:s29], [sflag:$0x1] =	stream.indirect.gather [hbm4b:s6+s28], $0x80, s20, s28, $0xb8;
	[tilespmem:$0x1D580] =	vst v63  }
0x1fe: {  	s10 =	simm.s32 $0xC80  }
0x1ff: {  	[tilespmem:s31], [sflag:$0x2] =	stream.indirect.gather [hbm4b:s6+s28], $0x80, s10, s28, $0xb8;
	[tilespmem:$0x1D580] =	vst v63  }
0x200: {  	_ =	swait.ge [sflag:s0], $0x3E80  }
0x201: {  	[sflag:s0] =	ssyncset.done $0x0  }
0x202: {  	[sflag:s0] =	ssyncadd.s32 $0xFFFFC180  }
0x203: {  	[spmem:s1] =	stream.indirect.scatter.add.f32 [tilespmem:s29], [sflag:$0x5], $0x80, s26, s28, $0xb8;
	[tilespmem:$0x1D580] =	vst v63  }
0x204: {  	_ = 	snop  }
0x205: {  	[tilespmem:s3], [sflag:$0x7] =	stream.indirect.gather [spmem:s4], $0x1, s26, s28, $0xb8;
	[tilespmem:$0x1D580] =	vst v63  }
0x206: {  	_ =	swait.ge [sflag:s22], $0x7D  }
0x207: {  	[sflag:s22] =	ssyncset.done $0x0  }
0x208: {  	[sflag:s22] =	ssyncadd.s32 $0xFFFFFF83  }
0x209: {  	[spmem:s2] =	stream.indirect.scatter.add.f32 [tilespmem:s3], [sflag:$0x7], $0x1, s20, s28, $0xb8;
	[tilespmem:$0x1D580] =	vst v63  }
0x20a: {  	_ =	swait.ge [sflag:s22], $0x7D  }
0x20b: {  	[sflag:s22] =	ssyncset.done $0x0  }
0x20c: {  	[sflag:s22] =	ssyncadd.s32 $0xFFFFFF83  }
0x20d: {  	_ =	swait.ge [sflag:s9], $0x3E80  }
0x20e: {  	[sflag:s9] =	ssyncset.done $0x0  }
0x20f: {  	s16 =	simm.s32 $0xD00;
	[sflag:s9] =	ssyncadd.s32 $0xFFFFC180  }
0x210: {  	[tilespmem:s29], [sflag:$0x1] =	stream.indirect.gather [hbm4b:s6+s28], $0x80, s16, s28, $0xb8;
	[tilespmem:$0x1D580] =	vst v63  }
0x211: {  	_ =	swait.ge [sflag:s11], $0x3E80  }
0x212: {  	[sflag:s11] =	ssyncset.done $0x0  }
0x213: {  	s18 =	simm.s32 $0x880;
	[sflag:s11] =	ssyncadd.s32 $0xFFFFC180  }
0x214: {  	[spmem:s1] =	stream.indirect.scatter.add.f32 [tilespmem:s31], [sflag:$0x6], $0x80, s18, s28, $0xb8;
	[tilespmem:$0x1D580] =	vst v63  }
0x215: {  	_ = 	snop  }
0x216: {  	[tilespmem:s3], [sflag:$0x7] =	stream.indirect.gather [spmem:s4], $0x1, s18, s28, $0xb8;
	[tilespmem:$0x1D580] =	vst v63  }
0x217: {  	_ =	swait.ge [sflag:s22], $0x7D  }
0x218: {  	[sflag:s22] =	ssyncset.done $0x0  }
0x219: {  	[sflag:s22] =	ssyncadd.s32 $0xFFFFFF83  }
0x21a: {  	[spmem:s2] =	stream.indirect.scatter.add.f32 [tilespmem:s3], [sflag:$0x7], $0x1, s10, s28, $0xb8;
	[tilespmem:$0x1D580] =	vst v63  }
0x21b: {  	_ =	swait.ge [sflag:s22], $0x7D  }
0x21c: {  	[sflag:s22] =	ssyncset.done $0x0  }
0x21d: {  	[sflag:s22] =	ssyncadd.s32 $0xFFFFFF83  }
0x21e: {  	_ =	swait.ge [sflag:s13], $0x3E80  }
0x21f: {  	[sflag:s13] =	ssyncset.done $0x0  }
0x220: {  	s10 =	simm.s32 $0xD80;
	[sflag:s13] =	ssyncadd.s32 $0xFFFFC180  }
0x221: {  	[tilespmem:s31], [sflag:$0x2] =	stream.indirect.gather [hbm4b:s6+s28], $0x80, s10, s28, $0xb8;
	[tilespmem:$0x1D580] =	vst v63  }
0x222: {  	_ =	swait.ge [sflag:s0], $0x3E80  }
0x223: {  	[sflag:s0] =	ssyncset.done $0x0  }
0x224: {  	s18 =	simm.s32 $0x900;
	[sflag:s0] =	ssyncadd.s32 $0xFFFFC180  }
0x225: {  	[spmem:s1] =	stream.indirect.scatter.add.f32 [tilespmem:s29], [sflag:$0x5], $0x80, s18, s28, $0xb8;
	[tilespmem:$0x1D580] =	vst v63  }
0x226: {  	_ = 	snop  }
0x227: {  	[tilespmem:s3], [sflag:$0x7] =	stream.indirect.gather [spmem:s4], $0x1, s18, s28, $0xb8;
	[tilespmem:$0x1D580] =	vst v63  }
0x228: {  	_ =	swait.ge [sflag:s22], $0x7D  }
0x229: {  	[sflag:s22] =	ssyncset.done $0x0  }
0x22a: {  	[sflag:s22] =	ssyncadd.s32 $0xFFFFFF83  }
0x22b: {  	[spmem:s2] =	stream.indirect.scatter.add.f32 [tilespmem:s3], [sflag:$0x7], $0x1, s16, s28, $0xb8;
	[tilespmem:$0x1D580] =	vst v63  }
0x22c: {  	_ =	swait.ge [sflag:s22], $0x7D  }
0x22d: {  	[sflag:s22] =	ssyncset.done $0x0  }
0x22e: {  	[sflag:s22] =	ssyncadd.s32 $0xFFFFFF83  }
0x22f: {  	_ =	swait.ge [sflag:s9], $0x3E80  }
0x230: {  	[sflag:s9] =	ssyncset.done $0x0  }
0x231: {  	s16 =	simm.s32 $0xE00;
	[sflag:s9] =	ssyncadd.s32 $0xFFFFC180  }
0x232: {  	[tilespmem:s29], [sflag:$0x1] =	stream.indirect.gather [hbm4b:s6+s28], $0x80, s16, s28, $0xb8;
	[tilespmem:$0x1D580] =	vst v63  }
0x233: {  	_ =	swait.ge [sflag:s11], $0x3E80  }
0x234: {  	[sflag:s11] =	ssyncset.done $0x0  }
0x235: {  	s18 =	simm.s32 $0x980;
	[sflag:s11] =	ssyncadd.s32 $0xFFFFC180  }
0x236: {  	[spmem:s1] =	stream.indirect.scatter.add.f32 [tilespmem:s31], [sflag:$0x6], $0x80, s18, s28, $0xb8;
	[tilespmem:$0x1D580] =	vst v63  }
0x237: {  	_ = 	snop  }
0x238: {  	[tilespmem:s3], [sflag:$0x7] =	stream.indirect.gather [spmem:s4], $0x1, s18, s28, $0xb8;
	[tilespmem:$0x1D580] =	vst v63  }
0x239: {  	_ =	swait.ge [sflag:s22], $0x7D  }
0x23a: {  	[sflag:s22] =	ssyncset.done $0x0  }
0x23b: {  	[sflag:s22] =	ssyncadd.s32 $0xFFFFFF83  }
0x23c: {  	[spmem:s2] =	stream.indirect.scatter.add.f32 [tilespmem:s3], [sflag:$0x7], $0x1, s10, s28, $0xb8;
	[tilespmem:$0x1D580] =	vst v63  }
0x23d: {  	_ =	swait.ge [sflag:s22], $0x7D  }
0x23e: {  	[sflag:s22] =	ssyncset.done $0x0  }
0x23f: {  	[sflag:s22] =	ssyncadd.s32 $0xFFFFFF83  }
0x240: {  	_ =	swait.ge [sflag:s13], $0x3E80  }
0x241: {  	[sflag:s13] =	ssyncset.done $0x0  }
0x242: {  	s10 =	simm.s32 $0xE80;
	[sflag:s13] =	ssyncadd.s32 $0xFFFFC180  }
0x243: {  	[tilespmem:s31], [sflag:$0x2] =	stream.indirect.gather [hbm4b:s6+s28], $0x80, s10, s28, $0xb8;
	[tilespmem:$0x1D580] =	vst v63  }
0x244: {  	_ =	swait.ge [sflag:s0], $0x3E80  }
0x245: {  	[sflag:s0] =	ssyncset.done $0x0  }
0x246: {  	s18 =	simm.s32 $0xA00;
	[sflag:s0] =	ssyncadd.s32 $0xFFFFC180  }
0x247: {  	[spmem:s1] =	stream.indirect.scatter.add.f32 [tilespmem:s29], [sflag:$0x5], $0x80, s18, s28, $0xb8;
	[tilespmem:$0x1D580] =	vst v63  }
0x248: {  	_ = 	snop  }
0x249: {  	[tilespmem:s3], [sflag:$0x7] =	stream.indirect.gather [spmem:s4], $0x1, s18, s28, $0xb8;
	[tilespmem:$0x1D580] =	vst v63  }
0x24a: {  	_ =	swait.ge [sflag:s22], $0x7D  }
0x24b: {  	[sflag:s22] =	ssyncset.done $0x0  }
0x24c: {  	[sflag:s22] =	ssyncadd.s32 $0xFFFFFF83  }
0x24d: {  	[spmem:s2] =	stream.indirect.scatter.add.f32 [tilespmem:s3], [sflag:$0x7], $0x1, s16, s28, $0xb8;
	[tilespmem:$0x1D580] =	vst v63  }
0x24e: {  	_ =	swait.ge [sflag:s22], $0x7D  }
0x24f: {  	[sflag:s22] =	ssyncset.done $0x0  }
0x250: {  	[sflag:s22] =	ssyncadd.s32 $0xFFFFFF83  }
0x251: {  	_ =	swait.ge [sflag:s9], $0x3E80  }
0x252: {  	[sflag:s9] =	ssyncset.done $0x0  }
0x253: {  	s16 =	simm.s32 $0xF00;
	[sflag:s9] =	ssyncadd.s32 $0xFFFFC180  }
0x254: {  	[tilespmem:s29], [sflag:$0x1] =	stream.indirect.gather [hbm4b:s6+s28], $0x80, s16, s28, $0xb8;
	[tilespmem:$0x1D580] =	vst v63  }
0x255: {  	_ =	swait.ge [sflag:s11], $0x3E80  }
0x256: {  	[sflag:s11] =	ssyncset.done $0x0  }
0x257: {  	s18 =	simm.s32 $0xA80;
	[sflag:s11] =	ssyncadd.s32 $0xFFFFC180  }
0x258: {  	[spmem:s1] =	stream.indirect.scatter.add.f32 [tilespmem:s31], [sflag:$0x6], $0x80, s18, s28, $0xb8;
	[tilespmem:$0x1D580] =	vst v63  }
0x259: {  	_ = 	snop  }
0x25a: {  	[tilespmem:s3], [sflag:$0x7] =	stream.indirect.gather [spmem:s4], $0x1, s18, s28, $0xb8;
	[tilespmem:$0x1D580] =	vst v63  }
0x25b: {  	_ =	swait.ge [sflag:s22], $0x7D  }
0x25c: {  	[sflag:s22] =	ssyncset.done $0x0  }
0x25d: {  	[sflag:s22] =	ssyncadd.s32 $0xFFFFFF83  }
0x25e: {  	[spmem:s2] =	stream.indirect.scatter.add.f32 [tilespmem:s3], [sflag:$0x7], $0x1, s10, s28, $0xb8;
	[tilespmem:$0x1D580] =	vst v63  }
0x25f: {  	_ =	swait.ge [sflag:s22], $0x7D  }
0x260: {  	[sflag:s22] =	ssyncset.done $0x0  }
0x261: {  	[sflag:s22] =	ssyncadd.s32 $0xFFFFFF83  }
0x262: {  	_ =	swait.ge [sflag:s13], $0x3E80  }
0x263: {  	[sflag:s13] =	ssyncset.done $0x0  }
0x264: {  	s10 =	simm.s32 $0xF80;
	[sflag:s13] =	ssyncadd.s32 $0xFFFFC180  }
0x265: {  	[tilespmem:s31], [sflag:$0x2] =	stream.indirect.gather [hbm4b:s6+s28], $0x80, s10, s28, $0xb8;
	[tilespmem:$0x1D580] =	vst v63  }
0x266: {  	_ =	swait.ge [sflag:s0], $0x3E80  }
0x267: {  	[sflag:s0] =	ssyncset.done $0x0  }
0x268: {  	s18 =	simm.s32 $0xB00;
	[sflag:s0] =	ssyncadd.s32 $0xFFFFC180  }
0x269: {  	[spmem:s1] =	stream.indirect.scatter.add.f32 [tilespmem:s29], [sflag:$0x5], $0x80, s18, s28, $0xb8;
	[tilespmem:$0x1D580] =	vst v63  }
0x26a: {  	_ = 	snop  }
0x26b: {  	[tilespmem:s3], [sflag:$0x7] =	stream.indirect.gather [spmem:s4], $0x1, s18, s28, $0xb8;
	[tilespmem:$0x1D580] =	vst v63  }
0x26c: {  	_ =	swait.ge [sflag:s22], $0x7D  }
0x26d: {  	[sflag:s22] =	ssyncset.done $0x0  }
0x26e: {  	[sflag:s22] =	ssyncadd.s32 $0xFFFFFF83  }
0x26f: {  	[spmem:s2] =	stream.indirect.scatter.add.f32 [tilespmem:s3], [sflag:$0x7], $0x1, s16, s28, $0xb8;
	[tilespmem:$0x1D580] =	vst v63  }
0x270: {  	_ =	swait.ge [sflag:s22], $0x7D  }
0x271: {  	[sflag:s22] =	ssyncset.done $0x0  }
0x272: {  	[sflag:s22] =	ssyncadd.s32 $0xFFFFFF83  }
0x273: {  	_ =	swait.ge [sflag:s11], $0x3E80  }
0x274: {  	[sflag:s11] =	ssyncset.done $0x0  }
0x275: {  	[sflag:s11] =	ssyncadd.s32 $0xFFFFC180  }
0x276: {  	[spmem:s1] =	stream.indirect.scatter.add.f32 [tilespmem:s31], [sflag:$0x6], $0x80, s25, s28, $0xb8;
	[tilespmem:$0x1D580] =	vst v63  }
0x277: {  	_ = 	snop  }
0x278: {  	[tilespmem:s3], [sflag:$0x7] =	stream.indirect.gather [spmem:s4], $0x1, s25, s28, $0xb8;
	[tilespmem:$0x1D580] =	vst v63  }
0x279: {  	_ =	swait.ge [sflag:s22], $0x7D  }
0x27a: {  	[sflag:s22] =	ssyncset.done $0x0  }
0x27b: {  	[sflag:s22] =	ssyncadd.s32 $0xFFFFFF83  }
0x27c: {  	[spmem:s2] =	stream.indirect.scatter.add.f32 [tilespmem:s3], [sflag:$0x7], $0x1, s10, s28, $0xb8;
	[tilespmem:$0x1D580] =	vst v63  }
0x27d: {  	_ =	swait.ge [sflag:s22], $0x7D  }
0x27e: {  	s12 =	sadd.s32 $0x100, s12;
	[sflag:s22] =	ssyncset.done $0x0  }
0x27f: {  	p0 =	sne.s32 s12, $0x500;
	[sflag:s22] =	ssyncadd.s32 $0xFFFFFF83  }
.Ltmp0:
0x280: {  	_ =	swait.ge [sflag:s9], $0x3E80;
	(pc) =	sbr.rel @p0 .LBB2_2-.Ltmp0, $4  }
0x281: {  	[sflag:s9] =	ssyncset.done $0x0  }
0x282: {  	[sflag:s9] =	ssyncadd.s32 $0xFFFFC180  }
0x283: {  	_ =	swait.ge [sflag:s13], $0x3E80  }
0x284: {  	[sflag:s13] =	ssyncset.done $0x0  }
0x285: {  	[sflag:s13] =	ssyncadd.s32 $0xFFFFC180  }
0x286: {  	[bflag:$0x0] =	sbarrier.arrive $0xFFFF  }
0x287: {  	s15 =	rddreg [dreg:$0xd]  }
0x288: {  	s12 =	rddreg [dreg:$0x10]  }
0x289: {  	s7 =	rddreg [dreg:$0x16]  }
0x28a: {  	[hbm:s12], [sflag:s15] =	dma.local [spmem:s7], $0x2800  }
0x28b: {  	_ =	swait.ge [sflag:s22], $0x2800  }
0x28c: {  	[sflag:s22] =	ssyncset.done $0x0;
	s23 =	rddreg [dreg:$0x11]  }
0x28d: {  	s25 =	rddreg [dreg:$0x17];
	[sflag:s22] =	ssyncadd.s32 $0xFFFFD800  }
0x28e: {  	[hbm:s23], [sflag:s15] =	dma.local [spmem:s25], $0x50  }
0x28f: {  	_ =	swait.ge [sflag:s22], $0x50  }
0x290: {  	s17 =	rddreg [dreg:$0x15]  }
0x291: {  	s26 =	rddreg [dreg:$0x12];
	s17 =	sadd.s32 $0x1, s17  }
0x292: {  	p0 =	sne.s32 s17, s26  }
.Ltmp1:
0x293: {  	s16 =	simm.s32 $0x400;
	(pc) =	sbr.rel @p0 .LBB2_1-.Ltmp1, $4  }
0x294: {  	s14 =	simm.s32 $0x480;
	s8 =	simm.s32 $0x80;
	s18 =	simm.s32 $0x580  }
0x295: {  	s10 =	simm.s32 $0x100;
	s20 =	simm.s32 $0x600;
	s21 =	simm.s32 $0x180  }
0x296: {  	s7 =	simm.s32 $0x500;
	s25 =	simm.s32 $0x800;
	[sflag:s22] =	ssyncset.done $0x0  }
0x297: {  	s23 =	rddreg [dreg:$0x7];
	[sflag:s22] =	ssyncadd.s32 $0xFFFFFFB0;
	s26 =	simm.s32 $0xC00  }
0x298: {  	_ =	sfence.sel $0x180000  }
0x299: {  	[bflag:$0x0] =	sbarrier.arrive $0xFFFF  }
0x29a: {  	_ =	strace $0x9000004A  }
0x29b: {  	s0 =	stileid.u32;
	[bflag:$0x2] =	sbarrier.arrive $0xFFFF  }
0x29c: {  	p0 =	sne.s32 s0, $0x0;
	s0 =	rddreg [dreg:$0x4]  }
0x29d: {  	s0 =	sadd.s32 @!p0 $0x100000, s0  }
0x29e: {  	[sflag:s0] =	ssyncadd.tile.s32 @!p0 $0x1;
	_ =	shalt  }
.Lfunc_end2:
_tile_overlayer_lowered:
.L_overlay_start_2:
0x29f: {  	(tag) =	ssettag $0x2  }
0x2a0: {  	s0 =	rddreg [dreg:$0x0];
	s2 =	stileid.u32  }
0x2a1: {  	s1 =	rddreg [dreg:$0x1];
	p0 =	sne.s32 s2, $0x0  }
0x2a2: {  	s3 =	rddreg [dreg:$0x2];
	[bflag:$0x3] =	sbarrier.arrive $0xFFFF;
	s2 =	simm.s32 @!p0 $0x1C07  }
0x2a3: {  	[timem:s3], [sflag:s2] =	dma.local @!p0 [hbm:s0], s1  }
0x2a4: {  	s0 =	simm.s32 @!p0 $0x7  }
0x2a5: {  	_ =	swait.ge @!p0 [sflag:s0], s1  }
0x2a6: {  	s1 =	ssub.s32 @!p0 $0x0, s1;
	[sflag:s0] =	ssyncset.done @!p0 $0x0  }
0x2a7: {  	[sflag:s0] =	ssyncadd.s32 @!p0 s1  }
0x2a8: {  	[bflag:$0x3] =	sbarrier.arrive $0xFFFF  }
0x2a9: {  	_ =	shalt  }

// kernel: kernel.18.cloned.1.call-start
scs
__scs_entry_jumppad:
0x0: {  	(pc) =	sbr.rel $0x88, $3  }
0x1: {  	(tag) =	ssettag $0x0;
	lr =	simm.s32 $0x1  }
0x2: {  	[smem:$0x3F93] =	sst lr;
	_ =	strace $0xD0000000  }
0x3: {  	_ = 	snop  }
0x4: {  	_ = 	snop  }
0x5: {  	_ = 	snop  }
0x6: {  	_ = 	snop  }
0x7: {  	_ = 	snop  }
__scs_overlays_trampoline_lowered:
0x8: {  	[smem:$0x3FA2] =	sst s0  }
0x9: {  	[smem:$0x3FA3] =	sst s1  }
0xa: {  	[smem:$0x3FA4] =	sst s2  }
0xb: {  	[smem:$0x3FA5] =	sst s3  }
0xc: {  	[smem:$0x3FA6] =	sst s4  }
0xd: {  	[smem:$0x3FA7] =	sst s5  }
0xe: {  	[smem:$0x3FA8] =	sst s6  }
0xf: {  	[smem:$0x3FA9] =	sst s7  }
0x10: {  	[smem:$0x3FAA] =	sst s8  }
0x11: {  	[smem:$0x3FAB] =	sst s9;
	s0 =	simm.s32 @!p0 $0x0  }
0x12: {  	s1 =	sld [smem:$0x3F91];
	s0 =	simm.s32 @p0 $0x1  }
0x13: {  	[smem:$0x3FAC] =	sst s0;
	s0 =	simm.s32 @!p1 $0x0  }
0x14: {  	s2 =	sld [smem:$0x3F90];
	s0 =	simm.s32 @p1 $0x1  }
0x15: {  	[smem:$0x3FAD] =	sst s0;
	s0 =	simm.s32 @!p2 $0x0  }
0x16: {  	s3 =	sld [smem:$0x3FDB];
	s0 =	simm.s32 @p2 $0x1  }
0x17: {  	s4 =	simm.s32 $0x1BF5;
	[smem:$0x3FAF] =	sst s0  }
0x18: {  	s0 =	sld [smem:$0x3F92];
	_ =	swait.ge [sflag:s4], $0x0  }
0x19: {  	s7 =	sld [smem:$0x3F93]  }
0x1a: {  	s8 =	sadd.s32 $0xFFFFE003, lr  }
0x1b: {  	s9 =	sadd.s32 $0xFFFFFEF7, lr;
	s5 =	simm.s32 $0xFFFFFFFF;
	p2 =	slt.u32 s8, $0xFFFFF086  }
0x1c: {  	p1 =	slt.u32 s9, $0xF7A;
	s5 =	simm.s32 @!p2 $0x0  }
0x1d: {  	s5 =	simm.s32 @p1 $0x1;
	p0 =	seq.s32 s7, s2  }
0x1e: {  	s7 =	smul.u32 @!p0 $0xF7A, s2;
	p2 =	seq.s32 @!p0 s5, $0x0  }
0x1f: {  	s9 =	smul.u32 $0xF7A, s1;
	s8 =	simm.s32 @!p0 $0x1BF5;
	p2 =	por !p2, p0  }
0x20: {  	[sflag:s8] =	ssyncset.s32 @!p0 $0xFFFFF086;
	s6 =	sadd.s32 @!p0 s3, s7;
	s7 =	simm.s32 @!p0 $0x108  }
0x21: {  	s3 =	sadd.s32 s3, s9;
	s6 =	sadd.s32 @!p0 $0x88, s6;
	s7 =	simm.s32 @p2 $0x1082  }
0x22: {  	[simem:s7], [sflag:s8] =	dma.local @!p0 [hbm:s6], $0xF7A  }
0x23: {  	s9 =	sor.u32 $0xD0000000, s2;
	s6 =	simm.s32 $0x108;
	_ =	swait.ge @!p0 [sflag:s8], $0x0  }
0x24: {  	s3 =	sadd.s32 $0x88, s3;
	s6 =	simm.s32 @!p1 $0x1082;
	[sflag:s4] =	ssyncset.s32 $0xFFFFF086  }
0x25: {  	[simem:s6], [sflag:s4] =	dma.local [hbm:s3], $0xF7A  }
0x26: {  	[smem:$0x3F93] =	sst s1;
	(tag) =	ssettag s2;
	_ =	strace s9  }
0x27: {  	s1 =	sld [smem:$0x3FA3]  }
0x28: {  	s2 =	sld [smem:$0x3FA4]  }
0x29: {  	s4 =	sld [smem:$0x3FA6]  }
0x2a: {  	p0 =	seq.s32 s5, $0x0;
	s5 =	sld [smem:$0x3FA7]  }
0x2b: {  	s6 =	sld [smem:$0x3FA8]  }
0x2c: {  	s7 =	sld [smem:$0x3FA9]  }
0x2d: {  	s3 =	simm.s32 $0x108;
	s8 =	sld [smem:$0x3FAA]  }
0x2e: {  	s3 =	simm.s32 @!p0 $0x1082;
	s9 =	sld [smem:$0x3FAB]  }
0x2f: {  	lr =	sadd.s32 s0, s3;
	s0 =	sld [smem:$0x3FA2]  }
0x30: {  	s3 =	sld [smem:$0x3FA5]  }
0x31: {  	[smem:$0x3FAE] =	sst s10  }
0x32: {  	s10 =	sld [smem:$0x3FAC];
	_ =	sdelay $0x3  }
0x33: {  	p0 =	seq.s32 s10, $0x1;
	s10 =	sld [smem:$0x3FAE];
	_ =	sdelay $0x3  }
0x34: {  	[smem:$0x3FAE] =	sst s10  }
0x35: {  	s10 =	sld [smem:$0x3FAD];
	_ =	sdelay $0x3  }
0x36: {  	p1 =	seq.s32 s10, $0x1;
	s10 =	sld [smem:$0x3FAE];
	_ =	sdelay $0x3  }
0x37: {  	[smem:$0x3FAE] =	sst s10  }
0x38: {  	s10 =	sld [smem:$0x3FAF]  }
0x39: {  	_ = 	snop;
	(pc) =	sbr.ind lr, $3  }
0x3a: {  	_ = 	snop  }
0x3b: {  	_ = 	snop  }
0x3c: {  	p2 =	seq.s32 s10, $0x1;
	s10 =	sld [smem:$0x3FAE]  }
0x3d: {  	_ =	shalt  }
0x3e: {  	_ =	shalt  }
0x3f: {  	_ =	shalt  }
0x40: {  	_ =	shalt  }
0x41: {  	_ =	shalt  }
0x42: {  	_ =	shalt  }
0x43: {  	_ =	shalt  }
0x44: {  	_ =	shalt  }
0x45: {  	_ =	shalt  }
0x46: {  	_ =	shalt  }
0x47: {  	_ =	shalt  }
0x48: {  	_ =	shalt  }
0x49: {  	_ =	shalt  }
0x4a: {  	_ =	shalt  }
0x4b: {  	_ =	shalt  }
0x4c: {  	_ =	shalt  }
0x4d: {  	_ =	shalt  }
0x4e: {  	_ =	shalt  }
0x4f: {  	_ =	shalt  }
0x50: {  	_ =	shalt  }
0x51: {  	_ =	shalt  }
0x52: {  	_ =	shalt  }
0x53: {  	_ =	shalt  }
0x54: {  	_ =	shalt  }
0x55: {  	_ =	shalt  }
0x56: {  	_ =	shalt  }
0x57: {  	_ =	shalt  }
0x58: {  	_ =	shalt  }
0x59: {  	_ =	shalt  }
0x5a: {  	_ =	shalt  }
0x5b: {  	_ =	shalt  }
0x5c: {  	_ =	shalt  }
0x5d: {  	_ =	shalt  }
0x5e: {  	_ =	shalt  }
0x5f: {  	_ =	shalt  }
0x60: {  	_ =	shalt  }
0x61: {  	_ =	shalt  }
0x62: {  	_ =	shalt  }
0x63: {  	_ =	shalt  }
0x64: {  	_ =	shalt  }
0x65: {  	_ =	shalt  }
0x66: {  	_ =	shalt  }
0x67: {  	_ =	shalt  }
0x68: {  	_ =	shalt  }
0x69: {  	_ =	shalt  }
0x6a: {  	_ =	shalt  }
0x6b: {  	_ =	shalt  }
0x6c: {  	_ =	shalt  }
0x6d: {  	_ =	shalt  }
0x6e: {  	_ =	shalt  }
0x6f: {  	_ =	shalt  }
0x70: {  	_ =	shalt  }
0x71: {  	_ =	shalt  }
0x72: {  	_ =	shalt  }
0x73: {  	_ =	shalt  }
0x74: {  	_ =	shalt  }
0x75: {  	_ =	shalt  }
0x76: {  	_ =	shalt  }
0x77: {  	_ =	shalt  }
0x78: {  	_ =	shalt  }
0x79: {  	_ =	shalt  }
0x7a: {  	_ =	shalt  }
0x7b: {  	_ =	shalt  }
0x7c: {  	_ =	shalt  }
0x7d: {  	_ =	shalt  }
0x7e: {  	_ =	shalt  }
0x7f: {  	_ =	shalt  }
0x80: {  	_ =	shalt  }
0x81: {  	_ =	shalt  }
0x82: {  	_ =	shalt  }
0x83: {  	_ =	shalt  }
0x84: {  	_ =	shalt  }
0x85: {  	_ =	shalt  }
0x86: {  	_ =	shalt  }
0x87: {  	_ =	shalt  }
.Lfunc_end0:
.L_simem_size_0:
called_computation.2_lowered:
.L_overlay_start_0:
0x88: {  	s2 =	sld [smem:$0x3FD9]  }
0x89: {  	s3 =	sld [smem:$0x3FFE];
	_ =	sdelay $0x1  }
0x8a: {  	s1 =	srdreg.scid  }
0x8b: {  	s0 =	sand.u32 $0x1, s1  }
0x8c: {  	s16 =	sshll.u32 s0, $0xA;
	s2 =	sadd.s32 s3, s2  }
0x8d: {  	s2 =	sadd.s32 s2, s16  }
0x8e: {  	[smem:$0x3FBA] =	sst s2  }
0x8f: {  	_ = 	snop  }
0x90: {  	(tm) =	ssettm $0x1  }
0x91: {  	s17 =	sld [smem:$0x3FFB];
	_ =	sdelay $0x3  }
0x92: {  	_ =	strace s17  }
0x93: {  	s2 =	sld [smem:$0x3FFC];
	_ =	sdelay $0x3  }
0x94: {  	_ =	strace s2  }
0x95: {  	s2 =	sld [smem:$0x3FFD];
	_ =	sdelay $0x3  }
0x96: {  	_ =	strace s2  }
0x97: {  	_ =	strace $0x8FFFFFFF  }
0x98: {  	s18 =	sld [smem:$0x3FDB];
	_ =	sdelay $0x1  }
0x99: {  	s19 =	simm.s32 $_scs_section_size  }
0x9a: {  	s4 =	simm.s32 $_size__tile_overlayer_lowered;
	s5 =	simm.s32 $_tile_overlayer_lowered  }
0x9b: {  	s22 =	simm.s32 $0x1BFF;
	s21 =	sshll.u32 s5, $0x1;
	s2 =	sadd.s32 s19, s18  }
0x9c: {  	s6 =	simm.s32 $0x0;
	s20 =	sshll.u32 s4, $0x1;
	s4 =	sadd.s32 s21, s2  }
0x9d: {  	[timem:s6], [sflag:s22] =	dma.local [hbm:s4], s20  }
0x9e: {  	_ =	swait.ge [sflag:s22], s20  }
0x9f: {  	s3 =	ssub.s32 $0x0, s20;
	[sflag:s22] =	ssyncset.done $0x0  }
0xa0: {  	[sflag:s22] =	ssyncadd.s32 s3;
	_ =	sdelay $0x1  }
0xa1: {  	s23 =	simm.s32 $0x1B8B  }
0xa2: {  	_ =	swait.ge [sflag:s23], $0x1  }
0xa3: {  	[sflag:s23] =	ssyncset.done $0x0  }
0xa4: {  	s25 =	simm.s32 $0x1B8E;
	s24 =	sld [smem:$0x3FFE];
	[sflag:s23] =	ssyncadd.s32 $0xFFFFFFFF  }
0xa5: {  	s26 =	simm.s32 $execute0_lowered;
	[smem:$0x3FD2] =	sst s25  }
0xa6: {  	s4 =	sshll.u32 s26, $0x1;
	_ =	strace $0x8000004C;
	[dreg:$0x1] =	wrdreg $0xFFFFFFFF  }
0xa7: {  	s28 =	simm.s32 $_size_execute0_lowered;
	s2 =	sadd.s32 s2, s4;
	[dreg:$0x0] =	wrdreg $0x0  }
0xa8: {  	s4 =	sshll.u32 s28, $0x1;
	[dreg:$0x2] =	wrdreg s2  }
0xa9: {  	[dreg:$0x3] =	wrdreg s4  }
0xaa: {  	[dreg:$0x4] =	wrdreg $0xC0  }
0xab: {  	_ =	task [dreg:s6], $0x5FFFF  }
0xac: {  	[dreg:$0x1] =	wrdreg $0xFFFFFFFF  }
0xad: {  	[dreg:$0x0] =	wrdreg $0x60  }
0xae: {  	[dreg:$0x2] =	wrdreg s24  }
0xaf: {  	[dreg:$0x3] =	wrdreg $0x90000  }
0xb0: {  	[dreg:$0x4] =	wrdreg $0x9  }
0xb1: {  	_ =	task.clear_ibuf [dreg:s6], $0x5FFFF;
	_ =	strace $0x9000004C  }
0xb2: {  	s29 =	simm.s32 $0x9;
	_ =	strace $0x8000004E  }
0xb3: {  	_ =	swait.ge [sflag:s29], $0x1  }
0xb4: {  	[sflag:s29] =	ssyncadd.s32 $0xFFFFFFFF  }
0xb5: {  	_ =	strace $0x9000004E  }
0xb6: {  	_ =	sfence  }
0xb7: {  	s30 =	sld [smem:$0x0];
	_ =	sdelay $0x2  }
0xb8: {  	s31 =	sshll.u32 s1, $0xD;
	s1 =	sshrl.u32 s1, $0x2  }
0xb9: {  	s3 =	sand.u32 $0x4000, s31;
	s1 =	sadd.s32 s1, s30  }
0xba: {  	s0 =	sor.u32 s3, s0;
	s1 =	sshll.u32 s1, $0x11  }
0xbb: {  	s0 =	sor.u32 s1, s0  }
0xbc: {  	s0 =	sadd.s32 $0x8F2B, s0  }
0xbd: {  	[sflag:s0] =	ssyncadd.remote.s32 $0x1  }
0xbe: {  	_ =	sfence.sel $0xFFFF  }
0xbf: {  	[dreg:$0x0] =	wrdreg $0xFFFFFFFF;
	(pc) =	sbr.abs _section_cstart, $3  }
0xc0: {  	[dreg:$0x1] =	wrdreg $0xFFFFFFFF  }
0xc1: {  	_ =	task.clear_ibuf [dreg:s6], $0x2FFFF;
	_ =	strace $0x9FFFFFFF  }
0xc2: {  	(tm) =	ssettm $0x7FFFFFFF  }
0xc3: {  	_ =	shalt  }
tec
execute0_lowered:
.L_overlay_start_1:
0x0: {  	(tag) =	ssettag $0x1  }
0x1: {  	s0 =	srdreg.scid;
	s1 =	rddreg [dreg:$0x0]  }
0x2: {  	s12 =	stileid.u32;
	s2 =	rddreg [dreg:$0x1]  }
0x3: {  	s3 =	simm.s32 $0x0;
	s14 =	simm.s32 $0x480;
	s15 =	simm.s32 $0x500  }
0x4: {  	s16 =	simm.s32 $0x80;
	s18 =	simm.s32 $0x580;
	s20 =	simm.s32 $0x100  }
0x5: {  	s21 =	simm.s32 $0x600;
	[smem:$0x7FF] =	sst s3;
	s25 =	sadd.s32 $0x3F800, s1  }
0x6: {  	s23 =	simm.s32 $0x180;
	_ =	strace $0x8000004D;
	[dreg:$0x1d] =	wrdreg s25  }
0x7: {  	s24 =	simm.s32 $0x680;
	s28 =	simm.s32 $0x4;
	[dreg:$0x5] =	wrdreg s14  }
0x8: {  	s29 =	simm.s32 $0xA80;
	s30 =	simm.s32 $0xF80;
	[dreg:$0x6] =	wrdreg s15  }
0x9: {  	s31 =	simm.s32 $0xB00;
	s8 =	smul.u32 $0x14000, s12;
	[dreg:$0x7] =	wrdreg s16  }
0xa: {  	s0 =	sand.u32 $0x1, s0;
	s10 =	smul.u32 $0x2800, s12;
	[dreg:$0x8] =	wrdreg s18  }
0xb: {  	s4 =	sadd.s32 $0x17800, s1;
	s19 =	smul.u32 $0x50000, s12;
	[dreg:$0x9] =	wrdreg s20  }
0xc: {  	s5 =	sadd.s32 $0x3800, s1;
	s7 =	smul.u32 $0x140000, s0;
	[dreg:$0xa] =	wrdreg s21  }
0xd: {  	s6 =	sadd.s32 $0xD800, s1;
	s9 =	smul.u32 $0x28000, s0;
	[dreg:$0xb] =	wrdreg s23  }
0xe: {  	s25 =	sshll.u32 s12, $0x6;
	[dreg:$0xc] =	wrdreg s24;
	s14 =	simm.s32 $0x780  }
0xf: {  	s15 =	simm.s32 $0x300;
	s16 =	simm.s32 $0x380;
	[dreg:$0x10] =	wrdreg s14  }
0x10: {  	s18 =	simm.s32 $0xD00;
	s20 =	simm.s32 $0xD80;
	[dreg:$0x11] =	wrdreg s15  }
0x11: {  	s21 =	simm.s32 $0x900;
	s23 =	simm.s32 $0x980;
	[dreg:$0x12] =	wrdreg s16  }
0x12: {  	s24 =	simm.s32 $0xE80;
	s22 =	sshrl.u32 s19, $0x2;
	[dreg:$0x14] =	wrdreg s18  }
0x13: {  	s14 =	simm.s32 $0x400;
	s16 =	simm.s32 $0x7;
	[dreg:$0x16] =	wrdreg s20  }
0x14: {  	s19 =	simm.s32 $0x880;
	s18 =	simm.s32 $0x800;
	[dreg:$0x17] =	wrdreg s21  }
0x15: {  	s20 =	simm.s32 $0x7D;
	s21 =	simm.s32 $0x1000;
	[dreg:$0x19] =	wrdreg s23  }
0x16: {  	s23 =	simm.s32 $0x1;
	[dreg:$0x1a] =	wrdreg s24;
	s24 =	simm.s32 $0x5  }
0x17: {  	s7 =	sadd.s32 s8, s7;
	s8 =	sadd.s32 s10, s9;
	s10 =	ssub.s32 $0x2, s0  }
0x18: {  	s0 =	sshll.u32 s0, $0x4;
	[dreg:$0x15] =	wrdreg s19;
	s7 =	sshrl.u32 s7, $0x3  }
0x19: {  	s26 =	sor.u32 $0x400, s8;
	s13 =	sshrl.u32 s10, $0x1;
	s0 =	sor.u32 s12, s0  }
0x1a: {  	s12 =	simm.s32 $0x280;
	s1 =	sadd.s32 s7, s1;
	s9 =	sshrl.u32 s26, $0x3  }
0x1b: {  	s7 =	ssub.s32 s10, s13;
	s26 =	simm.s32 $0x200;
	[dreg:$0xf] =	wrdreg s12  }
0x1c: {  	s10 =	sor.u32 $0x1C07, s25;
	s25 =	simm.s32 $0xA00;
	[dreg:$0xd] =	wrdreg s26  }
0x1d: {  	s19 =	simm.s32 $0xC00;
	s11 =	sadd.s32 s9, s5;
	[dreg:$0x1b] =	wrdreg s25  }
0x1e: {  	s8 =	sadd.s32 $0x800, s8;
	s9 =	sadd.s32 s9, s6;
	[dreg:$0x3] =	wrdreg s11  }
0x1f: {  	s0 =	smul.u32 $0x2800, s0;
	s1 =	sadd.s32 $0x42200, s1;
	[dreg:$0x4] =	wrdreg s9  }
0x20: {  	s13 =	smax.u32 s7, $0x1;
	s26 =	simm.s32 $0xF00;
	[smem:$0x7FC] =	sst s1  }
0x21: {  	s25 =	simm.s32 $0x2;
	s0 =	sshrl.u32 s0, $0x3;
	[smem:$0x7FD] =	sst s13  }
0x22: {  	s9 =	sadd.s32 s22, s2;
	s11 =	simm.s32 $0x700;
	[dreg:$0x1c] =	wrdreg s26  }
0x23: {  	s22 =	simm.s32 $0xE00;
	s26 =	simm.s32 $0x6;
	[dreg:$0xe] =	wrdreg s11  }
0x24: {  	s1 =	simm.s32 $0xB80;
	s17 =	sadd.s32 s6, s0;
	[dreg:$0x18] =	wrdreg s22  }
0x25: {  	s0 =	sadd.s32 s5, s0;
	s15 =	sshrl.u32 s9, $0x3;
	[dreg:$0x1e] =	wrdreg s17  }
0x26: {  	s22 =	simm.s32 $0x5000;
	[dreg:$0x1f] =	wrdreg s0;
	s17 =	simm.s32 $0xC80  }
0x27: {  	s0 =	simm.s32 $0x0;
	[dreg:$0x13] =	wrdreg s17;
	s17 =	simm.s32 $0x3  }
.LBB2_1:
0x28: {  	s7 =	rddreg [dreg:$0x1e]  }
0x29: {  	s9 =	rddreg [dreg:$0x1f]  }
0x2a: {  	[tilespmem:s3], [sflag:$0x3] =	stream.linear.gather [hbm4b:s7+s3], $0x400, $0x38;
	[tilespmem:$0x1D000] =	vst v63  }
0x2b: {  	s11 =	rddreg [dreg:$0x1d]  }
0x2c: {  	[tilespmem:s14], [sflag:$0x3] =	stream.linear.gather [hbm4b:s9+s3], $0x400, $0x38;
	[tilespmem:$0x1D000] =	vst v63  }
0x2d: {  	[spmem:s15], [sflag:s10] =	dma.local [hbm:s11], $0x2800  }
0x2e: {  	_ =	swait.ge [sflag:s16], $0x2800  }
0x2f: {  	[sflag:s16] =	ssyncset.done $0x0  }
0x30: {  	[sflag:s16] =	ssyncadd.s32 $0xFFFFD800  }
0x31: {  	[bflag:$0x0] =	sbarrier.arrive $0xFFFF  }
0x32: {  	_ =	swait.ge [sflag:s17], $0x400  }
0x33: {  	[sflag:s17] =	ssyncset.done $0x0  }
0x34: {  	[sflag:s17] =	ssyncadd.s32 $0xFFFFFC00  }
0x35: {  	_ =	swait.ge [sflag:s17], $0x400  }
0x36: {  	s12 =	rddreg [dreg:$0x4];
	[sflag:s17] =	ssyncset.done $0x0  }
0x37: {  	s9 =	rddreg [dreg:$0x3];
	[sflag:s17] =	ssyncadd.s32 $0xFFFFFC00;
	s7 =	sadd.s32 $0x0, s12  }
0x38: {  	[tilespmem:s18], [sflag:$0x4] =	stream.linear.gather [hbm4b:s7+s3], $0x400, $0x38;
	[tilespmem:$0x1D000] =	vst v63  }
0x39: {  	s13 =	sadd.s32 $0x0, s9  }
0x3a: {  	[tilespmem:s19], [sflag:$0x4] =	stream.linear.gather [hbm4b:s13+s3], $0x400, $0x38;
	[tilespmem:$0x1D000] =	vst v63  }
0x3b: {  	_ = 	snop  }
0x3c: {  	[tilespmem:s21], [sflag:$0x1] =	stream.indirect.gather [hbm4b:s4+s20], $0x80, s14, s20, $0xb8;
	[tilespmem:$0x1D000] =	vst v63  }
0x3d: {  	s9 =	rddreg [dreg:$0x5]  }
0x3e: {  	[tilespmem:s22], [sflag:$0x2] =	stream.indirect.gather [hbm4b:s4+s20], $0x80, s9, s20, $0xb8;
	[tilespmem:$0x1D000] =	vst v63  }
0x3f: {  	_ =	swait.ge [sflag:s23], $0x3E80  }
0x40: {  	[sflag:s23] =	ssyncset.done $0x0  }
0x41: {  	[sflag:s23] =	ssyncadd.s32 $0xFFFFC180  }
0x42: {  	[spmem:s2] =	stream.indirect.scatter.add.f32 [tilespmem:s21], [sflag:$0x5], $0x80, s3, s20, $0xb8;
	[tilespmem:$0x1D000] =	vst v63  }
0x43: {  	_ =	swait.ge [sflag:s24], $0x3E80  }
0x44: {  	[sflag:s24] =	ssyncset.done $0x0  }
0x45: {  	s11 =	rddreg [dreg:$0x6];
	[sflag:s24] =	ssyncadd.s32 $0xFFFFC180  }
0x46: {  	[tilespmem:s21], [sflag:$0x1] =	stream.indirect.gather [hbm4b:s4+s20], $0x80, s11, s20, $0xb8;
	[tilespmem:$0x1D000] =	vst v63  }
0x47: {  	_ =	swait.ge [sflag:s25], $0x3E80  }
0x48: {  	[sflag:s25] =	ssyncset.done $0x0  }
0x49: {  	s12 =	rddreg [dreg:$0x7];
	[sflag:s25] =	ssyncadd.s32 $0xFFFFC180  }
0x4a: {  	[spmem:s2] =	stream.indirect.scatter.add.f32 [tilespmem:s22], [sflag:$0x6], $0x80, s12, s20, $0xb8;
	[tilespmem:$0x1D000] =	vst v63  }
0x4b: {  	_ =	swait.ge [sflag:s26], $0x3E80  }
0x4c: {  	[sflag:s26] =	ssyncset.done $0x0  }
0x4d: {  	s13 =	rddreg [dreg:$0x8];
	[sflag:s26] =	ssyncadd.s32 $0xFFFFC180  }
0x4e: {  	[tilespmem:s22], [sflag:$0x2] =	stream.indirect.gather [hbm4b:s4+s20], $0x80, s13, s20, $0xb8;
	[tilespmem:$0x1D000] =	vst v63  }
0x4f: {  	_ =	swait.ge [sflag:s23], $0x3E80  }
0x50: {  	[sflag:s23] =	ssyncset.done $0x0  }
0x51: {  	s9 =	rddreg [dreg:$0x9];
	[sflag:s23] =	ssyncadd.s32 $0xFFFFC180  }
0x52: {  	[spmem:s2] =	stream.indirect.scatter.add.f32 [tilespmem:s21], [sflag:$0x5], $0x80, s9, s20, $0xb8;
	[tilespmem:$0x1D000] =	vst v63  }
0x53: {  	_ =	swait.ge [sflag:s24], $0x3E80  }
0x54: {  	[sflag:s24] =	ssyncset.done $0x0  }
0x55: {  	s11 =	rddreg [dreg:$0xa];
	[sflag:s24] =	ssyncadd.s32 $0xFFFFC180  }
0x56: {  	[tilespmem:s21], [sflag:$0x1] =	stream.indirect.gather [hbm4b:s4+s20], $0x80, s11, s20, $0xb8;
	[tilespmem:$0x1D000] =	vst v63  }
0x57: {  	_ =	swait.ge [sflag:s25], $0x3E80  }
0x58: {  	[sflag:s25] =	ssyncset.done $0x0  }
0x59: {  	s12 =	rddreg [dreg:$0xb];
	[sflag:s25] =	ssyncadd.s32 $0xFFFFC180  }
0x5a: {  	[spmem:s2] =	stream.indirect.scatter.add.f32 [tilespmem:s22], [sflag:$0x6], $0x80, s12, s20, $0xb8;
	[tilespmem:$0x1D000] =	vst v63  }
0x5b: {  	_ =	swait.ge [sflag:s26], $0x3E80  }
0x5c: {  	[sflag:s26] =	ssyncset.done $0x0  }
0x5d: {  	s13 =	rddreg [dreg:$0xc];
	[sflag:s26] =	ssyncadd.s32 $0xFFFFC180  }
0x5e: {  	[tilespmem:s22], [sflag:$0x2] =	stream.indirect.gather [hbm4b:s4+s20], $0x80, s13, s20, $0xb8;
	[tilespmem:$0x1D000] =	vst v63  }
0x5f: {  	_ =	swait.ge [sflag:s23], $0x3E80  }
0x60: {  	[sflag:s23] =	ssyncset.done $0x0  }
0x61: {  	s9 =	rddreg [dreg:$0xd];
	[sflag:s23] =	ssyncadd.s32 $0xFFFFC180  }
0x62: {  	[spmem:s2] =	stream.indirect.scatter.add.f32 [tilespmem:s21], [sflag:$0x5], $0x80, s9, s20, $0xb8;
	[tilespmem:$0x1D000] =	vst v63  }
0x63: {  	_ =	swait.ge [sflag:s24], $0x3E80  }
0x64: {  	[sflag:s24] =	ssyncset.done $0x0  }
0x65: {  	s11 =	rddreg [dreg:$0xe];
	[sflag:s24] =	ssyncadd.s32 $0xFFFFC180  }
0x66: {  	[tilespmem:s21], [sflag:$0x1] =	stream.indirect.gather [hbm4b:s4+s20], $0x80, s11, s20, $0xb8;
	[tilespmem:$0x1D000] =	vst v63  }
0x67: {  	_ =	swait.ge [sflag:s25], $0x3E80  }
0x68: {  	[sflag:s25] =	ssyncset.done $0x0  }
0x69: {  	s12 =	rddreg [dreg:$0xf];
	[sflag:s25] =	ssyncadd.s32 $0xFFFFC180  }
0x6a: {  	[spmem:s2] =	stream.indirect.scatter.add.f32 [tilespmem:s22], [sflag:$0x6], $0x80, s12, s20, $0xb8;
	[tilespmem:$0x1D000] =	vst v63  }
0x6b: {  	_ =	swait.ge [sflag:s26], $0x3E80  }
0x6c: {  	[sflag:s26] =	ssyncset.done $0x0  }
0x6d: {  	s13 =	rddreg [dreg:$0x10];
	[sflag:s26] =	ssyncadd.s32 $0xFFFFC180  }
0x6e: {  	[tilespmem:s22], [sflag:$0x2] =	stream.indirect.gather [hbm4b:s4+s20], $0x80, s13, s20, $0xb8;
	[tilespmem:$0x1D000] =	vst v63  }
0x6f: {  	_ =	swait.ge [sflag:s23], $0x3E80  }
0x70: {  	[sflag:s23] =	ssyncset.done $0x0  }
0x71: {  	s9 =	rddreg [dreg:$0x11];
	[sflag:s23] =	ssyncadd.s32 $0xFFFFC180  }
0x72: {  	[spmem:s2] =	stream.indirect.scatter.add.f32 [tilespmem:s21], [sflag:$0x5], $0x80, s9, s20, $0xb8;
	[tilespmem:$0x1D000] =	vst v63  }
0x73: {  	_ =	swait.ge [sflag:s25], $0x3E80  }
0x74: {  	[sflag:s25] =	ssyncset.done $0x0  }
0x75: {  	s11 =	rddreg [dreg:$0x12];
	[sflag:s25] =	ssyncadd.s32 $0xFFFFC180  }
0x76: {  	[spmem:s2] =	stream.indirect.scatter.add.f32 [tilespmem:s22], [sflag:$0x6], $0x80, s11, s20, $0xb8;
	[tilespmem:$0x1D000] =	vst v63  }
0x77: {  	_ =	swait.ge [sflag:s24], $0x3E80  }
0x78: {  	[sflag:s24] =	ssyncset.done $0x0  }
0x79: {  	[sflag:s24] =	ssyncadd.s32 $0xFFFFC180  }
0x7a: {  	_ =	swait.ge [sflag:s26], $0x3E80  }
0x7b: {  	[sflag:s26] =	ssyncset.done $0x0  }
0x7c: {  	[sflag:s26] =	ssyncadd.s32 $0xFFFFC180  }
0x7d: {  	_ =	swait.ge [sflag:s28], $0x400  }
0x7e: {  	[sflag:s28] =	ssyncset.done $0x0  }
0x7f: {  	[sflag:s28] =	ssyncadd.s32 $0xFFFFFC00  }
0x80: {  	p0 =	por $0x0, $0x0;
	_ =	swait.ge [sflag:s28], $0x400  }
0x81: {  	s7 =	sshrl.u32 @!p0 s8, $0x3;
	[sflag:s28] =	ssyncset.done $0x0  }
0x82: {  	s13 =	simm.s32 @!p0 $0x0;
	s9 =	sadd.s32 @!p0 s6, s7;
	[sflag:s28] =	ssyncadd.s32 $0xFFFFFC00  }
0x83: {  	[tilespmem:s13], [sflag:$0x3] =	stream.linear.gather @!p0 [hbm4b:s9+s13], $0x400, $0x38;
	[tilespmem:$0x1D000] =	vst v63  }
0x84: {  	s7 =	sadd.s32 @!p0 s5, s7;
	s9 =	simm.s32 @!p0 $0x400  }
0x85: {  	[tilespmem:s9], [sflag:$0x3] =	stream.linear.gather @!p0 [hbm4b:s7+s13], $0x400, $0x38;
	[tilespmem:$0x1D000] =	vst v63  }
0x86: {  	_ = 	snop  }
0x87: {  	[tilespmem:s21], [sflag:$0x1] =	stream.indirect.gather [hbm4b:s4+s20], $0x80, s19, s20, $0xb8;
	[tilespmem:$0x1D000] =	vst v63  }
0x88: {  	s12 =	rddreg [dreg:$0x13]  }
0x89: {  	[tilespmem:s22], [sflag:$0x2] =	stream.indirect.gather [hbm4b:s4+s20], $0x80, s12, s20, $0xb8;
	[tilespmem:$0x1D000] =	vst v63  }
0x8a: {  	_ =	swait.ge [sflag:s23], $0x3E80  }
0x8b: {  	[sflag:s23] =	ssyncset.done $0x0  }
0x8c: {  	[sflag:s23] =	ssyncadd.s32 $0xFFFFC180  }
0x8d: {  	[spmem:s2] =	stream.indirect.scatter.add.f32 [tilespmem:s21], [sflag:$0x5], $0x80, s18, s20, $0xb8;
	[tilespmem:$0x1D000] =	vst v63  }
0x8e: {  	_ =	swait.ge [sflag:s24], $0x3E80  }
0x8f: {  	[sflag:s24] =	ssyncset.done $0x0  }
0x90: {  	s13 =	rddreg [dreg:$0x14];
	[sflag:s24] =	ssyncadd.s32 $0xFFFFC180  }
0x91: {  	[tilespmem:s21], [sflag:$0x1] =	stream.indirect.gather [hbm4b:s4+s20], $0x80, s13, s20, $0xb8;
	[tilespmem:$0x1D000] =	vst v63  }
0x92: {  	_ =	swait.ge [sflag:s25], $0x3E80  }
0x93: {  	[sflag:s25] =	ssyncset.done $0x0  }
0x94: {  	s9 =	rddreg [dreg:$0x15];
	[sflag:s25] =	ssyncadd.s32 $0xFFFFC180  }
0x95: {  	[spmem:s2] =	stream.indirect.scatter.add.f32 [tilespmem:s22], [sflag:$0x6], $0x80, s9, s20, $0xb8;
	[tilespmem:$0x1D000] =	vst v63  }
0x96: {  	_ =	swait.ge [sflag:s26], $0x3E80  }
0x97: {  	[sflag:s26] =	ssyncset.done $0x0  }
0x98: {  	s11 =	rddreg [dreg:$0x16];
	[sflag:s26] =	ssyncadd.s32 $0xFFFFC180  }
0x99: {  	[tilespmem:s22], [sflag:$0x2] =	stream.indirect.gather [hbm4b:s4+s20], $0x80, s11, s20, $0xb8;
	[tilespmem:$0x1D000] =	vst v63  }
0x9a: {  	_ =	swait.ge [sflag:s23], $0x3E80  }
0x9b: {  	[sflag:s23] =	ssyncset.done $0x0  }
0x9c: {  	s12 =	rddreg [dreg:$0x17];
	[sflag:s23] =	ssyncadd.s32 $0xFFFFC180  }
0x9d: {  	[spmem:s2] =	stream.indirect.scatter.add.f32 [tilespmem:s21], [sflag:$0x5], $0x80, s12, s20, $0xb8;
	[tilespmem:$0x1D000] =	vst v63  }
0x9e: {  	_ =	swait.ge [sflag:s24], $0x3E80  }
0x9f: {  	[sflag:s24] =	ssyncset.done $0x0  }
0xa0: {  	s13 =	rddreg [dreg:$0x18];
	[sflag:s24] =	ssyncadd.s32 $0xFFFFC180  }
0xa1: {  	[tilespmem:s21], [sflag:$0x1] =	stream.indirect.gather [hbm4b:s4+s20], $0x80, s13, s20, $0xb8;
	[tilespmem:$0x1D000] =	vst v63  }
0xa2: {  	_ =	swait.ge [sflag:s25], $0x3E80  }
0xa3: {  	[sflag:s25] =	ssyncset.done $0x0  }
0xa4: {  	s9 =	rddreg [dreg:$0x19];
	[sflag:s25] =	ssyncadd.s32 $0xFFFFC180  }
0xa5: {  	[spmem:s2] =	stream.indirect.scatter.add.f32 [tilespmem:s22], [sflag:$0x6], $0x80, s9, s20, $0xb8;
	[tilespmem:$0x1D000] =	vst v63  }
0xa6: {  	_ =	swait.ge [sflag:s26], $0x3E80  }
0xa7: {  	[sflag:s26] =	ssyncset.done $0x0  }
0xa8: {  	s11 =	rddreg [dreg:$0x1a];
	[sflag:s26] =	ssyncadd.s32 $0xFFFFC180  }
0xa9: {  	[tilespmem:s22], [sflag:$0x2] =	stream.indirect.gather [hbm4b:s4+s20], $0x80, s11, s20, $0xb8;
	[tilespmem:$0x1D000] =	vst v63  }
0xaa: {  	_ =	swait.ge [sflag:s23], $0x3E80  }
0xab: {  	[sflag:s23] =	ssyncset.done $0x0  }
0xac: {  	s12 =	rddreg [dreg:$0x1b];
	[sflag:s23] =	ssyncadd.s32 $0xFFFFC180  }
0xad: {  	[spmem:s2] =	stream.indirect.scatter.add.f32 [tilespmem:s21], [sflag:$0x5], $0x80, s12, s20, $0xb8;
	[tilespmem:$0x1D000] =	vst v63  }
0xae: {  	_ =	swait.ge [sflag:s24], $0x3E80  }
0xaf: {  	[sflag:s24] =	ssyncset.done $0x0  }
0xb0: {  	s13 =	rddreg [dreg:$0x1c];
	[sflag:s24] =	ssyncadd.s32 $0xFFFFC180  }
0xb1: {  	[tilespmem:s21], [sflag:$0x1] =	stream.indirect.gather [hbm4b:s4+s20], $0x80, s13, s20, $0xb8;
	[tilespmem:$0x1D000] =	vst v63  }
0xb2: {  	_ =	swait.ge [sflag:s25], $0x3E80  }
0xb3: {  	[sflag:s25] =	ssyncset.done $0x0  }
0xb4: {  	[sflag:s25] =	ssyncadd.s32 $0xFFFFC180  }
0xb5: {  	[spmem:s2] =	stream.indirect.scatter.add.f32 [tilespmem:s22], [sflag:$0x6], $0x80, s29, s20, $0xb8;
	[tilespmem:$0x1D000] =	vst v63  }
0xb6: {  	_ =	swait.ge [sflag:s26], $0x3E80  }
0xb7: {  	[sflag:s26] =	ssyncset.done $0x0  }
0xb8: {  	[sflag:s26] =	ssyncadd.s32 $0xFFFFC180  }
0xb9: {  	[tilespmem:s22], [sflag:$0x2] =	stream.indirect.gather [hbm4b:s4+s20], $0x80, s30, s20, $0xb8;
	[tilespmem:$0x1D000] =	vst v63  }
0xba: {  	_ =	swait.ge [sflag:s23], $0x3E80  }
0xbb: {  	[sflag:s23] =	ssyncset.done $0x0  }
0xbc: {  	[sflag:s23] =	ssyncadd.s32 $0xFFFFC180  }
0xbd: {  	[spmem:s2] =	stream.indirect.scatter.add.f32 [tilespmem:s21], [sflag:$0x5], $0x80, s31, s20, $0xb8;
	[tilespmem:$0x1D000] =	vst v63  }
0xbe: {  	_ =	swait.ge [sflag:s25], $0x3E80  }
0xbf: {  	[sflag:s25] =	ssyncset.done $0x0  }
0xc0: {  	[sflag:s25] =	ssyncadd.s32 $0xFFFFC180  }
0xc1: {  	[spmem:s2] =	stream.indirect.scatter.add.f32 [tilespmem:s22], [sflag:$0x6], $0x80, s1, s20, $0xb8;
	[tilespmem:$0x1D000] =	vst v63  }
0xc2: {  	_ =	swait.ge [sflag:s24], $0x3E80  }
0xc3: {  	[sflag:s24] =	ssyncset.done $0x0  }
0xc4: {  	[sflag:s24] =	ssyncadd.s32 $0xFFFFC180  }
0xc5: {  	_ =	swait.ge [sflag:s26], $0x3E80  }
0xc6: {  	s7 =	simm.s32 $0x100;
	s13 =	smov.u32 s8;
	[sflag:s26] =	ssyncset.done $0x0  }
.LBB2_2:
0xc7: {  	[sflag:s26] =	ssyncadd.s32 $0xFFFFC180  }
0xc8: {  	_ =	swait.ge [sflag:s17], $0x400  }
0xc9: {  	[sflag:s17] =	ssyncset.done $0x0  }
0xca: {  	[sflag:s17] =	ssyncadd.s32 $0xFFFFFC00  }
0xcb: {  	_ =	swait.ge [sflag:s17], $0x400  }
0xcc: {  	s9 =	smov.u32 s7;
	s11 =	rddreg [dreg:$0x4];
	[sflag:s17] =	ssyncset.done $0x0  }
0xcd: {  	s12 =	rddreg [dreg:$0x3];
	[sflag:s17] =	ssyncadd.s32 $0xFFFFFC00;
	s11 =	sadd.s32 s9, s11  }
0xce: {  	[tilespmem:s18], [sflag:$0x4] =	stream.linear.gather [hbm4b:s11+s3], $0x400, $0x38;
	[tilespmem:$0x1D000] =	vst v63  }
0xcf: {  	s12 =	sadd.s32 s9, s12  }
0xd0: {  	[tilespmem:s19], [sflag:$0x4] =	stream.linear.gather [hbm4b:s12+s3], $0x400, $0x38;
	[tilespmem:$0x1D000] =	vst v63  }
0xd1: {  	_ = 	snop  }
0xd2: {  	[tilespmem:s21], [sflag:$0x1] =	stream.indirect.gather [hbm4b:s4+s20], $0x80, s14, s20, $0xb8;
	[tilespmem:$0x1D000] =	vst v63  }
0xd3: {  	s12 =	rddreg [dreg:$0x5]  }
0xd4: {  	[tilespmem:s22], [sflag:$0x2] =	stream.indirect.gather [hbm4b:s4+s20], $0x80, s12, s20, $0xb8;
	[tilespmem:$0x1D000] =	vst v63  }
0xd5: {  	_ =	swait.ge [sflag:s23], $0x3E80  }
0xd6: {  	[sflag:s23] =	ssyncset.done $0x0  }
0xd7: {  	[sflag:s23] =	ssyncadd.s32 $0xFFFFC180  }
0xd8: {  	[spmem:s2] =	stream.indirect.scatter.add.f32 [tilespmem:s21], [sflag:$0x5], $0x80, s3, s20, $0xb8;
	[tilespmem:$0x1D000] =	vst v63  }
0xd9: {  	_ =	swait.ge [sflag:s24], $0x3E80  }
0xda: {  	[sflag:s24] =	ssyncset.done $0x0  }
0xdb: {  	s12 =	rddreg [dreg:$0x6];
	[sflag:s24] =	ssyncadd.s32 $0xFFFFC180  }
0xdc: {  	[tilespmem:s21], [sflag:$0x1] =	stream.indirect.gather [hbm4b:s4+s20], $0x80, s12, s20, $0xb8;
	[tilespmem:$0x1D000] =	vst v63  }
0xdd: {  	_ =	swait.ge [sflag:s25], $0x3E80  }
0xde: {  	[sflag:s25] =	ssyncset.done $0x0  }
0xdf: {  	s12 =	rddreg [dreg:$0x7];
	[sflag:s25] =	ssyncadd.s32 $0xFFFFC180  }
0xe0: {  	[spmem:s2] =	stream.indirect.scatter.add.f32 [tilespmem:s22], [sflag:$0x6], $0x80, s12, s20, $0xb8;
	[tilespmem:$0x1D000] =	vst v63  }
0xe1: {  	_ =	swait.ge [sflag:s26], $0x3E80  }
0xe2: {  	[sflag:s26] =	ssyncset.done $0x0  }
0xe3: {  	s12 =	rddreg [dreg:$0x8];
	[sflag:s26] =	ssyncadd.s32 $0xFFFFC180  }
0xe4: {  	[tilespmem:s22], [sflag:$0x2] =	stream.indirect.gather [hbm4b:s4+s20], $0x80, s12, s20, $0xb8;
	[tilespmem:$0x1D000] =	vst v63  }
0xe5: {  	_ =	swait.ge [sflag:s23], $0x3E80  }
0xe6: {  	[sflag:s23] =	ssyncset.done $0x0  }
0xe7: {  	s12 =	rddreg [dreg:$0x9];
	[sflag:s23] =	ssyncadd.s32 $0xFFFFC180  }
0xe8: {  	[spmem:s2] =	stream.indirect.scatter.add.f32 [tilespmem:s21], [sflag:$0x5], $0x80, s12, s20, $0xb8;
	[tilespmem:$0x1D000] =	vst v63  }
0xe9: {  	_ =	swait.ge [sflag:s24], $0x3E80  }
0xea: {  	[sflag:s24] =	ssyncset.done $0x0  }
0xeb: {  	s12 =	rddreg [dreg:$0xa];
	[sflag:s24] =	ssyncadd.s32 $0xFFFFC180  }
0xec: {  	[tilespmem:s21], [sflag:$0x1] =	stream.indirect.gather [hbm4b:s4+s20], $0x80, s12, s20, $0xb8;
	[tilespmem:$0x1D000] =	vst v63  }
0xed: {  	_ =	swait.ge [sflag:s25], $0x3E80  }
0xee: {  	[sflag:s25] =	ssyncset.done $0x0  }
0xef: {  	s12 =	rddreg [dreg:$0xb];
	[sflag:s25] =	ssyncadd.s32 $0xFFFFC180  }
0xf0: {  	[spmem:s2] =	stream.indirect.scatter.add.f32 [tilespmem:s22], [sflag:$0x6], $0x80, s12, s20, $0xb8;
	[tilespmem:$0x1D000] =	vst v63  }
0xf1: {  	_ =	swait.ge [sflag:s26], $0x3E80  }
0xf2: {  	[sflag:s26] =	ssyncset.done $0x0  }
0xf3: {  	s12 =	rddreg [dreg:$0xc];
	[sflag:s26] =	ssyncadd.s32 $0xFFFFC180  }
0xf4: {  	[tilespmem:s22], [sflag:$0x2] =	stream.indirect.gather [hbm4b:s4+s20], $0x80, s12, s20, $0xb8;
	[tilespmem:$0x1D000] =	vst v63  }
0xf5: {  	_ =	swait.ge [sflag:s23], $0x3E80  }
0xf6: {  	[sflag:s23] =	ssyncset.done $0x0  }
0xf7: {  	s12 =	rddreg [dreg:$0xd];
	[sflag:s23] =	ssyncadd.s32 $0xFFFFC180  }
0xf8: {  	[spmem:s2] =	stream.indirect.scatter.add.f32 [tilespmem:s21], [sflag:$0x5], $0x80, s12, s20, $0xb8;
	[tilespmem:$0x1D000] =	vst v63  }
0xf9: {  	_ =	swait.ge [sflag:s24], $0x3E80  }
0xfa: {  	[sflag:s24] =	ssyncset.done $0x0  }
0xfb: {  	s12 =	rddreg [dreg:$0xe];
	[sflag:s24] =	ssyncadd.s32 $0xFFFFC180  }
0xfc: {  	[tilespmem:s21], [sflag:$0x1] =	stream.indirect.gather [hbm4b:s4+s20], $0x80, s12, s20, $0xb8;
	[tilespmem:$0x1D000] =	vst v63  }
0xfd: {  	_ =	swait.ge [sflag:s25], $0x3E80  }
0xfe: {  	[sflag:s25] =	ssyncset.done $0x0  }
0xff: {  	s12 =	rddreg [dreg:$0xf];
	[sflag:s25] =	ssyncadd.s32 $0xFFFFC180  }
0x100: {  	[spmem:s2] =	stream.indirect.scatter.add.f32 [tilespmem:s22], [sflag:$0x6], $0x80, s12, s20, $0xb8;
	[tilespmem:$0x1D000] =	vst v63  }
0x101: {  	_ =	swait.ge [sflag:s26], $0x3E80  }
0x102: {  	[sflag:s26] =	ssyncset.done $0x0  }
0x103: {  	s12 =	rddreg [dreg:$0x10];
	[sflag:s26] =	ssyncadd.s32 $0xFFFFC180  }
0x104: {  	[tilespmem:s22], [sflag:$0x2] =	stream.indirect.gather [hbm4b:s4+s20], $0x80, s12, s20, $0xb8;
	[tilespmem:$0x1D000] =	vst v63  }
0x105: {  	_ =	swait.ge [sflag:s23], $0x3E80  }
0x106: {  	[sflag:s23] =	ssyncset.done $0x0  }
0x107: {  	s12 =	rddreg [dreg:$0x11];
	[sflag:s23] =	ssyncadd.s32 $0xFFFFC180  }
0x108: {  	[spmem:s2] =	stream.indirect.scatter.add.f32 [tilespmem:s21], [sflag:$0x5], $0x80, s12, s20, $0xb8;
	[tilespmem:$0x1D000] =	vst v63  }
0x109: {  	_ =	swait.ge [sflag:s25], $0x3E80  }
0x10a: {  	[sflag:s25] =	ssyncset.done $0x0  }
0x10b: {  	s12 =	rddreg [dreg:$0x12];
	[sflag:s25] =	ssyncadd.s32 $0xFFFFC180  }
0x10c: {  	[spmem:s2] =	stream.indirect.scatter.add.f32 [tilespmem:s22], [sflag:$0x6], $0x80, s12, s20, $0xb8;
	[tilespmem:$0x1D000] =	vst v63  }
0x10d: {  	_ =	swait.ge [sflag:s24], $0x3E80  }
0x10e: {  	[sflag:s24] =	ssyncset.done $0x0  }
0x10f: {  	[sflag:s24] =	ssyncadd.s32 $0xFFFFC180  }
0x110: {  	_ =	swait.ge [sflag:s26], $0x3E80  }
0x111: {  	[sflag:s26] =	ssyncset.done $0x0  }
0x112: {  	[sflag:s26] =	ssyncadd.s32 $0xFFFFC180  }
0x113: {  	_ =	swait.ge [sflag:s28], $0x400  }
0x114: {  	[sflag:s28] =	ssyncset.done $0x0  }
0x115: {  	[sflag:s28] =	ssyncadd.s32 $0xFFFFFC00  }
0x116: {  	s13 =	sadd.s32 $0x800, s13;
	p1 =	seq.s32 s9, $0x400;
	_ =	swait.ge [sflag:s28], $0x400  }
0x117: {  	s9 =	sshrl.u32 @!p1 s13, $0x3;
	[sflag:s28] =	ssyncset.done $0x0  }
0x118: {  	s11 =	sadd.s32 @!p1 s6, s9;
	s12 =	simm.s32 @!p1 $0x0;
	[sflag:s28] =	ssyncadd.s32 $0xFFFFFC00  }
0x119: {  	[tilespmem:s12], [sflag:$0x3] =	stream.linear.gather @!p1 [hbm4b:s11+s12], $0x400, $0x38;
	[tilespmem:$0x1D000] =	vst v63  }
0x11a: {  	s9 =	sadd.s32 @!p1 s5, s9;
	s11 =	simm.s32 @!p1 $0x400  }
0x11b: {  	[tilespmem:s11], [sflag:$0x3] =	stream.linear.gather @!p1 [hbm4b:s9+s12], $0x400, $0x38;
	[tilespmem:$0x1D000] =	vst v63  }
0x11c: {  	_ = 	snop  }
0x11d: {  	[tilespmem:s21], [sflag:$0x1] =	stream.indirect.gather [hbm4b:s4+s20], $0x80, s19, s20, $0xb8;
	[tilespmem:$0x1D000] =	vst v63  }
0x11e: {  	s11 =	rddreg [dreg:$0x13]  }
0x11f: {  	[tilespmem:s22], [sflag:$0x2] =	stream.indirect.gather [hbm4b:s4+s20], $0x80, s11, s20, $0xb8;
	[tilespmem:$0x1D000] =	vst v63  }
0x120: {  	_ =	swait.ge [sflag:s23], $0x3E80  }
0x121: {  	[sflag:s23] =	ssyncset.done $0x0  }
0x122: {  	[sflag:s23] =	ssyncadd.s32 $0xFFFFC180  }
0x123: {  	[spmem:s2] =	stream.indirect.scatter.add.f32 [tilespmem:s21], [sflag:$0x5], $0x80, s18, s20, $0xb8;
	[tilespmem:$0x1D000] =	vst v63  }
0x124: {  	_ =	swait.ge [sflag:s24], $0x3E80  }
0x125: {  	[sflag:s24] =	ssyncset.done $0x0  }
0x126: {  	s12 =	rddreg [dreg:$0x14];
	[sflag:s24] =	ssyncadd.s32 $0xFFFFC180  }
0x127: {  	[tilespmem:s21], [sflag:$0x1] =	stream.indirect.gather [hbm4b:s4+s20], $0x80, s12, s20, $0xb8;
	[tilespmem:$0x1D000] =	vst v63  }
0x128: {  	_ =	swait.ge [sflag:s25], $0x3E80  }
0x129: {  	[sflag:s25] =	ssyncset.done $0x0  }
0x12a: {  	s11 =	rddreg [dreg:$0x15];
	[sflag:s25] =	ssyncadd.s32 $0xFFFFC180  }
0x12b: {  	[spmem:s2] =	stream.indirect.scatter.add.f32 [tilespmem:s22], [sflag:$0x6], $0x80, s11, s20, $0xb8;
	[tilespmem:$0x1D000] =	vst v63  }
0x12c: {  	_ =	swait.ge [sflag:s26], $0x3E80  }
0x12d: {  	[sflag:s26] =	ssyncset.done $0x0  }
0x12e: {  	s12 =	rddreg [dreg:$0x16];
	[sflag:s26] =	ssyncadd.s32 $0xFFFFC180  }
0x12f: {  	[tilespmem:s22], [sflag:$0x2] =	stream.indirect.gather [hbm4b:s4+s20], $0x80, s12, s20, $0xb8;
	[tilespmem:$0x1D000] =	vst v63  }
0x130: {  	_ =	swait.ge [sflag:s23], $0x3E80  }
0x131: {  	[sflag:s23] =	ssyncset.done $0x0  }
0x132: {  	s11 =	rddreg [dreg:$0x17];
	[sflag:s23] =	ssyncadd.s32 $0xFFFFC180  }
0x133: {  	[spmem:s2] =	stream.indirect.scatter.add.f32 [tilespmem:s21], [sflag:$0x5], $0x80, s11, s20, $0xb8;
	[tilespmem:$0x1D000] =	vst v63  }
0x134: {  	_ =	swait.ge [sflag:s24], $0x3E80  }
0x135: {  	[sflag:s24] =	ssyncset.done $0x0  }
0x136: {  	s12 =	rddreg [dreg:$0x18];
	[sflag:s24] =	ssyncadd.s32 $0xFFFFC180  }
0x137: {  	[tilespmem:s21], [sflag:$0x1] =	stream.indirect.gather [hbm4b:s4+s20], $0x80, s12, s20, $0xb8;
	[tilespmem:$0x1D000] =	vst v63  }
0x138: {  	_ =	swait.ge [sflag:s25], $0x3E80  }
0x139: {  	[sflag:s25] =	ssyncset.done $0x0  }
0x13a: {  	s11 =	rddreg [dreg:$0x19];
	[sflag:s25] =	ssyncadd.s32 $0xFFFFC180  }
0x13b: {  	[spmem:s2] =	stream.indirect.scatter.add.f32 [tilespmem:s22], [sflag:$0x6], $0x80, s11, s20, $0xb8;
	[tilespmem:$0x1D000] =	vst v63  }
0x13c: {  	_ =	swait.ge [sflag:s26], $0x3E80  }
0x13d: {  	[sflag:s26] =	ssyncset.done $0x0  }
0x13e: {  	s12 =	rddreg [dreg:$0x1a];
	[sflag:s26] =	ssyncadd.s32 $0xFFFFC180  }
0x13f: {  	[tilespmem:s22], [sflag:$0x2] =	stream.indirect.gather [hbm4b:s4+s20], $0x80, s12, s20, $0xb8;
	[tilespmem:$0x1D000] =	vst v63  }
0x140: {  	_ =	swait.ge [sflag:s23], $0x3E80  }
0x141: {  	[sflag:s23] =	ssyncset.done $0x0  }
0x142: {  	s11 =	rddreg [dreg:$0x1b];
	[sflag:s23] =	ssyncadd.s32 $0xFFFFC180  }
0x143: {  	[spmem:s2] =	stream.indirect.scatter.add.f32 [tilespmem:s21], [sflag:$0x5], $0x80, s11, s20, $0xb8;
	[tilespmem:$0x1D000] =	vst v63  }
0x144: {  	_ =	swait.ge [sflag:s24], $0x3E80  }
0x145: {  	[sflag:s24] =	ssyncset.done $0x0  }
0x146: {  	s12 =	rddreg [dreg:$0x1c];
	[sflag:s24] =	ssyncadd.s32 $0xFFFFC180  }
0x147: {  	[tilespmem:s21], [sflag:$0x1] =	stream.indirect.gather [hbm4b:s4+s20], $0x80, s12, s20, $0xb8;
	[tilespmem:$0x1D000] =	vst v63  }
0x148: {  	_ =	swait.ge [sflag:s25], $0x3E80  }
0x149: {  	[sflag:s25] =	ssyncset.done $0x0  }
0x14a: {  	[sflag:s25] =	ssyncadd.s32 $0xFFFFC180  }
0x14b: {  	[spmem:s2] =	stream.indirect.scatter.add.f32 [tilespmem:s22], [sflag:$0x6], $0x80, s29, s20, $0xb8;
	[tilespmem:$0x1D000] =	vst v63  }
0x14c: {  	_ =	swait.ge [sflag:s26], $0x3E80  }
0x14d: {  	[sflag:s26] =	ssyncset.done $0x0  }
0x14e: {  	[sflag:s26] =	ssyncadd.s32 $0xFFFFC180  }
0x14f: {  	[tilespmem:s22], [sflag:$0x2] =	stream.indirect.gather [hbm4b:s4+s20], $0x80, s30, s20, $0xb8;
	[tilespmem:$0x1D000] =	vst v63  }
0x150: {  	_ =	swait.ge [sflag:s23], $0x3E80  }
0x151: {  	[sflag:s23] =	ssyncset.done $0x0  }
0x152: {  	[sflag:s23] =	ssyncadd.s32 $0xFFFFC180  }
0x153: {  	[spmem:s2] =	stream.indirect.scatter.add.f32 [tilespmem:s21], [sflag:$0x5], $0x80, s31, s20, $0xb8;
	[tilespmem:$0x1D000] =	vst v63  }
0x154: {  	_ =	swait.ge [sflag:s25], $0x3E80  }
0x155: {  	s7 =	sadd.s32 $0x100, s7;
	[sflag:s25] =	ssyncset.done $0x0  }
0x156: {  	p0 =	sne.s32 s7, $0x500;
	[sflag:s25] =	ssyncadd.s32 $0xFFFFC180  }
0x157: {  	[spmem:s2] =	stream.indirect.scatter.add.f32 [tilespmem:s22], [sflag:$0x6], $0x80, s1, s20, $0xb8;
	[tilespmem:$0x1D000] =	vst v63  }
.Ltmp0:
0x158: {  	_ =	swait.ge [sflag:s24], $0x3E80;
	(pc) =	sbr.rel @p0 .LBB2_2-.Ltmp0, $4  }
0x159: {  	[sflag:s24] =	ssyncset.done $0x0  }
0x15a: {  	[sflag:s24] =	ssyncadd.s32 $0xFFFFC180  }
0x15b: {  	_ =	swait.ge [sflag:s26], $0x3E80  }
0x15c: {  	[sflag:s26] =	ssyncset.done $0x0  }
0x15d: {  	[sflag:s26] =	ssyncadd.s32 $0xFFFFC180  }
0x15e: {  	[bflag:$0x0] =	sbarrier.arrive $0xFFFF  }
0x15f: {  	s7 =	sld [smem:$0x7FC];
	_ =	sdelay $0x2  }
0x160: {  	[hbm:s7], [sflag:s10] =	dma.local [spmem:s15], $0x2800  }
0x161: {  	_ =	swait.ge [sflag:s16], $0x2800  }
0x162: {  	s13 =	sld [smem:$0x7FD];
	_ =	sdelay $0x1  }
0x163: {  	s0 =	sadd.s32 $0x1, s0  }
0x164: {  	p0 =	sne.s32 s0, s13  }
.Ltmp1:
0x165: {  	_ = 	snop;
	(pc) =	sbr.rel @p0 .LBB2_1-.Ltmp1, $3  }
0x166: {  	_ =	sdelay $0x1  }
0x167: {  	[sflag:s16] =	ssyncset.done $0x0  }
0x168: {  	[sflag:s16] =	ssyncadd.s32 $0xFFFFD800  }
0x169: {  	_ =	sfence.sel $0x180000  }
0x16a: {  	[bflag:$0x0] =	sbarrier.arrive $0xFFFF  }
0x16b: {  	_ =	strace $0x9000004D  }
0x16c: {  	s0 =	stileid.u32;
	[bflag:$0x2] =	sbarrier.arrive $0xFFFF  }
0x16d: {  	p0 =	sne.s32 s0, $0x0;
	s0 =	rddreg [dreg:$0x2]  }
0x16e: {  	s0 =	sadd.s32 @!p0 $0x100000, s0  }
0x16f: {  	[sflag:s0] =	ssyncadd.tile.s32 @!p0 $0x1;
	_ =	shalt  }
.Lfunc_end2:
_tile_overlayer_lowered:
.L_overlay_start_2:
0x170: {  	(tag) =	ssettag $0x2  }
0x171: {  	s0 =	rddreg [dreg:$0x0];
	s2 =	stileid.u32  }
0x172: {  	s1 =	rddreg [dreg:$0x1];
	p0 =	sne.s32 s2, $0x0  }
0x173: {  	s3 =	rddreg [dreg:$0x2];
	[bflag:$0x3] =	sbarrier.arrive $0xFFFF;
	s2 =	simm.s32 @!p0 $0x1C07  }
0x174: {  	[timem:s3], [sflag:s2] =	dma.local @!p0 [hbm:s0], s1  }
0x175: {  	s0 =	simm.s32 @!p0 $0x7  }
0x176: {  	_ =	swait.ge @!p0 [sflag:s0], s1  }
0x177: {  	s1 =	ssub.s32 @!p0 $0x0, s1;
	[sflag:s0] =	ssyncset.done @!p0 $0x0  }
0x178: {  	[sflag:s0] =	ssyncadd.s32 @!p0 s1  }
0x179: {  	[bflag:$0x3] =	sbarrier.arrive $0xFFFF  }
0x17a: {  	_ =	shalt  }

</sc_bundles>
